<compile_context>
chip_gen: v7x
topology: tpu7x:2x2x1
jax: 0.10.2.dev20260603
libtpu: 0.0.44.dev20260713+nightly
codegen_flags: <defaults>
</compile_context>

<pallas_src>
import functools
import jax
import jax.numpy as jnp
from jax import lax
from jax.experimental import pallas as pl
from jax.experimental.pallas import tpu as pltpu
from jax.experimental.pallas import tpu_sc as plsc

N = 10000
E = 320000
D = 128
H = 128
ED = 16
OUT = 64
G = 16
EPS = 1e-5

NC = 2
NS = 16
NW = NC * NS
EPW = E // NW
C = 128
NFULL = EPW // C
TAIL = EPW - NFULL * C
SLAB = 632
SLAB_LAST = N - 15 * SLAB

_mesh = plsc.VectorSubcoreMesh(core_axis_name="c", subcore_axis_name="s",
                               num_cores=NC, num_subcores=NS)



def _sc_pre_body(attr_hbm, dst_hbm, zeros16_hbm, ones_hbm,
                 eagg_out,
                 eagg_sh, deg_sh,
                 attrv0, attrv1, dstv0, dstv1, onesv,
                 tattrv, tdstv,
                 asem0, asem1, isem0, isem1, esem0, esem1, dsem0, dsem1):
    c = lax.axis_index("c")
    s = lax.axis_index("s")
    wid = c * NS + s
    base = wid * EPW
    r0 = s * SLAB

    attrb = (attrv0, attrv1)
    dstb = (dstv0, dstv1)
    asems = (asem0, asem1)
    isems = (isem0, isem1)
    esems = (esem0, esem1)
    dsems = (dsem0, dsem1)

    @pl.when(s < NS - 1)
    def _():
        pltpu.sync_copy(zeros16_hbm, eagg_sh.at[pl.ds(r0, SLAB)])
        pltpu.sync_copy(zeros16_hbm, deg_sh.at[pl.ds(r0, SLAB)])

    @pl.when(s == NS - 1)
    def _():
        pltpu.sync_copy(zeros16_hbm.at[pl.ds(0, SLAB_LAST)],
                        eagg_sh.at[pl.ds(r0, SLAB_LAST)])
        pltpu.sync_copy(zeros16_hbm.at[pl.ds(0, SLAB_LAST)],
                        deg_sh.at[pl.ds(r0, SLAB_LAST)])

    pltpu.sync_copy(ones_hbm, onesv)
    plsc.subcore_barrier()

    def issue_loads(b, i):
        eb = base + i * C
        pltpu.async_copy(attr_hbm.at[pl.ds(eb, C)], attrb[b], asems[b])
        pltpu.async_copy(dst_hbm.at[pl.ds(eb, C)], dstb[b], isems[b])

    def wait_load(b):
        pltpu.make_async_copy(attr_hbm.at[pl.ds(0, C)], attrb[b],
                              asems[b]).wait()
        pltpu.make_async_copy(dst_hbm.at[pl.ds(0, C)], dstb[b],
                              isems[b]).wait()

    def issue_scatters(b):
        pltpu.async_copy(attrb[b], eagg_sh.at[dstb[b]], esems[b], add=True)
        pltpu.async_copy(onesv, deg_sh.at[dstb[b]], dsems[b], add=True)

    def wait_scatters(b):
        pltpu.make_async_copy(attrb[b], eagg_sh.at[pl.ds(0, C)],
                              esems[b]).wait()
        pltpu.make_async_copy(onesv, deg_sh.at[pl.ds(0, C)],
                              dsems[b]).wait()

    issue_loads(0, 0)
    issue_loads(1, 1)

    def body(h, carry):
        ge = 2 * h
        wait_load(0)
        issue_scatters(0)
        wait_scatters(0)

        @pl.when(h < NFULL // 2 - 1)
        def _():
            issue_loads(0, ge + 2)

        wait_load(1)
        issue_scatters(1)
        wait_scatters(1)

        @pl.when(h < NFULL // 2 - 1)
        def _():
            issue_loads(1, ge + 3)

        return carry

    lax.fori_loop(0, NFULL // 2, body, 0)

    eb = base + NFULL * C
    pltpu.async_copy(attr_hbm.at[pl.ds(eb, TAIL)], tattrv, asem0).wait()
    pltpu.sync_copy(dst_hbm.at[pl.ds(eb, TAIL)], tdstv)
    pltpu.sync_copy(tattrv, eagg_sh.at[tdstv], add=True)
    pltpu.sync_copy(onesv.at[pl.ds(0, TAIL)], deg_sh.at[tdstv], add=True)
    plsc.subcore_barrier()

    @pl.when(s < NS - 1)
    def _():
        pltpu.sync_copy(eagg_sh.at[pl.ds(r0, SLAB)],
                        eagg_out.at[c, pl.ds(r0, SLAB), pl.ds(0, ED)])
        pltpu.sync_copy(deg_sh.at[pl.ds(r0, SLAB)],
                        eagg_out.at[c, pl.ds(r0, SLAB), pl.ds(ED, ED)])

    @pl.when(s == NS - 1)
    def _():
        pltpu.sync_copy(eagg_sh.at[pl.ds(r0, SLAB_LAST)],
                        eagg_out.at[c, pl.ds(r0, SLAB_LAST), pl.ds(0, ED)])
        pltpu.sync_copy(deg_sh.at[pl.ds(r0, SLAB_LAST)],
                        eagg_out.at[c, pl.ds(r0, SLAB_LAST), pl.ds(ED, ED)])


_sc_pre = functools.partial(
    pl.kernel,
    out_type=jax.ShapeDtypeStruct((NC, N, H), jnp.float32),
    mesh=_mesh,
    compiler_params=pltpu.CompilerParams(use_tc_tiling_on_sc=False),
    scratch_types=(
        [pltpu.VMEM_SHARED((N, ED), jnp.float32)] * 2
        + [pltpu.VMEM((C, ED), jnp.float32)] * 2
        + [pltpu.VMEM((C,), jnp.int32)] * 2
        + [pltpu.VMEM((C, ED), jnp.float32)]
        + [pltpu.VMEM((TAIL, ED), jnp.float32)]
        + [pltpu.VMEM((TAIL,), jnp.int32)]
        + [pltpu.SemaphoreType.DMA] * 8
    ),
)(_sc_pre_body)


NB = 5
CA = 40
NFULLA = EPW // CA
NSTEADY = NFULLA // NB - 1
REM = NFULLA - NB * NSTEADY


def _sc_agg_body(xh_hbm, src_hbm, dst_hbm, zeros_hbm,
                 out_hbm,
                 agg_sh,
                 rows0, rows1, rows2, rows3, rows4,
                 s0, s1, s2, s3, s4,
                 d0, d1, d2, d3, d4,
                 isem0, isem1, isem2, isem3, isem4,
                 jsem0, jsem1, jsem2, jsem3, jsem4,
                 gsem0, gsem1, gsem2, gsem3, gsem4,
                 ssem0, ssem1, ssem2, ssem3, ssem4):
    c = lax.axis_index("c")
    s = lax.axis_index("s")
    wid = c * NS + s
    base = wid * EPW
    r0 = s * SLAB

    srcb = (s0, s1, s2, s3, s4)
    dstb = (d0, d1, d2, d3, d4)
    rowsb = (rows0, rows1, rows2, rows3, rows4)
    isems = (isem0, isem1, isem2, isem3, isem4)
    jsems = (jsem0, jsem1, jsem2, jsem3, jsem4)
    gsems = (gsem0, gsem1, gsem2, gsem3, gsem4)
    ssems = (ssem0, ssem1, ssem2, ssem3, ssem4)

    @pl.when(s < NS - 1)
    def _():
        pltpu.sync_copy(zeros_hbm, agg_sh.at[pl.ds(r0, SLAB)])

    @pl.when(s == NS - 1)
    def _():
        pltpu.sync_copy(zeros_hbm.at[pl.ds(0, SLAB_LAST)],
                        agg_sh.at[pl.ds(r0, SLAB_LAST)])

    def issue_idx(b, ch):
        eb = base + ch * CA
        pltpu.async_copy(src_hbm.at[pl.ds(eb, CA)], srcb[b], isems[b])
        pltpu.async_copy(dst_hbm.at[pl.ds(eb, CA)], dstb[b], jsems[b])

    def wait_rows(sem):
        pltpu.make_async_copy(xh_hbm.at[pl.ds(0, CA)], rowsb[0], sem).wait()

    def wait_idx(sem):
        pltpu.make_async_copy(src_hbm.at[pl.ds(0, CA)], srcb[0], sem).wait()

    def issue_gather(b):
        pltpu.async_copy(xh_hbm.at[srcb[b]], rowsb[b], gsems[b])

    def issue_scatter(b):
        pltpu.async_copy(rowsb[b], agg_sh.at[dstb[b]], ssems[b], add=True)

    plsc.subcore_barrier()

    for b in range(NB):
        issue_idx(b, b)
    for b in range(NB):
        wait_idx(isems[b])
        issue_gather(b)

    def body(h, carry):
        ch0 = NB * h
        for k in range(NB):
            wait_rows(gsems[k])
            wait_idx(jsems[k])
            issue_scatter(k)
            issue_idx(k, ch0 + k + NB)
            wait_rows(ssems[k])
            wait_idx(isems[k])
            issue_gather(k)
        return carry

    lax.fori_loop(0, NSTEADY, body, 0)

    for k in range(REM):
        wait_rows(gsems[k])
        wait_idx(jsems[k])
        issue_scatter(k)
        wait_rows(ssems[k])

    plsc.subcore_barrier()

    @pl.when(s < NS - 1)
    def _():
        pltpu.sync_copy(agg_sh.at[pl.ds(r0, SLAB)],
                        out_hbm.at[c, pl.ds(r0, SLAB)])

    @pl.when(s == NS - 1)
    def _():
        pltpu.sync_copy(agg_sh.at[pl.ds(r0, SLAB_LAST)],
                        out_hbm.at[c, pl.ds(r0, SLAB_LAST)])


_sc_agg = functools.partial(
    pl.kernel,
    out_type=jax.ShapeDtypeStruct((NC, N, H), jnp.float32),
    mesh=_mesh,
    scratch_types=(
        [pltpu.VMEM_SHARED((N, H), jnp.float32)]
        + [pltpu.VMEM((CA, H), jnp.float32)] * NB
        + [pltpu.VMEM((CA,), jnp.int32)] * (2 * NB)
        + [pltpu.SemaphoreType.DMA] * (4 * NB)
    ),
)(_sc_agg_body)



_R = 1000
_GRID = N // _R


_DNT = (((1,), (1,)), ((), ()))


def _mm_body(x_ref, w_ref, b_ref, o_ref):
    o_ref[...] = (lax.dot_general(x_ref[...], w_ref[...], _DNT,
                                  preferred_element_type=jnp.float32)
                  + b_ref[...])


def _tc_mm(x, w, b):
    return pl.pallas_call(
        _mm_body,
        grid=(_GRID,),
        in_specs=[
            pl.BlockSpec((_R, w.shape[1]), lambda i: (i, 0)),
            pl.BlockSpec(w.shape, lambda i: (0, 0)),
            pl.BlockSpec((1, w.shape[0]), lambda i: (0, 0)),
        ],
        out_specs=pl.BlockSpec((_R, w.shape[0]), lambda i: (i, 0)),
        out_shape=jax.ShapeDtypeStruct((N, w.shape[0]), jnp.float32),
    )(x, w, b)


def _post_bn_body(sp_ref, xh_ref, edp_ref, we_ref, be_ref,
                  g_ref, beta_ref, w2_ref, b2_ref, o_ref, pbuf, acc):
    ph = pl.program_id(0)
    i = pl.program_id(1)

    @pl.when(ph == 0)
    def _():
        eagg = edp_ref[0, :, 0:ED] + edp_ref[1, :, 0:ED]
        deg = edp_ref[0, :, ED:ED + 1] + edp_ref[1, :, ED:ED + 1]
        p = (sp_ref[0] + sp_ref[1] + xh_ref[...]
             + lax.dot_general(eagg, we_ref[...], _DNT,
                               preferred_element_type=jnp.float32)
             + deg * be_ref[...])
        pbuf[pl.ds(i * _R, _R), :] = p

        @pl.when(i == 0)
        def _():
            acc[...] = jnp.zeros_like(acc)

        acc[0:1, :] += jnp.sum(p, axis=0, keepdims=True)
        acc[1:2, :] += jnp.sum(p * p, axis=0, keepdims=True)

    @pl.when(ph == 1)
    def _():
        mu = acc[0:1, :] * (1.0 / N)
        var = acc[1:2, :] * (1.0 / N) - mu * mu
        xn = ((pbuf[pl.ds(i * _R, _R), :] - mu) * lax.rsqrt(var + EPS)
              * g_ref[...] + beta_ref[...])
        h = jnp.maximum(xn, 0.0)
        o_ref[...] = (lax.dot_general(h, w2_ref[...], _DNT,
                                      preferred_element_type=jnp.float32)
                      + b2_ref[...])


def _tc_post_bn(sp, xh, edp, we, be, g, beta, w2, b2):
    return pl.pallas_call(
        _post_bn_body,
        grid=(2, _GRID),
        in_specs=[
            pl.BlockSpec((NC, _R, H), lambda ph, i: (0, i, 0)),
            pl.BlockSpec((_R, H), lambda ph, i: (i, 0)),
            pl.BlockSpec((NC, _R, H), lambda ph, i: (0, i, 0)),
            pl.BlockSpec((H, ED), lambda ph, i: (0, 0)),
            pl.BlockSpec((1, H), lambda ph, i: (0, 0)),
            pl.BlockSpec((1, H), lambda ph, i: (0, 0)),
            pl.BlockSpec((1, H), lambda ph, i: (0, 0)),
            pl.BlockSpec((H, H), lambda ph, i: (0, 0)),
            pl.BlockSpec((1, H), lambda ph, i: (0, 0)),
        ],
        out_specs=pl.BlockSpec((_R, H), lambda ph, i: (i, 0)),
        out_shape=jax.ShapeDtypeStruct((N, H), jnp.float32),
        scratch_shapes=[pltpu.VMEM((N, H), jnp.float32),
                        pltpu.VMEM((2, H), jnp.float32)],
    )(sp, xh, edp, we, be, g, beta, w2, b2)


def _post_final_body(sp_ref, xh_ref, edp_ref, we_ref, be_ref,
                     g_ref, beta_ref, batch_ref, wfc_ref, bfc_ref,
                     o_ref, pbuf, acc, accs, accc):
    ph = pl.program_id(0)
    i = pl.program_id(1)

    @pl.when(ph == 0)
    def _():
        eagg = edp_ref[0, :, 0:ED] + edp_ref[1, :, 0:ED]
        deg = edp_ref[0, :, ED:ED + 1] + edp_ref[1, :, ED:ED + 1]
        p = (sp_ref[0] + sp_ref[1] + xh_ref[...]
             + lax.dot_general(eagg, we_ref[...], _DNT,
                               preferred_element_type=jnp.float32)
             + deg * be_ref[...])
        pbuf[pl.ds(i * _R, _R), :] = p

        @pl.when(i == 0)
        def _():
            acc[...] = jnp.zeros_like(acc)

        acc[0:1, :] += jnp.sum(p, axis=0, keepdims=True)
        acc[1:2, :] += jnp.sum(p * p, axis=0, keepdims=True)

    @pl.when(ph == 1)
    def _():
        mu = acc[0:1, :] * (1.0 / N)
        var = acc[1:2, :] * (1.0 / N) - mu * mu
        xn = ((pbuf[pl.ds(i * _R, _R), :] - mu) * lax.rsqrt(var + EPS)
              * g_ref[...] + beta_ref[...])
        h = jnp.maximum(xn, 0.0)
        b = batch_ref[0, 0, :]
        oh = (b[:, None] == lax.broadcasted_iota(jnp.int32, (1, G), 1)
              ).astype(jnp.float32)

        @pl.when(i == 0)
        def _():
            accs[...] = jnp.zeros_like(accs)
            accc[...] = jnp.zeros_like(accc)

        dn = (((0,), (0,)), ((), ()))
        accs[...] += lax.dot_general(oh, h, dn,
                                     preferred_element_type=jnp.float32)
        accc[...] += lax.dot_general(oh, jnp.ones_like(h), dn,
                                     preferred_element_type=jnp.float32)

        @pl.when(i == _GRID - 1)
        def _():
            pooled = accs[...] / jnp.maximum(accc[...], 1.0)
            o_ref[...] = (lax.dot_general(pooled, wfc_ref[...], _DNT,
                                          preferred_element_type=jnp.float32)
                          + bfc_ref[...])


def _tc_post_final(sp, xh, edp, we, be, g, beta, batch3, wfc, bfc):
    return pl.pallas_call(
        _post_final_body,
        grid=(2, _GRID),
        in_specs=[
            pl.BlockSpec((NC, _R, H), lambda ph, i: (0, i, 0)),
            pl.BlockSpec((_R, H), lambda ph, i: (i, 0)),
            pl.BlockSpec((NC, _R, H), lambda ph, i: (0, i, 0)),
            pl.BlockSpec((H, ED), lambda ph, i: (0, 0)),
            pl.BlockSpec((1, H), lambda ph, i: (0, 0)),
            pl.BlockSpec((1, H), lambda ph, i: (0, 0)),
            pl.BlockSpec((1, H), lambda ph, i: (0, 0)),
            pl.BlockSpec((1, 1, _R), lambda ph, i: (i, 0, 0)),
            pl.BlockSpec((OUT, H), lambda ph, i: (0, 0)),
            pl.BlockSpec((1, OUT), lambda ph, i: (0, 0)),
        ],
        out_specs=pl.BlockSpec((G, OUT), lambda ph, i: (0, 0)),
        out_shape=jax.ShapeDtypeStruct((G, OUT), jnp.float32),
        scratch_shapes=[pltpu.VMEM((N, H), jnp.float32),
                        pltpu.VMEM((2, H), jnp.float32),
                        pltpu.VMEM((G, H), jnp.float32),
                        pltpu.VMEM((G, H), jnp.float32)],
    )(sp, xh, edp, we, be, g, beta, batch3, wfc, bfc)



def kernel(x, edge_attr, Wn1, bn1, We1, be1, Wn2, bn2, We2, be2,
           Wn3, bn3, We3, be3, g1, beta1, g2, beta2, g3, beta3,
           Wfc, bfc, edge_index, batch):
    f32 = jnp.float32
    src = edge_index[0].astype(jnp.int32)
    dst = edge_index[1].astype(jnp.int32)
    batch3 = batch.astype(jnp.int32).reshape(_GRID, 1, _R)

    zeros128 = jnp.zeros((SLAB, H), f32)
    zeros16 = jnp.zeros((SLAB, ED), f32)
    ones16 = jnp.ones((C, ED), f32)

    def row(v):
        return v.reshape(1, -1).astype(f32)

    edp = _sc_pre(edge_attr.astype(f32), dst, zeros16, ones16)

    xh1 = _tc_mm(x.astype(f32), Wn1.astype(f32), row(bn1))
    sp1 = _sc_agg(xh1, src, dst, zeros128)
    xh2 = _tc_post_bn(sp1, xh1, edp, We1.astype(f32), row(be1),
                      row(g1), row(beta1), Wn2.astype(f32), row(bn2))
    sp2 = _sc_agg(xh2, src, dst, zeros128)
    xh3 = _tc_post_bn(sp2, xh2, edp, We2.astype(f32), row(be2),
                      row(g2), row(beta2), Wn3.astype(f32), row(bn3))
    sp3 = _sc_agg(xh3, src, dst, zeros128)
    return _tc_post_final(sp3, xh3, edp, We3.astype(f32), row(be3),
                          row(g3), row(beta3), batch3,
                          Wfc.astype(f32), row(bfc))

# --- scband reference (transcript-rebuilt; emitter-appended) ---
"""Pipeline reference for scband-gnn-27187142983846 (READ-ONLY COPY).

The authoritative reference and input builder live on the scoring server;
editing this copy changes nothing except your own understanding.
"""

import jax, jax.numpy as jnp
import numpy as np

N = 10000
E = 320000
D = 128
H = 128
ED = 16
OUT = 64
G = 16
EPS = 1e-5


def _lin_params(key, out_dim, in_dim):
    k1, k2 = jax.random.split(key)
    s = 1.0 / np.sqrt(in_dim)
    W = jax.random.uniform(k1, (out_dim, in_dim), minval=-s, maxval=s, dtype=jnp.float32)
    b = jax.random.uniform(k2, (out_dim,), minval=-s, maxval=s, dtype=jnp.float32)
    return W, b


def setup_inputs(seed: int = 0):
    key = jax.random.key(seed)
    ks = jax.random.split(key, 16)
    inp = {}
    inp["x"] = jax.random.normal(ks[0], (N, D), dtype=jnp.float32)
    inp["edge_attr"] = jax.random.normal(ks[1], (E, ED), dtype=jnp.float32)
    inp["Wn1"], inp["bn1"] = _lin_params(ks[2], H, D)
    inp["We1"], inp["be1"] = _lin_params(ks[3], H, ED)
    inp["Wn2"], inp["bn2"] = _lin_params(ks[4], H, H)
    inp["We2"], inp["be2"] = _lin_params(ks[5], H, ED)
    inp["Wn3"], inp["bn3"] = _lin_params(ks[6], H, H)
    inp["We3"], inp["be3"] = _lin_params(ks[7], H, ED)
    inp["g1"] = jnp.ones((H,), jnp.float32)
    inp["beta1"] = jnp.zeros((H,), jnp.float32)
    inp["g2"] = jnp.ones((H,), jnp.float32)
    inp["beta2"] = jnp.zeros((H,), jnp.float32)
    inp["g3"] = jnp.ones((H,), jnp.float32)
    inp["beta3"] = jnp.zeros((H,), jnp.float32)
    inp["Wfc"], inp["bfc"] = _lin_params(ks[8], OUT, H)
    inp["edge_index"] = jax.random.randint(ks[9], (2, E), 0, N)
    inp["batch"] = jnp.sort(jax.random.randint(ks[10], (N,), 0, G))
    return inp


def _conv(x, edge_index, edge_attr, Wn, bnb, We, be):
    xh = x @ Wn.T + bnb
    ea = edge_attr @ We.T + be
    src = edge_index[0]
    dst = edge_index[1]
    msg = xh[src] + ea
    agg = jnp.zeros((x.shape[0], xh.shape[1]), xh.dtype).at[dst].add(msg)
    # add_self_loops with fill_value=0: each node i gets message xh[i] + 0 aggregated at i
    return agg + xh


def _bnorm(x, g, b):
    mu = jnp.mean(x, axis=0)
    var = jnp.mean((x - mu) ** 2, axis=0)
    return (x - mu) / jnp.sqrt(var + EPS) * g + b


def reference(x, edge_attr, Wn1, bn1, We1, be1, Wn2, bn2, We2, be2, Wn3, bn3, We3, be3, g1, beta1, g2, beta2, g3, beta3, Wfc, bfc, edge_index, batch):
    h = _conv(x, edge_index, edge_attr, Wn1, bn1, We1, be1)
    h = jax.nn.relu(_bnorm(h, g1, beta1))
    h = _conv(h, edge_index, edge_attr, Wn2, bn2, We2, be2)
    h = jax.nn.relu(_bnorm(h, g2, beta2))
    h = _conv(h, edge_index, edge_attr, Wn3, bn3, We3, be3)
    h = jax.nn.relu(_bnorm(h, g3, beta3))
    sums = jax.ops.segment_sum(h, batch, num_segments=G)
    cnts = jax.ops.segment_sum(jnp.ones((h.shape[0],), h.dtype), batch, num_segments=G)
    pooled = sums / jnp.maximum(cnts, 1.0)[:, None]
    return pooled @ Wfc.T + bfc

if __name__ == "__main__":
    import jax
    _d = setup_inputs()
    print(jax.jit(kernel)(*tuple(_d.values())))

</pallas_src>

<mosaic_0001>
#map = affine_map<(d0, d1) -> (0, 0)>
#map1 = affine_map<(d0, d1) -> (0)>
#map2 = affine_map<(d0, d1) -> (0, 0, 0)>
module attributes {stable_mosaic.version = 14 : i64} {
  func.func @_sc_pre_body(%arg0: i32, %arg1: i32, %arg2: memref<320000x16xf32, #tpu.memory_space<hbm>>, %arg3: memref<320000xi32, #tpu.memory_space<hbm>>, %arg4: memref<632x16xf32, #tpu.memory_space<hbm>>, %arg5: memref<128x16xf32, #tpu.memory_space<hbm>>, %arg6: memref<2x10000x128xf32, #tpu.memory_space<hbm>>, %arg7: memref<10000x16xf32, #tpu.memory_space<vmem_shared>>, %arg8: memref<10000x16xf32, #tpu.memory_space<vmem_shared>>, %arg9: memref<128x16xf32, #tpu.memory_space<vmem>>, %arg10: memref<128x16xf32, #tpu.memory_space<vmem>>, %arg11: memref<128xi32, #tpu.memory_space<vmem>>, %arg12: memref<128xi32, #tpu.memory_space<vmem>>, %arg13: memref<128x16xf32, #tpu.memory_space<vmem>>, %arg14: memref<16x16xf32, #tpu.memory_space<vmem>>, %arg15: memref<16xi32, #tpu.memory_space<vmem>>, %arg16: memref<!tpu.dma_semaphore, #tpu.memory_space<semaphore_mem>>, %arg17: memref<!tpu.dma_semaphore, #tpu.memory_space<semaphore_mem>>, %arg18: memref<!tpu.dma_semaphore, #tpu.memory_space<semaphore_mem>>, %arg19: memref<!tpu.dma_semaphore, #tpu.memory_space<semaphore_mem>>, %arg20: memref<!tpu.dma_semaphore, #tpu.memory_space<semaphore_mem>>, %arg21: memref<!tpu.dma_semaphore, #tpu.memory_space<semaphore_mem>>, %arg22: memref<!tpu.dma_semaphore, #tpu.memory_space<semaphore_mem>>, %arg23: memref<!tpu.dma_semaphore, #tpu.memory_space<semaphore_mem>>) attributes {dimension_semantics = [#tpu.dimension_semantics<core_parallel>, #tpu.dimension_semantics<subcore_parallel>], iteration_bounds = array<i64: 2, 16>, scalar_prefetch = 0 : i64, scratch_operands = 17 : i64, tpu.core_type = #tpu.core_type<sc_vector_subcore>, window_params = [{transform_indices = #map}, {transform_indices = #map1}, {transform_indices = #map}, {transform_indices = #map}, {transform_indices = #map2}]} {
    %mul3A = arith.constant 16 : i32
    %mul3A_0 = arith.muli %arg0, %mul3A : i32
    %add3A = arith.addi %mul3A_0, %arg1 : i32
    %mul3A_1 = arith.constant 10000 : i32
    %mul3A_2 = arith.muli %add3A, %mul3A_1 : i32
    %mul3A_3 = arith.constant 632 : i32
    %mul3A_4 = arith.muli %arg1, %mul3A_3 : i32
    %lt3A = arith.constant 15 : i32
    %lt3A_5 = arith.cmpi slt, %arg1, %lt3A : i32
    %convert_element_type3A = arith.extui %lt3A_5 : i1 to i32
    %cond3A = arith.constant 0 : i32
    %cond3A_6 = arith.cmpi ne, %convert_element_type3A, %cond3A : i32
    scf.if %cond3A_6 {
      "tpu.region"() ({
        %run_scoped3A = tpu.sem_alloc : memref<!tpu.dma_semaphore, #tpu.memory_space<semaphore_mem>>
        %dma_start3A_51 = arith.constant 0 : i32
        %dma_start3A_52 = tpu.memref_slice %arg7[%mul3A_4, %dma_start3A_51] : memref<10000x16xf32, #tpu.memory_space<vmem_shared>> -> memref<632x16xf32, #tpu.memory_space<vmem_shared>>
        tpu.enqueue_dma source(%arg4 : memref<632x16xf32, #tpu.memory_space<hbm>>) target(%dma_start3A_52 : memref<632x16xf32, #tpu.memory_space<vmem_shared>>) target_semaphore(%run_scoped3A : memref<!tpu.dma_semaphore, #tpu.memory_space<semaphore_mem>>)
        %dma_wait3A_53 = arith.constant 0 : i32
        %dma_wait3A_54 = tpu.memref_slice %arg7[%mul3A_4, %dma_wait3A_53] : memref<10000x16xf32, #tpu.memory_space<vmem_shared>> -> memref<632x16xf32, #tpu.memory_space<vmem_shared>>
        tpu.wait_dma2 semaphore(%run_scoped3A : memref<!tpu.dma_semaphore, #tpu.memory_space<semaphore_mem>>) src(%arg4 : memref<632x16xf32, #tpu.memory_space<hbm>>) dst(%dma_wait3A_54 : memref<632x16xf32, #tpu.memory_space<vmem_shared>>)
        tpu.yield
      }) : () -> ()
      "tpu.region"() ({
        %run_scoped3A = tpu.sem_alloc : memref<!tpu.dma_semaphore, #tpu.memory_space<semaphore_mem>>
        %dma_start3A_51 = arith.constant 0 : i32
        %dma_start3A_52 = tpu.memref_slice %arg8[%mul3A_4, %dma_start3A_51] : memref<10000x16xf32, #tpu.memory_space<vmem_shared>> -> memref<632x16xf32, #tpu.memory_space<vmem_shared>>
        tpu.enqueue_dma source(%arg4 : memref<632x16xf32, #tpu.memory_space<hbm>>) target(%dma_start3A_52 : memref<632x16xf32, #tpu.memory_space<vmem_shared>>) target_semaphore(%run_scoped3A : memref<!tpu.dma_semaphore, #tpu.memory_space<semaphore_mem>>)
        %dma_wait3A_53 = arith.constant 0 : i32
        %dma_wait3A_54 = tpu.memref_slice %arg8[%mul3A_4, %dma_wait3A_53] : memref<10000x16xf32, #tpu.memory_space<vmem_shared>> -> memref<632x16xf32, #tpu.memory_space<vmem_shared>>
        tpu.wait_dma2 semaphore(%run_scoped3A : memref<!tpu.dma_semaphore, #tpu.memory_space<semaphore_mem>>) src(%arg4 : memref<632x16xf32, #tpu.memory_space<hbm>>) dst(%dma_wait3A_54 : memref<632x16xf32, #tpu.memory_space<vmem_shared>>)
        tpu.yield
      }) : () -> ()
    } else {
    }
    %eq3A = arith.constant 15 : i32
    %eq3A_7 = arith.cmpi eq, %arg1, %eq3A : i32
    %convert_element_type3A_8 = arith.extui %eq3A_7 : i1 to i32
    %cond3A_9 = arith.constant 0 : i32
    %cond3A_10 = arith.cmpi ne, %convert_element_type3A_8, %cond3A_9 : i32
    scf.if %cond3A_10 {
      "tpu.region"() ({
        %run_scoped3A = tpu.sem_alloc : memref<!tpu.dma_semaphore, #tpu.memory_space<semaphore_mem>>
        %dma_start3A_51 = arith.constant 0 : i32
        %dma_start3A_52 = tpu.memref_slice %arg7[%mul3A_4, %dma_start3A_51] : memref<10000x16xf32, #tpu.memory_space<vmem_shared>> -> memref<520x16xf32, #tpu.memory_space<vmem_shared>>
        %dma_start3A_53 = arith.constant 0 : i32
        %dma_start3A_54 = arith.constant 0 : i32
        %dma_start3A_55 = tpu.memref_slice %arg4[%dma_start3A_53, %dma_start3A_54] : memref<632x16xf32, #tpu.memory_space<hbm>> -> memref<520x16xf32, #tpu.memory_space<hbm>>
        tpu.enqueue_dma source(%dma_start3A_55 : memref<520x16xf32, #tpu.memory_space<hbm>>) target(%dma_start3A_52 : memref<520x16xf32, #tpu.memory_space<vmem_shared>>) target_semaphore(%run_scoped3A : memref<!tpu.dma_semaphore, #tpu.memory_space<semaphore_mem>>)
        %dma_wait3A_56 = arith.constant 0 : i32
        %dma_wait3A_57 = tpu.memref_slice %arg7[%mul3A_4, %dma_wait3A_56] : memref<10000x16xf32, #tpu.memory_space<vmem_shared>> -> memref<520x16xf32, #tpu.memory_space<vmem_shared>>
        %dma_wait3A_58 = arith.constant 0 : i32
        %dma_wait3A_59 = arith.constant 0 : i32
        %dma_wait3A_60 = tpu.memref_slice %arg4[%dma_wait3A_58, %dma_wait3A_59] : memref<632x16xf32, #tpu.memory_space<hbm>> -> memref<520x16xf32, #tpu.memory_space<hbm>>
        tpu.wait_dma2 semaphore(%run_scoped3A : memref<!tpu.dma_semaphore, #tpu.memory_space<semaphore_mem>>) src(%dma_wait3A_60 : memref<520x16xf32, #tpu.memory_space<hbm>>) dst(%dma_wait3A_57 : memref<520x16xf32, #tpu.memory_space<vmem_shared>>)
        tpu.yield
      }) : () -> ()
      "tpu.region"() ({
        %run_scoped3A = tpu.sem_alloc : memref<!tpu.dma_semaphore, #tpu.memory_space<semaphore_mem>>
        %dma_start3A_51 = arith.constant 0 : i32
        %dma_start3A_52 = tpu.memref_slice %arg8[%mul3A_4, %dma_start3A_51] : memref<10000x16xf32, #tpu.memory_space<vmem_shared>> -> memref<520x16xf32, #tpu.memory_space<vmem_shared>>
        %dma_start3A_53 = arith.constant 0 : i32
        %dma_start3A_54 = arith.constant 0 : i32
        %dma_start3A_55 = tpu.memref_slice %arg4[%dma_start3A_53, %dma_start3A_54] : memref<632x16xf32, #tpu.memory_space<hbm>> -> memref<520x16xf32, #tpu.memory_space<hbm>>
        tpu.enqueue_dma source(%dma_start3A_55 : memref<520x16xf32, #tpu.memory_space<hbm>>) target(%dma_start3A_52 : memref<520x16xf32, #tpu.memory_space<vmem_shared>>) target_semaphore(%run_scoped3A : memref<!tpu.dma_semaphore, #tpu.memory_space<semaphore_mem>>)
        %dma_wait3A_56 = arith.constant 0 : i32
        %dma_wait3A_57 = tpu.memref_slice %arg8[%mul3A_4, %dma_wait3A_56] : memref<10000x16xf32, #tpu.memory_space<vmem_shared>> -> memref<520x16xf32, #tpu.memory_space<vmem_shared>>
        %dma_wait3A_58 = arith.constant 0 : i32
        %dma_wait3A_59 = arith.constant 0 : i32
        %dma_wait3A_60 = tpu.memref_slice %arg4[%dma_wait3A_58, %dma_wait3A_59] : memref<632x16xf32, #tpu.memory_space<hbm>> -> memref<520x16xf32, #tpu.memory_space<hbm>>
        tpu.wait_dma2 semaphore(%run_scoped3A : memref<!tpu.dma_semaphore, #tpu.memory_space<semaphore_mem>>) src(%dma_wait3A_60 : memref<520x16xf32, #tpu.memory_space<hbm>>) dst(%dma_wait3A_57 : memref<520x16xf32, #tpu.memory_space<vmem_shared>>)
        tpu.yield
      }) : () -> ()
    } else {
    }
    "tpu.region"() ({
      %run_scoped3A = tpu.sem_alloc : memref<!tpu.dma_semaphore, #tpu.memory_space<semaphore_mem>>
      tpu.enqueue_dma source(%arg5 : memref<128x16xf32, #tpu.memory_space<hbm>>) target(%arg13 : memref<128x16xf32, #tpu.memory_space<vmem>>) target_semaphore(%run_scoped3A : memref<!tpu.dma_semaphore, #tpu.memory_space<semaphore_mem>>)
      tpu.wait_dma2 semaphore(%run_scoped3A : memref<!tpu.dma_semaphore, #tpu.memory_space<semaphore_mem>>) src(%arg5 : memref<128x16xf32, #tpu.memory_space<hbm>>) dst(%arg13 : memref<128x16xf32, #tpu.memory_space<vmem>>)
      tpu.yield
    }) : () -> ()
    %barrier3A = arith.constant 0 : index
    tpu.barrier barrier_id(%barrier3A)
    %add3A_11 = arith.constant 0 : i32
    %add3A_12 = arith.addi %mul3A_2, %add3A_11 : i32
    %dma_start3A = arith.constant 0 : i32
    %dma_start3A_13 = tpu.memref_slice %arg2[%add3A_12, %dma_start3A] : memref<320000x16xf32, #tpu.memory_space<hbm>> -> memref<128x16xf32, #tpu.memory_space<hbm>>
    %dma_start3A_14 = arith.constant 0 : i32
    %dma_start3A_15 = tpu.memref_slice %arg2[%add3A_12, %dma_start3A_14] : memref<320000x16xf32, #tpu.memory_space<hbm>> -> memref<128x16xf32, #tpu.memory_space<hbm>>
    tpu.enqueue_dma source(%dma_start3A_15 : memref<128x16xf32, #tpu.memory_space<hbm>>) target(%arg9 : memref<128x16xf32, #tpu.memory_space<vmem>>) target_semaphore(%arg16 : memref<!tpu.dma_semaphore, #tpu.memory_space<semaphore_mem>>)
    %dma_start3A_16 = tpu.memref_slice %arg3[%add3A_12] : memref<320000xi32, #tpu.memory_space<hbm>> -> memref<128xi32, #tpu.memory_space<hbm>>
    %dma_start3A_17 = tpu.memref_slice %arg3[%add3A_12] : memref<320000xi32, #tpu.memory_space<hbm>> -> memref<128xi32, #tpu.memory_space<hbm>>
    tpu.enqueue_dma source(%dma_start3A_17 : memref<128xi32, #tpu.memory_space<hbm>>) target(%arg11 : memref<128xi32, #tpu.memory_space<vmem>>) target_semaphore(%arg18 : memref<!tpu.dma_semaphore, #tpu.memory_space<semaphore_mem>>)
    %add3A_18 = arith.constant 128 : i32
    %add3A_19 = arith.addi %mul3A_2, %add3A_18 : i32
    %dma_start3A_20 = arith.constant 0 : i32
    %dma_start3A_21 = tpu.memref_slice %arg2[%add3A_19, %dma_start3A_20] : memref<320000x16xf32, #tpu.memory_space<hbm>> -> memref<128x16xf32, #tpu.memory_space<hbm>>
    %dma_start3A_22 = arith.constant 0 : i32
    %dma_start3A_23 = tpu.memref_slice %arg2[%add3A_19, %dma_start3A_22] : memref<320000x16xf32, #tpu.memory_space<hbm>> -> memref<128x16xf32, #tpu.memory_space<hbm>>
    tpu.enqueue_dma source(%dma_start3A_23 : memref<128x16xf32, #tpu.memory_space<hbm>>) target(%arg10 : memref<128x16xf32, #tpu.memory_space<vmem>>) target_semaphore(%arg17 : memref<!tpu.dma_semaphore, #tpu.memory_space<semaphore_mem>>)
    %dma_start3A_24 = tpu.memref_slice %arg3[%add3A_19] : memref<320000xi32, #tpu.memory_space<hbm>> -> memref<128xi32, #tpu.memory_space<hbm>>
    %dma_start3A_25 = tpu.memref_slice %arg3[%add3A_19] : memref<320000xi32, #tpu.memory_space<hbm>> -> memref<128xi32, #tpu.memory_space<hbm>>
    tpu.enqueue_dma source(%dma_start3A_25 : memref<128xi32, #tpu.memory_space<hbm>>) target(%arg12 : memref<128xi32, #tpu.memory_space<vmem>>) target_semaphore(%arg19 : memref<!tpu.dma_semaphore, #tpu.memory_space<semaphore_mem>>)
    %scan3A = arith.constant 0 : i32
    %scan3A_26 = arith.constant 0 : i32
    %scan3A_27 = arith.constant 39 : i32
    %scan3A_28 = arith.addi %scan3A_26, %scan3A_27 : i32
    %scan3A_29 = arith.constant 1 : i32
    scf.for %scan3A_51 = %scan3A_26 to %scan3A_28 step %scan3A_29  : i32 {
      %mul3A_52 = arith.constant 2 : i32
      %mul3A_53 = arith.muli %mul3A_52, %scan3A_51 : i32
      %dma_wait3A_54 = arith.constant 0 : i32
      %dma_wait3A_55 = arith.constant 0 : i32
      %dma_wait3A_56 = tpu.memref_slice %arg2[%dma_wait3A_54, %dma_wait3A_55] : memref<320000x16xf32, #tpu.memory_space<hbm>> -> memref<128x16xf32, #tpu.memory_space<hbm>>
      %dma_wait3A_57 = arith.constant 0 : i32
      %dma_wait3A_58 = arith.constant 0 : i32
      %dma_wait3A_59 = tpu.memref_slice %arg2[%dma_wait3A_57, %dma_wait3A_58] : memref<320000x16xf32, #tpu.memory_space<hbm>> -> memref<128x16xf32, #tpu.memory_space<hbm>>
      tpu.wait_dma2 semaphore(%arg16 : memref<!tpu.dma_semaphore, #tpu.memory_space<semaphore_mem>>) src(%dma_wait3A_59 : memref<128x16xf32, #tpu.memory_space<hbm>>) dst(%arg9 : memref<128x16xf32, #tpu.memory_space<vmem>>)
      %dma_wait3A_60 = arith.constant 0 : i32
      %dma_wait3A_61 = tpu.memref_slice %arg3[%dma_wait3A_60] : memref<320000xi32, #tpu.memory_space<hbm>> -> memref<128xi32, #tpu.memory_space<hbm>>
      %dma_wait3A_62 = arith.constant 0 : i32
      %dma_wait3A_63 = tpu.memref_slice %arg3[%dma_wait3A_62] : memref<320000xi32, #tpu.memory_space<hbm>> -> memref<128xi32, #tpu.memory_space<hbm>>
      tpu.wait_dma2 semaphore(%arg18 : memref<!tpu.dma_semaphore, #tpu.memory_space<semaphore_mem>>) src(%dma_wait3A_63 : memref<128xi32, #tpu.memory_space<hbm>>) dst(%arg11 : memref<128xi32, #tpu.memory_space<vmem>>)
      %dma_start3A_64 = arith.constant 0 : i32
      %dma_start3A_65 = arith.constant 0 : i32
      %dma_start3A_66 = tpu.memref_slice %arg7[%dma_start3A_64, %dma_start3A_65] : memref<10000x16xf32, #tpu.memory_space<vmem_shared>> -> memref<10000x16xf32, #tpu.memory_space<vmem_shared>>
      tpu.enqueue_indirect_dma source(%arg9 : memref<128x16xf32, #tpu.memory_space<vmem>>) target(%dma_start3A_66 : memref<10000x16xf32, #tpu.memory_space<vmem_shared>>) offsets(%arg11 : memref<128xi32, #tpu.memory_space<vmem>>) semaphore(%arg20 : memref<!tpu.dma_semaphore, #tpu.memory_space<semaphore_mem>>) {add = true}
      %dma_start3A_67 = arith.constant 0 : i32
      %dma_start3A_68 = arith.constant 0 : i32
      %dma_start3A_69 = tpu.memref_slice %arg8[%dma_start3A_67, %dma_start3A_68] : memref<10000x16xf32, #tpu.memory_space<vmem_shared>> -> memref<10000x16xf32, #tpu.memory_space<vmem_shared>>
      tpu.enqueue_indirect_dma source(%arg13 : memref<128x16xf32, #tpu.memory_space<vmem>>) target(%dma_start3A_69 : memref<10000x16xf32, #tpu.memory_space<vmem_shared>>) offsets(%arg11 : memref<128xi32, #tpu.memory_space<vmem>>) semaphore(%arg22 : memref<!tpu.dma_semaphore, #tpu.memory_space<semaphore_mem>>) {add = true}
      %dma_wait3A_70 = arith.constant 0 : i32
      %dma_wait3A_71 = arith.constant 0 : i32
      %dma_wait3A_72 = tpu.memref_slice %arg7[%dma_wait3A_70, %dma_wait3A_71] : memref<10000x16xf32, #tpu.memory_space<vmem_shared>> -> memref<128x16xf32, #tpu.memory_space<vmem_shared>>
      %dma_wait3A_73 = arith.constant 0 : i32
      %dma_wait3A_74 = arith.constant 0 : i32
      %dma_wait3A_75 = tpu.memref_slice %arg7[%dma_wait3A_73, %dma_wait3A_74] : memref<10000x16xf32, #tpu.memory_space<vmem_shared>> -> memref<128x16xf32, #tpu.memory_space<vmem_shared>>
      tpu.wait_dma2 semaphore(%arg20 : memref<!tpu.dma_semaphore, #tpu.memory_space<semaphore_mem>>) src(%arg9 : memref<128x16xf32, #tpu.memory_space<vmem>>) dst(%dma_wait3A_75 : memref<128x16xf32, #tpu.memory_space<vmem_shared>>)
      %dma_wait3A_76 = arith.constant 0 : i32
      %dma_wait3A_77 = arith.constant 0 : i32
      %dma_wait3A_78 = tpu.memref_slice %arg8[%dma_wait3A_76, %dma_wait3A_77] : memref<10000x16xf32, #tpu.memory_space<vmem_shared>> -> memref<128x16xf32, #tpu.memory_space<vmem_shared>>
      %dma_wait3A_79 = arith.constant 0 : i32
      %dma_wait3A_80 = arith.constant 0 : i32
      %dma_wait3A_81 = tpu.memref_slice %arg8[%dma_wait3A_79, %dma_wait3A_80] : memref<10000x16xf32, #tpu.memory_space<vmem_shared>> -> memref<128x16xf32, #tpu.memory_space<vmem_shared>>
      tpu.wait_dma2 semaphore(%arg22 : memref<!tpu.dma_semaphore, #tpu.memory_space<semaphore_mem>>) src(%arg13 : memref<128x16xf32, #tpu.memory_space<vmem>>) dst(%dma_wait3A_81 : memref<128x16xf32, #tpu.memory_space<vmem_shared>>)
      %lt3A_82 = arith.constant 38 : i32
      %lt3A_83 = arith.cmpi slt, %scan3A_51, %lt3A_82 : i32
      %convert_element_type3A_84 = arith.extui %lt3A_83 : i1 to i32
      %cond3A_85 = arith.constant 0 : i32
      %cond3A_86 = arith.cmpi ne, %convert_element_type3A_84, %cond3A_85 : i32
      scf.if %cond3A_86 {
        %add3A_120 = arith.constant 2 : i32
        %add3A_121 = arith.addi %mul3A_53, %add3A_120 : i32
        %mul3A_122 = arith.constant 128 : i32
        %mul3A_123 = arith.muli %add3A_121, %mul3A_122 : i32
        %add3A_124 = arith.addi %mul3A_2, %mul3A_123 : i32
        %dma_start3A_125 = arith.constant 0 : i32
        %dma_start3A_126 = tpu.memref_slice %arg2[%add3A_124, %dma_start3A_125] : memref<320000x16xf32, #tpu.memory_space<hbm>> -> memref<128x16xf32, #tpu.memory_space<hbm>>
        %dma_start3A_127 = arith.constant 0 : i32
        %dma_start3A_128 = tpu.memref_slice %arg2[%add3A_124, %dma_start3A_127] : memref<320000x16xf32, #tpu.memory_space<hbm>> -> memref<128x16xf32, #tpu.memory_space<hbm>>
        tpu.enqueue_dma source(%dma_start3A_128 : memref<128x16xf32, #tpu.memory_space<hbm>>) target(%arg9 : memref<128x16xf32, #tpu.memory_space<vmem>>) target_semaphore(%arg16 : memref<!tpu.dma_semaphore, #tpu.memory_space<semaphore_mem>>)
        %dma_start3A_129 = tpu.memref_slice %arg3[%add3A_124] : memref<320000xi32, #tpu.memory_space<hbm>> -> memref<128xi32, #tpu.memory_space<hbm>>
        %dma_start3A_130 = tpu.memref_slice %arg3[%add3A_124] : memref<320000xi32, #tpu.memory_space<hbm>> -> memref<128xi32, #tpu.memory_space<hbm>>
        tpu.enqueue_dma source(%dma_start3A_130 : memref<128xi32, #tpu.memory_space<hbm>>) target(%arg11 : memref<128xi32, #tpu.memory_space<vmem>>) target_semaphore(%arg18 : memref<!tpu.dma_semaphore, #tpu.memory_space<semaphore_mem>>)
      } else {
      }
      %dma_wait3A_87 = arith.constant 0 : i32
      %dma_wait3A_88 = arith.constant 0 : i32
      %dma_wait3A_89 = tpu.memref_slice %arg2[%dma_wait3A_87, %dma_wait3A_88] : memref<320000x16xf32, #tpu.memory_space<hbm>> -> memref<128x16xf32, #tpu.memory_space<hbm>>
      %dma_wait3A_90 = arith.constant 0 : i32
      %dma_wait3A_91 = arith.constant 0 : i32
      %dma_wait3A_92 = tpu.memref_slice %arg2[%dma_wait3A_90, %dma_wait3A_91] : memref<320000x16xf32, #tpu.memory_space<hbm>> -> memref<128x16xf32, #tpu.memory_space<hbm>>
      tpu.wait_dma2 semaphore(%arg17 : memref<!tpu.dma_semaphore, #tpu.memory_space<semaphore_mem>>) src(%dma_wait3A_92 : memref<128x16xf32, #tpu.memory_space<hbm>>) dst(%arg10 : memref<128x16xf32, #tpu.memory_space<vmem>>)
      %dma_wait3A_93 = arith.constant 0 : i32
      %dma_wait3A_94 = tpu.memref_slice %arg3[%dma_wait3A_93] : memref<320000xi32, #tpu.memory_space<hbm>> -> memref<128xi32, #tpu.memory_space<hbm>>
      %dma_wait3A_95 = arith.constant 0 : i32
      %dma_wait3A_96 = tpu.memref_slice %arg3[%dma_wait3A_95] : memref<320000xi32, #tpu.memory_space<hbm>> -> memref<128xi32, #tpu.memory_space<hbm>>
      tpu.wait_dma2 semaphore(%arg19 : memref<!tpu.dma_semaphore, #tpu.memory_space<semaphore_mem>>) src(%dma_wait3A_96 : memref<128xi32, #tpu.memory_space<hbm>>) dst(%arg12 : memref<128xi32, #tpu.memory_space<vmem>>)
      %dma_start3A_97 = arith.constant 0 : i32
      %dma_start3A_98 = arith.constant 0 : i32
      %dma_start3A_99 = tpu.memref_slice %arg7[%dma_start3A_97, %dma_start3A_98] : memref<10000x16xf32, #tpu.memory_space<vmem_shared>> -> memref<10000x16xf32, #tpu.memory_space<vmem_shared>>
      tpu.enqueue_indirect_dma source(%arg10 : memref<128x16xf32, #tpu.memory_space<vmem>>) target(%dma_start3A_99 : memref<10000x16xf32, #tpu.memory_space<vmem_shared>>) offsets(%arg12 : memref<128xi32, #tpu.memory_space<vmem>>) semaphore(%arg21 : memref<!tpu.dma_semaphore, #tpu.memory_space<semaphore_mem>>) {add = true}
      %dma_start3A_100 = arith.constant 0 : i32
      %dma_start3A_101 = arith.constant 0 : i32
      %dma_start3A_102 = tpu.memref_slice %arg8[%dma_start3A_100, %dma_start3A_101] : memref<10000x16xf32, #tpu.memory_space<vmem_shared>> -> memref<10000x16xf32, #tpu.memory_space<vmem_shared>>
      tpu.enqueue_indirect_dma source(%arg13 : memref<128x16xf32, #tpu.memory_space<vmem>>) target(%dma_start3A_102 : memref<10000x16xf32, #tpu.memory_space<vmem_shared>>) offsets(%arg12 : memref<128xi32, #tpu.memory_space<vmem>>) semaphore(%arg23 : memref<!tpu.dma_semaphore, #tpu.memory_space<semaphore_mem>>) {add = true}
      %dma_wait3A_103 = arith.constant 0 : i32
      %dma_wait3A_104 = arith.constant 0 : i32
      %dma_wait3A_105 = tpu.memref_slice %arg7[%dma_wait3A_103, %dma_wait3A_104] : memref<10000x16xf32, #tpu.memory_space<vmem_shared>> -> memref<128x16xf32, #tpu.memory_space<vmem_shared>>
      %dma_wait3A_106 = arith.constant 0 : i32
      %dma_wait3A_107 = arith.constant 0 : i32
      %dma_wait3A_108 = tpu.memref_slice %arg7[%dma_wait3A_106, %dma_wait3A_107] : memref<10000x16xf32, #tpu.memory_space<vmem_shared>> -> memref<128x16xf32, #tpu.memory_space<vmem_shared>>
      tpu.wait_dma2 semaphore(%arg21 : memref<!tpu.dma_semaphore, #tpu.memory_space<semaphore_mem>>) src(%arg10 : memref<128x16xf32, #tpu.memory_space<vmem>>) dst(%dma_wait3A_108 : memref<128x16xf32, #tpu.memory_space<vmem_shared>>)
      %dma_wait3A_109 = arith.constant 0 : i32
      %dma_wait3A_110 = arith.constant 0 : i32
      %dma_wait3A_111 = tpu.memref_slice %arg8[%dma_wait3A_109, %dma_wait3A_110] : memref<10000x16xf32, #tpu.memory_space<vmem_shared>> -> memref<128x16xf32, #tpu.memory_space<vmem_shared>>
      %dma_wait3A_112 = arith.constant 0 : i32
      %dma_wait3A_113 = arith.constant 0 : i32
      %dma_wait3A_114 = tpu.memref_slice %arg8[%dma_wait3A_112, %dma_wait3A_113] : memref<10000x16xf32, #tpu.memory_space<vmem_shared>> -> memref<128x16xf32, #tpu.memory_space<vmem_shared>>
      tpu.wait_dma2 semaphore(%arg23 : memref<!tpu.dma_semaphore, #tpu.memory_space<semaphore_mem>>) src(%arg13 : memref<128x16xf32, #tpu.memory_space<vmem>>) dst(%dma_wait3A_114 : memref<128x16xf32, #tpu.memory_space<vmem_shared>>)
      %lt3A_115 = arith.constant 38 : i32
      %lt3A_116 = arith.cmpi slt, %scan3A_51, %lt3A_115 : i32
      %convert_element_type3A_117 = arith.extui %lt3A_116 : i1 to i32
      %cond3A_118 = arith.constant 0 : i32
      %cond3A_119 = arith.cmpi ne, %convert_element_type3A_117, %cond3A_118 : i32
      scf.if %cond3A_119 {
        %add3A_120 = arith.constant 3 : i32
        %add3A_121 = arith.addi %mul3A_53, %add3A_120 : i32
        %mul3A_122 = arith.constant 128 : i32
        %mul3A_123 = arith.muli %add3A_121, %mul3A_122 : i32
        %add3A_124 = arith.addi %mul3A_2, %mul3A_123 : i32
        %dma_start3A_125 = arith.constant 0 : i32
        %dma_start3A_126 = tpu.memref_slice %arg2[%add3A_124, %dma_start3A_125] : memref<320000x16xf32, #tpu.memory_space<hbm>> -> memref<128x16xf32, #tpu.memory_space<hbm>>
        %dma_start3A_127 = arith.constant 0 : i32
        %dma_start3A_128 = tpu.memref_slice %arg2[%add3A_124, %dma_start3A_127] : memref<320000x16xf32, #tpu.memory_space<hbm>> -> memref<128x16xf32, #tpu.memory_space<hbm>>
        tpu.enqueue_dma source(%dma_start3A_128 : memref<128x16xf32, #tpu.memory_space<hbm>>) target(%arg10 : memref<128x16xf32, #tpu.memory_space<vmem>>) target_semaphore(%arg17 : memref<!tpu.dma_semaphore, #tpu.memory_space<semaphore_mem>>)
        %dma_start3A_129 = tpu.memref_slice %arg3[%add3A_124] : memref<320000xi32, #tpu.memory_space<hbm>> -> memref<128xi32, #tpu.memory_space<hbm>>
        %dma_start3A_130 = tpu.memref_slice %arg3[%add3A_124] : memref<320000xi32, #tpu.memory_space<hbm>> -> memref<128xi32, #tpu.memory_space<hbm>>
        tpu.enqueue_dma source(%dma_start3A_130 : memref<128xi32, #tpu.memory_space<hbm>>) target(%arg12 : memref<128xi32, #tpu.memory_space<vmem>>) target_semaphore(%arg19 : memref<!tpu.dma_semaphore, #tpu.memory_space<semaphore_mem>>)
      } else {
      }
    }
    %scan3A_30 = arith.constant 39 : i32
    %add3A_31 = arith.constant 9984 : i32
    %add3A_32 = arith.addi %mul3A_2, %add3A_31 : i32
    %dma_start3A_33 = arith.constant 0 : i32
    %dma_start3A_34 = tpu.memref_slice %arg2[%add3A_32, %dma_start3A_33] : memref<320000x16xf32, #tpu.memory_space<hbm>> -> memref<16x16xf32, #tpu.memory_space<hbm>>
    %dma_start3A_35 = arith.constant 0 : i32
    %dma_start3A_36 = tpu.memref_slice %arg2[%add3A_32, %dma_start3A_35] : memref<320000x16xf32, #tpu.memory_space<hbm>> -> memref<16x16xf32, #tpu.memory_space<hbm>>
    tpu.enqueue_dma source(%dma_start3A_36 : memref<16x16xf32, #tpu.memory_space<hbm>>) target(%arg14 : memref<16x16xf32, #tpu.memory_space<vmem>>) target_semaphore(%arg16 : memref<!tpu.dma_semaphore, #tpu.memory_space<semaphore_mem>>)
    %dma_wait3A = arith.constant 0 : i32
    %dma_wait3A_37 = tpu.memref_slice %arg2[%add3A_32, %dma_wait3A] : memref<320000x16xf32, #tpu.memory_space<hbm>> -> memref<16x16xf32, #tpu.memory_space<hbm>>
    %dma_wait3A_38 = arith.constant 0 : i32
    %dma_wait3A_39 = tpu.memref_slice %arg2[%add3A_32, %dma_wait3A_38] : memref<320000x16xf32, #tpu.memory_space<hbm>> -> memref<16x16xf32, #tpu.memory_space<hbm>>
    tpu.wait_dma2 semaphore(%arg16 : memref<!tpu.dma_semaphore, #tpu.memory_space<semaphore_mem>>) src(%dma_wait3A_39 : memref<16x16xf32, #tpu.memory_space<hbm>>) dst(%arg14 : memref<16x16xf32, #tpu.memory_space<vmem>>)
    "tpu.region"() ({
      %run_scoped3A = tpu.sem_alloc : memref<!tpu.dma_semaphore, #tpu.memory_space<semaphore_mem>>
      %dma_start3A_51 = tpu.memref_slice %arg3[%add3A_32] : memref<320000xi32, #tpu.memory_space<hbm>> -> memref<16xi32, #tpu.memory_space<hbm>>
      %dma_start3A_52 = tpu.memref_slice %arg3[%add3A_32] : memref<320000xi32, #tpu.memory_space<hbm>> -> memref<16xi32, #tpu.memory_space<hbm>>
      tpu.enqueue_dma source(%dma_start3A_52 : memref<16xi32, #tpu.memory_space<hbm>>) target(%arg15 : memref<16xi32, #tpu.memory_space<vmem>>) target_semaphore(%run_scoped3A : memref<!tpu.dma_semaphore, #tpu.memory_space<semaphore_mem>>)
      %dma_wait3A_53 = tpu.memref_slice %arg3[%add3A_32] : memref<320000xi32, #tpu.memory_space<hbm>> -> memref<16xi32, #tpu.memory_space<hbm>>
      %dma_wait3A_54 = tpu.memref_slice %arg3[%add3A_32] : memref<320000xi32, #tpu.memory_space<hbm>> -> memref<16xi32, #tpu.memory_space<hbm>>
      tpu.wait_dma2 semaphore(%run_scoped3A : memref<!tpu.dma_semaphore, #tpu.memory_space<semaphore_mem>>) src(%dma_wait3A_54 : memref<16xi32, #tpu.memory_space<hbm>>) dst(%arg15 : memref<16xi32, #tpu.memory_space<vmem>>)
      tpu.yield
    }) : () -> ()
    "tpu.region"() ({
      %run_scoped3A = tpu.sem_alloc : memref<!tpu.dma_semaphore, #tpu.memory_space<semaphore_mem>>
      %dma_start3A_51 = arith.constant 0 : i32
      %dma_start3A_52 = arith.constant 0 : i32
      %dma_start3A_53 = tpu.memref_slice %arg7[%dma_start3A_51, %dma_start3A_52] : memref<10000x16xf32, #tpu.memory_space<vmem_shared>> -> memref<10000x16xf32, #tpu.memory_space<vmem_shared>>
      tpu.enqueue_indirect_dma source(%arg14 : memref<16x16xf32, #tpu.memory_space<vmem>>) target(%dma_start3A_53 : memref<10000x16xf32, #tpu.memory_space<vmem_shared>>) offsets(%arg15 : memref<16xi32, #tpu.memory_space<vmem>>) semaphore(%run_scoped3A : memref<!tpu.dma_semaphore, #tpu.memory_space<semaphore_mem>>) {add = true}
      %dma_wait3A_54 = arith.constant 0 : i32
      %dma_wait3A_55 = arith.constant 0 : i32
      %dma_wait3A_56 = tpu.memref_slice %arg7[%dma_wait3A_54, %dma_wait3A_55] : memref<10000x16xf32, #tpu.memory_space<vmem_shared>> -> memref<10000x16xf32, #tpu.memory_space<vmem_shared>>
      tpu.wait_indirect_dma semaphore(%run_scoped3A : memref<!tpu.dma_semaphore, #tpu.memory_space<semaphore_mem>>) src(%arg14 : memref<16x16xf32, #tpu.memory_space<vmem>>) dst(%dma_wait3A_56 : memref<10000x16xf32, #tpu.memory_space<vmem_shared>>)
      tpu.yield
    }) : () -> ()
    "tpu.region"() ({
      %run_scoped3A = tpu.sem_alloc : memref<!tpu.dma_semaphore, #tpu.memory_space<semaphore_mem>>
      %dma_start3A_51 = arith.constant 0 : i32
      %dma_start3A_52 = arith.constant 0 : i32
      %dma_start3A_53 = tpu.memref_slice %arg13[%dma_start3A_51, %dma_start3A_52] : memref<128x16xf32, #tpu.memory_space<vmem>> -> memref<16x16xf32, #tpu.memory_space<vmem>>
      %dma_start3A_54 = arith.constant 0 : i32
      %dma_start3A_55 = arith.constant 0 : i32
      %dma_start3A_56 = tpu.memref_slice %arg8[%dma_start3A_54, %dma_start3A_55] : memref<10000x16xf32, #tpu.memory_space<vmem_shared>> -> memref<10000x16xf32, #tpu.memory_space<vmem_shared>>
      tpu.enqueue_indirect_dma source(%dma_start3A_53 : memref<16x16xf32, #tpu.memory_space<vmem>>) target(%dma_start3A_56 : memref<10000x16xf32, #tpu.memory_space<vmem_shared>>) offsets(%arg15 : memref<16xi32, #tpu.memory_space<vmem>>) semaphore(%run_scoped3A : memref<!tpu.dma_semaphore, #tpu.memory_space<semaphore_mem>>) {add = true}
      %dma_wait3A_57 = arith.constant 0 : i32
      %dma_wait3A_58 = arith.constant 0 : i32
      %dma_wait3A_59 = tpu.memref_slice %arg13[%dma_wait3A_57, %dma_wait3A_58] : memref<128x16xf32, #tpu.memory_space<vmem>> -> memref<16x16xf32, #tpu.memory_space<vmem>>
      %dma_wait3A_60 = arith.constant 0 : i32
      %dma_wait3A_61 = arith.constant 0 : i32
      %dma_wait3A_62 = tpu.memref_slice %arg8[%dma_wait3A_60, %dma_wait3A_61] : memref<10000x16xf32, #tpu.memory_space<vmem_shared>> -> memref<10000x16xf32, #tpu.memory_space<vmem_shared>>
      tpu.wait_indirect_dma semaphore(%run_scoped3A : memref<!tpu.dma_semaphore, #tpu.memory_space<semaphore_mem>>) src(%dma_wait3A_59 : memref<16x16xf32, #tpu.memory_space<vmem>>) dst(%dma_wait3A_62 : memref<10000x16xf32, #tpu.memory_space<vmem_shared>>)
      tpu.yield
    }) : () -> ()
    %barrier3A_40 = arith.constant 0 : index
    tpu.barrier barrier_id(%barrier3A_40)
    %lt3A_41 = arith.constant 15 : i32
    %lt3A_42 = arith.cmpi slt, %arg1, %lt3A_41 : i32
    %convert_element_type3A_43 = arith.extui %lt3A_42 : i1 to i32
    %cond3A_44 = arith.constant 0 : i32
    %cond3A_45 = arith.cmpi ne, %convert_element_type3A_43, %cond3A_44 : i32
    scf.if %cond3A_45 {
      "tpu.region"() ({
        %run_scoped3A = tpu.sem_alloc : memref<!tpu.dma_semaphore, #tpu.memory_space<semaphore_mem>>
        %dma_start3A_51 = arith.constant 0 : i32
        %dma_start3A_52 = tpu.memref_slice %arg6[%arg0, %mul3A_4, %dma_start3A_51] : memref<2x10000x128xf32, #tpu.memory_space<hbm>> -> memref<1x632x16xf32, #tpu.memory_space<hbm>>
        %dma_start3A_53 = tpu.memref_squeeze %dma_start3A_52 : memref<1x632x16xf32, #tpu.memory_space<hbm>> -> memref<632x16xf32, #tpu.memory_space<hbm>>
        %dma_start3A_54 = arith.constant 0 : i32
        %dma_start3A_55 = tpu.memref_slice %arg7[%mul3A_4, %dma_start3A_54] : memref<10000x16xf32, #tpu.memory_space<vmem_shared>> -> memref<632x16xf32, #tpu.memory_space<vmem_shared>>
        tpu.enqueue_dma source(%dma_start3A_55 : memref<632x16xf32, #tpu.memory_space<vmem_shared>>) target(%dma_start3A_53 : memref<632x16xf32, #tpu.memory_space<hbm>>) target_semaphore(%run_scoped3A : memref<!tpu.dma_semaphore, #tpu.memory_space<semaphore_mem>>)
        %dma_wait3A_56 = arith.constant 0 : i32
        %dma_wait3A_57 = tpu.memref_slice %arg6[%arg0, %mul3A_4, %dma_wait3A_56] : memref<2x10000x128xf32, #tpu.memory_space<hbm>> -> memref<1x632x16xf32, #tpu.memory_space<hbm>>
        %dma_wait3A_58 = tpu.memref_squeeze %dma_wait3A_57 : memref<1x632x16xf32, #tpu.memory_space<hbm>> -> memref<632x16xf32, #tpu.memory_space<hbm>>
        %dma_wait3A_59 = arith.constant 0 : i32
        %dma_wait3A_60 = tpu.memref_slice %arg7[%mul3A_4, %dma_wait3A_59] : memref<10000x16xf32, #tpu.memory_space<vmem_shared>> -> memref<632x16xf32, #tpu.memory_space<vmem_shared>>
        tpu.wait_dma2 semaphore(%run_scoped3A : memref<!tpu.dma_semaphore, #tpu.memory_space<semaphore_mem>>) src(%dma_wait3A_60 : memref<632x16xf32, #tpu.memory_space<vmem_shared>>) dst(%dma_wait3A_58 : memref<632x16xf32, #tpu.memory_space<hbm>>)
        tpu.yield
      }) : () -> ()
      "tpu.region"() ({
        %run_scoped3A = tpu.sem_alloc : memref<!tpu.dma_semaphore, #tpu.memory_space<semaphore_mem>>
        %dma_start3A_51 = arith.constant 16 : i32
        %dma_start3A_52 = tpu.memref_slice %arg6[%arg0, %mul3A_4, %dma_start3A_51] : memref<2x10000x128xf32, #tpu.memory_space<hbm>> -> memref<1x632x16xf32, #tpu.memory_space<hbm>>
        %dma_start3A_53 = tpu.memref_squeeze %dma_start3A_52 : memref<1x632x16xf32, #tpu.memory_space<hbm>> -> memref<632x16xf32, #tpu.memory_space<hbm>>
        %dma_start3A_54 = arith.constant 0 : i32
        %dma_start3A_55 = tpu.memref_slice %arg8[%mul3A_4, %dma_start3A_54] : memref<10000x16xf32, #tpu.memory_space<vmem_shared>> -> memref<632x16xf32, #tpu.memory_space<vmem_shared>>
        tpu.enqueue_dma source(%dma_start3A_55 : memref<632x16xf32, #tpu.memory_space<vmem_shared>>) target(%dma_start3A_53 : memref<632x16xf32, #tpu.memory_space<hbm>>) target_semaphore(%run_scoped3A : memref<!tpu.dma_semaphore, #tpu.memory_space<semaphore_mem>>)
        %dma_wait3A_56 = arith.constant 16 : i32
        %dma_wait3A_57 = tpu.memref_slice %arg6[%arg0, %mul3A_4, %dma_wait3A_56] : memref<2x10000x128xf32, #tpu.memory_space<hbm>> -> memref<1x632x16xf32, #tpu.memory_space<hbm>>
        %dma_wait3A_58 = tpu.memref_squeeze %dma_wait3A_57 : memref<1x632x16xf32, #tpu.memory_space<hbm>> -> memref<632x16xf32, #tpu.memory_space<hbm>>
        %dma_wait3A_59 = arith.constant 0 : i32
        %dma_wait3A_60 = tpu.memref_slice %arg8[%mul3A_4, %dma_wait3A_59] : memref<10000x16xf32, #tpu.memory_space<vmem_shared>> -> memref<632x16xf32, #tpu.memory_space<vmem_shared>>
        tpu.wait_dma2 semaphore(%run_scoped3A : memref<!tpu.dma_semaphore, #tpu.memory_space<semaphore_mem>>) src(%dma_wait3A_60 : memref<632x16xf32, #tpu.memory_space<vmem_shared>>) dst(%dma_wait3A_58 : memref<632x16xf32, #tpu.memory_space<hbm>>)
        tpu.yield
      }) : () -> ()
    } else {
    }
    %eq3A_46 = arith.constant 15 : i32
    %eq3A_47 = arith.cmpi eq, %arg1, %eq3A_46 : i32
    %convert_element_type3A_48 = arith.extui %eq3A_47 : i1 to i32
    %cond3A_49 = arith.constant 0 : i32
    %cond3A_50 = arith.cmpi ne, %convert_element_type3A_48, %cond3A_49 : i32
    scf.if %cond3A_50 {
      "tpu.region"() ({
        %run_scoped3A = tpu.sem_alloc : memref<!tpu.dma_semaphore, #tpu.memory_space<semaphore_mem>>
        %dma_start3A_51 = arith.constant 0 : i32
        %dma_start3A_52 = tpu.memref_slice %arg6[%arg0, %mul3A_4, %dma_start3A_51] : memref<2x10000x128xf32, #tpu.memory_space<hbm>> -> memref<1x520x16xf32, #tpu.memory_space<hbm>>
        %dma_start3A_53 = tpu.memref_squeeze %dma_start3A_52 : memref<1x520x16xf32, #tpu.memory_space<hbm>> -> memref<520x16xf32, #tpu.memory_space<hbm>>
        %dma_start3A_54 = arith.constant 0 : i32
        %dma_start3A_55 = tpu.memref_slice %arg7[%mul3A_4, %dma_start3A_54] : memref<10000x16xf32, #tpu.memory_space<vmem_shared>> -> memref<520x16xf32, #tpu.memory_space<vmem_shared>>
        tpu.enqueue_dma source(%dma_start3A_55 : memref<520x16xf32, #tpu.memory_space<vmem_shared>>) target(%dma_start3A_53 : memref<520x16xf32, #tpu.memory_space<hbm>>) target_semaphore(%run_scoped3A : memref<!tpu.dma_semaphore, #tpu.memory_space<semaphore_mem>>)
        %dma_wait3A_56 = arith.constant 0 : i32
        %dma_wait3A_57 = tpu.memref_slice %arg6[%arg0, %mul3A_4, %dma_wait3A_56] : memref<2x10000x128xf32, #tpu.memory_space<hbm>> -> memref<1x520x16xf32, #tpu.memory_space<hbm>>
        %dma_wait3A_58 = tpu.memref_squeeze %dma_wait3A_57 : memref<1x520x16xf32, #tpu.memory_space<hbm>> -> memref<520x16xf32, #tpu.memory_space<hbm>>
        %dma_wait3A_59 = arith.constant 0 : i32
        %dma_wait3A_60 = tpu.memref_slice %arg7[%mul3A_4, %dma_wait3A_59] : memref<10000x16xf32, #tpu.memory_space<vmem_shared>> -> memref<520x16xf32, #tpu.memory_space<vmem_shared>>
        tpu.wait_dma2 semaphore(%run_scoped3A : memref<!tpu.dma_semaphore, #tpu.memory_space<semaphore_mem>>) src(%dma_wait3A_60 : memref<520x16xf32, #tpu.memory_space<vmem_shared>>) dst(%dma_wait3A_58 : memref<520x16xf32, #tpu.memory_space<hbm>>)
        tpu.yield
      }) : () -> ()
      "tpu.region"() ({
        %run_scoped3A = tpu.sem_alloc : memref<!tpu.dma_semaphore, #tpu.memory_space<semaphore_mem>>
        %dma_start3A_51 = arith.constant 16 : i32
        %dma_start3A_52 = tpu.memref_slice %arg6[%arg0, %mul3A_4, %dma_start3A_51] : memref<2x10000x128xf32, #tpu.memory_space<hbm>> -> memref<1x520x16xf32, #tpu.memory_space<hbm>>
        %dma_start3A_53 = tpu.memref_squeeze %dma_start3A_52 : memref<1x520x16xf32, #tpu.memory_space<hbm>> -> memref<520x16xf32, #tpu.memory_space<hbm>>
        %dma_start3A_54 = arith.constant 0 : i32
        %dma_start3A_55 = tpu.memref_slice %arg8[%mul3A_4, %dma_start3A_54] : memref<10000x16xf32, #tpu.memory_space<vmem_shared>> -> memref<520x16xf32, #tpu.memory_space<vmem_shared>>
        tpu.enqueue_dma source(%dma_start3A_55 : memref<520x16xf32, #tpu.memory_space<vmem_shared>>) target(%dma_start3A_53 : memref<520x16xf32, #tpu.memory_space<hbm>>) target_semaphore(%run_scoped3A : memref<!tpu.dma_semaphore, #tpu.memory_space<semaphore_mem>>)
        %dma_wait3A_56 = arith.constant 16 : i32
        %dma_wait3A_57 = tpu.memref_slice %arg6[%arg0, %mul3A_4, %dma_wait3A_56] : memref<2x10000x128xf32, #tpu.memory_space<hbm>> -> memref<1x520x16xf32, #tpu.memory_space<hbm>>
        %dma_wait3A_58 = tpu.memref_squeeze %dma_wait3A_57 : memref<1x520x16xf32, #tpu.memory_space<hbm>> -> memref<520x16xf32, #tpu.memory_space<hbm>>
        %dma_wait3A_59 = arith.constant 0 : i32
        %dma_wait3A_60 = tpu.memref_slice %arg8[%mul3A_4, %dma_wait3A_59] : memref<10000x16xf32, #tpu.memory_space<vmem_shared>> -> memref<520x16xf32, #tpu.memory_space<vmem_shared>>
        tpu.wait_dma2 semaphore(%run_scoped3A : memref<!tpu.dma_semaphore, #tpu.memory_space<semaphore_mem>>) src(%dma_wait3A_60 : memref<520x16xf32, #tpu.memory_space<vmem_shared>>) dst(%dma_wait3A_58 : memref<520x16xf32, #tpu.memory_space<hbm>>)
        tpu.yield
      }) : () -> ()
    } else {
    }
    return
  }
}

#map = affine_map<(d0, d1) -> (0, 0)>
#map1 = affine_map<(d0, d1) -> (0)>
#map2 = affine_map<(d0, d1) -> (0, 0, 0)>
module attributes {stable_mosaic.version = 14 : i64} {
  func.func @_sc_agg_body(%arg0: i32, %arg1: i32, %arg2: memref<10000x128xf32, #tpu.memory_space<hbm>>, %arg3: memref<320000xi32, #tpu.memory_space<hbm>>, %arg4: memref<320000xi32, #tpu.memory_space<hbm>>, %arg5: memref<632x128xf32, #tpu.memory_space<hbm>>, %arg6: memref<2x10000x128xf32, #tpu.memory_space<hbm>>, %arg7: memref<10000x128xf32, #tpu.memory_space<vmem_shared>>, %arg8: memref<40x128xf32, #tpu.memory_space<vmem>>, %arg9: memref<40x128xf32, #tpu.memory_space<vmem>>, %arg10: memref<40x128xf32, #tpu.memory_space<vmem>>, %arg11: memref<40x128xf32, #tpu.memory_space<vmem>>, %arg12: memref<40x128xf32, #tpu.memory_space<vmem>>, %arg13: memref<40xi32, #tpu.memory_space<vmem>>, %arg14: memref<40xi32, #tpu.memory_space<vmem>>, %arg15: memref<40xi32, #tpu.memory_space<vmem>>, %arg16: memref<40xi32, #tpu.memory_space<vmem>>, %arg17: memref<40xi32, #tpu.memory_space<vmem>>, %arg18: memref<40xi32, #tpu.memory_space<vmem>>, %arg19: memref<40xi32, #tpu.memory_space<vmem>>, %arg20: memref<40xi32, #tpu.memory_space<vmem>>, %arg21: memref<40xi32, #tpu.memory_space<vmem>>, %arg22: memref<40xi32, #tpu.memory_space<vmem>>, %arg23: memref<!tpu.dma_semaphore, #tpu.memory_space<semaphore_mem>>, %arg24: memref<!tpu.dma_semaphore, #tpu.memory_space<semaphore_mem>>, %arg25: memref<!tpu.dma_semaphore, #tpu.memory_space<semaphore_mem>>, %arg26: memref<!tpu.dma_semaphore, #tpu.memory_space<semaphore_mem>>, %arg27: memref<!tpu.dma_semaphore, #tpu.memory_space<semaphore_mem>>, %arg28: memref<!tpu.dma_semaphore, #tpu.memory_space<semaphore_mem>>, %arg29: memref<!tpu.dma_semaphore, #tpu.memory_space<semaphore_mem>>, %arg30: memref<!tpu.dma_semaphore, #tpu.memory_space<semaphore_mem>>, %arg31: memref<!tpu.dma_semaphore, #tpu.memory_space<semaphore_mem>>, %arg32: memref<!tpu.dma_semaphore, #tpu.memory_space<semaphore_mem>>, %arg33: memref<!tpu.dma_semaphore, #tpu.memory_space<semaphore_mem>>, %arg34: memref<!tpu.dma_semaphore, #tpu.memory_space<semaphore_mem>>, %arg35: memref<!tpu.dma_semaphore, #tpu.memory_space<semaphore_mem>>, %arg36: memref<!tpu.dma_semaphore, #tpu.memory_space<semaphore_mem>>, %arg37: memref<!tpu.dma_semaphore, #tpu.memory_space<semaphore_mem>>, %arg38: memref<!tpu.dma_semaphore, #tpu.memory_space<semaphore_mem>>, %arg39: memref<!tpu.dma_semaphore, #tpu.memory_space<semaphore_mem>>, %arg40: memref<!tpu.dma_semaphore, #tpu.memory_space<semaphore_mem>>, %arg41: memref<!tpu.dma_semaphore, #tpu.memory_space<semaphore_mem>>, %arg42: memref<!tpu.dma_semaphore, #tpu.memory_space<semaphore_mem>>) attributes {dimension_semantics = [#tpu.dimension_semantics<core_parallel>, #tpu.dimension_semantics<subcore_parallel>], iteration_bounds = array<i64: 2, 16>, scalar_prefetch = 0 : i64, scratch_operands = 36 : i64, tpu.core_type = #tpu.core_type<sc_vector_subcore>, window_params = [{transform_indices = #map}, {transform_indices = #map1}, {transform_indices = #map1}, {transform_indices = #map}, {transform_indices = #map2}]} {
    %mul3A = arith.constant 16 : i32
    %mul3A_0 = arith.muli %arg0, %mul3A : i32
    %add3A = arith.addi %mul3A_0, %arg1 : i32
    %mul3A_1 = arith.constant 10000 : i32
    %mul3A_2 = arith.muli %add3A, %mul3A_1 : i32
    %mul3A_3 = arith.constant 632 : i32
    %mul3A_4 = arith.muli %arg1, %mul3A_3 : i32
    %lt3A = arith.constant 15 : i32
    %lt3A_5 = arith.cmpi slt, %arg1, %lt3A : i32
    %convert_element_type3A = arith.extui %lt3A_5 : i1 to i32
    %cond3A = arith.constant 0 : i32
    %cond3A_6 = arith.cmpi ne, %convert_element_type3A, %cond3A : i32
    scf.if %cond3A_6 {
      "tpu.region"() ({
        %run_scoped3A = tpu.sem_alloc : memref<!tpu.dma_semaphore, #tpu.memory_space<semaphore_mem>>
        %dma_start3A_185 = arith.constant 0 : i32
        %dma_start3A_186 = tpu.memref_slice %arg7[%mul3A_4, %dma_start3A_185] : memref<10000x128xf32, #tpu.memory_space<vmem_shared>> -> memref<632x128xf32, #tpu.memory_space<vmem_shared>>
        tpu.enqueue_dma source(%arg5 : memref<632x128xf32, #tpu.memory_space<hbm>>) target(%dma_start3A_186 : memref<632x128xf32, #tpu.memory_space<vmem_shared>>) target_semaphore(%run_scoped3A : memref<!tpu.dma_semaphore, #tpu.memory_space<semaphore_mem>>)
        %dma_wait3A_187 = arith.constant 0 : i32
        %dma_wait3A_188 = tpu.memref_slice %arg7[%mul3A_4, %dma_wait3A_187] : memref<10000x128xf32, #tpu.memory_space<vmem_shared>> -> memref<632x128xf32, #tpu.memory_space<vmem_shared>>
        tpu.wait_dma2 semaphore(%run_scoped3A : memref<!tpu.dma_semaphore, #tpu.memory_space<semaphore_mem>>) src(%arg5 : memref<632x128xf32, #tpu.memory_space<hbm>>) dst(%dma_wait3A_188 : memref<632x128xf32, #tpu.memory_space<vmem_shared>>)
        tpu.yield
      }) : () -> ()
    } else {
    }
    %eq3A = arith.constant 15 : i32
    %eq3A_7 = arith.cmpi eq, %arg1, %eq3A : i32
    %convert_element_type3A_8 = arith.extui %eq3A_7 : i1 to i32
    %cond3A_9 = arith.constant 0 : i32
    %cond3A_10 = arith.cmpi ne, %convert_element_type3A_8, %cond3A_9 : i32
    scf.if %cond3A_10 {
      "tpu.region"() ({
        %run_scoped3A = tpu.sem_alloc : memref<!tpu.dma_semaphore, #tpu.memory_space<semaphore_mem>>
        %dma_start3A_185 = arith.constant 0 : i32
        %dma_start3A_186 = tpu.memref_slice %arg7[%mul3A_4, %dma_start3A_185] : memref<10000x128xf32, #tpu.memory_space<vmem_shared>> -> memref<520x128xf32, #tpu.memory_space<vmem_shared>>
        %dma_start3A_187 = arith.constant 0 : i32
        %dma_start3A_188 = arith.constant 0 : i32
        %dma_start3A_189 = tpu.memref_slice %arg5[%dma_start3A_187, %dma_start3A_188] : memref<632x128xf32, #tpu.memory_space<hbm>> -> memref<520x128xf32, #tpu.memory_space<hbm>>
        tpu.enqueue_dma source(%dma_start3A_189 : memref<520x128xf32, #tpu.memory_space<hbm>>) target(%dma_start3A_186 : memref<520x128xf32, #tpu.memory_space<vmem_shared>>) target_semaphore(%run_scoped3A : memref<!tpu.dma_semaphore, #tpu.memory_space<semaphore_mem>>)
        %dma_wait3A_190 = arith.constant 0 : i32
        %dma_wait3A_191 = tpu.memref_slice %arg7[%mul3A_4, %dma_wait3A_190] : memref<10000x128xf32, #tpu.memory_space<vmem_shared>> -> memref<520x128xf32, #tpu.memory_space<vmem_shared>>
        %dma_wait3A_192 = arith.constant 0 : i32
        %dma_wait3A_193 = arith.constant 0 : i32
        %dma_wait3A_194 = tpu.memref_slice %arg5[%dma_wait3A_192, %dma_wait3A_193] : memref<632x128xf32, #tpu.memory_space<hbm>> -> memref<520x128xf32, #tpu.memory_space<hbm>>
        tpu.wait_dma2 semaphore(%run_scoped3A : memref<!tpu.dma_semaphore, #tpu.memory_space<semaphore_mem>>) src(%dma_wait3A_194 : memref<520x128xf32, #tpu.memory_space<hbm>>) dst(%dma_wait3A_191 : memref<520x128xf32, #tpu.memory_space<vmem_shared>>)
        tpu.yield
      }) : () -> ()
    } else {
    }
    %barrier3A = arith.constant 0 : index
    tpu.barrier barrier_id(%barrier3A)
    %add3A_11 = arith.constant 0 : i32
    %add3A_12 = arith.addi %mul3A_2, %add3A_11 : i32
    %dma_start3A = tpu.memref_slice %arg3[%add3A_12] : memref<320000xi32, #tpu.memory_space<hbm>> -> memref<40xi32, #tpu.memory_space<hbm>>
    %dma_start3A_13 = tpu.memref_slice %arg3[%add3A_12] : memref<320000xi32, #tpu.memory_space<hbm>> -> memref<40xi32, #tpu.memory_space<hbm>>
    tpu.enqueue_dma source(%dma_start3A_13 : memref<40xi32, #tpu.memory_space<hbm>>) target(%arg13 : memref<40xi32, #tpu.memory_space<vmem>>) target_semaphore(%arg23 : memref<!tpu.dma_semaphore, #tpu.memory_space<semaphore_mem>>)
    %dma_start3A_14 = tpu.memref_slice %arg4[%add3A_12] : memref<320000xi32, #tpu.memory_space<hbm>> -> memref<40xi32, #tpu.memory_space<hbm>>
    %dma_start3A_15 = tpu.memref_slice %arg4[%add3A_12] : memref<320000xi32, #tpu.memory_space<hbm>> -> memref<40xi32, #tpu.memory_space<hbm>>
    tpu.enqueue_dma source(%dma_start3A_15 : memref<40xi32, #tpu.memory_space<hbm>>) target(%arg18 : memref<40xi32, #tpu.memory_space<vmem>>) target_semaphore(%arg28 : memref<!tpu.dma_semaphore, #tpu.memory_space<semaphore_mem>>)
    %add3A_16 = arith.constant 40 : i32
    %add3A_17 = arith.addi %mul3A_2, %add3A_16 : i32
    %dma_start3A_18 = tpu.memref_slice %arg3[%add3A_17] : memref<320000xi32, #tpu.memory_space<hbm>> -> memref<40xi32, #tpu.memory_space<hbm>>
    %dma_start3A_19 = tpu.memref_slice %arg3[%add3A_17] : memref<320000xi32, #tpu.memory_space<hbm>> -> memref<40xi32, #tpu.memory_space<hbm>>
    tpu.enqueue_dma source(%dma_start3A_19 : memref<40xi32, #tpu.memory_space<hbm>>) target(%arg14 : memref<40xi32, #tpu.memory_space<vmem>>) target_semaphore(%arg24 : memref<!tpu.dma_semaphore, #tpu.memory_space<semaphore_mem>>)
    %dma_start3A_20 = tpu.memref_slice %arg4[%add3A_17] : memref<320000xi32, #tpu.memory_space<hbm>> -> memref<40xi32, #tpu.memory_space<hbm>>
    %dma_start3A_21 = tpu.memref_slice %arg4[%add3A_17] : memref<320000xi32, #tpu.memory_space<hbm>> -> memref<40xi32, #tpu.memory_space<hbm>>
    tpu.enqueue_dma source(%dma_start3A_21 : memref<40xi32, #tpu.memory_space<hbm>>) target(%arg19 : memref<40xi32, #tpu.memory_space<vmem>>) target_semaphore(%arg29 : memref<!tpu.dma_semaphore, #tpu.memory_space<semaphore_mem>>)
    %add3A_22 = arith.constant 80 : i32
    %add3A_23 = arith.addi %mul3A_2, %add3A_22 : i32
    %dma_start3A_24 = tpu.memref_slice %arg3[%add3A_23] : memref<320000xi32, #tpu.memory_space<hbm>> -> memref<40xi32, #tpu.memory_space<hbm>>
    %dma_start3A_25 = tpu.memref_slice %arg3[%add3A_23] : memref<320000xi32, #tpu.memory_space<hbm>> -> memref<40xi32, #tpu.memory_space<hbm>>
    tpu.enqueue_dma source(%dma_start3A_25 : memref<40xi32, #tpu.memory_space<hbm>>) target(%arg15 : memref<40xi32, #tpu.memory_space<vmem>>) target_semaphore(%arg25 : memref<!tpu.dma_semaphore, #tpu.memory_space<semaphore_mem>>)
    %dma_start3A_26 = tpu.memref_slice %arg4[%add3A_23] : memref<320000xi32, #tpu.memory_space<hbm>> -> memref<40xi32, #tpu.memory_space<hbm>>
    %dma_start3A_27 = tpu.memref_slice %arg4[%add3A_23] : memref<320000xi32, #tpu.memory_space<hbm>> -> memref<40xi32, #tpu.memory_space<hbm>>
    tpu.enqueue_dma source(%dma_start3A_27 : memref<40xi32, #tpu.memory_space<hbm>>) target(%arg20 : memref<40xi32, #tpu.memory_space<vmem>>) target_semaphore(%arg30 : memref<!tpu.dma_semaphore, #tpu.memory_space<semaphore_mem>>)
    %add3A_28 = arith.constant 120 : i32
    %add3A_29 = arith.addi %mul3A_2, %add3A_28 : i32
    %dma_start3A_30 = tpu.memref_slice %arg3[%add3A_29] : memref<320000xi32, #tpu.memory_space<hbm>> -> memref<40xi32, #tpu.memory_space<hbm>>
    %dma_start3A_31 = tpu.memref_slice %arg3[%add3A_29] : memref<320000xi32, #tpu.memory_space<hbm>> -> memref<40xi32, #tpu.memory_space<hbm>>
    tpu.enqueue_dma source(%dma_start3A_31 : memref<40xi32, #tpu.memory_space<hbm>>) target(%arg16 : memref<40xi32, #tpu.memory_space<vmem>>) target_semaphore(%arg26 : memref<!tpu.dma_semaphore, #tpu.memory_space<semaphore_mem>>)
    %dma_start3A_32 = tpu.memref_slice %arg4[%add3A_29] : memref<320000xi32, #tpu.memory_space<hbm>> -> memref<40xi32, #tpu.memory_space<hbm>>
    %dma_start3A_33 = tpu.memref_slice %arg4[%add3A_29] : memref<320000xi32, #tpu.memory_space<hbm>> -> memref<40xi32, #tpu.memory_space<hbm>>
    tpu.enqueue_dma source(%dma_start3A_33 : memref<40xi32, #tpu.memory_space<hbm>>) target(%arg21 : memref<40xi32, #tpu.memory_space<vmem>>) target_semaphore(%arg31 : memref<!tpu.dma_semaphore, #tpu.memory_space<semaphore_mem>>)
    %add3A_34 = arith.constant 160 : i32
    %add3A_35 = arith.addi %mul3A_2, %add3A_34 : i32
    %dma_start3A_36 = tpu.memref_slice %arg3[%add3A_35] : memref<320000xi32, #tpu.memory_space<hbm>> -> memref<40xi32, #tpu.memory_space<hbm>>
    %dma_start3A_37 = tpu.memref_slice %arg3[%add3A_35] : memref<320000xi32, #tpu.memory_space<hbm>> -> memref<40xi32, #tpu.memory_space<hbm>>
    tpu.enqueue_dma source(%dma_start3A_37 : memref<40xi32, #tpu.memory_space<hbm>>) target(%arg17 : memref<40xi32, #tpu.memory_space<vmem>>) target_semaphore(%arg27 : memref<!tpu.dma_semaphore, #tpu.memory_space<semaphore_mem>>)
    %dma_start3A_38 = tpu.memref_slice %arg4[%add3A_35] : memref<320000xi32, #tpu.memory_space<hbm>> -> memref<40xi32, #tpu.memory_space<hbm>>
    %dma_start3A_39 = tpu.memref_slice %arg4[%add3A_35] : memref<320000xi32, #tpu.memory_space<hbm>> -> memref<40xi32, #tpu.memory_space<hbm>>
    tpu.enqueue_dma source(%dma_start3A_39 : memref<40xi32, #tpu.memory_space<hbm>>) target(%arg22 : memref<40xi32, #tpu.memory_space<vmem>>) target_semaphore(%arg32 : memref<!tpu.dma_semaphore, #tpu.memory_space<semaphore_mem>>)
    %dma_wait3A = arith.constant 0 : i32
    %dma_wait3A_40 = tpu.memref_slice %arg3[%dma_wait3A] : memref<320000xi32, #tpu.memory_space<hbm>> -> memref<40xi32, #tpu.memory_space<hbm>>
    %dma_wait3A_41 = arith.constant 0 : i32
    %dma_wait3A_42 = tpu.memref_slice %arg3[%dma_wait3A_41] : memref<320000xi32, #tpu.memory_space<hbm>> -> memref<40xi32, #tpu.memory_space<hbm>>
    tpu.wait_dma2 semaphore(%arg23 : memref<!tpu.dma_semaphore, #tpu.memory_space<semaphore_mem>>) src(%dma_wait3A_42 : memref<40xi32, #tpu.memory_space<hbm>>) dst(%arg13 : memref<40xi32, #tpu.memory_space<vmem>>)
    %dma_start3A_43 = arith.constant 0 : i32
    %dma_start3A_44 = arith.constant 0 : i32
    %dma_start3A_45 = tpu.memref_slice %arg2[%dma_start3A_43, %dma_start3A_44] : memref<10000x128xf32, #tpu.memory_space<hbm>> -> memref<10000x128xf32, #tpu.memory_space<hbm>>
    tpu.enqueue_indirect_dma source(%dma_start3A_45 : memref<10000x128xf32, #tpu.memory_space<hbm>>) target(%arg8 : memref<40x128xf32, #tpu.memory_space<vmem>>) offsets(%arg13 : memref<40xi32, #tpu.memory_space<vmem>>) semaphore(%arg33 : memref<!tpu.dma_semaphore, #tpu.memory_space<semaphore_mem>>)
    %dma_wait3A_46 = arith.constant 0 : i32
    %dma_wait3A_47 = tpu.memref_slice %arg3[%dma_wait3A_46] : memref<320000xi32, #tpu.memory_space<hbm>> -> memref<40xi32, #tpu.memory_space<hbm>>
    %dma_wait3A_48 = arith.constant 0 : i32
    %dma_wait3A_49 = tpu.memref_slice %arg3[%dma_wait3A_48] : memref<320000xi32, #tpu.memory_space<hbm>> -> memref<40xi32, #tpu.memory_space<hbm>>
    tpu.wait_dma2 semaphore(%arg24 : memref<!tpu.dma_semaphore, #tpu.memory_space<semaphore_mem>>) src(%dma_wait3A_49 : memref<40xi32, #tpu.memory_space<hbm>>) dst(%arg13 : memref<40xi32, #tpu.memory_space<vmem>>)
    %dma_start3A_50 = arith.constant 0 : i32
    %dma_start3A_51 = arith.constant 0 : i32
    %dma_start3A_52 = tpu.memref_slice %arg2[%dma_start3A_50, %dma_start3A_51] : memref<10000x128xf32, #tpu.memory_space<hbm>> -> memref<10000x128xf32, #tpu.memory_space<hbm>>
    tpu.enqueue_indirect_dma source(%dma_start3A_52 : memref<10000x128xf32, #tpu.memory_space<hbm>>) target(%arg9 : memref<40x128xf32, #tpu.memory_space<vmem>>) offsets(%arg14 : memref<40xi32, #tpu.memory_space<vmem>>) semaphore(%arg34 : memref<!tpu.dma_semaphore, #tpu.memory_space<semaphore_mem>>)
    %dma_wait3A_53 = arith.constant 0 : i32
    %dma_wait3A_54 = tpu.memref_slice %arg3[%dma_wait3A_53] : memref<320000xi32, #tpu.memory_space<hbm>> -> memref<40xi32, #tpu.memory_space<hbm>>
    %dma_wait3A_55 = arith.constant 0 : i32
    %dma_wait3A_56 = tpu.memref_slice %arg3[%dma_wait3A_55] : memref<320000xi32, #tpu.memory_space<hbm>> -> memref<40xi32, #tpu.memory_space<hbm>>
    tpu.wait_dma2 semaphore(%arg25 : memref<!tpu.dma_semaphore, #tpu.memory_space<semaphore_mem>>) src(%dma_wait3A_56 : memref<40xi32, #tpu.memory_space<hbm>>) dst(%arg13 : memref<40xi32, #tpu.memory_space<vmem>>)
    %dma_start3A_57 = arith.constant 0 : i32
    %dma_start3A_58 = arith.constant 0 : i32
    %dma_start3A_59 = tpu.memref_slice %arg2[%dma_start3A_57, %dma_start3A_58] : memref<10000x128xf32, #tpu.memory_space<hbm>> -> memref<10000x128xf32, #tpu.memory_space<hbm>>
    tpu.enqueue_indirect_dma source(%dma_start3A_59 : memref<10000x128xf32, #tpu.memory_space<hbm>>) target(%arg10 : memref<40x128xf32, #tpu.memory_space<vmem>>) offsets(%arg15 : memref<40xi32, #tpu.memory_space<vmem>>) semaphore(%arg35 : memref<!tpu.dma_semaphore, #tpu.memory_space<semaphore_mem>>)
    %dma_wait3A_60 = arith.constant 0 : i32
    %dma_wait3A_61 = tpu.memref_slice %arg3[%dma_wait3A_60] : memref<320000xi32, #tpu.memory_space<hbm>> -> memref<40xi32, #tpu.memory_space<hbm>>
    %dma_wait3A_62 = arith.constant 0 : i32
    %dma_wait3A_63 = tpu.memref_slice %arg3[%dma_wait3A_62] : memref<320000xi32, #tpu.memory_space<hbm>> -> memref<40xi32, #tpu.memory_space<hbm>>
    tpu.wait_dma2 semaphore(%arg26 : memref<!tpu.dma_semaphore, #tpu.memory_space<semaphore_mem>>) src(%dma_wait3A_63 : memref<40xi32, #tpu.memory_space<hbm>>) dst(%arg13 : memref<40xi32, #tpu.memory_space<vmem>>)
    %dma_start3A_64 = arith.constant 0 : i32
    %dma_start3A_65 = arith.constant 0 : i32
    %dma_start3A_66 = tpu.memref_slice %arg2[%dma_start3A_64, %dma_start3A_65] : memref<10000x128xf32, #tpu.memory_space<hbm>> -> memref<10000x128xf32, #tpu.memory_space<hbm>>
    tpu.enqueue_indirect_dma source(%dma_start3A_66 : memref<10000x128xf32, #tpu.memory_space<hbm>>) target(%arg11 : memref<40x128xf32, #tpu.memory_space<vmem>>) offsets(%arg16 : memref<40xi32, #tpu.memory_space<vmem>>) semaphore(%arg36 : memref<!tpu.dma_semaphore, #tpu.memory_space<semaphore_mem>>)
    %dma_wait3A_67 = arith.constant 0 : i32
    %dma_wait3A_68 = tpu.memref_slice %arg3[%dma_wait3A_67] : memref<320000xi32, #tpu.memory_space<hbm>> -> memref<40xi32, #tpu.memory_space<hbm>>
    %dma_wait3A_69 = arith.constant 0 : i32
    %dma_wait3A_70 = tpu.memref_slice %arg3[%dma_wait3A_69] : memref<320000xi32, #tpu.memory_space<hbm>> -> memref<40xi32, #tpu.memory_space<hbm>>
    tpu.wait_dma2 semaphore(%arg27 : memref<!tpu.dma_semaphore, #tpu.memory_space<semaphore_mem>>) src(%dma_wait3A_70 : memref<40xi32, #tpu.memory_space<hbm>>) dst(%arg13 : memref<40xi32, #tpu.memory_space<vmem>>)
    %dma_start3A_71 = arith.constant 0 : i32
    %dma_start3A_72 = arith.constant 0 : i32
    %dma_start3A_73 = tpu.memref_slice %arg2[%dma_start3A_71, %dma_start3A_72] : memref<10000x128xf32, #tpu.memory_space<hbm>> -> memref<10000x128xf32, #tpu.memory_space<hbm>>
    tpu.enqueue_indirect_dma source(%dma_start3A_73 : memref<10000x128xf32, #tpu.memory_space<hbm>>) target(%arg12 : memref<40x128xf32, #tpu.memory_space<vmem>>) offsets(%arg17 : memref<40xi32, #tpu.memory_space<vmem>>) semaphore(%arg37 : memref<!tpu.dma_semaphore, #tpu.memory_space<semaphore_mem>>)
    %scan3A = arith.constant 0 : i32
    %scan3A_74 = arith.constant 0 : i32
    %scan3A_75 = arith.constant 49 : i32
    %scan3A_76 = arith.addi %scan3A_74, %scan3A_75 : i32
    %scan3A_77 = arith.constant 1 : i32
    scf.for %scan3A_185 = %scan3A_74 to %scan3A_76 step %scan3A_77  : i32 {
      %mul3A_186 = arith.constant 5 : i32
      %mul3A_187 = arith.muli %mul3A_186, %scan3A_185 : i32
      %dma_wait3A_188 = arith.constant 0 : i32
      %dma_wait3A_189 = arith.constant 0 : i32
      %dma_wait3A_190 = tpu.memref_slice %arg2[%dma_wait3A_188, %dma_wait3A_189] : memref<10000x128xf32, #tpu.memory_space<hbm>> -> memref<40x128xf32, #tpu.memory_space<hbm>>
      %dma_wait3A_191 = arith.constant 0 : i32
      %dma_wait3A_192 = arith.constant 0 : i32
      %dma_wait3A_193 = tpu.memref_slice %arg2[%dma_wait3A_191, %dma_wait3A_192] : memref<10000x128xf32, #tpu.memory_space<hbm>> -> memref<40x128xf32, #tpu.memory_space<hbm>>
      tpu.wait_dma2 semaphore(%arg33 : memref<!tpu.dma_semaphore, #tpu.memory_space<semaphore_mem>>) src(%dma_wait3A_193 : memref<40x128xf32, #tpu.memory_space<hbm>>) dst(%arg8 : memref<40x128xf32, #tpu.memory_space<vmem>>)
      %dma_wait3A_194 = arith.constant 0 : i32
      %dma_wait3A_195 = tpu.memref_slice %arg3[%dma_wait3A_194] : memref<320000xi32, #tpu.memory_space<hbm>> -> memref<40xi32, #tpu.memory_space<hbm>>
      %dma_wait3A_196 = arith.constant 0 : i32
      %dma_wait3A_197 = tpu.memref_slice %arg3[%dma_wait3A_196] : memref<320000xi32, #tpu.memory_space<hbm>> -> memref<40xi32, #tpu.memory_space<hbm>>
      tpu.wait_dma2 semaphore(%arg28 : memref<!tpu.dma_semaphore, #tpu.memory_space<semaphore_mem>>) src(%dma_wait3A_197 : memref<40xi32, #tpu.memory_space<hbm>>) dst(%arg13 : memref<40xi32, #tpu.memory_space<vmem>>)
      %dma_start3A_198 = arith.constant 0 : i32
      %dma_start3A_199 = arith.constant 0 : i32
      %dma_start3A_200 = tpu.memref_slice %arg7[%dma_start3A_198, %dma_start3A_199] : memref<10000x128xf32, #tpu.memory_space<vmem_shared>> -> memref<10000x128xf32, #tpu.memory_space<vmem_shared>>
      tpu.enqueue_indirect_dma source(%arg8 : memref<40x128xf32, #tpu.memory_space<vmem>>) target(%dma_start3A_200 : memref<10000x128xf32, #tpu.memory_space<vmem_shared>>) offsets(%arg18 : memref<40xi32, #tpu.memory_space<vmem>>) semaphore(%arg38 : memref<!tpu.dma_semaphore, #tpu.memory_space<semaphore_mem>>) {add = true}
      %add3A_201 = arith.constant 0 : i32
      %add3A_202 = arith.addi %mul3A_187, %add3A_201 : i32
      %add3A_203 = arith.constant 5 : i32
      %add3A_204 = arith.addi %add3A_202, %add3A_203 : i32
      %mul3A_205 = arith.constant 40 : i32
      %mul3A_206 = arith.muli %add3A_204, %mul3A_205 : i32
      %add3A_207 = arith.addi %mul3A_2, %mul3A_206 : i32
      %dma_start3A_208 = tpu.memref_slice %arg3[%add3A_207] : memref<320000xi32, #tpu.memory_space<hbm>> -> memref<40xi32, #tpu.memory_space<hbm>>
      %dma_start3A_209 = tpu.memref_slice %arg3[%add3A_207] : memref<320000xi32, #tpu.memory_space<hbm>> -> memref<40xi32, #tpu.memory_space<hbm>>
      tpu.enqueue_dma source(%dma_start3A_209 : memref<40xi32, #tpu.memory_space<hbm>>) target(%arg13 : memref<40xi32, #tpu.memory_space<vmem>>) target_semaphore(%arg23 : memref<!tpu.dma_semaphore, #tpu.memory_space<semaphore_mem>>)
      %dma_start3A_210 = tpu.memref_slice %arg4[%add3A_207] : memref<320000xi32, #tpu.memory_space<hbm>> -> memref<40xi32, #tpu.memory_space<hbm>>
      %dma_start3A_211 = tpu.memref_slice %arg4[%add3A_207] : memref<320000xi32, #tpu.memory_space<hbm>> -> memref<40xi32, #tpu.memory_space<hbm>>
      tpu.enqueue_dma source(%dma_start3A_211 : memref<40xi32, #tpu.memory_space<hbm>>) target(%arg18 : memref<40xi32, #tpu.memory_space<vmem>>) target_semaphore(%arg28 : memref<!tpu.dma_semaphore, #tpu.memory_space<semaphore_mem>>)
      %dma_wait3A_212 = arith.constant 0 : i32
      %dma_wait3A_213 = arith.constant 0 : i32
      %dma_wait3A_214 = tpu.memref_slice %arg2[%dma_wait3A_212, %dma_wait3A_213] : memref<10000x128xf32, #tpu.memory_space<hbm>> -> memref<40x128xf32, #tpu.memory_space<hbm>>
      %dma_wait3A_215 = arith.constant 0 : i32
      %dma_wait3A_216 = arith.constant 0 : i32
      %dma_wait3A_217 = tpu.memref_slice %arg2[%dma_wait3A_215, %dma_wait3A_216] : memref<10000x128xf32, #tpu.memory_space<hbm>> -> memref<40x128xf32, #tpu.memory_space<hbm>>
      tpu.wait_dma2 semaphore(%arg38 : memref<!tpu.dma_semaphore, #tpu.memory_space<semaphore_mem>>) src(%dma_wait3A_217 : memref<40x128xf32, #tpu.memory_space<hbm>>) dst(%arg8 : memref<40x128xf32, #tpu.memory_space<vmem>>)
      %dma_wait3A_218 = arith.constant 0 : i32
      %dma_wait3A_219 = tpu.memref_slice %arg3[%dma_wait3A_218] : memref<320000xi32, #tpu.memory_space<hbm>> -> memref<40xi32, #tpu.memory_space<hbm>>
      %dma_wait3A_220 = arith.constant 0 : i32
      %dma_wait3A_221 = tpu.memref_slice %arg3[%dma_wait3A_220] : memref<320000xi32, #tpu.memory_space<hbm>> -> memref<40xi32, #tpu.memory_space<hbm>>
      tpu.wait_dma2 semaphore(%arg23 : memref<!tpu.dma_semaphore, #tpu.memory_space<semaphore_mem>>) src(%dma_wait3A_221 : memref<40xi32, #tpu.memory_space<hbm>>) dst(%arg13 : memref<40xi32, #tpu.memory_space<vmem>>)
      %dma_start3A_222 = arith.constant 0 : i32
      %dma_start3A_223 = arith.constant 0 : i32
      %dma_start3A_224 = tpu.memref_slice %arg2[%dma_start3A_222, %dma_start3A_223] : memref<10000x128xf32, #tpu.memory_space<hbm>> -> memref<10000x128xf32, #tpu.memory_space<hbm>>
      tpu.enqueue_indirect_dma source(%dma_start3A_224 : memref<10000x128xf32, #tpu.memory_space<hbm>>) target(%arg8 : memref<40x128xf32, #tpu.memory_space<vmem>>) offsets(%arg13 : memref<40xi32, #tpu.memory_space<vmem>>) semaphore(%arg33 : memref<!tpu.dma_semaphore, #tpu.memory_space<semaphore_mem>>)
      %dma_wait3A_225 = arith.constant 0 : i32
      %dma_wait3A_226 = arith.constant 0 : i32
      %dma_wait3A_227 = tpu.memref_slice %arg2[%dma_wait3A_225, %dma_wait3A_226] : memref<10000x128xf32, #tpu.memory_space<hbm>> -> memref<40x128xf32, #tpu.memory_space<hbm>>
      %dma_wait3A_228 = arith.constant 0 : i32
      %dma_wait3A_229 = arith.constant 0 : i32
      %dma_wait3A_230 = tpu.memref_slice %arg2[%dma_wait3A_228, %dma_wait3A_229] : memref<10000x128xf32, #tpu.memory_space<hbm>> -> memref<40x128xf32, #tpu.memory_space<hbm>>
      tpu.wait_dma2 semaphore(%arg34 : memref<!tpu.dma_semaphore, #tpu.memory_space<semaphore_mem>>) src(%dma_wait3A_230 : memref<40x128xf32, #tpu.memory_space<hbm>>) dst(%arg8 : memref<40x128xf32, #tpu.memory_space<vmem>>)
      %dma_wait3A_231 = arith.constant 0 : i32
      %dma_wait3A_232 = tpu.memref_slice %arg3[%dma_wait3A_231] : memref<320000xi32, #tpu.memory_space<hbm>> -> memref<40xi32, #tpu.memory_space<hbm>>
      %dma_wait3A_233 = arith.constant 0 : i32
      %dma_wait3A_234 = tpu.memref_slice %arg3[%dma_wait3A_233] : memref<320000xi32, #tpu.memory_space<hbm>> -> memref<40xi32, #tpu.memory_space<hbm>>
      tpu.wait_dma2 semaphore(%arg29 : memref<!tpu.dma_semaphore, #tpu.memory_space<semaphore_mem>>) src(%dma_wait3A_234 : memref<40xi32, #tpu.memory_space<hbm>>) dst(%arg13 : memref<40xi32, #tpu.memory_space<vmem>>)
      %dma_start3A_235 = arith.constant 0 : i32
      %dma_start3A_236 = arith.constant 0 : i32
      %dma_start3A_237 = tpu.memref_slice %arg7[%dma_start3A_235, %dma_start3A_236] : memref<10000x128xf32, #tpu.memory_space<vmem_shared>> -> memref<10000x128xf32, #tpu.memory_space<vmem_shared>>
      tpu.enqueue_indirect_dma source(%arg9 : memref<40x128xf32, #tpu.memory_space<vmem>>) target(%dma_start3A_237 : memref<10000x128xf32, #tpu.memory_space<vmem_shared>>) offsets(%arg19 : memref<40xi32, #tpu.memory_space<vmem>>) semaphore(%arg39 : memref<!tpu.dma_semaphore, #tpu.memory_space<semaphore_mem>>) {add = true}
      %add3A_238 = arith.constant 1 : i32
      %add3A_239 = arith.addi %mul3A_187, %add3A_238 : i32
      %add3A_240 = arith.constant 5 : i32
      %add3A_241 = arith.addi %add3A_239, %add3A_240 : i32
      %mul3A_242 = arith.constant 40 : i32
      %mul3A_243 = arith.muli %add3A_241, %mul3A_242 : i32
      %add3A_244 = arith.addi %mul3A_2, %mul3A_243 : i32
      %dma_start3A_245 = tpu.memref_slice %arg3[%add3A_244] : memref<320000xi32, #tpu.memory_space<hbm>> -> memref<40xi32, #tpu.memory_space<hbm>>
      %dma_start3A_246 = tpu.memref_slice %arg3[%add3A_244] : memref<320000xi32, #tpu.memory_space<hbm>> -> memref<40xi32, #tpu.memory_space<hbm>>
      tpu.enqueue_dma source(%dma_start3A_246 : memref<40xi32, #tpu.memory_space<hbm>>) target(%arg14 : memref<40xi32, #tpu.memory_space<vmem>>) target_semaphore(%arg24 : memref<!tpu.dma_semaphore, #tpu.memory_space<semaphore_mem>>)
      %dma_start3A_247 = tpu.memref_slice %arg4[%add3A_244] : memref<320000xi32, #tpu.memory_space<hbm>> -> memref<40xi32, #tpu.memory_space<hbm>>
      %dma_start3A_248 = tpu.memref_slice %arg4[%add3A_244] : memref<320000xi32, #tpu.memory_space<hbm>> -> memref<40xi32, #tpu.memory_space<hbm>>
      tpu.enqueue_dma source(%dma_start3A_248 : memref<40xi32, #tpu.memory_space<hbm>>) target(%arg19 : memref<40xi32, #tpu.memory_space<vmem>>) target_semaphore(%arg29 : memref<!tpu.dma_semaphore, #tpu.memory_space<semaphore_mem>>)
      %dma_wait3A_249 = arith.constant 0 : i32
      %dma_wait3A_250 = arith.constant 0 : i32
      %dma_wait3A_251 = tpu.memref_slice %arg2[%dma_wait3A_249, %dma_wait3A_250] : memref<10000x128xf32, #tpu.memory_space<hbm>> -> memref<40x128xf32, #tpu.memory_space<hbm>>
      %dma_wait3A_252 = arith.constant 0 : i32
      %dma_wait3A_253 = arith.constant 0 : i32
      %dma_wait3A_254 = tpu.memref_slice %arg2[%dma_wait3A_252, %dma_wait3A_253] : memref<10000x128xf32, #tpu.memory_space<hbm>> -> memref<40x128xf32, #tpu.memory_space<hbm>>
      tpu.wait_dma2 semaphore(%arg39 : memref<!tpu.dma_semaphore, #tpu.memory_space<semaphore_mem>>) src(%dma_wait3A_254 : memref<40x128xf32, #tpu.memory_space<hbm>>) dst(%arg8 : memref<40x128xf32, #tpu.memory_space<vmem>>)
      %dma_wait3A_255 = arith.constant 0 : i32
      %dma_wait3A_256 = tpu.memref_slice %arg3[%dma_wait3A_255] : memref<320000xi32, #tpu.memory_space<hbm>> -> memref<40xi32, #tpu.memory_space<hbm>>
      %dma_wait3A_257 = arith.constant 0 : i32
      %dma_wait3A_258 = tpu.memref_slice %arg3[%dma_wait3A_257] : memref<320000xi32, #tpu.memory_space<hbm>> -> memref<40xi32, #tpu.memory_space<hbm>>
      tpu.wait_dma2 semaphore(%arg24 : memref<!tpu.dma_semaphore, #tpu.memory_space<semaphore_mem>>) src(%dma_wait3A_258 : memref<40xi32, #tpu.memory_space<hbm>>) dst(%arg13 : memref<40xi32, #tpu.memory_space<vmem>>)
      %dma_start3A_259 = arith.constant 0 : i32
      %dma_start3A_260 = arith.constant 0 : i32
      %dma_start3A_261 = tpu.memref_slice %arg2[%dma_start3A_259, %dma_start3A_260] : memref<10000x128xf32, #tpu.memory_space<hbm>> -> memref<10000x128xf32, #tpu.memory_space<hbm>>
      tpu.enqueue_indirect_dma source(%dma_start3A_261 : memref<10000x128xf32, #tpu.memory_space<hbm>>) target(%arg9 : memref<40x128xf32, #tpu.memory_space<vmem>>) offsets(%arg14 : memref<40xi32, #tpu.memory_space<vmem>>) semaphore(%arg34 : memref<!tpu.dma_semaphore, #tpu.memory_space<semaphore_mem>>)
      %dma_wait3A_262 = arith.constant 0 : i32
      %dma_wait3A_263 = arith.constant 0 : i32
      %dma_wait3A_264 = tpu.memref_slice %arg2[%dma_wait3A_262, %dma_wait3A_263] : memref<10000x128xf32, #tpu.memory_space<hbm>> -> memref<40x128xf32, #tpu.memory_space<hbm>>
      %dma_wait3A_265 = arith.constant 0 : i32
      %dma_wait3A_266 = arith.constant 0 : i32
      %dma_wait3A_267 = tpu.memref_slice %arg2[%dma_wait3A_265, %dma_wait3A_266] : memref<10000x128xf32, #tpu.memory_space<hbm>> -> memref<40x128xf32, #tpu.memory_space<hbm>>
      tpu.wait_dma2 semaphore(%arg35 : memref<!tpu.dma_semaphore, #tpu.memory_space<semaphore_mem>>) src(%dma_wait3A_267 : memref<40x128xf32, #tpu.memory_space<hbm>>) dst(%arg8 : memref<40x128xf32, #tpu.memory_space<vmem>>)
      %dma_wait3A_268 = arith.constant 0 : i32
      %dma_wait3A_269 = tpu.memref_slice %arg3[%dma_wait3A_268] : memref<320000xi32, #tpu.memory_space<hbm>> -> memref<40xi32, #tpu.memory_space<hbm>>
      %dma_wait3A_270 = arith.constant 0 : i32
      %dma_wait3A_271 = tpu.memref_slice %arg3[%dma_wait3A_270] : memref<320000xi32, #tpu.memory_space<hbm>> -> memref<40xi32, #tpu.memory_space<hbm>>
      tpu.wait_dma2 semaphore(%arg30 : memref<!tpu.dma_semaphore, #tpu.memory_space<semaphore_mem>>) src(%dma_wait3A_271 : memref<40xi32, #tpu.memory_space<hbm>>) dst(%arg13 : memref<40xi32, #tpu.memory_space<vmem>>)
      %dma_start3A_272 = arith.constant 0 : i32
      %dma_start3A_273 = arith.constant 0 : i32
      %dma_start3A_274 = tpu.memref_slice %arg7[%dma_start3A_272, %dma_start3A_273] : memref<10000x128xf32, #tpu.memory_space<vmem_shared>> -> memref<10000x128xf32, #tpu.memory_space<vmem_shared>>
      tpu.enqueue_indirect_dma source(%arg10 : memref<40x128xf32, #tpu.memory_space<vmem>>) target(%dma_start3A_274 : memref<10000x128xf32, #tpu.memory_space<vmem_shared>>) offsets(%arg20 : memref<40xi32, #tpu.memory_space<vmem>>) semaphore(%arg40 : memref<!tpu.dma_semaphore, #tpu.memory_space<semaphore_mem>>) {add = true}
      %add3A_275 = arith.constant 2 : i32
      %add3A_276 = arith.addi %mul3A_187, %add3A_275 : i32
      %add3A_277 = arith.constant 5 : i32
      %add3A_278 = arith.addi %add3A_276, %add3A_277 : i32
      %mul3A_279 = arith.constant 40 : i32
      %mul3A_280 = arith.muli %add3A_278, %mul3A_279 : i32
      %add3A_281 = arith.addi %mul3A_2, %mul3A_280 : i32
      %dma_start3A_282 = tpu.memref_slice %arg3[%add3A_281] : memref<320000xi32, #tpu.memory_space<hbm>> -> memref<40xi32, #tpu.memory_space<hbm>>
      %dma_start3A_283 = tpu.memref_slice %arg3[%add3A_281] : memref<320000xi32, #tpu.memory_space<hbm>> -> memref<40xi32, #tpu.memory_space<hbm>>
      tpu.enqueue_dma source(%dma_start3A_283 : memref<40xi32, #tpu.memory_space<hbm>>) target(%arg15 : memref<40xi32, #tpu.memory_space<vmem>>) target_semaphore(%arg25 : memref<!tpu.dma_semaphore, #tpu.memory_space<semaphore_mem>>)
      %dma_start3A_284 = tpu.memref_slice %arg4[%add3A_281] : memref<320000xi32, #tpu.memory_space<hbm>> -> memref<40xi32, #tpu.memory_space<hbm>>
      %dma_start3A_285 = tpu.memref_slice %arg4[%add3A_281] : memref<320000xi32, #tpu.memory_space<hbm>> -> memref<40xi32, #tpu.memory_space<hbm>>
      tpu.enqueue_dma source(%dma_start3A_285 : memref<40xi32, #tpu.memory_space<hbm>>) target(%arg20 : memref<40xi32, #tpu.memory_space<vmem>>) target_semaphore(%arg30 : memref<!tpu.dma_semaphore, #tpu.memory_space<semaphore_mem>>)
      %dma_wait3A_286 = arith.constant 0 : i32
      %dma_wait3A_287 = arith.constant 0 : i32
      %dma_wait3A_288 = tpu.memref_slice %arg2[%dma_wait3A_286, %dma_wait3A_287] : memref<10000x128xf32, #tpu.memory_space<hbm>> -> memref<40x128xf32, #tpu.memory_space<hbm>>
      %dma_wait3A_289 = arith.constant 0 : i32
      %dma_wait3A_290 = arith.constant 0 : i32
      %dma_wait3A_291 = tpu.memref_slice %arg2[%dma_wait3A_289, %dma_wait3A_290] : memref<10000x128xf32, #tpu.memory_space<hbm>> -> memref<40x128xf32, #tpu.memory_space<hbm>>
      tpu.wait_dma2 semaphore(%arg40 : memref<!tpu.dma_semaphore, #tpu.memory_space<semaphore_mem>>) src(%dma_wait3A_291 : memref<40x128xf32, #tpu.memory_space<hbm>>) dst(%arg8 : memref<40x128xf32, #tpu.memory_space<vmem>>)
      %dma_wait3A_292 = arith.constant 0 : i32
      %dma_wait3A_293 = tpu.memref_slice %arg3[%dma_wait3A_292] : memref<320000xi32, #tpu.memory_space<hbm>> -> memref<40xi32, #tpu.memory_space<hbm>>
      %dma_wait3A_294 = arith.constant 0 : i32
      %dma_wait3A_295 = tpu.memref_slice %arg3[%dma_wait3A_294] : memref<320000xi32, #tpu.memory_space<hbm>> -> memref<40xi32, #tpu.memory_space<hbm>>
      tpu.wait_dma2 semaphore(%arg25 : memref<!tpu.dma_semaphore, #tpu.memory_space<semaphore_mem>>) src(%dma_wait3A_295 : memref<40xi32, #tpu.memory_space<hbm>>) dst(%arg13 : memref<40xi32, #tpu.memory_space<vmem>>)
      %dma_start3A_296 = arith.constant 0 : i32
      %dma_start3A_297 = arith.constant 0 : i32
      %dma_start3A_298 = tpu.memref_slice %arg2[%dma_start3A_296, %dma_start3A_297] : memref<10000x128xf32, #tpu.memory_space<hbm>> -> memref<10000x128xf32, #tpu.memory_space<hbm>>
      tpu.enqueue_indirect_dma source(%dma_start3A_298 : memref<10000x128xf32, #tpu.memory_space<hbm>>) target(%arg10 : memref<40x128xf32, #tpu.memory_space<vmem>>) offsets(%arg15 : memref<40xi32, #tpu.memory_space<vmem>>) semaphore(%arg35 : memref<!tpu.dma_semaphore, #tpu.memory_space<semaphore_mem>>)
      %dma_wait3A_299 = arith.constant 0 : i32
      %dma_wait3A_300 = arith.constant 0 : i32
      %dma_wait3A_301 = tpu.memref_slice %arg2[%dma_wait3A_299, %dma_wait3A_300] : memref<10000x128xf32, #tpu.memory_space<hbm>> -> memref<40x128xf32, #tpu.memory_space<hbm>>
      %dma_wait3A_302 = arith.constant 0 : i32
      %dma_wait3A_303 = arith.constant 0 : i32
      %dma_wait3A_304 = tpu.memref_slice %arg2[%dma_wait3A_302, %dma_wait3A_303] : memref<10000x128xf32, #tpu.memory_space<hbm>> -> memref<40x128xf32, #tpu.memory_space<hbm>>
      tpu.wait_dma2 semaphore(%arg36 : memref<!tpu.dma_semaphore, #tpu.memory_space<semaphore_mem>>) src(%dma_wait3A_304 : memref<40x128xf32, #tpu.memory_space<hbm>>) dst(%arg8 : memref<40x128xf32, #tpu.memory_space<vmem>>)
      %dma_wait3A_305 = arith.constant 0 : i32
      %dma_wait3A_306 = tpu.memref_slice %arg3[%dma_wait3A_305] : memref<320000xi32, #tpu.memory_space<hbm>> -> memref<40xi32, #tpu.memory_space<hbm>>
      %dma_wait3A_307 = arith.constant 0 : i32
      %dma_wait3A_308 = tpu.memref_slice %arg3[%dma_wait3A_307] : memref<320000xi32, #tpu.memory_space<hbm>> -> memref<40xi32, #tpu.memory_space<hbm>>
      tpu.wait_dma2 semaphore(%arg31 : memref<!tpu.dma_semaphore, #tpu.memory_space<semaphore_mem>>) src(%dma_wait3A_308 : memref<40xi32, #tpu.memory_space<hbm>>) dst(%arg13 : memref<40xi32, #tpu.memory_space<vmem>>)
      %dma_start3A_309 = arith.constant 0 : i32
      %dma_start3A_310 = arith.constant 0 : i32
      %dma_start3A_311 = tpu.memref_slice %arg7[%dma_start3A_309, %dma_start3A_310] : memref<10000x128xf32, #tpu.memory_space<vmem_shared>> -> memref<10000x128xf32, #tpu.memory_space<vmem_shared>>
      tpu.enqueue_indirect_dma source(%arg11 : memref<40x128xf32, #tpu.memory_space<vmem>>) target(%dma_start3A_311 : memref<10000x128xf32, #tpu.memory_space<vmem_shared>>) offsets(%arg21 : memref<40xi32, #tpu.memory_space<vmem>>) semaphore(%arg41 : memref<!tpu.dma_semaphore, #tpu.memory_space<semaphore_mem>>) {add = true}
      %add3A_312 = arith.constant 3 : i32
      %add3A_313 = arith.addi %mul3A_187, %add3A_312 : i32
      %add3A_314 = arith.constant 5 : i32
      %add3A_315 = arith.addi %add3A_313, %add3A_314 : i32
      %mul3A_316 = arith.constant 40 : i32
      %mul3A_317 = arith.muli %add3A_315, %mul3A_316 : i32
      %add3A_318 = arith.addi %mul3A_2, %mul3A_317 : i32
      %dma_start3A_319 = tpu.memref_slice %arg3[%add3A_318] : memref<320000xi32, #tpu.memory_space<hbm>> -> memref<40xi32, #tpu.memory_space<hbm>>
      %dma_start3A_320 = tpu.memref_slice %arg3[%add3A_318] : memref<320000xi32, #tpu.memory_space<hbm>> -> memref<40xi32, #tpu.memory_space<hbm>>
      tpu.enqueue_dma source(%dma_start3A_320 : memref<40xi32, #tpu.memory_space<hbm>>) target(%arg16 : memref<40xi32, #tpu.memory_space<vmem>>) target_semaphore(%arg26 : memref<!tpu.dma_semaphore, #tpu.memory_space<semaphore_mem>>)
      %dma_start3A_321 = tpu.memref_slice %arg4[%add3A_318] : memref<320000xi32, #tpu.memory_space<hbm>> -> memref<40xi32, #tpu.memory_space<hbm>>
      %dma_start3A_322 = tpu.memref_slice %arg4[%add3A_318] : memref<320000xi32, #tpu.memory_space<hbm>> -> memref<40xi32, #tpu.memory_space<hbm>>
      tpu.enqueue_dma source(%dma_start3A_322 : memref<40xi32, #tpu.memory_space<hbm>>) target(%arg21 : memref<40xi32, #tpu.memory_space<vmem>>) target_semaphore(%arg31 : memref<!tpu.dma_semaphore, #tpu.memory_space<semaphore_mem>>)
      %dma_wait3A_323 = arith.constant 0 : i32
      %dma_wait3A_324 = arith.constant 0 : i32
      %dma_wait3A_325 = tpu.memref_slice %arg2[%dma_wait3A_323, %dma_wait3A_324] : memref<10000x128xf32, #tpu.memory_space<hbm>> -> memref<40x128xf32, #tpu.memory_space<hbm>>
      %dma_wait3A_326 = arith.constant 0 : i32
      %dma_wait3A_327 = arith.constant 0 : i32
      %dma_wait3A_328 = tpu.memref_slice %arg2[%dma_wait3A_326, %dma_wait3A_327] : memref<10000x128xf32, #tpu.memory_space<hbm>> -> memref<40x128xf32, #tpu.memory_space<hbm>>
      tpu.wait_dma2 semaphore(%arg41 : memref<!tpu.dma_semaphore, #tpu.memory_space<semaphore_mem>>) src(%dma_wait3A_328 : memref<40x128xf32, #tpu.memory_space<hbm>>) dst(%arg8 : memref<40x128xf32, #tpu.memory_space<vmem>>)
      %dma_wait3A_329 = arith.constant 0 : i32
      %dma_wait3A_330 = tpu.memref_slice %arg3[%dma_wait3A_329] : memref<320000xi32, #tpu.memory_space<hbm>> -> memref<40xi32, #tpu.memory_space<hbm>>
      %dma_wait3A_331 = arith.constant 0 : i32
      %dma_wait3A_332 = tpu.memref_slice %arg3[%dma_wait3A_331] : memref<320000xi32, #tpu.memory_space<hbm>> -> memref<40xi32, #tpu.memory_space<hbm>>
      tpu.wait_dma2 semaphore(%arg26 : memref<!tpu.dma_semaphore, #tpu.memory_space<semaphore_mem>>) src(%dma_wait3A_332 : memref<40xi32, #tpu.memory_space<hbm>>) dst(%arg13 : memref<40xi32, #tpu.memory_space<vmem>>)
      %dma_start3A_333 = arith.constant 0 : i32
      %dma_start3A_334 = arith.constant 0 : i32
      %dma_start3A_335 = tpu.memref_slice %arg2[%dma_start3A_333, %dma_start3A_334] : memref<10000x128xf32, #tpu.memory_space<hbm>> -> memref<10000x128xf32, #tpu.memory_space<hbm>>
      tpu.enqueue_indirect_dma source(%dma_start3A_335 : memref<10000x128xf32, #tpu.memory_space<hbm>>) target(%arg11 : memref<40x128xf32, #tpu.memory_space<vmem>>) offsets(%arg16 : memref<40xi32, #tpu.memory_space<vmem>>) semaphore(%arg36 : memref<!tpu.dma_semaphore, #tpu.memory_space<semaphore_mem>>)
      %dma_wait3A_336 = arith.constant 0 : i32
      %dma_wait3A_337 = arith.constant 0 : i32
      %dma_wait3A_338 = tpu.memref_slice %arg2[%dma_wait3A_336, %dma_wait3A_337] : memref<10000x128xf32, #tpu.memory_space<hbm>> -> memref<40x128xf32, #tpu.memory_space<hbm>>
      %dma_wait3A_339 = arith.constant 0 : i32
      %dma_wait3A_340 = arith.constant 0 : i32
      %dma_wait3A_341 = tpu.memref_slice %arg2[%dma_wait3A_339, %dma_wait3A_340] : memref<10000x128xf32, #tpu.memory_space<hbm>> -> memref<40x128xf32, #tpu.memory_space<hbm>>
      tpu.wait_dma2 semaphore(%arg37 : memref<!tpu.dma_semaphore, #tpu.memory_space<semaphore_mem>>) src(%dma_wait3A_341 : memref<40x128xf32, #tpu.memory_space<hbm>>) dst(%arg8 : memref<40x128xf32, #tpu.memory_space<vmem>>)
      %dma_wait3A_342 = arith.constant 0 : i32
      %dma_wait3A_343 = tpu.memref_slice %arg3[%dma_wait3A_342] : memref<320000xi32, #tpu.memory_space<hbm>> -> memref<40xi32, #tpu.memory_space<hbm>>
      %dma_wait3A_344 = arith.constant 0 : i32
      %dma_wait3A_345 = tpu.memref_slice %arg3[%dma_wait3A_344] : memref<320000xi32, #tpu.memory_space<hbm>> -> memref<40xi32, #tpu.memory_space<hbm>>
      tpu.wait_dma2 semaphore(%arg32 : memref<!tpu.dma_semaphore, #tpu.memory_space<semaphore_mem>>) src(%dma_wait3A_345 : memref<40xi32, #tpu.memory_space<hbm>>) dst(%arg13 : memref<40xi32, #tpu.memory_space<vmem>>)
      %dma_start3A_346 = arith.constant 0 : i32
      %dma_start3A_347 = arith.constant 0 : i32
      %dma_start3A_348 = tpu.memref_slice %arg7[%dma_start3A_346, %dma_start3A_347] : memref<10000x128xf32, #tpu.memory_space<vmem_shared>> -> memref<10000x128xf32, #tpu.memory_space<vmem_shared>>
      tpu.enqueue_indirect_dma source(%arg12 : memref<40x128xf32, #tpu.memory_space<vmem>>) target(%dma_start3A_348 : memref<10000x128xf32, #tpu.memory_space<vmem_shared>>) offsets(%arg22 : memref<40xi32, #tpu.memory_space<vmem>>) semaphore(%arg42 : memref<!tpu.dma_semaphore, #tpu.memory_space<semaphore_mem>>) {add = true}
      %add3A_349 = arith.constant 4 : i32
      %add3A_350 = arith.addi %mul3A_187, %add3A_349 : i32
      %add3A_351 = arith.constant 5 : i32
      %add3A_352 = arith.addi %add3A_350, %add3A_351 : i32
      %mul3A_353 = arith.constant 40 : i32
      %mul3A_354 = arith.muli %add3A_352, %mul3A_353 : i32
      %add3A_355 = arith.addi %mul3A_2, %mul3A_354 : i32
      %dma_start3A_356 = tpu.memref_slice %arg3[%add3A_355] : memref<320000xi32, #tpu.memory_space<hbm>> -> memref<40xi32, #tpu.memory_space<hbm>>
      %dma_start3A_357 = tpu.memref_slice %arg3[%add3A_355] : memref<320000xi32, #tpu.memory_space<hbm>> -> memref<40xi32, #tpu.memory_space<hbm>>
      tpu.enqueue_dma source(%dma_start3A_357 : memref<40xi32, #tpu.memory_space<hbm>>) target(%arg17 : memref<40xi32, #tpu.memory_space<vmem>>) target_semaphore(%arg27 : memref<!tpu.dma_semaphore, #tpu.memory_space<semaphore_mem>>)
      %dma_start3A_358 = tpu.memref_slice %arg4[%add3A_355] : memref<320000xi32, #tpu.memory_space<hbm>> -> memref<40xi32, #tpu.memory_space<hbm>>
      %dma_start3A_359 = tpu.memref_slice %arg4[%add3A_355] : memref<320000xi32, #tpu.memory_space<hbm>> -> memref<40xi32, #tpu.memory_space<hbm>>
      tpu.enqueue_dma source(%dma_start3A_359 : memref<40xi32, #tpu.memory_space<hbm>>) target(%arg22 : memref<40xi32, #tpu.memory_space<vmem>>) target_semaphore(%arg32 : memref<!tpu.dma_semaphore, #tpu.memory_space<semaphore_mem>>)
      %dma_wait3A_360 = arith.constant 0 : i32
      %dma_wait3A_361 = arith.constant 0 : i32
      %dma_wait3A_362 = tpu.memref_slice %arg2[%dma_wait3A_360, %dma_wait3A_361] : memref<10000x128xf32, #tpu.memory_space<hbm>> -> memref<40x128xf32, #tpu.memory_space<hbm>>
      %dma_wait3A_363 = arith.constant 0 : i32
      %dma_wait3A_364 = arith.constant 0 : i32
      %dma_wait3A_365 = tpu.memref_slice %arg2[%dma_wait3A_363, %dma_wait3A_364] : memref<10000x128xf32, #tpu.memory_space<hbm>> -> memref<40x128xf32, #tpu.memory_space<hbm>>
      tpu.wait_dma2 semaphore(%arg42 : memref<!tpu.dma_semaphore, #tpu.memory_space<semaphore_mem>>) src(%dma_wait3A_365 : memref<40x128xf32, #tpu.memory_space<hbm>>) dst(%arg8 : memref<40x128xf32, #tpu.memory_space<vmem>>)
      %dma_wait3A_366 = arith.constant 0 : i32
      %dma_wait3A_367 = tpu.memref_slice %arg3[%dma_wait3A_366] : memref<320000xi32, #tpu.memory_space<hbm>> -> memref<40xi32, #tpu.memory_space<hbm>>
      %dma_wait3A_368 = arith.constant 0 : i32
      %dma_wait3A_369 = tpu.memref_slice %arg3[%dma_wait3A_368] : memref<320000xi32, #tpu.memory_space<hbm>> -> memref<40xi32, #tpu.memory_space<hbm>>
      tpu.wait_dma2 semaphore(%arg27 : memref<!tpu.dma_semaphore, #tpu.memory_space<semaphore_mem>>) src(%dma_wait3A_369 : memref<40xi32, #tpu.memory_space<hbm>>) dst(%arg13 : memref<40xi32, #tpu.memory_space<vmem>>)
      %dma_start3A_370 = arith.constant 0 : i32
      %dma_start3A_371 = arith.constant 0 : i32
      %dma_start3A_372 = tpu.memref_slice %arg2[%dma_start3A_370, %dma_start3A_371] : memref<10000x128xf32, #tpu.memory_space<hbm>> -> memref<10000x128xf32, #tpu.memory_space<hbm>>
      tpu.enqueue_indirect_dma source(%dma_start3A_372 : memref<10000x128xf32, #tpu.memory_space<hbm>>) target(%arg12 : memref<40x128xf32, #tpu.memory_space<vmem>>) offsets(%arg17 : memref<40xi32, #tpu.memory_space<vmem>>) semaphore(%arg37 : memref<!tpu.dma_semaphore, #tpu.memory_space<semaphore_mem>>)
    }
    %scan3A_78 = arith.constant 49 : i32
    %dma_wait3A_79 = arith.constant 0 : i32
    %dma_wait3A_80 = arith.constant 0 : i32
    %dma_wait3A_81 = tpu.memref_slice %arg2[%dma_wait3A_79, %dma_wait3A_80] : memref<10000x128xf32, #tpu.memory_space<hbm>> -> memref<40x128xf32, #tpu.memory_space<hbm>>
    %dma_wait3A_82 = arith.constant 0 : i32
    %dma_wait3A_83 = arith.constant 0 : i32
    %dma_wait3A_84 = tpu.memref_slice %arg2[%dma_wait3A_82, %dma_wait3A_83] : memref<10000x128xf32, #tpu.memory_space<hbm>> -> memref<40x128xf32, #tpu.memory_space<hbm>>
    tpu.wait_dma2 semaphore(%arg33 : memref<!tpu.dma_semaphore, #tpu.memory_space<semaphore_mem>>) src(%dma_wait3A_84 : memref<40x128xf32, #tpu.memory_space<hbm>>) dst(%arg8 : memref<40x128xf32, #tpu.memory_space<vmem>>)
    %dma_wait3A_85 = arith.constant 0 : i32
    %dma_wait3A_86 = tpu.memref_slice %arg3[%dma_wait3A_85] : memref<320000xi32, #tpu.memory_space<hbm>> -> memref<40xi32, #tpu.memory_space<hbm>>
    %dma_wait3A_87 = arith.constant 0 : i32
    %dma_wait3A_88 = tpu.memref_slice %arg3[%dma_wait3A_87] : memref<320000xi32, #tpu.memory_space<hbm>> -> memref<40xi32, #tpu.memory_space<hbm>>
    tpu.wait_dma2 semaphore(%arg28 : memref<!tpu.dma_semaphore, #tpu.memory_space<semaphore_mem>>) src(%dma_wait3A_88 : memref<40xi32, #tpu.memory_space<hbm>>) dst(%arg13 : memref<40xi32, #tpu.memory_space<vmem>>)
    %dma_start3A_89 = arith.constant 0 : i32
    %dma_start3A_90 = arith.constant 0 : i32
    %dma_start3A_91 = tpu.memref_slice %arg7[%dma_start3A_89, %dma_start3A_90] : memref<10000x128xf32, #tpu.memory_space<vmem_shared>> -> memref<10000x128xf32, #tpu.memory_space<vmem_shared>>
    tpu.enqueue_indirect_dma source(%arg8 : memref<40x128xf32, #tpu.memory_space<vmem>>) target(%dma_start3A_91 : memref<10000x128xf32, #tpu.memory_space<vmem_shared>>) offsets(%arg18 : memref<40xi32, #tpu.memory_space<vmem>>) semaphore(%arg38 : memref<!tpu.dma_semaphore, #tpu.memory_space<semaphore_mem>>) {add = true}
    %dma_wait3A_92 = arith.constant 0 : i32
    %dma_wait3A_93 = arith.constant 0 : i32
    %dma_wait3A_94 = tpu.memref_slice %arg2[%dma_wait3A_92, %dma_wait3A_93] : memref<10000x128xf32, #tpu.memory_space<hbm>> -> memref<40x128xf32, #tpu.memory_space<hbm>>
    %dma_wait3A_95 = arith.constant 0 : i32
    %dma_wait3A_96 = arith.constant 0 : i32
    %dma_wait3A_97 = tpu.memref_slice %arg2[%dma_wait3A_95, %dma_wait3A_96] : memref<10000x128xf32, #tpu.memory_space<hbm>> -> memref<40x128xf32, #tpu.memory_space<hbm>>
    tpu.wait_dma2 semaphore(%arg38 : memref<!tpu.dma_semaphore, #tpu.memory_space<semaphore_mem>>) src(%dma_wait3A_97 : memref<40x128xf32, #tpu.memory_space<hbm>>) dst(%arg8 : memref<40x128xf32, #tpu.memory_space<vmem>>)
    %dma_wait3A_98 = arith.constant 0 : i32
    %dma_wait3A_99 = arith.constant 0 : i32
    %dma_wait3A_100 = tpu.memref_slice %arg2[%dma_wait3A_98, %dma_wait3A_99] : memref<10000x128xf32, #tpu.memory_space<hbm>> -> memref<40x128xf32, #tpu.memory_space<hbm>>
    %dma_wait3A_101 = arith.constant 0 : i32
    %dma_wait3A_102 = arith.constant 0 : i32
    %dma_wait3A_103 = tpu.memref_slice %arg2[%dma_wait3A_101, %dma_wait3A_102] : memref<10000x128xf32, #tpu.memory_space<hbm>> -> memref<40x128xf32, #tpu.memory_space<hbm>>
    tpu.wait_dma2 semaphore(%arg34 : memref<!tpu.dma_semaphore, #tpu.memory_space<semaphore_mem>>) src(%dma_wait3A_103 : memref<40x128xf32, #tpu.memory_space<hbm>>) dst(%arg8 : memref<40x128xf32, #tpu.memory_space<vmem>>)
    %dma_wait3A_104 = arith.constant 0 : i32
    %dma_wait3A_105 = tpu.memref_slice %arg3[%dma_wait3A_104] : memref<320000xi32, #tpu.memory_space<hbm>> -> memref<40xi32, #tpu.memory_space<hbm>>
    %dma_wait3A_106 = arith.constant 0 : i32
    %dma_wait3A_107 = tpu.memref_slice %arg3[%dma_wait3A_106] : memref<320000xi32, #tpu.memory_space<hbm>> -> memref<40xi32, #tpu.memory_space<hbm>>
    tpu.wait_dma2 semaphore(%arg29 : memref<!tpu.dma_semaphore, #tpu.memory_space<semaphore_mem>>) src(%dma_wait3A_107 : memref<40xi32, #tpu.memory_space<hbm>>) dst(%arg13 : memref<40xi32, #tpu.memory_space<vmem>>)
    %dma_start3A_108 = arith.constant 0 : i32
    %dma_start3A_109 = arith.constant 0 : i32
    %dma_start3A_110 = tpu.memref_slice %arg7[%dma_start3A_108, %dma_start3A_109] : memref<10000x128xf32, #tpu.memory_space<vmem_shared>> -> memref<10000x128xf32, #tpu.memory_space<vmem_shared>>
    tpu.enqueue_indirect_dma source(%arg9 : memref<40x128xf32, #tpu.memory_space<vmem>>) target(%dma_start3A_110 : memref<10000x128xf32, #tpu.memory_space<vmem_shared>>) offsets(%arg19 : memref<40xi32, #tpu.memory_space<vmem>>) semaphore(%arg39 : memref<!tpu.dma_semaphore, #tpu.memory_space<semaphore_mem>>) {add = true}
    %dma_wait3A_111 = arith.constant 0 : i32
    %dma_wait3A_112 = arith.constant 0 : i32
    %dma_wait3A_113 = tpu.memref_slice %arg2[%dma_wait3A_111, %dma_wait3A_112] : memref<10000x128xf32, #tpu.memory_space<hbm>> -> memref<40x128xf32, #tpu.memory_space<hbm>>
    %dma_wait3A_114 = arith.constant 0 : i32
    %dma_wait3A_115 = arith.constant 0 : i32
    %dma_wait3A_116 = tpu.memref_slice %arg2[%dma_wait3A_114, %dma_wait3A_115] : memref<10000x128xf32, #tpu.memory_space<hbm>> -> memref<40x128xf32, #tpu.memory_space<hbm>>
    tpu.wait_dma2 semaphore(%arg39 : memref<!tpu.dma_semaphore, #tpu.memory_space<semaphore_mem>>) src(%dma_wait3A_116 : memref<40x128xf32, #tpu.memory_space<hbm>>) dst(%arg8 : memref<40x128xf32, #tpu.memory_space<vmem>>)
    %dma_wait3A_117 = arith.constant 0 : i32
    %dma_wait3A_118 = arith.constant 0 : i32
    %dma_wait3A_119 = tpu.memref_slice %arg2[%dma_wait3A_117, %dma_wait3A_118] : memref<10000x128xf32, #tpu.memory_space<hbm>> -> memref<40x128xf32, #tpu.memory_space<hbm>>
    %dma_wait3A_120 = arith.constant 0 : i32
    %dma_wait3A_121 = arith.constant 0 : i32
    %dma_wait3A_122 = tpu.memref_slice %arg2[%dma_wait3A_120, %dma_wait3A_121] : memref<10000x128xf32, #tpu.memory_space<hbm>> -> memref<40x128xf32, #tpu.memory_space<hbm>>
    tpu.wait_dma2 semaphore(%arg35 : memref<!tpu.dma_semaphore, #tpu.memory_space<semaphore_mem>>) src(%dma_wait3A_122 : memref<40x128xf32, #tpu.memory_space<hbm>>) dst(%arg8 : memref<40x128xf32, #tpu.memory_space<vmem>>)
    %dma_wait3A_123 = arith.constant 0 : i32
    %dma_wait3A_124 = tpu.memref_slice %arg3[%dma_wait3A_123] : memref<320000xi32, #tpu.memory_space<hbm>> -> memref<40xi32, #tpu.memory_space<hbm>>
    %dma_wait3A_125 = arith.constant 0 : i32
    %dma_wait3A_126 = tpu.memref_slice %arg3[%dma_wait3A_125] : memref<320000xi32, #tpu.memory_space<hbm>> -> memref<40xi32, #tpu.memory_space<hbm>>
    tpu.wait_dma2 semaphore(%arg30 : memref<!tpu.dma_semaphore, #tpu.memory_space<semaphore_mem>>) src(%dma_wait3A_126 : memref<40xi32, #tpu.memory_space<hbm>>) dst(%arg13 : memref<40xi32, #tpu.memory_space<vmem>>)
    %dma_start3A_127 = arith.constant 0 : i32
    %dma_start3A_128 = arith.constant 0 : i32
    %dma_start3A_129 = tpu.memref_slice %arg7[%dma_start3A_127, %dma_start3A_128] : memref<10000x128xf32, #tpu.memory_space<vmem_shared>> -> memref<10000x128xf32, #tpu.memory_space<vmem_shared>>
    tpu.enqueue_indirect_dma source(%arg10 : memref<40x128xf32, #tpu.memory_space<vmem>>) target(%dma_start3A_129 : memref<10000x128xf32, #tpu.memory_space<vmem_shared>>) offsets(%arg20 : memref<40xi32, #tpu.memory_space<vmem>>) semaphore(%arg40 : memref<!tpu.dma_semaphore, #tpu.memory_space<semaphore_mem>>) {add = true}
    %dma_wait3A_130 = arith.constant 0 : i32
    %dma_wait3A_131 = arith.constant 0 : i32
    %dma_wait3A_132 = tpu.memref_slice %arg2[%dma_wait3A_130, %dma_wait3A_131] : memref<10000x128xf32, #tpu.memory_space<hbm>> -> memref<40x128xf32, #tpu.memory_space<hbm>>
    %dma_wait3A_133 = arith.constant 0 : i32
    %dma_wait3A_134 = arith.constant 0 : i32
    %dma_wait3A_135 = tpu.memref_slice %arg2[%dma_wait3A_133, %dma_wait3A_134] : memref<10000x128xf32, #tpu.memory_space<hbm>> -> memref<40x128xf32, #tpu.memory_space<hbm>>
    tpu.wait_dma2 semaphore(%arg40 : memref<!tpu.dma_semaphore, #tpu.memory_space<semaphore_mem>>) src(%dma_wait3A_135 : memref<40x128xf32, #tpu.memory_space<hbm>>) dst(%arg8 : memref<40x128xf32, #tpu.memory_space<vmem>>)
    %dma_wait3A_136 = arith.constant 0 : i32
    %dma_wait3A_137 = arith.constant 0 : i32
    %dma_wait3A_138 = tpu.memref_slice %arg2[%dma_wait3A_136, %dma_wait3A_137] : memref<10000x128xf32, #tpu.memory_space<hbm>> -> memref<40x128xf32, #tpu.memory_space<hbm>>
    %dma_wait3A_139 = arith.constant 0 : i32
    %dma_wait3A_140 = arith.constant 0 : i32
    %dma_wait3A_141 = tpu.memref_slice %arg2[%dma_wait3A_139, %dma_wait3A_140] : memref<10000x128xf32, #tpu.memory_space<hbm>> -> memref<40x128xf32, #tpu.memory_space<hbm>>
    tpu.wait_dma2 semaphore(%arg36 : memref<!tpu.dma_semaphore, #tpu.memory_space<semaphore_mem>>) src(%dma_wait3A_141 : memref<40x128xf32, #tpu.memory_space<hbm>>) dst(%arg8 : memref<40x128xf32, #tpu.memory_space<vmem>>)
    %dma_wait3A_142 = arith.constant 0 : i32
    %dma_wait3A_143 = tpu.memref_slice %arg3[%dma_wait3A_142] : memref<320000xi32, #tpu.memory_space<hbm>> -> memref<40xi32, #tpu.memory_space<hbm>>
    %dma_wait3A_144 = arith.constant 0 : i32
    %dma_wait3A_145 = tpu.memref_slice %arg3[%dma_wait3A_144] : memref<320000xi32, #tpu.memory_space<hbm>> -> memref<40xi32, #tpu.memory_space<hbm>>
    tpu.wait_dma2 semaphore(%arg31 : memref<!tpu.dma_semaphore, #tpu.memory_space<semaphore_mem>>) src(%dma_wait3A_145 : memref<40xi32, #tpu.memory_space<hbm>>) dst(%arg13 : memref<40xi32, #tpu.memory_space<vmem>>)
    %dma_start3A_146 = arith.constant 0 : i32
    %dma_start3A_147 = arith.constant 0 : i32
    %dma_start3A_148 = tpu.memref_slice %arg7[%dma_start3A_146, %dma_start3A_147] : memref<10000x128xf32, #tpu.memory_space<vmem_shared>> -> memref<10000x128xf32, #tpu.memory_space<vmem_shared>>
    tpu.enqueue_indirect_dma source(%arg11 : memref<40x128xf32, #tpu.memory_space<vmem>>) target(%dma_start3A_148 : memref<10000x128xf32, #tpu.memory_space<vmem_shared>>) offsets(%arg21 : memref<40xi32, #tpu.memory_space<vmem>>) semaphore(%arg41 : memref<!tpu.dma_semaphore, #tpu.memory_space<semaphore_mem>>) {add = true}
    %dma_wait3A_149 = arith.constant 0 : i32
    %dma_wait3A_150 = arith.constant 0 : i32
    %dma_wait3A_151 = tpu.memref_slice %arg2[%dma_wait3A_149, %dma_wait3A_150] : memref<10000x128xf32, #tpu.memory_space<hbm>> -> memref<40x128xf32, #tpu.memory_space<hbm>>
    %dma_wait3A_152 = arith.constant 0 : i32
    %dma_wait3A_153 = arith.constant 0 : i32
    %dma_wait3A_154 = tpu.memref_slice %arg2[%dma_wait3A_152, %dma_wait3A_153] : memref<10000x128xf32, #tpu.memory_space<hbm>> -> memref<40x128xf32, #tpu.memory_space<hbm>>
    tpu.wait_dma2 semaphore(%arg41 : memref<!tpu.dma_semaphore, #tpu.memory_space<semaphore_mem>>) src(%dma_wait3A_154 : memref<40x128xf32, #tpu.memory_space<hbm>>) dst(%arg8 : memref<40x128xf32, #tpu.memory_space<vmem>>)
    %dma_wait3A_155 = arith.constant 0 : i32
    %dma_wait3A_156 = arith.constant 0 : i32
    %dma_wait3A_157 = tpu.memref_slice %arg2[%dma_wait3A_155, %dma_wait3A_156] : memref<10000x128xf32, #tpu.memory_space<hbm>> -> memref<40x128xf32, #tpu.memory_space<hbm>>
    %dma_wait3A_158 = arith.constant 0 : i32
    %dma_wait3A_159 = arith.constant 0 : i32
    %dma_wait3A_160 = tpu.memref_slice %arg2[%dma_wait3A_158, %dma_wait3A_159] : memref<10000x128xf32, #tpu.memory_space<hbm>> -> memref<40x128xf32, #tpu.memory_space<hbm>>
    tpu.wait_dma2 semaphore(%arg37 : memref<!tpu.dma_semaphore, #tpu.memory_space<semaphore_mem>>) src(%dma_wait3A_160 : memref<40x128xf32, #tpu.memory_space<hbm>>) dst(%arg8 : memref<40x128xf32, #tpu.memory_space<vmem>>)
    %dma_wait3A_161 = arith.constant 0 : i32
    %dma_wait3A_162 = tpu.memref_slice %arg3[%dma_wait3A_161] : memref<320000xi32, #tpu.memory_space<hbm>> -> memref<40xi32, #tpu.memory_space<hbm>>
    %dma_wait3A_163 = arith.constant 0 : i32
    %dma_wait3A_164 = tpu.memref_slice %arg3[%dma_wait3A_163] : memref<320000xi32, #tpu.memory_space<hbm>> -> memref<40xi32, #tpu.memory_space<hbm>>
    tpu.wait_dma2 semaphore(%arg32 : memref<!tpu.dma_semaphore, #tpu.memory_space<semaphore_mem>>) src(%dma_wait3A_164 : memref<40xi32, #tpu.memory_space<hbm>>) dst(%arg13 : memref<40xi32, #tpu.memory_space<vmem>>)
    %dma_start3A_165 = arith.constant 0 : i32
    %dma_start3A_166 = arith.constant 0 : i32
    %dma_start3A_167 = tpu.memref_slice %arg7[%dma_start3A_165, %dma_start3A_166] : memref<10000x128xf32, #tpu.memory_space<vmem_shared>> -> memref<10000x128xf32, #tpu.memory_space<vmem_shared>>
    tpu.enqueue_indirect_dma source(%arg12 : memref<40x128xf32, #tpu.memory_space<vmem>>) target(%dma_start3A_167 : memref<10000x128xf32, #tpu.memory_space<vmem_shared>>) offsets(%arg22 : memref<40xi32, #tpu.memory_space<vmem>>) semaphore(%arg42 : memref<!tpu.dma_semaphore, #tpu.memory_space<semaphore_mem>>) {add = true}
    %dma_wait3A_168 = arith.constant 0 : i32
    %dma_wait3A_169 = arith.constant 0 : i32
    %dma_wait3A_170 = tpu.memref_slice %arg2[%dma_wait3A_168, %dma_wait3A_169] : memref<10000x128xf32, #tpu.memory_space<hbm>> -> memref<40x128xf32, #tpu.memory_space<hbm>>
    %dma_wait3A_171 = arith.constant 0 : i32
    %dma_wait3A_172 = arith.constant 0 : i32
    %dma_wait3A_173 = tpu.memref_slice %arg2[%dma_wait3A_171, %dma_wait3A_172] : memref<10000x128xf32, #tpu.memory_space<hbm>> -> memref<40x128xf32, #tpu.memory_space<hbm>>
    tpu.wait_dma2 semaphore(%arg42 : memref<!tpu.dma_semaphore, #tpu.memory_space<semaphore_mem>>) src(%dma_wait3A_173 : memref<40x128xf32, #tpu.memory_space<hbm>>) dst(%arg8 : memref<40x128xf32, #tpu.memory_space<vmem>>)
    %barrier3A_174 = arith.constant 0 : index
    tpu.barrier barrier_id(%barrier3A_174)
    %lt3A_175 = arith.constant 15 : i32
    %lt3A_176 = arith.cmpi slt, %arg1, %lt3A_175 : i32
    %convert_element_type3A_177 = arith.extui %lt3A_176 : i1 to i32
    %cond3A_178 = arith.constant 0 : i32
    %cond3A_179 = arith.cmpi ne, %convert_element_type3A_177, %cond3A_178 : i32
    scf.if %cond3A_179 {
      "tpu.region"() ({
        %run_scoped3A = tpu.sem_alloc : memref<!tpu.dma_semaphore, #tpu.memory_space<semaphore_mem>>
        %dma_start3A_185 = arith.constant 0 : i32
        %dma_start3A_186 = tpu.memref_slice %arg6[%arg0, %mul3A_4, %dma_start3A_185] : memref<2x10000x128xf32, #tpu.memory_space<hbm>> -> memref<1x632x128xf32, #tpu.memory_space<hbm>>
        %dma_start3A_187 = tpu.memref_squeeze %dma_start3A_186 : memref<1x632x128xf32, #tpu.memory_space<hbm>> -> memref<632x128xf32, #tpu.memory_space<hbm>>
        %dma_start3A_188 = arith.constant 0 : i32
        %dma_start3A_189 = tpu.memref_slice %arg7[%mul3A_4, %dma_start3A_188] : memref<10000x128xf32, #tpu.memory_space<vmem_shared>> -> memref<632x128xf32, #tpu.memory_space<vmem_shared>>
        tpu.enqueue_dma source(%dma_start3A_189 : memref<632x128xf32, #tpu.memory_space<vmem_shared>>) target(%dma_start3A_187 : memref<632x128xf32, #tpu.memory_space<hbm>>) target_semaphore(%run_scoped3A : memref<!tpu.dma_semaphore, #tpu.memory_space<semaphore_mem>>)
        %dma_wait3A_190 = arith.constant 0 : i32
        %dma_wait3A_191 = tpu.memref_slice %arg6[%arg0, %mul3A_4, %dma_wait3A_190] : memref<2x10000x128xf32, #tpu.memory_space<hbm>> -> memref<1x632x128xf32, #tpu.memory_space<hbm>>
        %dma_wait3A_192 = tpu.memref_squeeze %dma_wait3A_191 : memref<1x632x128xf32, #tpu.memory_space<hbm>> -> memref<632x128xf32, #tpu.memory_space<hbm>>
        %dma_wait3A_193 = arith.constant 0 : i32
        %dma_wait3A_194 = tpu.memref_slice %arg7[%mul3A_4, %dma_wait3A_193] : memref<10000x128xf32, #tpu.memory_space<vmem_shared>> -> memref<632x128xf32, #tpu.memory_space<vmem_shared>>
        tpu.wait_dma2 semaphore(%run_scoped3A : memref<!tpu.dma_semaphore, #tpu.memory_space<semaphore_mem>>) src(%dma_wait3A_194 : memref<632x128xf32, #tpu.memory_space<vmem_shared>>) dst(%dma_wait3A_192 : memref<632x128xf32, #tpu.memory_space<hbm>>)
        tpu.yield
      }) : () -> ()
    } else {
    }
    %eq3A_180 = arith.constant 15 : i32
    %eq3A_181 = arith.cmpi eq, %arg1, %eq3A_180 : i32
    %convert_element_type3A_182 = arith.extui %eq3A_181 : i1 to i32
    %cond3A_183 = arith.constant 0 : i32
    %cond3A_184 = arith.cmpi ne, %convert_element_type3A_182, %cond3A_183 : i32
    scf.if %cond3A_184 {
      "tpu.region"() ({
        %run_scoped3A = tpu.sem_alloc : memref<!tpu.dma_semaphore, #tpu.memory_space<semaphore_mem>>
        %dma_start3A_185 = arith.constant 0 : i32
        %dma_start3A_186 = tpu.memref_slice %arg6[%arg0, %mul3A_4, %dma_start3A_185] : memref<2x10000x128xf32, #tpu.memory_space<hbm>> -> memref<1x520x128xf32, #tpu.memory_space<hbm>>
        %dma_start3A_187 = tpu.memref_squeeze %dma_start3A_186 : memref<1x520x128xf32, #tpu.memory_space<hbm>> -> memref<520x128xf32, #tpu.memory_space<hbm>>
        %dma_start3A_188 = arith.constant 0 : i32
        %dma_start3A_189 = tpu.memref_slice %arg7[%mul3A_4, %dma_start3A_188] : memref<10000x128xf32, #tpu.memory_space<vmem_shared>> -> memref<520x128xf32, #tpu.memory_space<vmem_shared>>
        tpu.enqueue_dma source(%dma_start3A_189 : memref<520x128xf32, #tpu.memory_space<vmem_shared>>) target(%dma_start3A_187 : memref<520x128xf32, #tpu.memory_space<hbm>>) target_semaphore(%run_scoped3A : memref<!tpu.dma_semaphore, #tpu.memory_space<semaphore_mem>>)
        %dma_wait3A_190 = arith.constant 0 : i32
        %dma_wait3A_191 = tpu.memref_slice %arg6[%arg0, %mul3A_4, %dma_wait3A_190] : memref<2x10000x128xf32, #tpu.memory_space<hbm>> -> memref<1x520x128xf32, #tpu.memory_space<hbm>>
        %dma_wait3A_192 = tpu.memref_squeeze %dma_wait3A_191 : memref<1x520x128xf32, #tpu.memory_space<hbm>> -> memref<520x128xf32, #tpu.memory_space<hbm>>
        %dma_wait3A_193 = arith.constant 0 : i32
        %dma_wait3A_194 = tpu.memref_slice %arg7[%mul3A_4, %dma_wait3A_193] : memref<10000x128xf32, #tpu.memory_space<vmem_shared>> -> memref<520x128xf32, #tpu.memory_space<vmem_shared>>
        tpu.wait_dma2 semaphore(%run_scoped3A : memref<!tpu.dma_semaphore, #tpu.memory_space<semaphore_mem>>) src(%dma_wait3A_194 : memref<520x128xf32, #tpu.memory_space<vmem_shared>>) dst(%dma_wait3A_192 : memref<520x128xf32, #tpu.memory_space<hbm>>)
        tpu.yield
      }) : () -> ()
    } else {
    }
    return
  }
}

#map = affine_map<(d0, d1) -> (0, 0)>
#map1 = affine_map<(d0, d1) -> (0)>
#map2 = affine_map<(d0, d1) -> (0, 0, 0)>
module attributes {stable_mosaic.version = 14 : i64} {
  func.func @_sc_agg_body(%arg0: i32, %arg1: i32, %arg2: memref<10000x128xf32, #tpu.memory_space<hbm>>, %arg3: memref<320000xi32, #tpu.memory_space<hbm>>, %arg4: memref<320000xi32, #tpu.memory_space<hbm>>, %arg5: memref<632x128xf32, #tpu.memory_space<hbm>>, %arg6: memref<2x10000x128xf32, #tpu.memory_space<hbm>>, %arg7: memref<10000x128xf32, #tpu.memory_space<vmem_shared>>, %arg8: memref<40x128xf32, #tpu.memory_space<vmem>>, %arg9: memref<40x128xf32, #tpu.memory_space<vmem>>, %arg10: memref<40x128xf32, #tpu.memory_space<vmem>>, %arg11: memref<40x128xf32, #tpu.memory_space<vmem>>, %arg12: memref<40x128xf32, #tpu.memory_space<vmem>>, %arg13: memref<40xi32, #tpu.memory_space<vmem>>, %arg14: memref<40xi32, #tpu.memory_space<vmem>>, %arg15: memref<40xi32, #tpu.memory_space<vmem>>, %arg16: memref<40xi32, #tpu.memory_space<vmem>>, %arg17: memref<40xi32, #tpu.memory_space<vmem>>, %arg18: memref<40xi32, #tpu.memory_space<vmem>>, %arg19: memref<40xi32, #tpu.memory_space<vmem>>, %arg20: memref<40xi32, #tpu.memory_space<vmem>>, %arg21: memref<40xi32, #tpu.memory_space<vmem>>, %arg22: memref<40xi32, #tpu.memory_space<vmem>>, %arg23: memref<!tpu.dma_semaphore, #tpu.memory_space<semaphore_mem>>, %arg24: memref<!tpu.dma_semaphore, #tpu.memory_space<semaphore_mem>>, %arg25: memref<!tpu.dma_semaphore, #tpu.memory_space<semaphore_mem>>, %arg26: memref<!tpu.dma_semaphore, #tpu.memory_space<semaphore_mem>>, %arg27: memref<!tpu.dma_semaphore, #tpu.memory_space<semaphore_mem>>, %arg28: memref<!tpu.dma_semaphore, #tpu.memory_space<semaphore_mem>>, %arg29: memref<!tpu.dma_semaphore, #tpu.memory_space<semaphore_mem>>, %arg30: memref<!tpu.dma_semaphore, #tpu.memory_space<semaphore_mem>>, %arg31: memref<!tpu.dma_semaphore, #tpu.memory_space<semaphore_mem>>, %arg32: memref<!tpu.dma_semaphore, #tpu.memory_space<semaphore_mem>>, %arg33: memref<!tpu.dma_semaphore, #tpu.memory_space<semaphore_mem>>, %arg34: memref<!tpu.dma_semaphore, #tpu.memory_space<semaphore_mem>>, %arg35: memref<!tpu.dma_semaphore, #tpu.memory_space<semaphore_mem>>, %arg36: memref<!tpu.dma_semaphore, #tpu.memory_space<semaphore_mem>>, %arg37: memref<!tpu.dma_semaphore, #tpu.memory_space<semaphore_mem>>, %arg38: memref<!tpu.dma_semaphore, #tpu.memory_space<semaphore_mem>>, %arg39: memref<!tpu.dma_semaphore, #tpu.memory_space<semaphore_mem>>, %arg40: memref<!tpu.dma_semaphore, #tpu.memory_space<semaphore_mem>>, %arg41: memref<!tpu.dma_semaphore, #tpu.memory_space<semaphore_mem>>, %arg42: memref<!tpu.dma_semaphore, #tpu.memory_space<semaphore_mem>>) attributes {dimension_semantics = [#tpu.dimension_semantics<core_parallel>, #tpu.dimension_semantics<subcore_parallel>], iteration_bounds = array<i64: 2, 16>, scalar_prefetch = 0 : i64, scratch_operands = 36 : i64, tpu.core_type = #tpu.core_type<sc_vector_subcore>, window_params = [{transform_indices = #map}, {transform_indices = #map1}, {transform_indices = #map1}, {transform_indices = #map}, {transform_indices = #map2}]} {
    %mul3A = arith.constant 16 : i32
    %mul3A_0 = arith.muli %arg0, %mul3A : i32
    %add3A = arith.addi %mul3A_0, %arg1 : i32
    %mul3A_1 = arith.constant 10000 : i32
    %mul3A_2 = arith.muli %add3A, %mul3A_1 : i32
    %mul3A_3 = arith.constant 632 : i32
    %mul3A_4 = arith.muli %arg1, %mul3A_3 : i32
    %lt3A = arith.constant 15 : i32
    %lt3A_5 = arith.cmpi slt, %arg1, %lt3A : i32
    %convert_element_type3A = arith.extui %lt3A_5 : i1 to i32
    %cond3A = arith.constant 0 : i32
    %cond3A_6 = arith.cmpi ne, %convert_element_type3A, %cond3A : i32
    scf.if %cond3A_6 {
      "tpu.region"() ({
        %run_scoped3A = tpu.sem_alloc : memref<!tpu.dma_semaphore, #tpu.memory_space<semaphore_mem>>
        %dma_start3A_185 = arith.constant 0 : i32
        %dma_start3A_186 = tpu.memref_slice %arg7[%mul3A_4, %dma_start3A_185] : memref<10000x128xf32, #tpu.memory_space<vmem_shared>> -> memref<632x128xf32, #tpu.memory_space<vmem_shared>>
        tpu.enqueue_dma source(%arg5 : memref<632x128xf32, #tpu.memory_space<hbm>>) target(%dma_start3A_186 : memref<632x128xf32, #tpu.memory_space<vmem_shared>>) target_semaphore(%run_scoped3A : memref<!tpu.dma_semaphore, #tpu.memory_space<semaphore_mem>>)
        %dma_wait3A_187 = arith.constant 0 : i32
        %dma_wait3A_188 = tpu.memref_slice %arg7[%mul3A_4, %dma_wait3A_187] : memref<10000x128xf32, #tpu.memory_space<vmem_shared>> -> memref<632x128xf32, #tpu.memory_space<vmem_shared>>
        tpu.wait_dma2 semaphore(%run_scoped3A : memref<!tpu.dma_semaphore, #tpu.memory_space<semaphore_mem>>) src(%arg5 : memref<632x128xf32, #tpu.memory_space<hbm>>) dst(%dma_wait3A_188 : memref<632x128xf32, #tpu.memory_space<vmem_shared>>)
        tpu.yield
      }) : () -> ()
    } else {
    }
    %eq3A = arith.constant 15 : i32
    %eq3A_7 = arith.cmpi eq, %arg1, %eq3A : i32
    %convert_element_type3A_8 = arith.extui %eq3A_7 : i1 to i32
    %cond3A_9 = arith.constant 0 : i32
    %cond3A_10 = arith.cmpi ne, %convert_element_type3A_8, %cond3A_9 : i32
    scf.if %cond3A_10 {
      "tpu.region"() ({
        %run_scoped3A = tpu.sem_alloc : memref<!tpu.dma_semaphore, #tpu.memory_space<semaphore_mem>>
        %dma_start3A_185 = arith.constant 0 : i32
        %dma_start3A_186 = tpu.memref_slice %arg7[%mul3A_4, %dma_start3A_185] : memref<10000x128xf32, #tpu.memory_space<vmem_shared>> -> memref<520x128xf32, #tpu.memory_space<vmem_shared>>
        %dma_start3A_187 = arith.constant 0 : i32
        %dma_start3A_188 = arith.constant 0 : i32
        %dma_start3A_189 = tpu.memref_slice %arg5[%dma_start3A_187, %dma_start3A_188] : memref<632x128xf32, #tpu.memory_space<hbm>> -> memref<520x128xf32, #tpu.memory_space<hbm>>
        tpu.enqueue_dma source(%dma_start3A_189 : memref<520x128xf32, #tpu.memory_space<hbm>>) target(%dma_start3A_186 : memref<520x128xf32, #tpu.memory_space<vmem_shared>>) target_semaphore(%run_scoped3A : memref<!tpu.dma_semaphore, #tpu.memory_space<semaphore_mem>>)
        %dma_wait3A_190 = arith.constant 0 : i32
        %dma_wait3A_191 = tpu.memref_slice %arg7[%mul3A_4, %dma_wait3A_190] : memref<10000x128xf32, #tpu.memory_space<vmem_shared>> -> memref<520x128xf32, #tpu.memory_space<vmem_shared>>
        %dma_wait3A_192 = arith.constant 0 : i32
        %dma_wait3A_193 = arith.constant 0 : i32
        %dma_wait3A_194 = tpu.memref_slice %arg5[%dma_wait3A_192, %dma_wait3A_193] : memref<632x128xf32, #tpu.memory_space<hbm>> -> memref<520x128xf32, #tpu.memory_space<hbm>>
        tpu.wait_dma2 semaphore(%run_scoped3A : memref<!tpu.dma_semaphore, #tpu.memory_space<semaphore_mem>>) src(%dma_wait3A_194 : memref<520x128xf32, #tpu.memory_space<hbm>>) dst(%dma_wait3A_191 : memref<520x128xf32, #tpu.memory_space<vmem_shared>>)
        tpu.yield
      }) : () -> ()
    } else {
    }
    %barrier3A = arith.constant 0 : index
    tpu.barrier barrier_id(%barrier3A)
    %add3A_11 = arith.constant 0 : i32
    %add3A_12 = arith.addi %mul3A_2, %add3A_11 : i32
    %dma_start3A = tpu.memref_slice %arg3[%add3A_12] : memref<320000xi32, #tpu.memory_space<hbm>> -> memref<40xi32, #tpu.memory_space<hbm>>
    %dma_start3A_13 = tpu.memref_slice %arg3[%add3A_12] : memref<320000xi32, #tpu.memory_space<hbm>> -> memref<40xi32, #tpu.memory_space<hbm>>
    tpu.enqueue_dma source(%dma_start3A_13 : memref<40xi32, #tpu.memory_space<hbm>>) target(%arg13 : memref<40xi32, #tpu.memory_space<vmem>>) target_semaphore(%arg23 : memref<!tpu.dma_semaphore, #tpu.memory_space<semaphore_mem>>)
    %dma_start3A_14 = tpu.memref_slice %arg4[%add3A_12] : memref<320000xi32, #tpu.memory_space<hbm>> -> memref<40xi32, #tpu.memory_space<hbm>>
    %dma_start3A_15 = tpu.memref_slice %arg4[%add3A_12] : memref<320000xi32, #tpu.memory_space<hbm>> -> memref<40xi32, #tpu.memory_space<hbm>>
    tpu.enqueue_dma source(%dma_start3A_15 : memref<40xi32, #tpu.memory_space<hbm>>) target(%arg18 : memref<40xi32, #tpu.memory_space<vmem>>) target_semaphore(%arg28 : memref<!tpu.dma_semaphore, #tpu.memory_space<semaphore_mem>>)
    %add3A_16 = arith.constant 40 : i32
    %add3A_17 = arith.addi %mul3A_2, %add3A_16 : i32
    %dma_start3A_18 = tpu.memref_slice %arg3[%add3A_17] : memref<320000xi32, #tpu.memory_space<hbm>> -> memref<40xi32, #tpu.memory_space<hbm>>
    %dma_start3A_19 = tpu.memref_slice %arg3[%add3A_17] : memref<320000xi32, #tpu.memory_space<hbm>> -> memref<40xi32, #tpu.memory_space<hbm>>
    tpu.enqueue_dma source(%dma_start3A_19 : memref<40xi32, #tpu.memory_space<hbm>>) target(%arg14 : memref<40xi32, #tpu.memory_space<vmem>>) target_semaphore(%arg24 : memref<!tpu.dma_semaphore, #tpu.memory_space<semaphore_mem>>)
    %dma_start3A_20 = tpu.memref_slice %arg4[%add3A_17] : memref<320000xi32, #tpu.memory_space<hbm>> -> memref<40xi32, #tpu.memory_space<hbm>>
    %dma_start3A_21 = tpu.memref_slice %arg4[%add3A_17] : memref<320000xi32, #tpu.memory_space<hbm>> -> memref<40xi32, #tpu.memory_space<hbm>>
    tpu.enqueue_dma source(%dma_start3A_21 : memref<40xi32, #tpu.memory_space<hbm>>) target(%arg19 : memref<40xi32, #tpu.memory_space<vmem>>) target_semaphore(%arg29 : memref<!tpu.dma_semaphore, #tpu.memory_space<semaphore_mem>>)
    %add3A_22 = arith.constant 80 : i32
    %add3A_23 = arith.addi %mul3A_2, %add3A_22 : i32
    %dma_start3A_24 = tpu.memref_slice %arg3[%add3A_23] : memref<320000xi32, #tpu.memory_space<hbm>> -> memref<40xi32, #tpu.memory_space<hbm>>
    %dma_start3A_25 = tpu.memref_slice %arg3[%add3A_23] : memref<320000xi32, #tpu.memory_space<hbm>> -> memref<40xi32, #tpu.memory_space<hbm>>
    tpu.enqueue_dma source(%dma_start3A_25 : memref<40xi32, #tpu.memory_space<hbm>>) target(%arg15 : memref<40xi32, #tpu.memory_space<vmem>>) target_semaphore(%arg25 : memref<!tpu.dma_semaphore, #tpu.memory_space<semaphore_mem>>)
    %dma_start3A_26 = tpu.memref_slice %arg4[%add3A_23] : memref<320000xi32, #tpu.memory_space<hbm>> -> memref<40xi32, #tpu.memory_space<hbm>>
    %dma_start3A_27 = tpu.memref_slice %arg4[%add3A_23] : memref<320000xi32, #tpu.memory_space<hbm>> -> memref<40xi32, #tpu.memory_space<hbm>>
    tpu.enqueue_dma source(%dma_start3A_27 : memref<40xi32, #tpu.memory_space<hbm>>) target(%arg20 : memref<40xi32, #tpu.memory_space<vmem>>) target_semaphore(%arg30 : memref<!tpu.dma_semaphore, #tpu.memory_space<semaphore_mem>>)
    %add3A_28 = arith.constant 120 : i32
    %add3A_29 = arith.addi %mul3A_2, %add3A_28 : i32
    %dma_start3A_30 = tpu.memref_slice %arg3[%add3A_29] : memref<320000xi32, #tpu.memory_space<hbm>> -> memref<40xi32, #tpu.memory_space<hbm>>
    %dma_start3A_31 = tpu.memref_slice %arg3[%add3A_29] : memref<320000xi32, #tpu.memory_space<hbm>> -> memref<40xi32, #tpu.memory_space<hbm>>
    tpu.enqueue_dma source(%dma_start3A_31 : memref<40xi32, #tpu.memory_space<hbm>>) target(%arg16 : memref<40xi32, #tpu.memory_space<vmem>>) target_semaphore(%arg26 : memref<!tpu.dma_semaphore, #tpu.memory_space<semaphore_mem>>)
    %dma_start3A_32 = tpu.memref_slice %arg4[%add3A_29] : memref<320000xi32, #tpu.memory_space<hbm>> -> memref<40xi32, #tpu.memory_space<hbm>>
    %dma_start3A_33 = tpu.memref_slice %arg4[%add3A_29] : memref<320000xi32, #tpu.memory_space<hbm>> -> memref<40xi32, #tpu.memory_space<hbm>>
    tpu.enqueue_dma source(%dma_start3A_33 : memref<40xi32, #tpu.memory_space<hbm>>) target(%arg21 : memref<40xi32, #tpu.memory_space<vmem>>) target_semaphore(%arg31 : memref<!tpu.dma_semaphore, #tpu.memory_space<semaphore_mem>>)
    %add3A_34 = arith.constant 160 : i32
    %add3A_35 = arith.addi %mul3A_2, %add3A_34 : i32
    %dma_start3A_36 = tpu.memref_slice %arg3[%add3A_35] : memref<320000xi32, #tpu.memory_space<hbm>> -> memref<40xi32, #tpu.memory_space<hbm>>
    %dma_start3A_37 = tpu.memref_slice %arg3[%add3A_35] : memref<320000xi32, #tpu.memory_space<hbm>> -> memref<40xi32, #tpu.memory_space<hbm>>
    tpu.enqueue_dma source(%dma_start3A_37 : memref<40xi32, #tpu.memory_space<hbm>>) target(%arg17 : memref<40xi32, #tpu.memory_space<vmem>>) target_semaphore(%arg27 : memref<!tpu.dma_semaphore, #tpu.memory_space<semaphore_mem>>)
    %dma_start3A_38 = tpu.memref_slice %arg4[%add3A_35] : memref<320000xi32, #tpu.memory_space<hbm>> -> memref<40xi32, #tpu.memory_space<hbm>>
    %dma_start3A_39 = tpu.memref_slice %arg4[%add3A_35] : memref<320000xi32, #tpu.memory_space<hbm>> -> memref<40xi32, #tpu.memory_space<hbm>>
    tpu.enqueue_dma source(%dma_start3A_39 : memref<40xi32, #tpu.memory_space<hbm>>) target(%arg22 : memref<40xi32, #tpu.memory_space<vmem>>) target_semaphore(%arg32 : memref<!tpu.dma_semaphore, #tpu.memory_space<semaphore_mem>>)
    %dma_wait3A = arith.constant 0 : i32
    %dma_wait3A_40 = tpu.memref_slice %arg3[%dma_wait3A] : memref<320000xi32, #tpu.memory_space<hbm>> -> memref<40xi32, #tpu.memory_space<hbm>>
    %dma_wait3A_41 = arith.constant 0 : i32
    %dma_wait3A_42 = tpu.memref_slice %arg3[%dma_wait3A_41] : memref<320000xi32, #tpu.memory_space<hbm>> -> memref<40xi32, #tpu.memory_space<hbm>>
    tpu.wait_dma2 semaphore(%arg23 : memref<!tpu.dma_semaphore, #tpu.memory_space<semaphore_mem>>) src(%dma_wait3A_42 : memref<40xi32, #tpu.memory_space<hbm>>) dst(%arg13 : memref<40xi32, #tpu.memory_space<vmem>>)
    %dma_start3A_43 = arith.constant 0 : i32
    %dma_start3A_44 = arith.constant 0 : i32
    %dma_start3A_45 = tpu.memref_slice %arg2[%dma_start3A_43, %dma_start3A_44] : memref<10000x128xf32, #tpu.memory_space<hbm>> -> memref<10000x128xf32, #tpu.memory_space<hbm>>
    tpu.enqueue_indirect_dma source(%dma_start3A_45 : memref<10000x128xf32, #tpu.memory_space<hbm>>) target(%arg8 : memref<40x128xf32, #tpu.memory_space<vmem>>) offsets(%arg13 : memref<40xi32, #tpu.memory_space<vmem>>) semaphore(%arg33 : memref<!tpu.dma_semaphore, #tpu.memory_space<semaphore_mem>>)
    %dma_wait3A_46 = arith.constant 0 : i32
    %dma_wait3A_47 = tpu.memref_slice %arg3[%dma_wait3A_46] : memref<320000xi32, #tpu.memory_space<hbm>> -> memref<40xi32, #tpu.memory_space<hbm>>
    %dma_wait3A_48 = arith.constant 0 : i32
    %dma_wait3A_49 = tpu.memref_slice %arg3[%dma_wait3A_48] : memref<320000xi32, #tpu.memory_space<hbm>> -> memref<40xi32, #tpu.memory_space<hbm>>
    tpu.wait_dma2 semaphore(%arg24 : memref<!tpu.dma_semaphore, #tpu.memory_space<semaphore_mem>>) src(%dma_wait3A_49 : memref<40xi32, #tpu.memory_space<hbm>>) dst(%arg13 : memref<40xi32, #tpu.memory_space<vmem>>)
    %dma_start3A_50 = arith.constant 0 : i32
    %dma_start3A_51 = arith.constant 0 : i32
    %dma_start3A_52 = tpu.memref_slice %arg2[%dma_start3A_50, %dma_start3A_51] : memref<10000x128xf32, #tpu.memory_space<hbm>> -> memref<10000x128xf32, #tpu.memory_space<hbm>>
    tpu.enqueue_indirect_dma source(%dma_start3A_52 : memref<10000x128xf32, #tpu.memory_space<hbm>>) target(%arg9 : memref<40x128xf32, #tpu.memory_space<vmem>>) offsets(%arg14 : memref<40xi32, #tpu.memory_space<vmem>>) semaphore(%arg34 : memref<!tpu.dma_semaphore, #tpu.memory_space<semaphore_mem>>)
    %dma_wait3A_53 = arith.constant 0 : i32
    %dma_wait3A_54 = tpu.memref_slice %arg3[%dma_wait3A_53] : memref<320000xi32, #tpu.memory_space<hbm>> -> memref<40xi32, #tpu.memory_space<hbm>>
    %dma_wait3A_55 = arith.constant 0 : i32
    %dma_wait3A_56 = tpu.memref_slice %arg3[%dma_wait3A_55] : memref<320000xi32, #tpu.memory_space<hbm>> -> memref<40xi32, #tpu.memory_space<hbm>>
    tpu.wait_dma2 semaphore(%arg25 : memref<!tpu.dma_semaphore, #tpu.memory_space<semaphore_mem>>) src(%dma_wait3A_56 : memref<40xi32, #tpu.memory_space<hbm>>) dst(%arg13 : memref<40xi32, #tpu.memory_space<vmem>>)
    %dma_start3A_57 = arith.constant 0 : i32
    %dma_start3A_58 = arith.constant 0 : i32
    %dma_start3A_59 = tpu.memref_slice %arg2[%dma_start3A_57, %dma_start3A_58] : memref<10000x128xf32, #tpu.memory_space<hbm>> -> memref<10000x128xf32, #tpu.memory_space<hbm>>
    tpu.enqueue_indirect_dma source(%dma_start3A_59 : memref<10000x128xf32, #tpu.memory_space<hbm>>) target(%arg10 : memref<40x128xf32, #tpu.memory_space<vmem>>) offsets(%arg15 : memref<40xi32, #tpu.memory_space<vmem>>) semaphore(%arg35 : memref<!tpu.dma_semaphore, #tpu.memory_space<semaphore_mem>>)
    %dma_wait3A_60 = arith.constant 0 : i32
    %dma_wait3A_61 = tpu.memref_slice %arg3[%dma_wait3A_60] : memref<320000xi32, #tpu.memory_space<hbm>> -> memref<40xi32, #tpu.memory_space<hbm>>
    %dma_wait3A_62 = arith.constant 0 : i32
    %dma_wait3A_63 = tpu.memref_slice %arg3[%dma_wait3A_62] : memref<320000xi32, #tpu.memory_space<hbm>> -> memref<40xi32, #tpu.memory_space<hbm>>
    tpu.wait_dma2 semaphore(%arg26 : memref<!tpu.dma_semaphore, #tpu.memory_space<semaphore_mem>>) src(%dma_wait3A_63 : memref<40xi32, #tpu.memory_space<hbm>>) dst(%arg13 : memref<40xi32, #tpu.memory_space<vmem>>)
    %dma_start3A_64 = arith.constant 0 : i32
    %dma_start3A_65 = arith.constant 0 : i32
    %dma_start3A_66 = tpu.memref_slice %arg2[%dma_start3A_64, %dma_start3A_65] : memref<10000x128xf32, #tpu.memory_space<hbm>> -> memref<10000x128xf32, #tpu.memory_space<hbm>>
    tpu.enqueue_indirect_dma source(%dma_start3A_66 : memref<10000x128xf32, #tpu.memory_space<hbm>>) target(%arg11 : memref<40x128xf32, #tpu.memory_space<vmem>>) offsets(%arg16 : memref<40xi32, #tpu.memory_space<vmem>>) semaphore(%arg36 : memref<!tpu.dma_semaphore, #tpu.memory_space<semaphore_mem>>)
    %dma_wait3A_67 = arith.constant 0 : i32
    %dma_wait3A_68 = tpu.memref_slice %arg3[%dma_wait3A_67] : memref<320000xi32, #tpu.memory_space<hbm>> -> memref<40xi32, #tpu.memory_space<hbm>>
    %dma_wait3A_69 = arith.constant 0 : i32
    %dma_wait3A_70 = tpu.memref_slice %arg3[%dma_wait3A_69] : memref<320000xi32, #tpu.memory_space<hbm>> -> memref<40xi32, #tpu.memory_space<hbm>>
    tpu.wait_dma2 semaphore(%arg27 : memref<!tpu.dma_semaphore, #tpu.memory_space<semaphore_mem>>) src(%dma_wait3A_70 : memref<40xi32, #tpu.memory_space<hbm>>) dst(%arg13 : memref<40xi32, #tpu.memory_space<vmem>>)
    %dma_start3A_71 = arith.constant 0 : i32
    %dma_start3A_72 = arith.constant 0 : i32
    %dma_start3A_73 = tpu.memref_slice %arg2[%dma_start3A_71, %dma_start3A_72] : memref<10000x128xf32, #tpu.memory_space<hbm>> -> memref<10000x128xf32, #tpu.memory_space<hbm>>
    tpu.enqueue_indirect_dma source(%dma_start3A_73 : memref<10000x128xf32, #tpu.memory_space<hbm>>) target(%arg12 : memref<40x128xf32, #tpu.memory_space<vmem>>) offsets(%arg17 : memref<40xi32, #tpu.memory_space<vmem>>) semaphore(%arg37 : memref<!tpu.dma_semaphore, #tpu.memory_space<semaphore_mem>>)
    %scan3A = arith.constant 0 : i32
    %scan3A_74 = arith.constant 0 : i32
    %scan3A_75 = arith.constant 49 : i32
    %scan3A_76 = arith.addi %scan3A_74, %scan3A_75 : i32
    %scan3A_77 = arith.constant 1 : i32
    scf.for %scan3A_185 = %scan3A_74 to %scan3A_76 step %scan3A_77  : i32 {
      %mul3A_186 = arith.constant 5 : i32
      %mul3A_187 = arith.muli %mul3A_186, %scan3A_185 : i32
      %dma_wait3A_188 = arith.constant 0 : i32
      %dma_wait3A_189 = arith.constant 0 : i32
      %dma_wait3A_190 = tpu.memref_slice %arg2[%dma_wait3A_188, %dma_wait3A_189] : memref<10000x128xf32, #tpu.memory_space<hbm>> -> memref<40x128xf32, #tpu.memory_space<hbm>>
      %dma_wait3A_191 = arith.constant 0 : i32
      %dma_wait3A_192 = arith.constant 0 : i32
      %dma_wait3A_193 = tpu.memref_slice %arg2[%dma_wait3A_191, %dma_wait3A_192] : memref<10000x128xf32, #tpu.memory_space<hbm>> -> memref<40x128xf32, #tpu.memory_space<hbm>>
      tpu.wait_dma2 semaphore(%arg33 : memref<!tpu.dma_semaphore, #tpu.memory_space<semaphore_mem>>) src(%dma_wait3A_193 : memref<40x128xf32, #tpu.memory_space<hbm>>) dst(%arg8 : memref<40x128xf32, #tpu.memory_space<vmem>>)
      %dma_wait3A_194 = arith.constant 0 : i32
      %dma_wait3A_195 = tpu.memref_slice %arg3[%dma_wait3A_194] : memref<320000xi32, #tpu.memory_space<hbm>> -> memref<40xi32, #tpu.memory_space<hbm>>
      %dma_wait3A_196 = arith.constant 0 : i32
      %dma_wait3A_197 = tpu.memref_slice %arg3[%dma_wait3A_196] : memref<320000xi32, #tpu.memory_space<hbm>> -> memref<40xi32, #tpu.memory_space<hbm>>
      tpu.wait_dma2 semaphore(%arg28 : memref<!tpu.dma_semaphore, #tpu.memory_space<semaphore_mem>>) src(%dma_wait3A_197 : memref<40xi32, #tpu.memory_space<hbm>>) dst(%arg13 : memref<40xi32, #tpu.memory_space<vmem>>)
      %dma_start3A_198 = arith.constant 0 : i32
      %dma_start3A_199 = arith.constant 0 : i32
      %dma_start3A_200 = tpu.memref_slice %arg7[%dma_start3A_198, %dma_start3A_199] : memref<10000x128xf32, #tpu.memory_space<vmem_shared>> -> memref<10000x128xf32, #tpu.memory_space<vmem_shared>>
      tpu.enqueue_indirect_dma source(%arg8 : memref<40x128xf32, #tpu.memory_space<vmem>>) target(%dma_start3A_200 : memref<10000x128xf32, #tpu.memory_space<vmem_shared>>) offsets(%arg18 : memref<40xi32, #tpu.memory_space<vmem>>) semaphore(%arg38 : memref<!tpu.dma_semaphore, #tpu.memory_space<semaphore_mem>>) {add = true}
      %add3A_201 = arith.constant 0 : i32
      %add3A_202 = arith.addi %mul3A_187, %add3A_201 : i32
      %add3A_203 = arith.constant 5 : i32
      %add3A_204 = arith.addi %add3A_202, %add3A_203 : i32
      %mul3A_205 = arith.constant 40 : i32
      %mul3A_206 = arith.muli %add3A_204, %mul3A_205 : i32
      %add3A_207 = arith.addi %mul3A_2, %mul3A_206 : i32
      %dma_start3A_208 = tpu.memref_slice %arg3[%add3A_207] : memref<320000xi32, #tpu.memory_space<hbm>> -> memref<40xi32, #tpu.memory_space<hbm>>
      %dma_start3A_209 = tpu.memref_slice %arg3[%add3A_207] : memref<320000xi32, #tpu.memory_space<hbm>> -> memref<40xi32, #tpu.memory_space<hbm>>
      tpu.enqueue_dma source(%dma_start3A_209 : memref<40xi32, #tpu.memory_space<hbm>>) target(%arg13 : memref<40xi32, #tpu.memory_space<vmem>>) target_semaphore(%arg23 : memref<!tpu.dma_semaphore, #tpu.memory_space<semaphore_mem>>)
      %dma_start3A_210 = tpu.memref_slice %arg4[%add3A_207] : memref<320000xi32, #tpu.memory_space<hbm>> -> memref<40xi32, #tpu.memory_space<hbm>>
      %dma_start3A_211 = tpu.memref_slice %arg4[%add3A_207] : memref<320000xi32, #tpu.memory_space<hbm>> -> memref<40xi32, #tpu.memory_space<hbm>>
      tpu.enqueue_dma source(%dma_start3A_211 : memref<40xi32, #tpu.memory_space<hbm>>) target(%arg18 : memref<40xi32, #tpu.memory_space<vmem>>) target_semaphore(%arg28 : memref<!tpu.dma_semaphore, #tpu.memory_space<semaphore_mem>>)
      %dma_wait3A_212 = arith.constant 0 : i32
      %dma_wait3A_213 = arith.constant 0 : i32
      %dma_wait3A_214 = tpu.memref_slice %arg2[%dma_wait3A_212, %dma_wait3A_213] : memref<10000x128xf32, #tpu.memory_space<hbm>> -> memref<40x128xf32, #tpu.memory_space<hbm>>
      %dma_wait3A_215 = arith.constant 0 : i32
      %dma_wait3A_216 = arith.constant 0 : i32
      %dma_wait3A_217 = tpu.memref_slice %arg2[%dma_wait3A_215, %dma_wait3A_216] : memref<10000x128xf32, #tpu.memory_space<hbm>> -> memref<40x128xf32, #tpu.memory_space<hbm>>
      tpu.wait_dma2 semaphore(%arg38 : memref<!tpu.dma_semaphore, #tpu.memory_space<semaphore_mem>>) src(%dma_wait3A_217 : memref<40x128xf32, #tpu.memory_space<hbm>>) dst(%arg8 : memref<40x128xf32, #tpu.memory_space<vmem>>)
      %dma_wait3A_218 = arith.constant 0 : i32
      %dma_wait3A_219 = tpu.memref_slice %arg3[%dma_wait3A_218] : memref<320000xi32, #tpu.memory_space<hbm>> -> memref<40xi32, #tpu.memory_space<hbm>>
      %dma_wait3A_220 = arith.constant 0 : i32
      %dma_wait3A_221 = tpu.memref_slice %arg3[%dma_wait3A_220] : memref<320000xi32, #tpu.memory_space<hbm>> -> memref<40xi32, #tpu.memory_space<hbm>>
      tpu.wait_dma2 semaphore(%arg23 : memref<!tpu.dma_semaphore, #tpu.memory_space<semaphore_mem>>) src(%dma_wait3A_221 : memref<40xi32, #tpu.memory_space<hbm>>) dst(%arg13 : memref<40xi32, #tpu.memory_space<vmem>>)
      %dma_start3A_222 = arith.constant 0 : i32
      %dma_start3A_223 = arith.constant 0 : i32
      %dma_start3A_224 = tpu.memref_slice %arg2[%dma_start3A_222, %dma_start3A_223] : memref<10000x128xf32, #tpu.memory_space<hbm>> -> memref<10000x128xf32, #tpu.memory_space<hbm>>
      tpu.enqueue_indirect_dma source(%dma_start3A_224 : memref<10000x128xf32, #tpu.memory_space<hbm>>) target(%arg8 : memref<40x128xf32, #tpu.memory_space<vmem>>) offsets(%arg13 : memref<40xi32, #tpu.memory_space<vmem>>) semaphore(%arg33 : memref<!tpu.dma_semaphore, #tpu.memory_space<semaphore_mem>>)
      %dma_wait3A_225 = arith.constant 0 : i32
      %dma_wait3A_226 = arith.constant 0 : i32
      %dma_wait3A_227 = tpu.memref_slice %arg2[%dma_wait3A_225, %dma_wait3A_226] : memref<10000x128xf32, #tpu.memory_space<hbm>> -> memref<40x128xf32, #tpu.memory_space<hbm>>
      %dma_wait3A_228 = arith.constant 0 : i32
      %dma_wait3A_229 = arith.constant 0 : i32
      %dma_wait3A_230 = tpu.memref_slice %arg2[%dma_wait3A_228, %dma_wait3A_229] : memref<10000x128xf32, #tpu.memory_space<hbm>> -> memref<40x128xf32, #tpu.memory_space<hbm>>
      tpu.wait_dma2 semaphore(%arg34 : memref<!tpu.dma_semaphore, #tpu.memory_space<semaphore_mem>>) src(%dma_wait3A_230 : memref<40x128xf32, #tpu.memory_space<hbm>>) dst(%arg8 : memref<40x128xf32, #tpu.memory_space<vmem>>)
      %dma_wait3A_231 = arith.constant 0 : i32
      %dma_wait3A_232 = tpu.memref_slice %arg3[%dma_wait3A_231] : memref<320000xi32, #tpu.memory_space<hbm>> -> memref<40xi32, #tpu.memory_space<hbm>>
      %dma_wait3A_233 = arith.constant 0 : i32
      %dma_wait3A_234 = tpu.memref_slice %arg3[%dma_wait3A_233] : memref<320000xi32, #tpu.memory_space<hbm>> -> memref<40xi32, #tpu.memory_space<hbm>>
      tpu.wait_dma2 semaphore(%arg29 : memref<!tpu.dma_semaphore, #tpu.memory_space<semaphore_mem>>) src(%dma_wait3A_234 : memref<40xi32, #tpu.memory_space<hbm>>) dst(%arg13 : memref<40xi32, #tpu.memory_space<vmem>>)
      %dma_start3A_235 = arith.constant 0 : i32
      %dma_start3A_236 = arith.constant 0 : i32
      %dma_start3A_237 = tpu.memref_slice %arg7[%dma_start3A_235, %dma_start3A_236] : memref<10000x128xf32, #tpu.memory_space<vmem_shared>> -> memref<10000x128xf32, #tpu.memory_space<vmem_shared>>
      tpu.enqueue_indirect_dma source(%arg9 : memref<40x128xf32, #tpu.memory_space<vmem>>) target(%dma_start3A_237 : memref<10000x128xf32, #tpu.memory_space<vmem_shared>>) offsets(%arg19 : memref<40xi32, #tpu.memory_space<vmem>>) semaphore(%arg39 : memref<!tpu.dma_semaphore, #tpu.memory_space<semaphore_mem>>) {add = true}
      %add3A_238 = arith.constant 1 : i32
      %add3A_239 = arith.addi %mul3A_187, %add3A_238 : i32
      %add3A_240 = arith.constant 5 : i32
      %add3A_241 = arith.addi %add3A_239, %add3A_240 : i32
      %mul3A_242 = arith.constant 40 : i32
      %mul3A_243 = arith.muli %add3A_241, %mul3A_242 : i32
      %add3A_244 = arith.addi %mul3A_2, %mul3A_243 : i32
      %dma_start3A_245 = tpu.memref_slice %arg3[%add3A_244] : memref<320000xi32, #tpu.memory_space<hbm>> -> memref<40xi32, #tpu.memory_space<hbm>>
      %dma_start3A_246 = tpu.memref_slice %arg3[%add3A_244] : memref<320000xi32, #tpu.memory_space<hbm>> -> memref<40xi32, #tpu.memory_space<hbm>>
      tpu.enqueue_dma source(%dma_start3A_246 : memref<40xi32, #tpu.memory_space<hbm>>) target(%arg14 : memref<40xi32, #tpu.memory_space<vmem>>) target_semaphore(%arg24 : memref<!tpu.dma_semaphore, #tpu.memory_space<semaphore_mem>>)
      %dma_start3A_247 = tpu.memref_slice %arg4[%add3A_244] : memref<320000xi32, #tpu.memory_space<hbm>> -> memref<40xi32, #tpu.memory_space<hbm>>
      %dma_start3A_248 = tpu.memref_slice %arg4[%add3A_244] : memref<320000xi32, #tpu.memory_space<hbm>> -> memref<40xi32, #tpu.memory_space<hbm>>
      tpu.enqueue_dma source(%dma_start3A_248 : memref<40xi32, #tpu.memory_space<hbm>>) target(%arg19 : memref<40xi32, #tpu.memory_space<vmem>>) target_semaphore(%arg29 : memref<!tpu.dma_semaphore, #tpu.memory_space<semaphore_mem>>)
      %dma_wait3A_249 = arith.constant 0 : i32
      %dma_wait3A_250 = arith.constant 0 : i32
      %dma_wait3A_251 = tpu.memref_slice %arg2[%dma_wait3A_249, %dma_wait3A_250] : memref<10000x128xf32, #tpu.memory_space<hbm>> -> memref<40x128xf32, #tpu.memory_space<hbm>>
      %dma_wait3A_252 = arith.constant 0 : i32
      %dma_wait3A_253 = arith.constant 0 : i32
      %dma_wait3A_254 = tpu.memref_slice %arg2[%dma_wait3A_252, %dma_wait3A_253] : memref<10000x128xf32, #tpu.memory_space<hbm>> -> memref<40x128xf32, #tpu.memory_space<hbm>>
      tpu.wait_dma2 semaphore(%arg39 : memref<!tpu.dma_semaphore, #tpu.memory_space<semaphore_mem>>) src(%dma_wait3A_254 : memref<40x128xf32, #tpu.memory_space<hbm>>) dst(%arg8 : memref<40x128xf32, #tpu.memory_space<vmem>>)
      %dma_wait3A_255 = arith.constant 0 : i32
      %dma_wait3A_256 = tpu.memref_slice %arg3[%dma_wait3A_255] : memref<320000xi32, #tpu.memory_space<hbm>> -> memref<40xi32, #tpu.memory_space<hbm>>
      %dma_wait3A_257 = arith.constant 0 : i32
      %dma_wait3A_258 = tpu.memref_slice %arg3[%dma_wait3A_257] : memref<320000xi32, #tpu.memory_space<hbm>> -> memref<40xi32, #tpu.memory_space<hbm>>
      tpu.wait_dma2 semaphore(%arg24 : memref<!tpu.dma_semaphore, #tpu.memory_space<semaphore_mem>>) src(%dma_wait3A_258 : memref<40xi32, #tpu.memory_space<hbm>>) dst(%arg13 : memref<40xi32, #tpu.memory_space<vmem>>)
      %dma_start3A_259 = arith.constant 0 : i32
      %dma_start3A_260 = arith.constant 0 : i32
      %dma_start3A_261 = tpu.memref_slice %arg2[%dma_start3A_259, %dma_start3A_260] : memref<10000x128xf32, #tpu.memory_space<hbm>> -> memref<10000x128xf32, #tpu.memory_space<hbm>>
      tpu.enqueue_indirect_dma source(%dma_start3A_261 : memref<10000x128xf32, #tpu.memory_space<hbm>>) target(%arg9 : memref<40x128xf32, #tpu.memory_space<vmem>>) offsets(%arg14 : memref<40xi32, #tpu.memory_space<vmem>>) semaphore(%arg34 : memref<!tpu.dma_semaphore, #tpu.memory_space<semaphore_mem>>)
      %dma_wait3A_262 = arith.constant 0 : i32
      %dma_wait3A_263 = arith.constant 0 : i32
      %dma_wait3A_264 = tpu.memref_slice %arg2[%dma_wait3A_262, %dma_wait3A_263] : memref<10000x128xf32, #tpu.memory_space<hbm>> -> memref<40x128xf32, #tpu.memory_space<hbm>>
      %dma_wait3A_265 = arith.constant 0 : i32
      %dma_wait3A_266 = arith.constant 0 : i32
      %dma_wait3A_267 = tpu.memref_slice %arg2[%dma_wait3A_265, %dma_wait3A_266] : memref<10000x128xf32, #tpu.memory_space<hbm>> -> memref<40x128xf32, #tpu.memory_space<hbm>>
      tpu.wait_dma2 semaphore(%arg35 : memref<!tpu.dma_semaphore, #tpu.memory_space<semaphore_mem>>) src(%dma_wait3A_267 : memref<40x128xf32, #tpu.memory_space<hbm>>) dst(%arg8 : memref<40x128xf32, #tpu.memory_space<vmem>>)
      %dma_wait3A_268 = arith.constant 0 : i32
      %dma_wait3A_269 = tpu.memref_slice %arg3[%dma_wait3A_268] : memref<320000xi32, #tpu.memory_space<hbm>> -> memref<40xi32, #tpu.memory_space<hbm>>
      %dma_wait3A_270 = arith.constant 0 : i32
      %dma_wait3A_271 = tpu.memref_slice %arg3[%dma_wait3A_270] : memref<320000xi32, #tpu.memory_space<hbm>> -> memref<40xi32, #tpu.memory_space<hbm>>
      tpu.wait_dma2 semaphore(%arg30 : memref<!tpu.dma_semaphore, #tpu.memory_space<semaphore_mem>>) src(%dma_wait3A_271 : memref<40xi32, #tpu.memory_space<hbm>>) dst(%arg13 : memref<40xi32, #tpu.memory_space<vmem>>)
      %dma_start3A_272 = arith.constant 0 : i32
      %dma_start3A_273 = arith.constant 0 : i32
      %dma_start3A_274 = tpu.memref_slice %arg7[%dma_start3A_272, %dma_start3A_273] : memref<10000x128xf32, #tpu.memory_space<vmem_shared>> -> memref<10000x128xf32, #tpu.memory_space<vmem_shared>>
      tpu.enqueue_indirect_dma source(%arg10 : memref<40x128xf32, #tpu.memory_space<vmem>>) target(%dma_start3A_274 : memref<10000x128xf32, #tpu.memory_space<vmem_shared>>) offsets(%arg20 : memref<40xi32, #tpu.memory_space<vmem>>) semaphore(%arg40 : memref<!tpu.dma_semaphore, #tpu.memory_space<semaphore_mem>>) {add = true}
      %add3A_275 = arith.constant 2 : i32
      %add3A_276 = arith.addi %mul3A_187, %add3A_275 : i32
      %add3A_277 = arith.constant 5 : i32
      %add3A_278 = arith.addi %add3A_276, %add3A_277 : i32
      %mul3A_279 = arith.constant 40 : i32
      %mul3A_280 = arith.muli %add3A_278, %mul3A_279 : i32
      %add3A_281 = arith.addi %mul3A_2, %mul3A_280 : i32
      %dma_start3A_282 = tpu.memref_slice %arg3[%add3A_281] : memref<320000xi32, #tpu.memory_space<hbm>> -> memref<40xi32, #tpu.memory_space<hbm>>
      %dma_start3A_283 = tpu.memref_slice %arg3[%add3A_281] : memref<320000xi32, #tpu.memory_space<hbm>> -> memref<40xi32, #tpu.memory_space<hbm>>
      tpu.enqueue_dma source(%dma_start3A_283 : memref<40xi32, #tpu.memory_space<hbm>>) target(%arg15 : memref<40xi32, #tpu.memory_space<vmem>>) target_semaphore(%arg25 : memref<!tpu.dma_semaphore, #tpu.memory_space<semaphore_mem>>)
      %dma_start3A_284 = tpu.memref_slice %arg4[%add3A_281] : memref<320000xi32, #tpu.memory_space<hbm>> -> memref<40xi32, #tpu.memory_space<hbm>>
      %dma_start3A_285 = tpu.memref_slice %arg4[%add3A_281] : memref<320000xi32, #tpu.memory_space<hbm>> -> memref<40xi32, #tpu.memory_space<hbm>>
      tpu.enqueue_dma source(%dma_start3A_285 : memref<40xi32, #tpu.memory_space<hbm>>) target(%arg20 : memref<40xi32, #tpu.memory_space<vmem>>) target_semaphore(%arg30 : memref<!tpu.dma_semaphore, #tpu.memory_space<semaphore_mem>>)
      %dma_wait3A_286 = arith.constant 0 : i32
      %dma_wait3A_287 = arith.constant 0 : i32
      %dma_wait3A_288 = tpu.memref_slice %arg2[%dma_wait3A_286, %dma_wait3A_287] : memref<10000x128xf32, #tpu.memory_space<hbm>> -> memref<40x128xf32, #tpu.memory_space<hbm>>
      %dma_wait3A_289 = arith.constant 0 : i32
      %dma_wait3A_290 = arith.constant 0 : i32
      %dma_wait3A_291 = tpu.memref_slice %arg2[%dma_wait3A_289, %dma_wait3A_290] : memref<10000x128xf32, #tpu.memory_space<hbm>> -> memref<40x128xf32, #tpu.memory_space<hbm>>
      tpu.wait_dma2 semaphore(%arg40 : memref<!tpu.dma_semaphore, #tpu.memory_space<semaphore_mem>>) src(%dma_wait3A_291 : memref<40x128xf32, #tpu.memory_space<hbm>>) dst(%arg8 : memref<40x128xf32, #tpu.memory_space<vmem>>)
      %dma_wait3A_292 = arith.constant 0 : i32
      %dma_wait3A_293 = tpu.memref_slice %arg3[%dma_wait3A_292] : memref<320000xi32, #tpu.memory_space<hbm>> -> memref<40xi32, #tpu.memory_space<hbm>>
      %dma_wait3A_294 = arith.constant 0 : i32
      %dma_wait3A_295 = tpu.memref_slice %arg3[%dma_wait3A_294] : memref<320000xi32, #tpu.memory_space<hbm>> -> memref<40xi32, #tpu.memory_space<hbm>>
      tpu.wait_dma2 semaphore(%arg25 : memref<!tpu.dma_semaphore, #tpu.memory_space<semaphore_mem>>) src(%dma_wait3A_295 : memref<40xi32, #tpu.memory_space<hbm>>) dst(%arg13 : memref<40xi32, #tpu.memory_space<vmem>>)
      %dma_start3A_296 = arith.constant 0 : i32
      %dma_start3A_297 = arith.constant 0 : i32
      %dma_start3A_298 = tpu.memref_slice %arg2[%dma_start3A_296, %dma_start3A_297] : memref<10000x128xf32, #tpu.memory_space<hbm>> -> memref<10000x128xf32, #tpu.memory_space<hbm>>
      tpu.enqueue_indirect_dma source(%dma_start3A_298 : memref<10000x128xf32, #tpu.memory_space<hbm>>) target(%arg10 : memref<40x128xf32, #tpu.memory_space<vmem>>) offsets(%arg15 : memref<40xi32, #tpu.memory_space<vmem>>) semaphore(%arg35 : memref<!tpu.dma_semaphore, #tpu.memory_space<semaphore_mem>>)
      %dma_wait3A_299 = arith.constant 0 : i32
      %dma_wait3A_300 = arith.constant 0 : i32
      %dma_wait3A_301 = tpu.memref_slice %arg2[%dma_wait3A_299, %dma_wait3A_300] : memref<10000x128xf32, #tpu.memory_space<hbm>> -> memref<40x128xf32, #tpu.memory_space<hbm>>
      %dma_wait3A_302 = arith.constant 0 : i32
      %dma_wait3A_303 = arith.constant 0 : i32
      %dma_wait3A_304 = tpu.memref_slice %arg2[%dma_wait3A_302, %dma_wait3A_303] : memref<10000x128xf32, #tpu.memory_space<hbm>> -> memref<40x128xf32, #tpu.memory_space<hbm>>
      tpu.wait_dma2 semaphore(%arg36 : memref<!tpu.dma_semaphore, #tpu.memory_space<semaphore_mem>>) src(%dma_wait3A_304 : memref<40x128xf32, #tpu.memory_space<hbm>>) dst(%arg8 : memref<40x128xf32, #tpu.memory_space<vmem>>)
      %dma_wait3A_305 = arith.constant 0 : i32
      %dma_wait3A_306 = tpu.memref_slice %arg3[%dma_wait3A_305] : memref<320000xi32, #tpu.memory_space<hbm>> -> memref<40xi32, #tpu.memory_space<hbm>>
      %dma_wait3A_307 = arith.constant 0 : i32
      %dma_wait3A_308 = tpu.memref_slice %arg3[%dma_wait3A_307] : memref<320000xi32, #tpu.memory_space<hbm>> -> memref<40xi32, #tpu.memory_space<hbm>>
      tpu.wait_dma2 semaphore(%arg31 : memref<!tpu.dma_semaphore, #tpu.memory_space<semaphore_mem>>) src(%dma_wait3A_308 : memref<40xi32, #tpu.memory_space<hbm>>) dst(%arg13 : memref<40xi32, #tpu.memory_space<vmem>>)
      %dma_start3A_309 = arith.constant 0 : i32
      %dma_start3A_310 = arith.constant 0 : i32
      %dma_start3A_311 = tpu.memref_slice %arg7[%dma_start3A_309, %dma_start3A_310] : memref<10000x128xf32, #tpu.memory_space<vmem_shared>> -> memref<10000x128xf32, #tpu.memory_space<vmem_shared>>
      tpu.enqueue_indirect_dma source(%arg11 : memref<40x128xf32, #tpu.memory_space<vmem>>) target(%dma_start3A_311 : memref<10000x128xf32, #tpu.memory_space<vmem_shared>>) offsets(%arg21 : memref<40xi32, #tpu.memory_space<vmem>>) semaphore(%arg41 : memref<!tpu.dma_semaphore, #tpu.memory_space<semaphore_mem>>) {add = true}
      %add3A_312 = arith.constant 3 : i32
      %add3A_313 = arith.addi %mul3A_187, %add3A_312 : i32
      %add3A_314 = arith.constant 5 : i32
      %add3A_315 = arith.addi %add3A_313, %add3A_314 : i32
      %mul3A_316 = arith.constant 40 : i32
      %mul3A_317 = arith.muli %add3A_315, %mul3A_316 : i32
      %add3A_318 = arith.addi %mul3A_2, %mul3A_317 : i32
      %dma_start3A_319 = tpu.memref_slice %arg3[%add3A_318] : memref<320000xi32, #tpu.memory_space<hbm>> -> memref<40xi32, #tpu.memory_space<hbm>>
      %dma_start3A_320 = tpu.memref_slice %arg3[%add3A_318] : memref<320000xi32, #tpu.memory_space<hbm>> -> memref<40xi32, #tpu.memory_space<hbm>>
      tpu.enqueue_dma source(%dma_start3A_320 : memref<40xi32, #tpu.memory_space<hbm>>) target(%arg16 : memref<40xi32, #tpu.memory_space<vmem>>) target_semaphore(%arg26 : memref<!tpu.dma_semaphore, #tpu.memory_space<semaphore_mem>>)
      %dma_start3A_321 = tpu.memref_slice %arg4[%add3A_318] : memref<320000xi32, #tpu.memory_space<hbm>> -> memref<40xi32, #tpu.memory_space<hbm>>
      %dma_start3A_322 = tpu.memref_slice %arg4[%add3A_318] : memref<320000xi32, #tpu.memory_space<hbm>> -> memref<40xi32, #tpu.memory_space<hbm>>
      tpu.enqueue_dma source(%dma_start3A_322 : memref<40xi32, #tpu.memory_space<hbm>>) target(%arg21 : memref<40xi32, #tpu.memory_space<vmem>>) target_semaphore(%arg31 : memref<!tpu.dma_semaphore, #tpu.memory_space<semaphore_mem>>)
      %dma_wait3A_323 = arith.constant 0 : i32
      %dma_wait3A_324 = arith.constant 0 : i32
      %dma_wait3A_325 = tpu.memref_slice %arg2[%dma_wait3A_323, %dma_wait3A_324] : memref<10000x128xf32, #tpu.memory_space<hbm>> -> memref<40x128xf32, #tpu.memory_space<hbm>>
      %dma_wait3A_326 = arith.constant 0 : i32
      %dma_wait3A_327 = arith.constant 0 : i32
      %dma_wait3A_328 = tpu.memref_slice %arg2[%dma_wait3A_326, %dma_wait3A_327] : memref<10000x128xf32, #tpu.memory_space<hbm>> -> memref<40x128xf32, #tpu.memory_space<hbm>>
      tpu.wait_dma2 semaphore(%arg41 : memref<!tpu.dma_semaphore, #tpu.memory_space<semaphore_mem>>) src(%dma_wait3A_328 : memref<40x128xf32, #tpu.memory_space<hbm>>) dst(%arg8 : memref<40x128xf32, #tpu.memory_space<vmem>>)
      %dma_wait3A_329 = arith.constant 0 : i32
      %dma_wait3A_330 = tpu.memref_slice %arg3[%dma_wait3A_329] : memref<320000xi32, #tpu.memory_space<hbm>> -> memref<40xi32, #tpu.memory_space<hbm>>
      %dma_wait3A_331 = arith.constant 0 : i32
      %dma_wait3A_332 = tpu.memref_slice %arg3[%dma_wait3A_331] : memref<320000xi32, #tpu.memory_space<hbm>> -> memref<40xi32, #tpu.memory_space<hbm>>
      tpu.wait_dma2 semaphore(%arg26 : memref<!tpu.dma_semaphore, #tpu.memory_space<semaphore_mem>>) src(%dma_wait3A_332 : memref<40xi32, #tpu.memory_space<hbm>>) dst(%arg13 : memref<40xi32, #tpu.memory_space<vmem>>)
      %dma_start3A_333 = arith.constant 0 : i32
      %dma_start3A_334 = arith.constant 0 : i32
      %dma_start3A_335 = tpu.memref_slice %arg2[%dma_start3A_333, %dma_start3A_334] : memref<10000x128xf32, #tpu.memory_space<hbm>> -> memref<10000x128xf32, #tpu.memory_space<hbm>>
      tpu.enqueue_indirect_dma source(%dma_start3A_335 : memref<10000x128xf32, #tpu.memory_space<hbm>>) target(%arg11 : memref<40x128xf32, #tpu.memory_space<vmem>>) offsets(%arg16 : memref<40xi32, #tpu.memory_space<vmem>>) semaphore(%arg36 : memref<!tpu.dma_semaphore, #tpu.memory_space<semaphore_mem>>)
      %dma_wait3A_336 = arith.constant 0 : i32
      %dma_wait3A_337 = arith.constant 0 : i32
      %dma_wait3A_338 = tpu.memref_slice %arg2[%dma_wait3A_336, %dma_wait3A_337] : memref<10000x128xf32, #tpu.memory_space<hbm>> -> memref<40x128xf32, #tpu.memory_space<hbm>>
      %dma_wait3A_339 = arith.constant 0 : i32
      %dma_wait3A_340 = arith.constant 0 : i32
      %dma_wait3A_341 = tpu.memref_slice %arg2[%dma_wait3A_339, %dma_wait3A_340] : memref<10000x128xf32, #tpu.memory_space<hbm>> -> memref<40x128xf32, #tpu.memory_space<hbm>>
      tpu.wait_dma2 semaphore(%arg37 : memref<!tpu.dma_semaphore, #tpu.memory_space<semaphore_mem>>) src(%dma_wait3A_341 : memref<40x128xf32, #tpu.memory_space<hbm>>) dst(%arg8 : memref<40x128xf32, #tpu.memory_space<vmem>>)
      %dma_wait3A_342 = arith.constant 0 : i32
      %dma_wait3A_343 = tpu.memref_slice %arg3[%dma_wait3A_342] : memref<320000xi32, #tpu.memory_space<hbm>> -> memref<40xi32, #tpu.memory_space<hbm>>
      %dma_wait3A_344 = arith.constant 0 : i32
      %dma_wait3A_345 = tpu.memref_slice %arg3[%dma_wait3A_344] : memref<320000xi32, #tpu.memory_space<hbm>> -> memref<40xi32, #tpu.memory_space<hbm>>
      tpu.wait_dma2 semaphore(%arg32 : memref<!tpu.dma_semaphore, #tpu.memory_space<semaphore_mem>>) src(%dma_wait3A_345 : memref<40xi32, #tpu.memory_space<hbm>>) dst(%arg13 : memref<40xi32, #tpu.memory_space<vmem>>)
      %dma_start3A_346 = arith.constant 0 : i32
      %dma_start3A_347 = arith.constant 0 : i32
      %dma_start3A_348 = tpu.memref_slice %arg7[%dma_start3A_346, %dma_start3A_347] : memref<10000x128xf32, #tpu.memory_space<vmem_shared>> -> memref<10000x128xf32, #tpu.memory_space<vmem_shared>>
      tpu.enqueue_indirect_dma source(%arg12 : memref<40x128xf32, #tpu.memory_space<vmem>>) target(%dma_start3A_348 : memref<10000x128xf32, #tpu.memory_space<vmem_shared>>) offsets(%arg22 : memref<40xi32, #tpu.memory_space<vmem>>) semaphore(%arg42 : memref<!tpu.dma_semaphore, #tpu.memory_space<semaphore_mem>>) {add = true}
      %add3A_349 = arith.constant 4 : i32
      %add3A_350 = arith.addi %mul3A_187, %add3A_349 : i32
      %add3A_351 = arith.constant 5 : i32
      %add3A_352 = arith.addi %add3A_350, %add3A_351 : i32
      %mul3A_353 = arith.constant 40 : i32
      %mul3A_354 = arith.muli %add3A_352, %mul3A_353 : i32
      %add3A_355 = arith.addi %mul3A_2, %mul3A_354 : i32
      %dma_start3A_356 = tpu.memref_slice %arg3[%add3A_355] : memref<320000xi32, #tpu.memory_space<hbm>> -> memref<40xi32, #tpu.memory_space<hbm>>
      %dma_start3A_357 = tpu.memref_slice %arg3[%add3A_355] : memref<320000xi32, #tpu.memory_space<hbm>> -> memref<40xi32, #tpu.memory_space<hbm>>
      tpu.enqueue_dma source(%dma_start3A_357 : memref<40xi32, #tpu.memory_space<hbm>>) target(%arg17 : memref<40xi32, #tpu.memory_space<vmem>>) target_semaphore(%arg27 : memref<!tpu.dma_semaphore, #tpu.memory_space<semaphore_mem>>)
      %dma_start3A_358 = tpu.memref_slice %arg4[%add3A_355] : memref<320000xi32, #tpu.memory_space<hbm>> -> memref<40xi32, #tpu.memory_space<hbm>>
      %dma_start3A_359 = tpu.memref_slice %arg4[%add3A_355] : memref<320000xi32, #tpu.memory_space<hbm>> -> memref<40xi32, #tpu.memory_space<hbm>>
      tpu.enqueue_dma source(%dma_start3A_359 : memref<40xi32, #tpu.memory_space<hbm>>) target(%arg22 : memref<40xi32, #tpu.memory_space<vmem>>) target_semaphore(%arg32 : memref<!tpu.dma_semaphore, #tpu.memory_space<semaphore_mem>>)
      %dma_wait3A_360 = arith.constant 0 : i32
      %dma_wait3A_361 = arith.constant 0 : i32
      %dma_wait3A_362 = tpu.memref_slice %arg2[%dma_wait3A_360, %dma_wait3A_361] : memref<10000x128xf32, #tpu.memory_space<hbm>> -> memref<40x128xf32, #tpu.memory_space<hbm>>
      %dma_wait3A_363 = arith.constant 0 : i32
      %dma_wait3A_364 = arith.constant 0 : i32
      %dma_wait3A_365 = tpu.memref_slice %arg2[%dma_wait3A_363, %dma_wait3A_364] : memref<10000x128xf32, #tpu.memory_space<hbm>> -> memref<40x128xf32, #tpu.memory_space<hbm>>
      tpu.wait_dma2 semaphore(%arg42 : memref<!tpu.dma_semaphore, #tpu.memory_space<semaphore_mem>>) src(%dma_wait3A_365 : memref<40x128xf32, #tpu.memory_space<hbm>>) dst(%arg8 : memref<40x128xf32, #tpu.memory_space<vmem>>)
      %dma_wait3A_366 = arith.constant 0 : i32
      %dma_wait3A_367 = tpu.memref_slice %arg3[%dma_wait3A_366] : memref<320000xi32, #tpu.memory_space<hbm>> -> memref<40xi32, #tpu.memory_space<hbm>>
      %dma_wait3A_368 = arith.constant 0 : i32
      %dma_wait3A_369 = tpu.memref_slice %arg3[%dma_wait3A_368] : memref<320000xi32, #tpu.memory_space<hbm>> -> memref<40xi32, #tpu.memory_space<hbm>>
      tpu.wait_dma2 semaphore(%arg27 : memref<!tpu.dma_semaphore, #tpu.memory_space<semaphore_mem>>) src(%dma_wait3A_369 : memref<40xi32, #tpu.memory_space<hbm>>) dst(%arg13 : memref<40xi32, #tpu.memory_space<vmem>>)
      %dma_start3A_370 = arith.constant 0 : i32
      %dma_start3A_371 = arith.constant 0 : i32
      %dma_start3A_372 = tpu.memref_slice %arg2[%dma_start3A_370, %dma_start3A_371] : memref<10000x128xf32, #tpu.memory_space<hbm>> -> memref<10000x128xf32, #tpu.memory_space<hbm>>
      tpu.enqueue_indirect_dma source(%dma_start3A_372 : memref<10000x128xf32, #tpu.memory_space<hbm>>) target(%arg12 : memref<40x128xf32, #tpu.memory_space<vmem>>) offsets(%arg17 : memref<40xi32, #tpu.memory_space<vmem>>) semaphore(%arg37 : memref<!tpu.dma_semaphore, #tpu.memory_space<semaphore_mem>>)
    }
    %scan3A_78 = arith.constant 49 : i32
    %dma_wait3A_79 = arith.constant 0 : i32
    %dma_wait3A_80 = arith.constant 0 : i32
    %dma_wait3A_81 = tpu.memref_slice %arg2[%dma_wait3A_79, %dma_wait3A_80] : memref<10000x128xf32, #tpu.memory_space<hbm>> -> memref<40x128xf32, #tpu.memory_space<hbm>>
    %dma_wait3A_82 = arith.constant 0 : i32
    %dma_wait3A_83 = arith.constant 0 : i32
    %dma_wait3A_84 = tpu.memref_slice %arg2[%dma_wait3A_82, %dma_wait3A_83] : memref<10000x128xf32, #tpu.memory_space<hbm>> -> memref<40x128xf32, #tpu.memory_space<hbm>>
    tpu.wait_dma2 semaphore(%arg33 : memref<!tpu.dma_semaphore, #tpu.memory_space<semaphore_mem>>) src(%dma_wait3A_84 : memref<40x128xf32, #tpu.memory_space<hbm>>) dst(%arg8 : memref<40x128xf32, #tpu.memory_space<vmem>>)
    %dma_wait3A_85 = arith.constant 0 : i32
    %dma_wait3A_86 = tpu.memref_slice %arg3[%dma_wait3A_85] : memref<320000xi32, #tpu.memory_space<hbm>> -> memref<40xi32, #tpu.memory_space<hbm>>
    %dma_wait3A_87 = arith.constant 0 : i32
    %dma_wait3A_88 = tpu.memref_slice %arg3[%dma_wait3A_87] : memref<320000xi32, #tpu.memory_space<hbm>> -> memref<40xi32, #tpu.memory_space<hbm>>
    tpu.wait_dma2 semaphore(%arg28 : memref<!tpu.dma_semaphore, #tpu.memory_space<semaphore_mem>>) src(%dma_wait3A_88 : memref<40xi32, #tpu.memory_space<hbm>>) dst(%arg13 : memref<40xi32, #tpu.memory_space<vmem>>)
    %dma_start3A_89 = arith.constant 0 : i32
    %dma_start3A_90 = arith.constant 0 : i32
    %dma_start3A_91 = tpu.memref_slice %arg7[%dma_start3A_89, %dma_start3A_90] : memref<10000x128xf32, #tpu.memory_space<vmem_shared>> -> memref<10000x128xf32, #tpu.memory_space<vmem_shared>>
    tpu.enqueue_indirect_dma source(%arg8 : memref<40x128xf32, #tpu.memory_space<vmem>>) target(%dma_start3A_91 : memref<10000x128xf32, #tpu.memory_space<vmem_shared>>) offsets(%arg18 : memref<40xi32, #tpu.memory_space<vmem>>) semaphore(%arg38 : memref<!tpu.dma_semaphore, #tpu.memory_space<semaphore_mem>>) {add = true}
    %dma_wait3A_92 = arith.constant 0 : i32
    %dma_wait3A_93 = arith.constant 0 : i32
    %dma_wait3A_94 = tpu.memref_slice %arg2[%dma_wait3A_92, %dma_wait3A_93] : memref<10000x128xf32, #tpu.memory_space<hbm>> -> memref<40x128xf32, #tpu.memory_space<hbm>>
    %dma_wait3A_95 = arith.constant 0 : i32
    %dma_wait3A_96 = arith.constant 0 : i32
    %dma_wait3A_97 = tpu.memref_slice %arg2[%dma_wait3A_95, %dma_wait3A_96] : memref<10000x128xf32, #tpu.memory_space<hbm>> -> memref<40x128xf32, #tpu.memory_space<hbm>>
    tpu.wait_dma2 semaphore(%arg38 : memref<!tpu.dma_semaphore, #tpu.memory_space<semaphore_mem>>) src(%dma_wait3A_97 : memref<40x128xf32, #tpu.memory_space<hbm>>) dst(%arg8 : memref<40x128xf32, #tpu.memory_space<vmem>>)
    %dma_wait3A_98 = arith.constant 0 : i32
    %dma_wait3A_99 = arith.constant 0 : i32
    %dma_wait3A_100 = tpu.memref_slice %arg2[%dma_wait3A_98, %dma_wait3A_99] : memref<10000x128xf32, #tpu.memory_space<hbm>> -> memref<40x128xf32, #tpu.memory_space<hbm>>
    %dma_wait3A_101 = arith.constant 0 : i32
    %dma_wait3A_102 = arith.constant 0 : i32
    %dma_wait3A_103 = tpu.memref_slice %arg2[%dma_wait3A_101, %dma_wait3A_102] : memref<10000x128xf32, #tpu.memory_space<hbm>> -> memref<40x128xf32, #tpu.memory_space<hbm>>
    tpu.wait_dma2 semaphore(%arg34 : memref<!tpu.dma_semaphore, #tpu.memory_space<semaphore_mem>>) src(%dma_wait3A_103 : memref<40x128xf32, #tpu.memory_space<hbm>>) dst(%arg8 : memref<40x128xf32, #tpu.memory_space<vmem>>)
    %dma_wait3A_104 = arith.constant 0 : i32
    %dma_wait3A_105 = tpu.memref_slice %arg3[%dma_wait3A_104] : memref<320000xi32, #tpu.memory_space<hbm>> -> memref<40xi32, #tpu.memory_space<hbm>>
    %dma_wait3A_106 = arith.constant 0 : i32
    %dma_wait3A_107 = tpu.memref_slice %arg3[%dma_wait3A_106] : memref<320000xi32, #tpu.memory_space<hbm>> -> memref<40xi32, #tpu.memory_space<hbm>>
    tpu.wait_dma2 semaphore(%arg29 : memref<!tpu.dma_semaphore, #tpu.memory_space<semaphore_mem>>) src(%dma_wait3A_107 : memref<40xi32, #tpu.memory_space<hbm>>) dst(%arg13 : memref<40xi32, #tpu.memory_space<vmem>>)
    %dma_start3A_108 = arith.constant 0 : i32
    %dma_start3A_109 = arith.constant 0 : i32
    %dma_start3A_110 = tpu.memref_slice %arg7[%dma_start3A_108, %dma_start3A_109] : memref<10000x128xf32, #tpu.memory_space<vmem_shared>> -> memref<10000x128xf32, #tpu.memory_space<vmem_shared>>
    tpu.enqueue_indirect_dma source(%arg9 : memref<40x128xf32, #tpu.memory_space<vmem>>) target(%dma_start3A_110 : memref<10000x128xf32, #tpu.memory_space<vmem_shared>>) offsets(%arg19 : memref<40xi32, #tpu.memory_space<vmem>>) semaphore(%arg39 : memref<!tpu.dma_semaphore, #tpu.memory_space<semaphore_mem>>) {add = true}
    %dma_wait3A_111 = arith.constant 0 : i32
    %dma_wait3A_112 = arith.constant 0 : i32
    %dma_wait3A_113 = tpu.memref_slice %arg2[%dma_wait3A_111, %dma_wait3A_112] : memref<10000x128xf32, #tpu.memory_space<hbm>> -> memref<40x128xf32, #tpu.memory_space<hbm>>
    %dma_wait3A_114 = arith.constant 0 : i32
    %dma_wait3A_115 = arith.constant 0 : i32
    %dma_wait3A_116 = tpu.memref_slice %arg2[%dma_wait3A_114, %dma_wait3A_115] : memref<10000x128xf32, #tpu.memory_space<hbm>> -> memref<40x128xf32, #tpu.memory_space<hbm>>
    tpu.wait_dma2 semaphore(%arg39 : memref<!tpu.dma_semaphore, #tpu.memory_space<semaphore_mem>>) src(%dma_wait3A_116 : memref<40x128xf32, #tpu.memory_space<hbm>>) dst(%arg8 : memref<40x128xf32, #tpu.memory_space<vmem>>)
    %dma_wait3A_117 = arith.constant 0 : i32
    %dma_wait3A_118 = arith.constant 0 : i32
    %dma_wait3A_119 = tpu.memref_slice %arg2[%dma_wait3A_117, %dma_wait3A_118] : memref<10000x128xf32, #tpu.memory_space<hbm>> -> memref<40x128xf32, #tpu.memory_space<hbm>>
    %dma_wait3A_120 = arith.constant 0 : i32
    %dma_wait3A_121 = arith.constant 0 : i32
    %dma_wait3A_122 = tpu.memref_slice %arg2[%dma_wait3A_120, %dma_wait3A_121] : memref<10000x128xf32, #tpu.memory_space<hbm>> -> memref<40x128xf32, #tpu.memory_space<hbm>>
    tpu.wait_dma2 semaphore(%arg35 : memref<!tpu.dma_semaphore, #tpu.memory_space<semaphore_mem>>) src(%dma_wait3A_122 : memref<40x128xf32, #tpu.memory_space<hbm>>) dst(%arg8 : memref<40x128xf32, #tpu.memory_space<vmem>>)
    %dma_wait3A_123 = arith.constant 0 : i32
    %dma_wait3A_124 = tpu.memref_slice %arg3[%dma_wait3A_123] : memref<320000xi32, #tpu.memory_space<hbm>> -> memref<40xi32, #tpu.memory_space<hbm>>
    %dma_wait3A_125 = arith.constant 0 : i32
    %dma_wait3A_126 = tpu.memref_slice %arg3[%dma_wait3A_125] : memref<320000xi32, #tpu.memory_space<hbm>> -> memref<40xi32, #tpu.memory_space<hbm>>
    tpu.wait_dma2 semaphore(%arg30 : memref<!tpu.dma_semaphore, #tpu.memory_space<semaphore_mem>>) src(%dma_wait3A_126 : memref<40xi32, #tpu.memory_space<hbm>>) dst(%arg13 : memref<40xi32, #tpu.memory_space<vmem>>)
    %dma_start3A_127 = arith.constant 0 : i32
    %dma_start3A_128 = arith.constant 0 : i32
    %dma_start3A_129 = tpu.memref_slice %arg7[%dma_start3A_127, %dma_start3A_128] : memref<10000x128xf32, #tpu.memory_space<vmem_shared>> -> memref<10000x128xf32, #tpu.memory_space<vmem_shared>>
    tpu.enqueue_indirect_dma source(%arg10 : memref<40x128xf32, #tpu.memory_space<vmem>>) target(%dma_start3A_129 : memref<10000x128xf32, #tpu.memory_space<vmem_shared>>) offsets(%arg20 : memref<40xi32, #tpu.memory_space<vmem>>) semaphore(%arg40 : memref<!tpu.dma_semaphore, #tpu.memory_space<semaphore_mem>>) {add = true}
    %dma_wait3A_130 = arith.constant 0 : i32
    %dma_wait3A_131 = arith.constant 0 : i32
    %dma_wait3A_132 = tpu.memref_slice %arg2[%dma_wait3A_130, %dma_wait3A_131] : memref<10000x128xf32, #tpu.memory_space<hbm>> -> memref<40x128xf32, #tpu.memory_space<hbm>>
    %dma_wait3A_133 = arith.constant 0 : i32
    %dma_wait3A_134 = arith.constant 0 : i32
    %dma_wait3A_135 = tpu.memref_slice %arg2[%dma_wait3A_133, %dma_wait3A_134] : memref<10000x128xf32, #tpu.memory_space<hbm>> -> memref<40x128xf32, #tpu.memory_space<hbm>>
    tpu.wait_dma2 semaphore(%arg40 : memref<!tpu.dma_semaphore, #tpu.memory_space<semaphore_mem>>) src(%dma_wait3A_135 : memref<40x128xf32, #tpu.memory_space<hbm>>) dst(%arg8 : memref<40x128xf32, #tpu.memory_space<vmem>>)
    %dma_wait3A_136 = arith.constant 0 : i32
    %dma_wait3A_137 = arith.constant 0 : i32
    %dma_wait3A_138 = tpu.memref_slice %arg2[%dma_wait3A_136, %dma_wait3A_137] : memref<10000x128xf32, #tpu.memory_space<hbm>> -> memref<40x128xf32, #tpu.memory_space<hbm>>
    %dma_wait3A_139 = arith.constant 0 : i32
    %dma_wait3A_140 = arith.constant 0 : i32
    %dma_wait3A_141 = tpu.memref_slice %arg2[%dma_wait3A_139, %dma_wait3A_140] : memref<10000x128xf32, #tpu.memory_space<hbm>> -> memref<40x128xf32, #tpu.memory_space<hbm>>
    tpu.wait_dma2 semaphore(%arg36 : memref<!tpu.dma_semaphore, #tpu.memory_space<semaphore_mem>>) src(%dma_wait3A_141 : memref<40x128xf32, #tpu.memory_space<hbm>>) dst(%arg8 : memref<40x128xf32, #tpu.memory_space<vmem>>)
    %dma_wait3A_142 = arith.constant 0 : i32
    %dma_wait3A_143 = tpu.memref_slice %arg3[%dma_wait3A_142] : memref<320000xi32, #tpu.memory_space<hbm>> -> memref<40xi32, #tpu.memory_space<hbm>>
    %dma_wait3A_144 = arith.constant 0 : i32
    %dma_wait3A_145 = tpu.memref_slice %arg3[%dma_wait3A_144] : memref<320000xi32, #tpu.memory_space<hbm>> -> memref<40xi32, #tpu.memory_space<hbm>>
    tpu.wait_dma2 semaphore(%arg31 : memref<!tpu.dma_semaphore, #tpu.memory_space<semaphore_mem>>) src(%dma_wait3A_145 : memref<40xi32, #tpu.memory_space<hbm>>) dst(%arg13 : memref<40xi32, #tpu.memory_space<vmem>>)
    %dma_start3A_146 = arith.constant 0 : i32
    %dma_start3A_147 = arith.constant 0 : i32
    %dma_start3A_148 = tpu.memref_slice %arg7[%dma_start3A_146, %dma_start3A_147] : memref<10000x128xf32, #tpu.memory_space<vmem_shared>> -> memref<10000x128xf32, #tpu.memory_space<vmem_shared>>
    tpu.enqueue_indirect_dma source(%arg11 : memref<40x128xf32, #tpu.memory_space<vmem>>) target(%dma_start3A_148 : memref<10000x128xf32, #tpu.memory_space<vmem_shared>>) offsets(%arg21 : memref<40xi32, #tpu.memory_space<vmem>>) semaphore(%arg41 : memref<!tpu.dma_semaphore, #tpu.memory_space<semaphore_mem>>) {add = true}
    %dma_wait3A_149 = arith.constant 0 : i32
    %dma_wait3A_150 = arith.constant 0 : i32
    %dma_wait3A_151 = tpu.memref_slice %arg2[%dma_wait3A_149, %dma_wait3A_150] : memref<10000x128xf32, #tpu.memory_space<hbm>> -> memref<40x128xf32, #tpu.memory_space<hbm>>
    %dma_wait3A_152 = arith.constant 0 : i32
    %dma_wait3A_153 = arith.constant 0 : i32
    %dma_wait3A_154 = tpu.memref_slice %arg2[%dma_wait3A_152, %dma_wait3A_153] : memref<10000x128xf32, #tpu.memory_space<hbm>> -> memref<40x128xf32, #tpu.memory_space<hbm>>
    tpu.wait_dma2 semaphore(%arg41 : memref<!tpu.dma_semaphore, #tpu.memory_space<semaphore_mem>>) src(%dma_wait3A_154 : memref<40x128xf32, #tpu.memory_space<hbm>>) dst(%arg8 : memref<40x128xf32, #tpu.memory_space<vmem>>)
    %dma_wait3A_155 = arith.constant 0 : i32
    %dma_wait3A_156 = arith.constant 0 : i32
    %dma_wait3A_157 = tpu.memref_slice %arg2[%dma_wait3A_155, %dma_wait3A_156] : memref<10000x128xf32, #tpu.memory_space<hbm>> -> memref<40x128xf32, #tpu.memory_space<hbm>>
    %dma_wait3A_158 = arith.constant 0 : i32
    %dma_wait3A_159 = arith.constant 0 : i32
    %dma_wait3A_160 = tpu.memref_slice %arg2[%dma_wait3A_158, %dma_wait3A_159] : memref<10000x128xf32, #tpu.memory_space<hbm>> -> memref<40x128xf32, #tpu.memory_space<hbm>>
    tpu.wait_dma2 semaphore(%arg37 : memref<!tpu.dma_semaphore, #tpu.memory_space<semaphore_mem>>) src(%dma_wait3A_160 : memref<40x128xf32, #tpu.memory_space<hbm>>) dst(%arg8 : memref<40x128xf32, #tpu.memory_space<vmem>>)
    %dma_wait3A_161 = arith.constant 0 : i32
    %dma_wait3A_162 = tpu.memref_slice %arg3[%dma_wait3A_161] : memref<320000xi32, #tpu.memory_space<hbm>> -> memref<40xi32, #tpu.memory_space<hbm>>
    %dma_wait3A_163 = arith.constant 0 : i32
    %dma_wait3A_164 = tpu.memref_slice %arg3[%dma_wait3A_163] : memref<320000xi32, #tpu.memory_space<hbm>> -> memref<40xi32, #tpu.memory_space<hbm>>
    tpu.wait_dma2 semaphore(%arg32 : memref<!tpu.dma_semaphore, #tpu.memory_space<semaphore_mem>>) src(%dma_wait3A_164 : memref<40xi32, #tpu.memory_space<hbm>>) dst(%arg13 : memref<40xi32, #tpu.memory_space<vmem>>)
    %dma_start3A_165 = arith.constant 0 : i32
    %dma_start3A_166 = arith.constant 0 : i32
    %dma_start3A_167 = tpu.memref_slice %arg7[%dma_start3A_165, %dma_start3A_166] : memref<10000x128xf32, #tpu.memory_space<vmem_shared>> -> memref<10000x128xf32, #tpu.memory_space<vmem_shared>>
    tpu.enqueue_indirect_dma source(%arg12 : memref<40x128xf32, #tpu.memory_space<vmem>>) target(%dma_start3A_167 : memref<10000x128xf32, #tpu.memory_space<vmem_shared>>) offsets(%arg22 : memref<40xi32, #tpu.memory_space<vmem>>) semaphore(%arg42 : memref<!tpu.dma_semaphore, #tpu.memory_space<semaphore_mem>>) {add = true}
    %dma_wait3A_168 = arith.constant 0 : i32
    %dma_wait3A_169 = arith.constant 0 : i32
    %dma_wait3A_170 = tpu.memref_slice %arg2[%dma_wait3A_168, %dma_wait3A_169] : memref<10000x128xf32, #tpu.memory_space<hbm>> -> memref<40x128xf32, #tpu.memory_space<hbm>>
    %dma_wait3A_171 = arith.constant 0 : i32
    %dma_wait3A_172 = arith.constant 0 : i32
    %dma_wait3A_173 = tpu.memref_slice %arg2[%dma_wait3A_171, %dma_wait3A_172] : memref<10000x128xf32, #tpu.memory_space<hbm>> -> memref<40x128xf32, #tpu.memory_space<hbm>>
    tpu.wait_dma2 semaphore(%arg42 : memref<!tpu.dma_semaphore, #tpu.memory_space<semaphore_mem>>) src(%dma_wait3A_173 : memref<40x128xf32, #tpu.memory_space<hbm>>) dst(%arg8 : memref<40x128xf32, #tpu.memory_space<vmem>>)
    %barrier3A_174 = arith.constant 0 : index
    tpu.barrier barrier_id(%barrier3A_174)
    %lt3A_175 = arith.constant 15 : i32
    %lt3A_176 = arith.cmpi slt, %arg1, %lt3A_175 : i32
    %convert_element_type3A_177 = arith.extui %lt3A_176 : i1 to i32
    %cond3A_178 = arith.constant 0 : i32
    %cond3A_179 = arith.cmpi ne, %convert_element_type3A_177, %cond3A_178 : i32
    scf.if %cond3A_179 {
      "tpu.region"() ({
        %run_scoped3A = tpu.sem_alloc : memref<!tpu.dma_semaphore, #tpu.memory_space<semaphore_mem>>
        %dma_start3A_185 = arith.constant 0 : i32
        %dma_start3A_186 = tpu.memref_slice %arg6[%arg0, %mul3A_4, %dma_start3A_185] : memref<2x10000x128xf32, #tpu.memory_space<hbm>> -> memref<1x632x128xf32, #tpu.memory_space<hbm>>
        %dma_start3A_187 = tpu.memref_squeeze %dma_start3A_186 : memref<1x632x128xf32, #tpu.memory_space<hbm>> -> memref<632x128xf32, #tpu.memory_space<hbm>>
        %dma_start3A_188 = arith.constant 0 : i32
        %dma_start3A_189 = tpu.memref_slice %arg7[%mul3A_4, %dma_start3A_188] : memref<10000x128xf32, #tpu.memory_space<vmem_shared>> -> memref<632x128xf32, #tpu.memory_space<vmem_shared>>
        tpu.enqueue_dma source(%dma_start3A_189 : memref<632x128xf32, #tpu.memory_space<vmem_shared>>) target(%dma_start3A_187 : memref<632x128xf32, #tpu.memory_space<hbm>>) target_semaphore(%run_scoped3A : memref<!tpu.dma_semaphore, #tpu.memory_space<semaphore_mem>>)
        %dma_wait3A_190 = arith.constant 0 : i32
        %dma_wait3A_191 = tpu.memref_slice %arg6[%arg0, %mul3A_4, %dma_wait3A_190] : memref<2x10000x128xf32, #tpu.memory_space<hbm>> -> memref<1x632x128xf32, #tpu.memory_space<hbm>>
        %dma_wait3A_192 = tpu.memref_squeeze %dma_wait3A_191 : memref<1x632x128xf32, #tpu.memory_space<hbm>> -> memref<632x128xf32, #tpu.memory_space<hbm>>
        %dma_wait3A_193 = arith.constant 0 : i32
        %dma_wait3A_194 = tpu.memref_slice %arg7[%mul3A_4, %dma_wait3A_193] : memref<10000x128xf32, #tpu.memory_space<vmem_shared>> -> memref<632x128xf32, #tpu.memory_space<vmem_shared>>
        tpu.wait_dma2 semaphore(%run_scoped3A : memref<!tpu.dma_semaphore, #tpu.memory_space<semaphore_mem>>) src(%dma_wait3A_194 : memref<632x128xf32, #tpu.memory_space<vmem_shared>>) dst(%dma_wait3A_192 : memref<632x128xf32, #tpu.memory_space<hbm>>)
        tpu.yield
      }) : () -> ()
    } else {
    }
    %eq3A_180 = arith.constant 15 : i32
    %eq3A_181 = arith.cmpi eq, %arg1, %eq3A_180 : i32
    %convert_element_type3A_182 = arith.extui %eq3A_181 : i1 to i32
    %cond3A_183 = arith.constant 0 : i32
    %cond3A_184 = arith.cmpi ne, %convert_element_type3A_182, %cond3A_183 : i32
    scf.if %cond3A_184 {
      "tpu.region"() ({
        %run_scoped3A = tpu.sem_alloc : memref<!tpu.dma_semaphore, #tpu.memory_space<semaphore_mem>>
        %dma_start3A_185 = arith.constant 0 : i32
        %dma_start3A_186 = tpu.memref_slice %arg6[%arg0, %mul3A_4, %dma_start3A_185] : memref<2x10000x128xf32, #tpu.memory_space<hbm>> -> memref<1x520x128xf32, #tpu.memory_space<hbm>>
        %dma_start3A_187 = tpu.memref_squeeze %dma_start3A_186 : memref<1x520x128xf32, #tpu.memory_space<hbm>> -> memref<520x128xf32, #tpu.memory_space<hbm>>
        %dma_start3A_188 = arith.constant 0 : i32
        %dma_start3A_189 = tpu.memref_slice %arg7[%mul3A_4, %dma_start3A_188] : memref<10000x128xf32, #tpu.memory_space<vmem_shared>> -> memref<520x128xf32, #tpu.memory_space<vmem_shared>>
        tpu.enqueue_dma source(%dma_start3A_189 : memref<520x128xf32, #tpu.memory_space<vmem_shared>>) target(%dma_start3A_187 : memref<520x128xf32, #tpu.memory_space<hbm>>) target_semaphore(%run_scoped3A : memref<!tpu.dma_semaphore, #tpu.memory_space<semaphore_mem>>)
        %dma_wait3A_190 = arith.constant 0 : i32
        %dma_wait3A_191 = tpu.memref_slice %arg6[%arg0, %mul3A_4, %dma_wait3A_190] : memref<2x10000x128xf32, #tpu.memory_space<hbm>> -> memref<1x520x128xf32, #tpu.memory_space<hbm>>
        %dma_wait3A_192 = tpu.memref_squeeze %dma_wait3A_191 : memref<1x520x128xf32, #tpu.memory_space<hbm>> -> memref<520x128xf32, #tpu.memory_space<hbm>>
        %dma_wait3A_193 = arith.constant 0 : i32
        %dma_wait3A_194 = tpu.memref_slice %arg7[%mul3A_4, %dma_wait3A_193] : memref<10000x128xf32, #tpu.memory_space<vmem_shared>> -> memref<520x128xf32, #tpu.memory_space<vmem_shared>>
        tpu.wait_dma2 semaphore(%run_scoped3A : memref<!tpu.dma_semaphore, #tpu.memory_space<semaphore_mem>>) src(%dma_wait3A_194 : memref<520x128xf32, #tpu.memory_space<vmem_shared>>) dst(%dma_wait3A_192 : memref<520x128xf32, #tpu.memory_space<hbm>>)
        tpu.yield
      }) : () -> ()
    } else {
    }
    return
  }
}

#map = affine_map<(d0, d1) -> (0, 0)>
#map1 = affine_map<(d0, d1) -> (0)>
#map2 = affine_map<(d0, d1) -> (0, 0, 0)>
module attributes {stable_mosaic.version = 14 : i64} {
  func.func @_sc_agg_body(%arg0: i32, %arg1: i32, %arg2: memref<10000x128xf32, #tpu.memory_space<hbm>>, %arg3: memref<320000xi32, #tpu.memory_space<hbm>>, %arg4: memref<320000xi32, #tpu.memory_space<hbm>>, %arg5: memref<632x128xf32, #tpu.memory_space<hbm>>, %arg6: memref<2x10000x128xf32, #tpu.memory_space<hbm>>, %arg7: memref<10000x128xf32, #tpu.memory_space<vmem_shared>>, %arg8: memref<40x128xf32, #tpu.memory_space<vmem>>, %arg9: memref<40x128xf32, #tpu.memory_space<vmem>>, %arg10: memref<40x128xf32, #tpu.memory_space<vmem>>, %arg11: memref<40x128xf32, #tpu.memory_space<vmem>>, %arg12: memref<40x128xf32, #tpu.memory_space<vmem>>, %arg13: memref<40xi32, #tpu.memory_space<vmem>>, %arg14: memref<40xi32, #tpu.memory_space<vmem>>, %arg15: memref<40xi32, #tpu.memory_space<vmem>>, %arg16: memref<40xi32, #tpu.memory_space<vmem>>, %arg17: memref<40xi32, #tpu.memory_space<vmem>>, %arg18: memref<40xi32, #tpu.memory_space<vmem>>, %arg19: memref<40xi32, #tpu.memory_space<vmem>>, %arg20: memref<40xi32, #tpu.memory_space<vmem>>, %arg21: memref<40xi32, #tpu.memory_space<vmem>>, %arg22: memref<40xi32, #tpu.memory_space<vmem>>, %arg23: memref<!tpu.dma_semaphore, #tpu.memory_space<semaphore_mem>>, %arg24: memref<!tpu.dma_semaphore, #tpu.memory_space<semaphore_mem>>, %arg25: memref<!tpu.dma_semaphore, #tpu.memory_space<semaphore_mem>>, %arg26: memref<!tpu.dma_semaphore, #tpu.memory_space<semaphore_mem>>, %arg27: memref<!tpu.dma_semaphore, #tpu.memory_space<semaphore_mem>>, %arg28: memref<!tpu.dma_semaphore, #tpu.memory_space<semaphore_mem>>, %arg29: memref<!tpu.dma_semaphore, #tpu.memory_space<semaphore_mem>>, %arg30: memref<!tpu.dma_semaphore, #tpu.memory_space<semaphore_mem>>, %arg31: memref<!tpu.dma_semaphore, #tpu.memory_space<semaphore_mem>>, %arg32: memref<!tpu.dma_semaphore, #tpu.memory_space<semaphore_mem>>, %arg33: memref<!tpu.dma_semaphore, #tpu.memory_space<semaphore_mem>>, %arg34: memref<!tpu.dma_semaphore, #tpu.memory_space<semaphore_mem>>, %arg35: memref<!tpu.dma_semaphore, #tpu.memory_space<semaphore_mem>>, %arg36: memref<!tpu.dma_semaphore, #tpu.memory_space<semaphore_mem>>, %arg37: memref<!tpu.dma_semaphore, #tpu.memory_space<semaphore_mem>>, %arg38: memref<!tpu.dma_semaphore, #tpu.memory_space<semaphore_mem>>, %arg39: memref<!tpu.dma_semaphore, #tpu.memory_space<semaphore_mem>>, %arg40: memref<!tpu.dma_semaphore, #tpu.memory_space<semaphore_mem>>, %arg41: memref<!tpu.dma_semaphore, #tpu.memory_space<semaphore_mem>>, %arg42: memref<!tpu.dma_semaphore, #tpu.memory_space<semaphore_mem>>) attributes {dimension_semantics = [#tpu.dimension_semantics<core_parallel>, #tpu.dimension_semantics<subcore_parallel>], iteration_bounds = array<i64: 2, 16>, scalar_prefetch = 0 : i64, scratch_operands = 36 : i64, tpu.core_type = #tpu.core_type<sc_vector_subcore>, window_params = [{transform_indices = #map}, {transform_indices = #map1}, {transform_indices = #map1}, {transform_indices = #map}, {transform_indices = #map2}]} {
    %mul3A = arith.constant 16 : i32
    %mul3A_0 = arith.muli %arg0, %mul3A : i32
    %add3A = arith.addi %mul3A_0, %arg1 : i32
    %mul3A_1 = arith.constant 10000 : i32
    %mul3A_2 = arith.muli %add3A, %mul3A_1 : i32
    %mul3A_3 = arith.constant 632 : i32
    %mul3A_4 = arith.muli %arg1, %mul3A_3 : i32
    %lt3A = arith.constant 15 : i32
    %lt3A_5 = arith.cmpi slt, %arg1, %lt3A : i32
    %convert_element_type3A = arith.extui %lt3A_5 : i1 to i32
    %cond3A = arith.constant 0 : i32
    %cond3A_6 = arith.cmpi ne, %convert_element_type3A, %cond3A : i32
    scf.if %cond3A_6 {
      "tpu.region"() ({
        %run_scoped3A = tpu.sem_alloc : memref<!tpu.dma_semaphore, #tpu.memory_space<semaphore_mem>>
        %dma_start3A_185 = arith.constant 0 : i32
        %dma_start3A_186 = tpu.memref_slice %arg7[%mul3A_4, %dma_start3A_185] : memref<10000x128xf32, #tpu.memory_space<vmem_shared>> -> memref<632x128xf32, #tpu.memory_space<vmem_shared>>
        tpu.enqueue_dma source(%arg5 : memref<632x128xf32, #tpu.memory_space<hbm>>) target(%dma_start3A_186 : memref<632x128xf32, #tpu.memory_space<vmem_shared>>) target_semaphore(%run_scoped3A : memref<!tpu.dma_semaphore, #tpu.memory_space<semaphore_mem>>)
        %dma_wait3A_187 = arith.constant 0 : i32
        %dma_wait3A_188 = tpu.memref_slice %arg7[%mul3A_4, %dma_wait3A_187] : memref<10000x128xf32, #tpu.memory_space<vmem_shared>> -> memref<632x128xf32, #tpu.memory_space<vmem_shared>>
        tpu.wait_dma2 semaphore(%run_scoped3A : memref<!tpu.dma_semaphore, #tpu.memory_space<semaphore_mem>>) src(%arg5 : memref<632x128xf32, #tpu.memory_space<hbm>>) dst(%dma_wait3A_188 : memref<632x128xf32, #tpu.memory_space<vmem_shared>>)
        tpu.yield
      }) : () -> ()
    } else {
    }
    %eq3A = arith.constant 15 : i32
    %eq3A_7 = arith.cmpi eq, %arg1, %eq3A : i32
    %convert_element_type3A_8 = arith.extui %eq3A_7 : i1 to i32
    %cond3A_9 = arith.constant 0 : i32
    %cond3A_10 = arith.cmpi ne, %convert_element_type3A_8, %cond3A_9 : i32
    scf.if %cond3A_10 {
      "tpu.region"() ({
        %run_scoped3A = tpu.sem_alloc : memref<!tpu.dma_semaphore, #tpu.memory_space<semaphore_mem>>
        %dma_start3A_185 = arith.constant 0 : i32
        %dma_start3A_186 = tpu.memref_slice %arg7[%mul3A_4, %dma_start3A_185] : memref<10000x128xf32, #tpu.memory_space<vmem_shared>> -> memref<520x128xf32, #tpu.memory_space<vmem_shared>>
        %dma_start3A_187 = arith.constant 0 : i32
        %dma_start3A_188 = arith.constant 0 : i32
        %dma_start3A_189 = tpu.memref_slice %arg5[%dma_start3A_187, %dma_start3A_188] : memref<632x128xf32, #tpu.memory_space<hbm>> -> memref<520x128xf32, #tpu.memory_space<hbm>>
        tpu.enqueue_dma source(%dma_start3A_189 : memref<520x128xf32, #tpu.memory_space<hbm>>) target(%dma_start3A_186 : memref<520x128xf32, #tpu.memory_space<vmem_shared>>) target_semaphore(%run_scoped3A : memref<!tpu.dma_semaphore, #tpu.memory_space<semaphore_mem>>)
        %dma_wait3A_190 = arith.constant 0 : i32
        %dma_wait3A_191 = tpu.memref_slice %arg7[%mul3A_4, %dma_wait3A_190] : memref<10000x128xf32, #tpu.memory_space<vmem_shared>> -> memref<520x128xf32, #tpu.memory_space<vmem_shared>>
        %dma_wait3A_192 = arith.constant 0 : i32
        %dma_wait3A_193 = arith.constant 0 : i32
        %dma_wait3A_194 = tpu.memref_slice %arg5[%dma_wait3A_192, %dma_wait3A_193] : memref<632x128xf32, #tpu.memory_space<hbm>> -> memref<520x128xf32, #tpu.memory_space<hbm>>
        tpu.wait_dma2 semaphore(%run_scoped3A : memref<!tpu.dma_semaphore, #tpu.memory_space<semaphore_mem>>) src(%dma_wait3A_194 : memref<520x128xf32, #tpu.memory_space<hbm>>) dst(%dma_wait3A_191 : memref<520x128xf32, #tpu.memory_space<vmem_shared>>)
        tpu.yield
      }) : () -> ()
    } else {
    }
    %barrier3A = arith.constant 0 : index
    tpu.barrier barrier_id(%barrier3A)
    %add3A_11 = arith.constant 0 : i32
    %add3A_12 = arith.addi %mul3A_2, %add3A_11 : i32
    %dma_start3A = tpu.memref_slice %arg3[%add3A_12] : memref<320000xi32, #tpu.memory_space<hbm>> -> memref<40xi32, #tpu.memory_space<hbm>>
    %dma_start3A_13 = tpu.memref_slice %arg3[%add3A_12] : memref<320000xi32, #tpu.memory_space<hbm>> -> memref<40xi32, #tpu.memory_space<hbm>>
    tpu.enqueue_dma source(%dma_start3A_13 : memref<40xi32, #tpu.memory_space<hbm>>) target(%arg13 : memref<40xi32, #tpu.memory_space<vmem>>) target_semaphore(%arg23 : memref<!tpu.dma_semaphore, #tpu.memory_space<semaphore_mem>>)
    %dma_start3A_14 = tpu.memref_slice %arg4[%add3A_12] : memref<320000xi32, #tpu.memory_space<hbm>> -> memref<40xi32, #tpu.memory_space<hbm>>
    %dma_start3A_15 = tpu.memref_slice %arg4[%add3A_12] : memref<320000xi32, #tpu.memory_space<hbm>> -> memref<40xi32, #tpu.memory_space<hbm>>
    tpu.enqueue_dma source(%dma_start3A_15 : memref<40xi32, #tpu.memory_space<hbm>>) target(%arg18 : memref<40xi32, #tpu.memory_space<vmem>>) target_semaphore(%arg28 : memref<!tpu.dma_semaphore, #tpu.memory_space<semaphore_mem>>)
    %add3A_16 = arith.constant 40 : i32
    %add3A_17 = arith.addi %mul3A_2, %add3A_16 : i32
    %dma_start3A_18 = tpu.memref_slice %arg3[%add3A_17] : memref<320000xi32, #tpu.memory_space<hbm>> -> memref<40xi32, #tpu.memory_space<hbm>>
    %dma_start3A_19 = tpu.memref_slice %arg3[%add3A_17] : memref<320000xi32, #tpu.memory_space<hbm>> -> memref<40xi32, #tpu.memory_space<hbm>>
    tpu.enqueue_dma source(%dma_start3A_19 : memref<40xi32, #tpu.memory_space<hbm>>) target(%arg14 : memref<40xi32, #tpu.memory_space<vmem>>) target_semaphore(%arg24 : memref<!tpu.dma_semaphore, #tpu.memory_space<semaphore_mem>>)
    %dma_start3A_20 = tpu.memref_slice %arg4[%add3A_17] : memref<320000xi32, #tpu.memory_space<hbm>> -> memref<40xi32, #tpu.memory_space<hbm>>
    %dma_start3A_21 = tpu.memref_slice %arg4[%add3A_17] : memref<320000xi32, #tpu.memory_space<hbm>> -> memref<40xi32, #tpu.memory_space<hbm>>
    tpu.enqueue_dma source(%dma_start3A_21 : memref<40xi32, #tpu.memory_space<hbm>>) target(%arg19 : memref<40xi32, #tpu.memory_space<vmem>>) target_semaphore(%arg29 : memref<!tpu.dma_semaphore, #tpu.memory_space<semaphore_mem>>)
    %add3A_22 = arith.constant 80 : i32
    %add3A_23 = arith.addi %mul3A_2, %add3A_22 : i32
    %dma_start3A_24 = tpu.memref_slice %arg3[%add3A_23] : memref<320000xi32, #tpu.memory_space<hbm>> -> memref<40xi32, #tpu.memory_space<hbm>>
    %dma_start3A_25 = tpu.memref_slice %arg3[%add3A_23] : memref<320000xi32, #tpu.memory_space<hbm>> -> memref<40xi32, #tpu.memory_space<hbm>>
    tpu.enqueue_dma source(%dma_start3A_25 : memref<40xi32, #tpu.memory_space<hbm>>) target(%arg15 : memref<40xi32, #tpu.memory_space<vmem>>) target_semaphore(%arg25 : memref<!tpu.dma_semaphore, #tpu.memory_space<semaphore_mem>>)
    %dma_start3A_26 = tpu.memref_slice %arg4[%add3A_23] : memref<320000xi32, #tpu.memory_space<hbm>> -> memref<40xi32, #tpu.memory_space<hbm>>
    %dma_start3A_27 = tpu.memref_slice %arg4[%add3A_23] : memref<320000xi32, #tpu.memory_space<hbm>> -> memref<40xi32, #tpu.memory_space<hbm>>
    tpu.enqueue_dma source(%dma_start3A_27 : memref<40xi32, #tpu.memory_space<hbm>>) target(%arg20 : memref<40xi32, #tpu.memory_space<vmem>>) target_semaphore(%arg30 : memref<!tpu.dma_semaphore, #tpu.memory_space<semaphore_mem>>)
    %add3A_28 = arith.constant 120 : i32
    %add3A_29 = arith.addi %mul3A_2, %add3A_28 : i32
    %dma_start3A_30 = tpu.memref_slice %arg3[%add3A_29] : memref<320000xi32, #tpu.memory_space<hbm>> -> memref<40xi32, #tpu.memory_space<hbm>>
    %dma_start3A_31 = tpu.memref_slice %arg3[%add3A_29] : memref<320000xi32, #tpu.memory_space<hbm>> -> memref<40xi32, #tpu.memory_space<hbm>>
    tpu.enqueue_dma source(%dma_start3A_31 : memref<40xi32, #tpu.memory_space<hbm>>) target(%arg16 : memref<40xi32, #tpu.memory_space<vmem>>) target_semaphore(%arg26 : memref<!tpu.dma_semaphore, #tpu.memory_space<semaphore_mem>>)
    %dma_start3A_32 = tpu.memref_slice %arg4[%add3A_29] : memref<320000xi32, #tpu.memory_space<hbm>> -> memref<40xi32, #tpu.memory_space<hbm>>
    %dma_start3A_33 = tpu.memref_slice %arg4[%add3A_29] : memref<320000xi32, #tpu.memory_space<hbm>> -> memref<40xi32, #tpu.memory_space<hbm>>
    tpu.enqueue_dma source(%dma_start3A_33 : memref<40xi32, #tpu.memory_space<hbm>>) target(%arg21 : memref<40xi32, #tpu.memory_space<vmem>>) target_semaphore(%arg31 : memref<!tpu.dma_semaphore, #tpu.memory_space<semaphore_mem>>)
    %add3A_34 = arith.constant 160 : i32
    %add3A_35 = arith.addi %mul3A_2, %add3A_34 : i32
    %dma_start3A_36 = tpu.memref_slice %arg3[%add3A_35] : memref<320000xi32, #tpu.memory_space<hbm>> -> memref<40xi32, #tpu.memory_space<hbm>>
    %dma_start3A_37 = tpu.memref_slice %arg3[%add3A_35] : memref<320000xi32, #tpu.memory_space<hbm>> -> memref<40xi32, #tpu.memory_space<hbm>>
    tpu.enqueue_dma source(%dma_start3A_37 : memref<40xi32, #tpu.memory_space<hbm>>) target(%arg17 : memref<40xi32, #tpu.memory_space<vmem>>) target_semaphore(%arg27 : memref<!tpu.dma_semaphore, #tpu.memory_space<semaphore_mem>>)
    %dma_start3A_38 = tpu.memref_slice %arg4[%add3A_35] : memref<320000xi32, #tpu.memory_space<hbm>> -> memref<40xi32, #tpu.memory_space<hbm>>
    %dma_start3A_39 = tpu.memref_slice %arg4[%add3A_35] : memref<320000xi32, #tpu.memory_space<hbm>> -> memref<40xi32, #tpu.memory_space<hbm>>
    tpu.enqueue_dma source(%dma_start3A_39 : memref<40xi32, #tpu.memory_space<hbm>>) target(%arg22 : memref<40xi32, #tpu.memory_space<vmem>>) target_semaphore(%arg32 : memref<!tpu.dma_semaphore, #tpu.memory_space<semaphore_mem>>)
    %dma_wait3A = arith.constant 0 : i32
    %dma_wait3A_40 = tpu.memref_slice %arg3[%dma_wait3A] : memref<320000xi32, #tpu.memory_space<hbm>> -> memref<40xi32, #tpu.memory_space<hbm>>
    %dma_wait3A_41 = arith.constant 0 : i32
    %dma_wait3A_42 = tpu.memref_slice %arg3[%dma_wait3A_41] : memref<320000xi32, #tpu.memory_space<hbm>> -> memref<40xi32, #tpu.memory_space<hbm>>
    tpu.wait_dma2 semaphore(%arg23 : memref<!tpu.dma_semaphore, #tpu.memory_space<semaphore_mem>>) src(%dma_wait3A_42 : memref<40xi32, #tpu.memory_space<hbm>>) dst(%arg13 : memref<40xi32, #tpu.memory_space<vmem>>)
    %dma_start3A_43 = arith.constant 0 : i32
    %dma_start3A_44 = arith.constant 0 : i32
    %dma_start3A_45 = tpu.memref_slice %arg2[%dma_start3A_43, %dma_start3A_44] : memref<10000x128xf32, #tpu.memory_space<hbm>> -> memref<10000x128xf32, #tpu.memory_space<hbm>>
    tpu.enqueue_indirect_dma source(%dma_start3A_45 : memref<10000x128xf32, #tpu.memory_space<hbm>>) target(%arg8 : memref<40x128xf32, #tpu.memory_space<vmem>>) offsets(%arg13 : memref<40xi32, #tpu.memory_space<vmem>>) semaphore(%arg33 : memref<!tpu.dma_semaphore, #tpu.memory_space<semaphore_mem>>)
    %dma_wait3A_46 = arith.constant 0 : i32
    %dma_wait3A_47 = tpu.memref_slice %arg3[%dma_wait3A_46] : memref<320000xi32, #tpu.memory_space<hbm>> -> memref<40xi32, #tpu.memory_space<hbm>>
    %dma_wait3A_48 = arith.constant 0 : i32
    %dma_wait3A_49 = tpu.memref_slice %arg3[%dma_wait3A_48] : memref<320000xi32, #tpu.memory_space<hbm>> -> memref<40xi32, #tpu.memory_space<hbm>>
    tpu.wait_dma2 semaphore(%arg24 : memref<!tpu.dma_semaphore, #tpu.memory_space<semaphore_mem>>) src(%dma_wait3A_49 : memref<40xi32, #tpu.memory_space<hbm>>) dst(%arg13 : memref<40xi32, #tpu.memory_space<vmem>>)
    %dma_start3A_50 = arith.constant 0 : i32
    %dma_start3A_51 = arith.constant 0 : i32
    %dma_start3A_52 = tpu.memref_slice %arg2[%dma_start3A_50, %dma_start3A_51] : memref<10000x128xf32, #tpu.memory_space<hbm>> -> memref<10000x128xf32, #tpu.memory_space<hbm>>
    tpu.enqueue_indirect_dma source(%dma_start3A_52 : memref<10000x128xf32, #tpu.memory_space<hbm>>) target(%arg9 : memref<40x128xf32, #tpu.memory_space<vmem>>) offsets(%arg14 : memref<40xi32, #tpu.memory_space<vmem>>) semaphore(%arg34 : memref<!tpu.dma_semaphore, #tpu.memory_space<semaphore_mem>>)
    %dma_wait3A_53 = arith.constant 0 : i32
    %dma_wait3A_54 = tpu.memref_slice %arg3[%dma_wait3A_53] : memref<320000xi32, #tpu.memory_space<hbm>> -> memref<40xi32, #tpu.memory_space<hbm>>
    %dma_wait3A_55 = arith.constant 0 : i32
    %dma_wait3A_56 = tpu.memref_slice %arg3[%dma_wait3A_55] : memref<320000xi32, #tpu.memory_space<hbm>> -> memref<40xi32, #tpu.memory_space<hbm>>
    tpu.wait_dma2 semaphore(%arg25 : memref<!tpu.dma_semaphore, #tpu.memory_space<semaphore_mem>>) src(%dma_wait3A_56 : memref<40xi32, #tpu.memory_space<hbm>>) dst(%arg13 : memref<40xi32, #tpu.memory_space<vmem>>)
    %dma_start3A_57 = arith.constant 0 : i32
    %dma_start3A_58 = arith.constant 0 : i32
    %dma_start3A_59 = tpu.memref_slice %arg2[%dma_start3A_57, %dma_start3A_58] : memref<10000x128xf32, #tpu.memory_space<hbm>> -> memref<10000x128xf32, #tpu.memory_space<hbm>>
    tpu.enqueue_indirect_dma source(%dma_start3A_59 : memref<10000x128xf32, #tpu.memory_space<hbm>>) target(%arg10 : memref<40x128xf32, #tpu.memory_space<vmem>>) offsets(%arg15 : memref<40xi32, #tpu.memory_space<vmem>>) semaphore(%arg35 : memref<!tpu.dma_semaphore, #tpu.memory_space<semaphore_mem>>)
    %dma_wait3A_60 = arith.constant 0 : i32
    %dma_wait3A_61 = tpu.memref_slice %arg3[%dma_wait3A_60] : memref<320000xi32, #tpu.memory_space<hbm>> -> memref<40xi32, #tpu.memory_space<hbm>>
    %dma_wait3A_62 = arith.constant 0 : i32
    %dma_wait3A_63 = tpu.memref_slice %arg3[%dma_wait3A_62] : memref<320000xi32, #tpu.memory_space<hbm>> -> memref<40xi32, #tpu.memory_space<hbm>>
    tpu.wait_dma2 semaphore(%arg26 : memref<!tpu.dma_semaphore, #tpu.memory_space<semaphore_mem>>) src(%dma_wait3A_63 : memref<40xi32, #tpu.memory_space<hbm>>) dst(%arg13 : memref<40xi32, #tpu.memory_space<vmem>>)
    %dma_start3A_64 = arith.constant 0 : i32
    %dma_start3A_65 = arith.constant 0 : i32
    %dma_start3A_66 = tpu.memref_slice %arg2[%dma_start3A_64, %dma_start3A_65] : memref<10000x128xf32, #tpu.memory_space<hbm>> -> memref<10000x128xf32, #tpu.memory_space<hbm>>
    tpu.enqueue_indirect_dma source(%dma_start3A_66 : memref<10000x128xf32, #tpu.memory_space<hbm>>) target(%arg11 : memref<40x128xf32, #tpu.memory_space<vmem>>) offsets(%arg16 : memref<40xi32, #tpu.memory_space<vmem>>) semaphore(%arg36 : memref<!tpu.dma_semaphore, #tpu.memory_space<semaphore_mem>>)
    %dma_wait3A_67 = arith.constant 0 : i32
    %dma_wait3A_68 = tpu.memref_slice %arg3[%dma_wait3A_67] : memref<320000xi32, #tpu.memory_space<hbm>> -> memref<40xi32, #tpu.memory_space<hbm>>
    %dma_wait3A_69 = arith.constant 0 : i32
    %dma_wait3A_70 = tpu.memref_slice %arg3[%dma_wait3A_69] : memref<320000xi32, #tpu.memory_space<hbm>> -> memref<40xi32, #tpu.memory_space<hbm>>
    tpu.wait_dma2 semaphore(%arg27 : memref<!tpu.dma_semaphore, #tpu.memory_space<semaphore_mem>>) src(%dma_wait3A_70 : memref<40xi32, #tpu.memory_space<hbm>>) dst(%arg13 : memref<40xi32, #tpu.memory_space<vmem>>)
    %dma_start3A_71 = arith.constant 0 : i32
    %dma_start3A_72 = arith.constant 0 : i32
    %dma_start3A_73 = tpu.memref_slice %arg2[%dma_start3A_71, %dma_start3A_72] : memref<10000x128xf32, #tpu.memory_space<hbm>> -> memref<10000x128xf32, #tpu.memory_space<hbm>>
    tpu.enqueue_indirect_dma source(%dma_start3A_73 : memref<10000x128xf32, #tpu.memory_space<hbm>>) target(%arg12 : memref<40x128xf32, #tpu.memory_space<vmem>>) offsets(%arg17 : memref<40xi32, #tpu.memory_space<vmem>>) semaphore(%arg37 : memref<!tpu.dma_semaphore, #tpu.memory_space<semaphore_mem>>)
    %scan3A = arith.constant 0 : i32
    %scan3A_74 = arith.constant 0 : i32
    %scan3A_75 = arith.constant 49 : i32
    %scan3A_76 = arith.addi %scan3A_74, %scan3A_75 : i32
    %scan3A_77 = arith.constant 1 : i32
    scf.for %scan3A_185 = %scan3A_74 to %scan3A_76 step %scan3A_77  : i32 {
      %mul3A_186 = arith.constant 5 : i32
      %mul3A_187 = arith.muli %mul3A_186, %scan3A_185 : i32
      %dma_wait3A_188 = arith.constant 0 : i32
      %dma_wait3A_189 = arith.constant 0 : i32
      %dma_wait3A_190 = tpu.memref_slice %arg2[%dma_wait3A_188, %dma_wait3A_189] : memref<10000x128xf32, #tpu.memory_space<hbm>> -> memref<40x128xf32, #tpu.memory_space<hbm>>
      %dma_wait3A_191 = arith.constant 0 : i32
      %dma_wait3A_192 = arith.constant 0 : i32
      %dma_wait3A_193 = tpu.memref_slice %arg2[%dma_wait3A_191, %dma_wait3A_192] : memref<10000x128xf32, #tpu.memory_space<hbm>> -> memref<40x128xf32, #tpu.memory_space<hbm>>
      tpu.wait_dma2 semaphore(%arg33 : memref<!tpu.dma_semaphore, #tpu.memory_space<semaphore_mem>>) src(%dma_wait3A_193 : memref<40x128xf32, #tpu.memory_space<hbm>>) dst(%arg8 : memref<40x128xf32, #tpu.memory_space<vmem>>)
      %dma_wait3A_194 = arith.constant 0 : i32
      %dma_wait3A_195 = tpu.memref_slice %arg3[%dma_wait3A_194] : memref<320000xi32, #tpu.memory_space<hbm>> -> memref<40xi32, #tpu.memory_space<hbm>>
      %dma_wait3A_196 = arith.constant 0 : i32
      %dma_wait3A_197 = tpu.memref_slice %arg3[%dma_wait3A_196] : memref<320000xi32, #tpu.memory_space<hbm>> -> memref<40xi32, #tpu.memory_space<hbm>>
      tpu.wait_dma2 semaphore(%arg28 : memref<!tpu.dma_semaphore, #tpu.memory_space<semaphore_mem>>) src(%dma_wait3A_197 : memref<40xi32, #tpu.memory_space<hbm>>) dst(%arg13 : memref<40xi32, #tpu.memory_space<vmem>>)
      %dma_start3A_198 = arith.constant 0 : i32
      %dma_start3A_199 = arith.constant 0 : i32
      %dma_start3A_200 = tpu.memref_slice %arg7[%dma_start3A_198, %dma_start3A_199] : memref<10000x128xf32, #tpu.memory_space<vmem_shared>> -> memref<10000x128xf32, #tpu.memory_space<vmem_shared>>
      tpu.enqueue_indirect_dma source(%arg8 : memref<40x128xf32, #tpu.memory_space<vmem>>) target(%dma_start3A_200 : memref<10000x128xf32, #tpu.memory_space<vmem_shared>>) offsets(%arg18 : memref<40xi32, #tpu.memory_space<vmem>>) semaphore(%arg38 : memref<!tpu.dma_semaphore, #tpu.memory_space<semaphore_mem>>) {add = true}
      %add3A_201 = arith.constant 0 : i32
      %add3A_202 = arith.addi %mul3A_187, %add3A_201 : i32
      %add3A_203 = arith.constant 5 : i32
      %add3A_204 = arith.addi %add3A_202, %add3A_203 : i32
      %mul3A_205 = arith.constant 40 : i32
      %mul3A_206 = arith.muli %add3A_204, %mul3A_205 : i32
      %add3A_207 = arith.addi %mul3A_2, %mul3A_206 : i32
      %dma_start3A_208 = tpu.memref_slice %arg3[%add3A_207] : memref<320000xi32, #tpu.memory_space<hbm>> -> memref<40xi32, #tpu.memory_space<hbm>>
      %dma_start3A_209 = tpu.memref_slice %arg3[%add3A_207] : memref<320000xi32, #tpu.memory_space<hbm>> -> memref<40xi32, #tpu.memory_space<hbm>>
      tpu.enqueue_dma source(%dma_start3A_209 : memref<40xi32, #tpu.memory_space<hbm>>) target(%arg13 : memref<40xi32, #tpu.memory_space<vmem>>) target_semaphore(%arg23 : memref<!tpu.dma_semaphore, #tpu.memory_space<semaphore_mem>>)
      %dma_start3A_210 = tpu.memref_slice %arg4[%add3A_207] : memref<320000xi32, #tpu.memory_space<hbm>> -> memref<40xi32, #tpu.memory_space<hbm>>
      %dma_start3A_211 = tpu.memref_slice %arg4[%add3A_207] : memref<320000xi32, #tpu.memory_space<hbm>> -> memref<40xi32, #tpu.memory_space<hbm>>
      tpu.enqueue_dma source(%dma_start3A_211 : memref<40xi32, #tpu.memory_space<hbm>>) target(%arg18 : memref<40xi32, #tpu.memory_space<vmem>>) target_semaphore(%arg28 : memref<!tpu.dma_semaphore, #tpu.memory_space<semaphore_mem>>)
      %dma_wait3A_212 = arith.constant 0 : i32
      %dma_wait3A_213 = arith.constant 0 : i32
      %dma_wait3A_214 = tpu.memref_slice %arg2[%dma_wait3A_212, %dma_wait3A_213] : memref<10000x128xf32, #tpu.memory_space<hbm>> -> memref<40x128xf32, #tpu.memory_space<hbm>>
      %dma_wait3A_215 = arith.constant 0 : i32
      %dma_wait3A_216 = arith.constant 0 : i32
      %dma_wait3A_217 = tpu.memref_slice %arg2[%dma_wait3A_215, %dma_wait3A_216] : memref<10000x128xf32, #tpu.memory_space<hbm>> -> memref<40x128xf32, #tpu.memory_space<hbm>>
      tpu.wait_dma2 semaphore(%arg38 : memref<!tpu.dma_semaphore, #tpu.memory_space<semaphore_mem>>) src(%dma_wait3A_217 : memref<40x128xf32, #tpu.memory_space<hbm>>) dst(%arg8 : memref<40x128xf32, #tpu.memory_space<vmem>>)
      %dma_wait3A_218 = arith.constant 0 : i32
      %dma_wait3A_219 = tpu.memref_slice %arg3[%dma_wait3A_218] : memref<320000xi32, #tpu.memory_space<hbm>> -> memref<40xi32, #tpu.memory_space<hbm>>
      %dma_wait3A_220 = arith.constant 0 : i32
      %dma_wait3A_221 = tpu.memref_slice %arg3[%dma_wait3A_220] : memref<320000xi32, #tpu.memory_space<hbm>> -> memref<40xi32, #tpu.memory_space<hbm>>
      tpu.wait_dma2 semaphore(%arg23 : memref<!tpu.dma_semaphore, #tpu.memory_space<semaphore_mem>>) src(%dma_wait3A_221 : memref<40xi32, #tpu.memory_space<hbm>>) dst(%arg13 : memref<40xi32, #tpu.memory_space<vmem>>)
      %dma_start3A_222 = arith.constant 0 : i32
      %dma_start3A_223 = arith.constant 0 : i32
      %dma_start3A_224 = tpu.memref_slice %arg2[%dma_start3A_222, %dma_start3A_223] : memref<10000x128xf32, #tpu.memory_space<hbm>> -> memref<10000x128xf32, #tpu.memory_space<hbm>>
      tpu.enqueue_indirect_dma source(%dma_start3A_224 : memref<10000x128xf32, #tpu.memory_space<hbm>>) target(%arg8 : memref<40x128xf32, #tpu.memory_space<vmem>>) offsets(%arg13 : memref<40xi32, #tpu.memory_space<vmem>>) semaphore(%arg33 : memref<!tpu.dma_semaphore, #tpu.memory_space<semaphore_mem>>)
      %dma_wait3A_225 = arith.constant 0 : i32
      %dma_wait3A_226 = arith.constant 0 : i32
      %dma_wait3A_227 = tpu.memref_slice %arg2[%dma_wait3A_225, %dma_wait3A_226] : memref<10000x128xf32, #tpu.memory_space<hbm>> -> memref<40x128xf32, #tpu.memory_space<hbm>>
      %dma_wait3A_228 = arith.constant 0 : i32
      %dma_wait3A_229 = arith.constant 0 : i32
      %dma_wait3A_230 = tpu.memref_slice %arg2[%dma_wait3A_228, %dma_wait3A_229] : memref<10000x128xf32, #tpu.memory_space<hbm>> -> memref<40x128xf32, #tpu.memory_space<hbm>>
      tpu.wait_dma2 semaphore(%arg34 : memref<!tpu.dma_semaphore, #tpu.memory_space<semaphore_mem>>) src(%dma_wait3A_230 : memref<40x128xf32, #tpu.memory_space<hbm>>) dst(%arg8 : memref<40x128xf32, #tpu.memory_space<vmem>>)
      %dma_wait3A_231 = arith.constant 0 : i32
      %dma_wait3A_232 = tpu.memref_slice %arg3[%dma_wait3A_231] : memref<320000xi32, #tpu.memory_space<hbm>> -> memref<40xi32, #tpu.memory_space<hbm>>
      %dma_wait3A_233 = arith.constant 0 : i32
      %dma_wait3A_234 = tpu.memref_slice %arg3[%dma_wait3A_233] : memref<320000xi32, #tpu.memory_space<hbm>> -> memref<40xi32, #tpu.memory_space<hbm>>
      tpu.wait_dma2 semaphore(%arg29 : memref<!tpu.dma_semaphore, #tpu.memory_space<semaphore_mem>>) src(%dma_wait3A_234 : memref<40xi32, #tpu.memory_space<hbm>>) dst(%arg13 : memref<40xi32, #tpu.memory_space<vmem>>)
      %dma_start3A_235 = arith.constant 0 : i32
      %dma_start3A_236 = arith.constant 0 : i32
      %dma_start3A_237 = tpu.memref_slice %arg7[%dma_start3A_235, %dma_start3A_236] : memref<10000x128xf32, #tpu.memory_space<vmem_shared>> -> memref<10000x128xf32, #tpu.memory_space<vmem_shared>>
      tpu.enqueue_indirect_dma source(%arg9 : memref<40x128xf32, #tpu.memory_space<vmem>>) target(%dma_start3A_237 : memref<10000x128xf32, #tpu.memory_space<vmem_shared>>) offsets(%arg19 : memref<40xi32, #tpu.memory_space<vmem>>) semaphore(%arg39 : memref<!tpu.dma_semaphore, #tpu.memory_space<semaphore_mem>>) {add = true}
      %add3A_238 = arith.constant 1 : i32
      %add3A_239 = arith.addi %mul3A_187, %add3A_238 : i32
      %add3A_240 = arith.constant 5 : i32
      %add3A_241 = arith.addi %add3A_239, %add3A_240 : i32
      %mul3A_242 = arith.constant 40 : i32
      %mul3A_243 = arith.muli %add3A_241, %mul3A_242 : i32
      %add3A_244 = arith.addi %mul3A_2, %mul3A_243 : i32
      %dma_start3A_245 = tpu.memref_slice %arg3[%add3A_244] : memref<320000xi32, #tpu.memory_space<hbm>> -> memref<40xi32, #tpu.memory_space<hbm>>
      %dma_start3A_246 = tpu.memref_slice %arg3[%add3A_244] : memref<320000xi32, #tpu.memory_space<hbm>> -> memref<40xi32, #tpu.memory_space<hbm>>
      tpu.enqueue_dma source(%dma_start3A_246 : memref<40xi32, #tpu.memory_space<hbm>>) target(%arg14 : memref<40xi32, #tpu.memory_space<vmem>>) target_semaphore(%arg24 : memref<!tpu.dma_semaphore, #tpu.memory_space<semaphore_mem>>)
      %dma_start3A_247 = tpu.memref_slice %arg4[%add3A_244] : memref<320000xi32, #tpu.memory_space<hbm>> -> memref<40xi32, #tpu.memory_space<hbm>>
      %dma_start3A_248 = tpu.memref_slice %arg4[%add3A_244] : memref<320000xi32, #tpu.memory_space<hbm>> -> memref<40xi32, #tpu.memory_space<hbm>>
      tpu.enqueue_dma source(%dma_start3A_248 : memref<40xi32, #tpu.memory_space<hbm>>) target(%arg19 : memref<40xi32, #tpu.memory_space<vmem>>) target_semaphore(%arg29 : memref<!tpu.dma_semaphore, #tpu.memory_space<semaphore_mem>>)
      %dma_wait3A_249 = arith.constant 0 : i32
      %dma_wait3A_250 = arith.constant 0 : i32
      %dma_wait3A_251 = tpu.memref_slice %arg2[%dma_wait3A_249, %dma_wait3A_250] : memref<10000x128xf32, #tpu.memory_space<hbm>> -> memref<40x128xf32, #tpu.memory_space<hbm>>
      %dma_wait3A_252 = arith.constant 0 : i32
      %dma_wait3A_253 = arith.constant 0 : i32
      %dma_wait3A_254 = tpu.memref_slice %arg2[%dma_wait3A_252, %dma_wait3A_253] : memref<10000x128xf32, #tpu.memory_space<hbm>> -> memref<40x128xf32, #tpu.memory_space<hbm>>
      tpu.wait_dma2 semaphore(%arg39 : memref<!tpu.dma_semaphore, #tpu.memory_space<semaphore_mem>>) src(%dma_wait3A_254 : memref<40x128xf32, #tpu.memory_space<hbm>>) dst(%arg8 : memref<40x128xf32, #tpu.memory_space<vmem>>)
      %dma_wait3A_255 = arith.constant 0 : i32
      %dma_wait3A_256 = tpu.memref_slice %arg3[%dma_wait3A_255] : memref<320000xi32, #tpu.memory_space<hbm>> -> memref<40xi32, #tpu.memory_space<hbm>>
      %dma_wait3A_257 = arith.constant 0 : i32
      %dma_wait3A_258 = tpu.memref_slice %arg3[%dma_wait3A_257] : memref<320000xi32, #tpu.memory_space<hbm>> -> memref<40xi32, #tpu.memory_space<hbm>>
      tpu.wait_dma2 semaphore(%arg24 : memref<!tpu.dma_semaphore, #tpu.memory_space<semaphore_mem>>) src(%dma_wait3A_258 : memref<40xi32, #tpu.memory_space<hbm>>) dst(%arg13 : memref<40xi32, #tpu.memory_space<vmem>>)
      %dma_start3A_259 = arith.constant 0 : i32
      %dma_start3A_260 = arith.constant 0 : i32
      %dma_start3A_261 = tpu.memref_slice %arg2[%dma_start3A_259, %dma_start3A_260] : memref<10000x128xf32, #tpu.memory_space<hbm>> -> memref<10000x128xf32, #tpu.memory_space<hbm>>
      tpu.enqueue_indirect_dma source(%dma_start3A_261 : memref<10000x128xf32, #tpu.memory_space<hbm>>) target(%arg9 : memref<40x128xf32, #tpu.memory_space<vmem>>) offsets(%arg14 : memref<40xi32, #tpu.memory_space<vmem>>) semaphore(%arg34 : memref<!tpu.dma_semaphore, #tpu.memory_space<semaphore_mem>>)
      %dma_wait3A_262 = arith.constant 0 : i32
      %dma_wait3A_263 = arith.constant 0 : i32
      %dma_wait3A_264 = tpu.memref_slice %arg2[%dma_wait3A_262, %dma_wait3A_263] : memref<10000x128xf32, #tpu.memory_space<hbm>> -> memref<40x128xf32, #tpu.memory_space<hbm>>
      %dma_wait3A_265 = arith.constant 0 : i32
      %dma_wait3A_266 = arith.constant 0 : i32
      %dma_wait3A_267 = tpu.memref_slice %arg2[%dma_wait3A_265, %dma_wait3A_266] : memref<10000x128xf32, #tpu.memory_space<hbm>> -> memref<40x128xf32, #tpu.memory_space<hbm>>
      tpu.wait_dma2 semaphore(%arg35 : memref<!tpu.dma_semaphore, #tpu.memory_space<semaphore_mem>>) src(%dma_wait3A_267 : memref<40x128xf32, #tpu.memory_space<hbm>>) dst(%arg8 : memref<40x128xf32, #tpu.memory_space<vmem>>)
      %dma_wait3A_268 = arith.constant 0 : i32
      %dma_wait3A_269 = tpu.memref_slice %arg3[%dma_wait3A_268] : memref<320000xi32, #tpu.memory_space<hbm>> -> memref<40xi32, #tpu.memory_space<hbm>>
      %dma_wait3A_270 = arith.constant 0 : i32
      %dma_wait3A_271 = tpu.memref_slice %arg3[%dma_wait3A_270] : memref<320000xi32, #tpu.memory_space<hbm>> -> memref<40xi32, #tpu.memory_space<hbm>>
      tpu.wait_dma2 semaphore(%arg30 : memref<!tpu.dma_semaphore, #tpu.memory_space<semaphore_mem>>) src(%dma_wait3A_271 : memref<40xi32, #tpu.memory_space<hbm>>) dst(%arg13 : memref<40xi32, #tpu.memory_space<vmem>>)
      %dma_start3A_272 = arith.constant 0 : i32
      %dma_start3A_273 = arith.constant 0 : i32
      %dma_start3A_274 = tpu.memref_slice %arg7[%dma_start3A_272, %dma_start3A_273] : memref<10000x128xf32, #tpu.memory_space<vmem_shared>> -> memref<10000x128xf32, #tpu.memory_space<vmem_shared>>
      tpu.enqueue_indirect_dma source(%arg10 : memref<40x128xf32, #tpu.memory_space<vmem>>) target(%dma_start3A_274 : memref<10000x128xf32, #tpu.memory_space<vmem_shared>>) offsets(%arg20 : memref<40xi32, #tpu.memory_space<vmem>>) semaphore(%arg40 : memref<!tpu.dma_semaphore, #tpu.memory_space<semaphore_mem>>) {add = true}
      %add3A_275 = arith.constant 2 : i32
      %add3A_276 = arith.addi %mul3A_187, %add3A_275 : i32
      %add3A_277 = arith.constant 5 : i32
      %add3A_278 = arith.addi %add3A_276, %add3A_277 : i32
      %mul3A_279 = arith.constant 40 : i32
      %mul3A_280 = arith.muli %add3A_278, %mul3A_279 : i32
      %add3A_281 = arith.addi %mul3A_2, %mul3A_280 : i32
      %dma_start3A_282 = tpu.memref_slice %arg3[%add3A_281] : memref<320000xi32, #tpu.memory_space<hbm>> -> memref<40xi32, #tpu.memory_space<hbm>>
      %dma_start3A_283 = tpu.memref_slice %arg3[%add3A_281] : memref<320000xi32, #tpu.memory_space<hbm>> -> memref<40xi32, #tpu.memory_space<hbm>>
      tpu.enqueue_dma source(%dma_start3A_283 : memref<40xi32, #tpu.memory_space<hbm>>) target(%arg15 : memref<40xi32, #tpu.memory_space<vmem>>) target_semaphore(%arg25 : memref<!tpu.dma_semaphore, #tpu.memory_space<semaphore_mem>>)
      %dma_start3A_284 = tpu.memref_slice %arg4[%add3A_281] : memref<320000xi32, #tpu.memory_space<hbm>> -> memref<40xi32, #tpu.memory_space<hbm>>
      %dma_start3A_285 = tpu.memref_slice %arg4[%add3A_281] : memref<320000xi32, #tpu.memory_space<hbm>> -> memref<40xi32, #tpu.memory_space<hbm>>
      tpu.enqueue_dma source(%dma_start3A_285 : memref<40xi32, #tpu.memory_space<hbm>>) target(%arg20 : memref<40xi32, #tpu.memory_space<vmem>>) target_semaphore(%arg30 : memref<!tpu.dma_semaphore, #tpu.memory_space<semaphore_mem>>)
      %dma_wait3A_286 = arith.constant 0 : i32
      %dma_wait3A_287 = arith.constant 0 : i32
      %dma_wait3A_288 = tpu.memref_slice %arg2[%dma_wait3A_286, %dma_wait3A_287] : memref<10000x128xf32, #tpu.memory_space<hbm>> -> memref<40x128xf32, #tpu.memory_space<hbm>>
      %dma_wait3A_289 = arith.constant 0 : i32
      %dma_wait3A_290 = arith.constant 0 : i32
      %dma_wait3A_291 = tpu.memref_slice %arg2[%dma_wait3A_289, %dma_wait3A_290] : memref<10000x128xf32, #tpu.memory_space<hbm>> -> memref<40x128xf32, #tpu.memory_space<hbm>>
      tpu.wait_dma2 semaphore(%arg40 : memref<!tpu.dma_semaphore, #tpu.memory_space<semaphore_mem>>) src(%dma_wait3A_291 : memref<40x128xf32, #tpu.memory_space<hbm>>) dst(%arg8 : memref<40x128xf32, #tpu.memory_space<vmem>>)
      %dma_wait3A_292 = arith.constant 0 : i32
      %dma_wait3A_293 = tpu.memref_slice %arg3[%dma_wait3A_292] : memref<320000xi32, #tpu.memory_space<hbm>> -> memref<40xi32, #tpu.memory_space<hbm>>
      %dma_wait3A_294 = arith.constant 0 : i32
      %dma_wait3A_295 = tpu.memref_slice %arg3[%dma_wait3A_294] : memref<320000xi32, #tpu.memory_space<hbm>> -> memref<40xi32, #tpu.memory_space<hbm>>
      tpu.wait_dma2 semaphore(%arg25 : memref<!tpu.dma_semaphore, #tpu.memory_space<semaphore_mem>>) src(%dma_wait3A_295 : memref<40xi32, #tpu.memory_space<hbm>>) dst(%arg13 : memref<40xi32, #tpu.memory_space<vmem>>)
      %dma_start3A_296 = arith.constant 0 : i32
      %dma_start3A_297 = arith.constant 0 : i32
      %dma_start3A_298 = tpu.memref_slice %arg2[%dma_start3A_296, %dma_start3A_297] : memref<10000x128xf32, #tpu.memory_space<hbm>> -> memref<10000x128xf32, #tpu.memory_space<hbm>>
      tpu.enqueue_indirect_dma source(%dma_start3A_298 : memref<10000x128xf32, #tpu.memory_space<hbm>>) target(%arg10 : memref<40x128xf32, #tpu.memory_space<vmem>>) offsets(%arg15 : memref<40xi32, #tpu.memory_space<vmem>>) semaphore(%arg35 : memref<!tpu.dma_semaphore, #tpu.memory_space<semaphore_mem>>)
      %dma_wait3A_299 = arith.constant 0 : i32
      %dma_wait3A_300 = arith.constant 0 : i32
      %dma_wait3A_301 = tpu.memref_slice %arg2[%dma_wait3A_299, %dma_wait3A_300] : memref<10000x128xf32, #tpu.memory_space<hbm>> -> memref<40x128xf32, #tpu.memory_space<hbm>>
      %dma_wait3A_302 = arith.constant 0 : i32
      %dma_wait3A_303 = arith.constant 0 : i32
      %dma_wait3A_304 = tpu.memref_slice %arg2[%dma_wait3A_302, %dma_wait3A_303] : memref<10000x128xf32, #tpu.memory_space<hbm>> -> memref<40x128xf32, #tpu.memory_space<hbm>>
      tpu.wait_dma2 semaphore(%arg36 : memref<!tpu.dma_semaphore, #tpu.memory_space<semaphore_mem>>) src(%dma_wait3A_304 : memref<40x128xf32, #tpu.memory_space<hbm>>) dst(%arg8 : memref<40x128xf32, #tpu.memory_space<vmem>>)
      %dma_wait3A_305 = arith.constant 0 : i32
      %dma_wait3A_306 = tpu.memref_slice %arg3[%dma_wait3A_305] : memref<320000xi32, #tpu.memory_space<hbm>> -> memref<40xi32, #tpu.memory_space<hbm>>
      %dma_wait3A_307 = arith.constant 0 : i32
      %dma_wait3A_308 = tpu.memref_slice %arg3[%dma_wait3A_307] : memref<320000xi32, #tpu.memory_space<hbm>> -> memref<40xi32, #tpu.memory_space<hbm>>
      tpu.wait_dma2 semaphore(%arg31 : memref<!tpu.dma_semaphore, #tpu.memory_space<semaphore_mem>>) src(%dma_wait3A_308 : memref<40xi32, #tpu.memory_space<hbm>>) dst(%arg13 : memref<40xi32, #tpu.memory_space<vmem>>)
      %dma_start3A_309 = arith.constant 0 : i32
      %dma_start3A_310 = arith.constant 0 : i32
      %dma_start3A_311 = tpu.memref_slice %arg7[%dma_start3A_309, %dma_start3A_310] : memref<10000x128xf32, #tpu.memory_space<vmem_shared>> -> memref<10000x128xf32, #tpu.memory_space<vmem_shared>>
      tpu.enqueue_indirect_dma source(%arg11 : memref<40x128xf32, #tpu.memory_space<vmem>>) target(%dma_start3A_311 : memref<10000x128xf32, #tpu.memory_space<vmem_shared>>) offsets(%arg21 : memref<40xi32, #tpu.memory_space<vmem>>) semaphore(%arg41 : memref<!tpu.dma_semaphore, #tpu.memory_space<semaphore_mem>>) {add = true}
      %add3A_312 = arith.constant 3 : i32
      %add3A_313 = arith.addi %mul3A_187, %add3A_312 : i32
      %add3A_314 = arith.constant 5 : i32
      %add3A_315 = arith.addi %add3A_313, %add3A_314 : i32
      %mul3A_316 = arith.constant 40 : i32
      %mul3A_317 = arith.muli %add3A_315, %mul3A_316 : i32
      %add3A_318 = arith.addi %mul3A_2, %mul3A_317 : i32
      %dma_start3A_319 = tpu.memref_slice %arg3[%add3A_318] : memref<320000xi32, #tpu.memory_space<hbm>> -> memref<40xi32, #tpu.memory_space<hbm>>
      %dma_start3A_320 = tpu.memref_slice %arg3[%add3A_318] : memref<320000xi32, #tpu.memory_space<hbm>> -> memref<40xi32, #tpu.memory_space<hbm>>
      tpu.enqueue_dma source(%dma_start3A_320 : memref<40xi32, #tpu.memory_space<hbm>>) target(%arg16 : memref<40xi32, #tpu.memory_space<vmem>>) target_semaphore(%arg26 : memref<!tpu.dma_semaphore, #tpu.memory_space<semaphore_mem>>)
      %dma_start3A_321 = tpu.memref_slice %arg4[%add3A_318] : memref<320000xi32, #tpu.memory_space<hbm>> -> memref<40xi32, #tpu.memory_space<hbm>>
      %dma_start3A_322 = tpu.memref_slice %arg4[%add3A_318] : memref<320000xi32, #tpu.memory_space<hbm>> -> memref<40xi32, #tpu.memory_space<hbm>>
      tpu.enqueue_dma source(%dma_start3A_322 : memref<40xi32, #tpu.memory_space<hbm>>) target(%arg21 : memref<40xi32, #tpu.memory_space<vmem>>) target_semaphore(%arg31 : memref<!tpu.dma_semaphore, #tpu.memory_space<semaphore_mem>>)
      %dma_wait3A_323 = arith.constant 0 : i32
      %dma_wait3A_324 = arith.constant 0 : i32
      %dma_wait3A_325 = tpu.memref_slice %arg2[%dma_wait3A_323, %dma_wait3A_324] : memref<10000x128xf32, #tpu.memory_space<hbm>> -> memref<40x128xf32, #tpu.memory_space<hbm>>
      %dma_wait3A_326 = arith.constant 0 : i32
      %dma_wait3A_327 = arith.constant 0 : i32
      %dma_wait3A_328 = tpu.memref_slice %arg2[%dma_wait3A_326, %dma_wait3A_327] : memref<10000x128xf32, #tpu.memory_space<hbm>> -> memref<40x128xf32, #tpu.memory_space<hbm>>
      tpu.wait_dma2 semaphore(%arg41 : memref<!tpu.dma_semaphore, #tpu.memory_space<semaphore_mem>>) src(%dma_wait3A_328 : memref<40x128xf32, #tpu.memory_space<hbm>>) dst(%arg8 : memref<40x128xf32, #tpu.memory_space<vmem>>)
      %dma_wait3A_329 = arith.constant 0 : i32
      %dma_wait3A_330 = tpu.memref_slice %arg3[%dma_wait3A_329] : memref<320000xi32, #tpu.memory_space<hbm>> -> memref<40xi32, #tpu.memory_space<hbm>>
      %dma_wait3A_331 = arith.constant 0 : i32
      %dma_wait3A_332 = tpu.memref_slice %arg3[%dma_wait3A_331] : memref<320000xi32, #tpu.memory_space<hbm>> -> memref<40xi32, #tpu.memory_space<hbm>>
      tpu.wait_dma2 semaphore(%arg26 : memref<!tpu.dma_semaphore, #tpu.memory_space<semaphore_mem>>) src(%dma_wait3A_332 : memref<40xi32, #tpu.memory_space<hbm>>) dst(%arg13 : memref<40xi32, #tpu.memory_space<vmem>>)
      %dma_start3A_333 = arith.constant 0 : i32
      %dma_start3A_334 = arith.constant 0 : i32
      %dma_start3A_335 = tpu.memref_slice %arg2[%dma_start3A_333, %dma_start3A_334] : memref<10000x128xf32, #tpu.memory_space<hbm>> -> memref<10000x128xf32, #tpu.memory_space<hbm>>
      tpu.enqueue_indirect_dma source(%dma_start3A_335 : memref<10000x128xf32, #tpu.memory_space<hbm>>) target(%arg11 : memref<40x128xf32, #tpu.memory_space<vmem>>) offsets(%arg16 : memref<40xi32, #tpu.memory_space<vmem>>) semaphore(%arg36 : memref<!tpu.dma_semaphore, #tpu.memory_space<semaphore_mem>>)
      %dma_wait3A_336 = arith.constant 0 : i32
      %dma_wait3A_337 = arith.constant 0 : i32
      %dma_wait3A_338 = tpu.memref_slice %arg2[%dma_wait3A_336, %dma_wait3A_337] : memref<10000x128xf32, #tpu.memory_space<hbm>> -> memref<40x128xf32, #tpu.memory_space<hbm>>
      %dma_wait3A_339 = arith.constant 0 : i32
      %dma_wait3A_340 = arith.constant 0 : i32
      %dma_wait3A_341 = tpu.memref_slice %arg2[%dma_wait3A_339, %dma_wait3A_340] : memref<10000x128xf32, #tpu.memory_space<hbm>> -> memref<40x128xf32, #tpu.memory_space<hbm>>
      tpu.wait_dma2 semaphore(%arg37 : memref<!tpu.dma_semaphore, #tpu.memory_space<semaphore_mem>>) src(%dma_wait3A_341 : memref<40x128xf32, #tpu.memory_space<hbm>>) dst(%arg8 : memref<40x128xf32, #tpu.memory_space<vmem>>)
      %dma_wait3A_342 = arith.constant 0 : i32
      %dma_wait3A_343 = tpu.memref_slice %arg3[%dma_wait3A_342] : memref<320000xi32, #tpu.memory_space<hbm>> -> memref<40xi32, #tpu.memory_space<hbm>>
      %dma_wait3A_344 = arith.constant 0 : i32
      %dma_wait3A_345 = tpu.memref_slice %arg3[%dma_wait3A_344] : memref<320000xi32, #tpu.memory_space<hbm>> -> memref<40xi32, #tpu.memory_space<hbm>>
      tpu.wait_dma2 semaphore(%arg32 : memref<!tpu.dma_semaphore, #tpu.memory_space<semaphore_mem>>) src(%dma_wait3A_345 : memref<40xi32, #tpu.memory_space<hbm>>) dst(%arg13 : memref<40xi32, #tpu.memory_space<vmem>>)
      %dma_start3A_346 = arith.constant 0 : i32
      %dma_start3A_347 = arith.constant 0 : i32
      %dma_start3A_348 = tpu.memref_slice %arg7[%dma_start3A_346, %dma_start3A_347] : memref<10000x128xf32, #tpu.memory_space<vmem_shared>> -> memref<10000x128xf32, #tpu.memory_space<vmem_shared>>
      tpu.enqueue_indirect_dma source(%arg12 : memref<40x128xf32, #tpu.memory_space<vmem>>) target(%dma_start3A_348 : memref<10000x128xf32, #tpu.memory_space<vmem_shared>>) offsets(%arg22 : memref<40xi32, #tpu.memory_space<vmem>>) semaphore(%arg42 : memref<!tpu.dma_semaphore, #tpu.memory_space<semaphore_mem>>) {add = true}
      %add3A_349 = arith.constant 4 : i32
      %add3A_350 = arith.addi %mul3A_187, %add3A_349 : i32
      %add3A_351 = arith.constant 5 : i32
      %add3A_352 = arith.addi %add3A_350, %add3A_351 : i32
      %mul3A_353 = arith.constant 40 : i32
      %mul3A_354 = arith.muli %add3A_352, %mul3A_353 : i32
      %add3A_355 = arith.addi %mul3A_2, %mul3A_354 : i32
      %dma_start3A_356 = tpu.memref_slice %arg3[%add3A_355] : memref<320000xi32, #tpu.memory_space<hbm>> -> memref<40xi32, #tpu.memory_space<hbm>>
      %dma_start3A_357 = tpu.memref_slice %arg3[%add3A_355] : memref<320000xi32, #tpu.memory_space<hbm>> -> memref<40xi32, #tpu.memory_space<hbm>>
      tpu.enqueue_dma source(%dma_start3A_357 : memref<40xi32, #tpu.memory_space<hbm>>) target(%arg17 : memref<40xi32, #tpu.memory_space<vmem>>) target_semaphore(%arg27 : memref<!tpu.dma_semaphore, #tpu.memory_space<semaphore_mem>>)
      %dma_start3A_358 = tpu.memref_slice %arg4[%add3A_355] : memref<320000xi32, #tpu.memory_space<hbm>> -> memref<40xi32, #tpu.memory_space<hbm>>
      %dma_start3A_359 = tpu.memref_slice %arg4[%add3A_355] : memref<320000xi32, #tpu.memory_space<hbm>> -> memref<40xi32, #tpu.memory_space<hbm>>
      tpu.enqueue_dma source(%dma_start3A_359 : memref<40xi32, #tpu.memory_space<hbm>>) target(%arg22 : memref<40xi32, #tpu.memory_space<vmem>>) target_semaphore(%arg32 : memref<!tpu.dma_semaphore, #tpu.memory_space<semaphore_mem>>)
      %dma_wait3A_360 = arith.constant 0 : i32
      %dma_wait3A_361 = arith.constant 0 : i32
      %dma_wait3A_362 = tpu.memref_slice %arg2[%dma_wait3A_360, %dma_wait3A_361] : memref<10000x128xf32, #tpu.memory_space<hbm>> -> memref<40x128xf32, #tpu.memory_space<hbm>>
      %dma_wait3A_363 = arith.constant 0 : i32
      %dma_wait3A_364 = arith.constant 0 : i32
      %dma_wait3A_365 = tpu.memref_slice %arg2[%dma_wait3A_363, %dma_wait3A_364] : memref<10000x128xf32, #tpu.memory_space<hbm>> -> memref<40x128xf32, #tpu.memory_space<hbm>>
      tpu.wait_dma2 semaphore(%arg42 : memref<!tpu.dma_semaphore, #tpu.memory_space<semaphore_mem>>) src(%dma_wait3A_365 : memref<40x128xf32, #tpu.memory_space<hbm>>) dst(%arg8 : memref<40x128xf32, #tpu.memory_space<vmem>>)
      %dma_wait3A_366 = arith.constant 0 : i32
      %dma_wait3A_367 = tpu.memref_slice %arg3[%dma_wait3A_366] : memref<320000xi32, #tpu.memory_space<hbm>> -> memref<40xi32, #tpu.memory_space<hbm>>
      %dma_wait3A_368 = arith.constant 0 : i32
      %dma_wait3A_369 = tpu.memref_slice %arg3[%dma_wait3A_368] : memref<320000xi32, #tpu.memory_space<hbm>> -> memref<40xi32, #tpu.memory_space<hbm>>
      tpu.wait_dma2 semaphore(%arg27 : memref<!tpu.dma_semaphore, #tpu.memory_space<semaphore_mem>>) src(%dma_wait3A_369 : memref<40xi32, #tpu.memory_space<hbm>>) dst(%arg13 : memref<40xi32, #tpu.memory_space<vmem>>)
      %dma_start3A_370 = arith.constant 0 : i32
      %dma_start3A_371 = arith.constant 0 : i32
      %dma_start3A_372 = tpu.memref_slice %arg2[%dma_start3A_370, %dma_start3A_371] : memref<10000x128xf32, #tpu.memory_space<hbm>> -> memref<10000x128xf32, #tpu.memory_space<hbm>>
      tpu.enqueue_indirect_dma source(%dma_start3A_372 : memref<10000x128xf32, #tpu.memory_space<hbm>>) target(%arg12 : memref<40x128xf32, #tpu.memory_space<vmem>>) offsets(%arg17 : memref<40xi32, #tpu.memory_space<vmem>>) semaphore(%arg37 : memref<!tpu.dma_semaphore, #tpu.memory_space<semaphore_mem>>)
    }
    %scan3A_78 = arith.constant 49 : i32
    %dma_wait3A_79 = arith.constant 0 : i32
    %dma_wait3A_80 = arith.constant 0 : i32
    %dma_wait3A_81 = tpu.memref_slice %arg2[%dma_wait3A_79, %dma_wait3A_80] : memref<10000x128xf32, #tpu.memory_space<hbm>> -> memref<40x128xf32, #tpu.memory_space<hbm>>
    %dma_wait3A_82 = arith.constant 0 : i32
    %dma_wait3A_83 = arith.constant 0 : i32
    %dma_wait3A_84 = tpu.memref_slice %arg2[%dma_wait3A_82, %dma_wait3A_83] : memref<10000x128xf32, #tpu.memory_space<hbm>> -> memref<40x128xf32, #tpu.memory_space<hbm>>
    tpu.wait_dma2 semaphore(%arg33 : memref<!tpu.dma_semaphore, #tpu.memory_space<semaphore_mem>>) src(%dma_wait3A_84 : memref<40x128xf32, #tpu.memory_space<hbm>>) dst(%arg8 : memref<40x128xf32, #tpu.memory_space<vmem>>)
    %dma_wait3A_85 = arith.constant 0 : i32
    %dma_wait3A_86 = tpu.memref_slice %arg3[%dma_wait3A_85] : memref<320000xi32, #tpu.memory_space<hbm>> -> memref<40xi32, #tpu.memory_space<hbm>>
    %dma_wait3A_87 = arith.constant 0 : i32
    %dma_wait3A_88 = tpu.memref_slice %arg3[%dma_wait3A_87] : memref<320000xi32, #tpu.memory_space<hbm>> -> memref<40xi32, #tpu.memory_space<hbm>>
    tpu.wait_dma2 semaphore(%arg28 : memref<!tpu.dma_semaphore, #tpu.memory_space<semaphore_mem>>) src(%dma_wait3A_88 : memref<40xi32, #tpu.memory_space<hbm>>) dst(%arg13 : memref<40xi32, #tpu.memory_space<vmem>>)
    %dma_start3A_89 = arith.constant 0 : i32
    %dma_start3A_90 = arith.constant 0 : i32
    %dma_start3A_91 = tpu.memref_slice %arg7[%dma_start3A_89, %dma_start3A_90] : memref<10000x128xf32, #tpu.memory_space<vmem_shared>> -> memref<10000x128xf32, #tpu.memory_space<vmem_shared>>
    tpu.enqueue_indirect_dma source(%arg8 : memref<40x128xf32, #tpu.memory_space<vmem>>) target(%dma_start3A_91 : memref<10000x128xf32, #tpu.memory_space<vmem_shared>>) offsets(%arg18 : memref<40xi32, #tpu.memory_space<vmem>>) semaphore(%arg38 : memref<!tpu.dma_semaphore, #tpu.memory_space<semaphore_mem>>) {add = true}
    %dma_wait3A_92 = arith.constant 0 : i32
    %dma_wait3A_93 = arith.constant 0 : i32
    %dma_wait3A_94 = tpu.memref_slice %arg2[%dma_wait3A_92, %dma_wait3A_93] : memref<10000x128xf32, #tpu.memory_space<hbm>> -> memref<40x128xf32, #tpu.memory_space<hbm>>
    %dma_wait3A_95 = arith.constant 0 : i32
    %dma_wait3A_96 = arith.constant 0 : i32
    %dma_wait3A_97 = tpu.memref_slice %arg2[%dma_wait3A_95, %dma_wait3A_96] : memref<10000x128xf32, #tpu.memory_space<hbm>> -> memref<40x128xf32, #tpu.memory_space<hbm>>
    tpu.wait_dma2 semaphore(%arg38 : memref<!tpu.dma_semaphore, #tpu.memory_space<semaphore_mem>>) src(%dma_wait3A_97 : memref<40x128xf32, #tpu.memory_space<hbm>>) dst(%arg8 : memref<40x128xf32, #tpu.memory_space<vmem>>)
    %dma_wait3A_98 = arith.constant 0 : i32
    %dma_wait3A_99 = arith.constant 0 : i32
    %dma_wait3A_100 = tpu.memref_slice %arg2[%dma_wait3A_98, %dma_wait3A_99] : memref<10000x128xf32, #tpu.memory_space<hbm>> -> memref<40x128xf32, #tpu.memory_space<hbm>>
    %dma_wait3A_101 = arith.constant 0 : i32
    %dma_wait3A_102 = arith.constant 0 : i32
    %dma_wait3A_103 = tpu.memref_slice %arg2[%dma_wait3A_101, %dma_wait3A_102] : memref<10000x128xf32, #tpu.memory_space<hbm>> -> memref<40x128xf32, #tpu.memory_space<hbm>>
    tpu.wait_dma2 semaphore(%arg34 : memref<!tpu.dma_semaphore, #tpu.memory_space<semaphore_mem>>) src(%dma_wait3A_103 : memref<40x128xf32, #tpu.memory_space<hbm>>) dst(%arg8 : memref<40x128xf32, #tpu.memory_space<vmem>>)
    %dma_wait3A_104 = arith.constant 0 : i32
    %dma_wait3A_105 = tpu.memref_slice %arg3[%dma_wait3A_104] : memref<320000xi32, #tpu.memory_space<hbm>> -> memref<40xi32, #tpu.memory_space<hbm>>
    %dma_wait3A_106 = arith.constant 0 : i32
    %dma_wait3A_107 = tpu.memref_slice %arg3[%dma_wait3A_106] : memref<320000xi32, #tpu.memory_space<hbm>> -> memref<40xi32, #tpu.memory_space<hbm>>
    tpu.wait_dma2 semaphore(%arg29 : memref<!tpu.dma_semaphore, #tpu.memory_space<semaphore_mem>>) src(%dma_wait3A_107 : memref<40xi32, #tpu.memory_space<hbm>>) dst(%arg13 : memref<40xi32, #tpu.memory_space<vmem>>)
    %dma_start3A_108 = arith.constant 0 : i32
    %dma_start3A_109 = arith.constant 0 : i32
    %dma_start3A_110 = tpu.memref_slice %arg7[%dma_start3A_108, %dma_start3A_109] : memref<10000x128xf32, #tpu.memory_space<vmem_shared>> -> memref<10000x128xf32, #tpu.memory_space<vmem_shared>>
    tpu.enqueue_indirect_dma source(%arg9 : memref<40x128xf32, #tpu.memory_space<vmem>>) target(%dma_start3A_110 : memref<10000x128xf32, #tpu.memory_space<vmem_shared>>) offsets(%arg19 : memref<40xi32, #tpu.memory_space<vmem>>) semaphore(%arg39 : memref<!tpu.dma_semaphore, #tpu.memory_space<semaphore_mem>>) {add = true}
    %dma_wait3A_111 = arith.constant 0 : i32
    %dma_wait3A_112 = arith.constant 0 : i32
    %dma_wait3A_113 = tpu.memref_slice %arg2[%dma_wait3A_111, %dma_wait3A_112] : memref<10000x128xf32, #tpu.memory_space<hbm>> -> memref<40x128xf32, #tpu.memory_space<hbm>>
    %dma_wait3A_114 = arith.constant 0 : i32
    %dma_wait3A_115 = arith.constant 0 : i32
    %dma_wait3A_116 = tpu.memref_slice %arg2[%dma_wait3A_114, %dma_wait3A_115] : memref<10000x128xf32, #tpu.memory_space<hbm>> -> memref<40x128xf32, #tpu.memory_space<hbm>>
    tpu.wait_dma2 semaphore(%arg39 : memref<!tpu.dma_semaphore, #tpu.memory_space<semaphore_mem>>) src(%dma_wait3A_116 : memref<40x128xf32, #tpu.memory_space<hbm>>) dst(%arg8 : memref<40x128xf32, #tpu.memory_space<vmem>>)
    %dma_wait3A_117 = arith.constant 0 : i32
    %dma_wait3A_118 = arith.constant 0 : i32
    %dma_wait3A_119 = tpu.memref_slice %arg2[%dma_wait3A_117, %dma_wait3A_118] : memref<10000x128xf32, #tpu.memory_space<hbm>> -> memref<40x128xf32, #tpu.memory_space<hbm>>
    %dma_wait3A_120 = arith.constant 0 : i32
    %dma_wait3A_121 = arith.constant 0 : i32
    %dma_wait3A_122 = tpu.memref_slice %arg2[%dma_wait3A_120, %dma_wait3A_121] : memref<10000x128xf32, #tpu.memory_space<hbm>> -> memref<40x128xf32, #tpu.memory_space<hbm>>
    tpu.wait_dma2 semaphore(%arg35 : memref<!tpu.dma_semaphore, #tpu.memory_space<semaphore_mem>>) src(%dma_wait3A_122 : memref<40x128xf32, #tpu.memory_space<hbm>>) dst(%arg8 : memref<40x128xf32, #tpu.memory_space<vmem>>)
    %dma_wait3A_123 = arith.constant 0 : i32
    %dma_wait3A_124 = tpu.memref_slice %arg3[%dma_wait3A_123] : memref<320000xi32, #tpu.memory_space<hbm>> -> memref<40xi32, #tpu.memory_space<hbm>>
    %dma_wait3A_125 = arith.constant 0 : i32
    %dma_wait3A_126 = tpu.memref_slice %arg3[%dma_wait3A_125] : memref<320000xi32, #tpu.memory_space<hbm>> -> memref<40xi32, #tpu.memory_space<hbm>>
    tpu.wait_dma2 semaphore(%arg30 : memref<!tpu.dma_semaphore, #tpu.memory_space<semaphore_mem>>) src(%dma_wait3A_126 : memref<40xi32, #tpu.memory_space<hbm>>) dst(%arg13 : memref<40xi32, #tpu.memory_space<vmem>>)
    %dma_start3A_127 = arith.constant 0 : i32
    %dma_start3A_128 = arith.constant 0 : i32
    %dma_start3A_129 = tpu.memref_slice %arg7[%dma_start3A_127, %dma_start3A_128] : memref<10000x128xf32, #tpu.memory_space<vmem_shared>> -> memref<10000x128xf32, #tpu.memory_space<vmem_shared>>
    tpu.enqueue_indirect_dma source(%arg10 : memref<40x128xf32, #tpu.memory_space<vmem>>) target(%dma_start3A_129 : memref<10000x128xf32, #tpu.memory_space<vmem_shared>>) offsets(%arg20 : memref<40xi32, #tpu.memory_space<vmem>>) semaphore(%arg40 : memref<!tpu.dma_semaphore, #tpu.memory_space<semaphore_mem>>) {add = true}
    %dma_wait3A_130 = arith.constant 0 : i32
    %dma_wait3A_131 = arith.constant 0 : i32
    %dma_wait3A_132 = tpu.memref_slice %arg2[%dma_wait3A_130, %dma_wait3A_131] : memref<10000x128xf32, #tpu.memory_space<hbm>> -> memref<40x128xf32, #tpu.memory_space<hbm>>
    %dma_wait3A_133 = arith.constant 0 : i32
    %dma_wait3A_134 = arith.constant 0 : i32
    %dma_wait3A_135 = tpu.memref_slice %arg2[%dma_wait3A_133, %dma_wait3A_134] : memref<10000x128xf32, #tpu.memory_space<hbm>> -> memref<40x128xf32, #tpu.memory_space<hbm>>
    tpu.wait_dma2 semaphore(%arg40 : memref<!tpu.dma_semaphore, #tpu.memory_space<semaphore_mem>>) src(%dma_wait3A_135 : memref<40x128xf32, #tpu.memory_space<hbm>>) dst(%arg8 : memref<40x128xf32, #tpu.memory_space<vmem>>)
    %dma_wait3A_136 = arith.constant 0 : i32
    %dma_wait3A_137 = arith.constant 0 : i32
    %dma_wait3A_138 = tpu.memref_slice %arg2[%dma_wait3A_136, %dma_wait3A_137] : memref<10000x128xf32, #tpu.memory_space<hbm>> -> memref<40x128xf32, #tpu.memory_space<hbm>>
    %dma_wait3A_139 = arith.constant 0 : i32
    %dma_wait3A_140 = arith.constant 0 : i32
    %dma_wait3A_141 = tpu.memref_slice %arg2[%dma_wait3A_139, %dma_wait3A_140] : memref<10000x128xf32, #tpu.memory_space<hbm>> -> memref<40x128xf32, #tpu.memory_space<hbm>>
    tpu.wait_dma2 semaphore(%arg36 : memref<!tpu.dma_semaphore, #tpu.memory_space<semaphore_mem>>) src(%dma_wait3A_141 : memref<40x128xf32, #tpu.memory_space<hbm>>) dst(%arg8 : memref<40x128xf32, #tpu.memory_space<vmem>>)
    %dma_wait3A_142 = arith.constant 0 : i32
    %dma_wait3A_143 = tpu.memref_slice %arg3[%dma_wait3A_142] : memref<320000xi32, #tpu.memory_space<hbm>> -> memref<40xi32, #tpu.memory_space<hbm>>
    %dma_wait3A_144 = arith.constant 0 : i32
    %dma_wait3A_145 = tpu.memref_slice %arg3[%dma_wait3A_144] : memref<320000xi32, #tpu.memory_space<hbm>> -> memref<40xi32, #tpu.memory_space<hbm>>
    tpu.wait_dma2 semaphore(%arg31 : memref<!tpu.dma_semaphore, #tpu.memory_space<semaphore_mem>>) src(%dma_wait3A_145 : memref<40xi32, #tpu.memory_space<hbm>>) dst(%arg13 : memref<40xi32, #tpu.memory_space<vmem>>)
    %dma_start3A_146 = arith.constant 0 : i32
    %dma_start3A_147 = arith.constant 0 : i32
    %dma_start3A_148 = tpu.memref_slice %arg7[%dma_start3A_146, %dma_start3A_147] : memref<10000x128xf32, #tpu.memory_space<vmem_shared>> -> memref<10000x128xf32, #tpu.memory_space<vmem_shared>>
    tpu.enqueue_indirect_dma source(%arg11 : memref<40x128xf32, #tpu.memory_space<vmem>>) target(%dma_start3A_148 : memref<10000x128xf32, #tpu.memory_space<vmem_shared>>) offsets(%arg21 : memref<40xi32, #tpu.memory_space<vmem>>) semaphore(%arg41 : memref<!tpu.dma_semaphore, #tpu.memory_space<semaphore_mem>>) {add = true}
    %dma_wait3A_149 = arith.constant 0 : i32
    %dma_wait3A_150 = arith.constant 0 : i32
    %dma_wait3A_151 = tpu.memref_slice %arg2[%dma_wait3A_149, %dma_wait3A_150] : memref<10000x128xf32, #tpu.memory_space<hbm>> -> memref<40x128xf32, #tpu.memory_space<hbm>>
    %dma_wait3A_152 = arith.constant 0 : i32
    %dma_wait3A_153 = arith.constant 0 : i32
    %dma_wait3A_154 = tpu.memref_slice %arg2[%dma_wait3A_152, %dma_wait3A_153] : memref<10000x128xf32, #tpu.memory_space<hbm>> -> memref<40x128xf32, #tpu.memory_space<hbm>>
    tpu.wait_dma2 semaphore(%arg41 : memref<!tpu.dma_semaphore, #tpu.memory_space<semaphore_mem>>) src(%dma_wait3A_154 : memref<40x128xf32, #tpu.memory_space<hbm>>) dst(%arg8 : memref<40x128xf32, #tpu.memory_space<vmem>>)
    %dma_wait3A_155 = arith.constant 0 : i32
    %dma_wait3A_156 = arith.constant 0 : i32
    %dma_wait3A_157 = tpu.memref_slice %arg2[%dma_wait3A_155, %dma_wait3A_156] : memref<10000x128xf32, #tpu.memory_space<hbm>> -> memref<40x128xf32, #tpu.memory_space<hbm>>
    %dma_wait3A_158 = arith.constant 0 : i32
    %dma_wait3A_159 = arith.constant 0 : i32
    %dma_wait3A_160 = tpu.memref_slice %arg2[%dma_wait3A_158, %dma_wait3A_159] : memref<10000x128xf32, #tpu.memory_space<hbm>> -> memref<40x128xf32, #tpu.memory_space<hbm>>
    tpu.wait_dma2 semaphore(%arg37 : memref<!tpu.dma_semaphore, #tpu.memory_space<semaphore_mem>>) src(%dma_wait3A_160 : memref<40x128xf32, #tpu.memory_space<hbm>>) dst(%arg8 : memref<40x128xf32, #tpu.memory_space<vmem>>)
    %dma_wait3A_161 = arith.constant 0 : i32
    %dma_wait3A_162 = tpu.memref_slice %arg3[%dma_wait3A_161] : memref<320000xi32, #tpu.memory_space<hbm>> -> memref<40xi32, #tpu.memory_space<hbm>>
    %dma_wait3A_163 = arith.constant 0 : i32
    %dma_wait3A_164 = tpu.memref_slice %arg3[%dma_wait3A_163] : memref<320000xi32, #tpu.memory_space<hbm>> -> memref<40xi32, #tpu.memory_space<hbm>>
    tpu.wait_dma2 semaphore(%arg32 : memref<!tpu.dma_semaphore, #tpu.memory_space<semaphore_mem>>) src(%dma_wait3A_164 : memref<40xi32, #tpu.memory_space<hbm>>) dst(%arg13 : memref<40xi32, #tpu.memory_space<vmem>>)
    %dma_start3A_165 = arith.constant 0 : i32
    %dma_start3A_166 = arith.constant 0 : i32
    %dma_start3A_167 = tpu.memref_slice %arg7[%dma_start3A_165, %dma_start3A_166] : memref<10000x128xf32, #tpu.memory_space<vmem_shared>> -> memref<10000x128xf32, #tpu.memory_space<vmem_shared>>
    tpu.enqueue_indirect_dma source(%arg12 : memref<40x128xf32, #tpu.memory_space<vmem>>) target(%dma_start3A_167 : memref<10000x128xf32, #tpu.memory_space<vmem_shared>>) offsets(%arg22 : memref<40xi32, #tpu.memory_space<vmem>>) semaphore(%arg42 : memref<!tpu.dma_semaphore, #tpu.memory_space<semaphore_mem>>) {add = true}
    %dma_wait3A_168 = arith.constant 0 : i32
    %dma_wait3A_169 = arith.constant 0 : i32
    %dma_wait3A_170 = tpu.memref_slice %arg2[%dma_wait3A_168, %dma_wait3A_169] : memref<10000x128xf32, #tpu.memory_space<hbm>> -> memref<40x128xf32, #tpu.memory_space<hbm>>
    %dma_wait3A_171 = arith.constant 0 : i32
    %dma_wait3A_172 = arith.constant 0 : i32
    %dma_wait3A_173 = tpu.memref_slice %arg2[%dma_wait3A_171, %dma_wait3A_172] : memref<10000x128xf32, #tpu.memory_space<hbm>> -> memref<40x128xf32, #tpu.memory_space<hbm>>
    tpu.wait_dma2 semaphore(%arg42 : memref<!tpu.dma_semaphore, #tpu.memory_space<semaphore_mem>>) src(%dma_wait3A_173 : memref<40x128xf32, #tpu.memory_space<hbm>>) dst(%arg8 : memref<40x128xf32, #tpu.memory_space<vmem>>)
    %barrier3A_174 = arith.constant 0 : index
    tpu.barrier barrier_id(%barrier3A_174)
    %lt3A_175 = arith.constant 15 : i32
    %lt3A_176 = arith.cmpi slt, %arg1, %lt3A_175 : i32
    %convert_element_type3A_177 = arith.extui %lt3A_176 : i1 to i32
    %cond3A_178 = arith.constant 0 : i32
    %cond3A_179 = arith.cmpi ne, %convert_element_type3A_177, %cond3A_178 : i32
    scf.if %cond3A_179 {
      "tpu.region"() ({
        %run_scoped3A = tpu.sem_alloc : memref<!tpu.dma_semaphore, #tpu.memory_space<semaphore_mem>>
        %dma_start3A_185 = arith.constant 0 : i32
        %dma_start3A_186 = tpu.memref_slice %arg6[%arg0, %mul3A_4, %dma_start3A_185] : memref<2x10000x128xf32, #tpu.memory_space<hbm>> -> memref<1x632x128xf32, #tpu.memory_space<hbm>>
        %dma_start3A_187 = tpu.memref_squeeze %dma_start3A_186 : memref<1x632x128xf32, #tpu.memory_space<hbm>> -> memref<632x128xf32, #tpu.memory_space<hbm>>
        %dma_start3A_188 = arith.constant 0 : i32
        %dma_start3A_189 = tpu.memref_slice %arg7[%mul3A_4, %dma_start3A_188] : memref<10000x128xf32, #tpu.memory_space<vmem_shared>> -> memref<632x128xf32, #tpu.memory_space<vmem_shared>>
        tpu.enqueue_dma source(%dma_start3A_189 : memref<632x128xf32, #tpu.memory_space<vmem_shared>>) target(%dma_start3A_187 : memref<632x128xf32, #tpu.memory_space<hbm>>) target_semaphore(%run_scoped3A : memref<!tpu.dma_semaphore, #tpu.memory_space<semaphore_mem>>)
        %dma_wait3A_190 = arith.constant 0 : i32
        %dma_wait3A_191 = tpu.memref_slice %arg6[%arg0, %mul3A_4, %dma_wait3A_190] : memref<2x10000x128xf32, #tpu.memory_space<hbm>> -> memref<1x632x128xf32, #tpu.memory_space<hbm>>
        %dma_wait3A_192 = tpu.memref_squeeze %dma_wait3A_191 : memref<1x632x128xf32, #tpu.memory_space<hbm>> -> memref<632x128xf32, #tpu.memory_space<hbm>>
        %dma_wait3A_193 = arith.constant 0 : i32
        %dma_wait3A_194 = tpu.memref_slice %arg7[%mul3A_4, %dma_wait3A_193] : memref<10000x128xf32, #tpu.memory_space<vmem_shared>> -> memref<632x128xf32, #tpu.memory_space<vmem_shared>>
        tpu.wait_dma2 semaphore(%run_scoped3A : memref<!tpu.dma_semaphore, #tpu.memory_space<semaphore_mem>>) src(%dma_wait3A_194 : memref<632x128xf32, #tpu.memory_space<vmem_shared>>) dst(%dma_wait3A_192 : memref<632x128xf32, #tpu.memory_space<hbm>>)
        tpu.yield
      }) : () -> ()
    } else {
    }
    %eq3A_180 = arith.constant 15 : i32
    %eq3A_181 = arith.cmpi eq, %arg1, %eq3A_180 : i32
    %convert_element_type3A_182 = arith.extui %eq3A_181 : i1 to i32
    %cond3A_183 = arith.constant 0 : i32
    %cond3A_184 = arith.cmpi ne, %convert_element_type3A_182, %cond3A_183 : i32
    scf.if %cond3A_184 {
      "tpu.region"() ({
        %run_scoped3A = tpu.sem_alloc : memref<!tpu.dma_semaphore, #tpu.memory_space<semaphore_mem>>
        %dma_start3A_185 = arith.constant 0 : i32
        %dma_start3A_186 = tpu.memref_slice %arg6[%arg0, %mul3A_4, %dma_start3A_185] : memref<2x10000x128xf32, #tpu.memory_space<hbm>> -> memref<1x520x128xf32, #tpu.memory_space<hbm>>
        %dma_start3A_187 = tpu.memref_squeeze %dma_start3A_186 : memref<1x520x128xf32, #tpu.memory_space<hbm>> -> memref<520x128xf32, #tpu.memory_space<hbm>>
        %dma_start3A_188 = arith.constant 0 : i32
        %dma_start3A_189 = tpu.memref_slice %arg7[%mul3A_4, %dma_start3A_188] : memref<10000x128xf32, #tpu.memory_space<vmem_shared>> -> memref<520x128xf32, #tpu.memory_space<vmem_shared>>
        tpu.enqueue_dma source(%dma_start3A_189 : memref<520x128xf32, #tpu.memory_space<vmem_shared>>) target(%dma_start3A_187 : memref<520x128xf32, #tpu.memory_space<hbm>>) target_semaphore(%run_scoped3A : memref<!tpu.dma_semaphore, #tpu.memory_space<semaphore_mem>>)
        %dma_wait3A_190 = arith.constant 0 : i32
        %dma_wait3A_191 = tpu.memref_slice %arg6[%arg0, %mul3A_4, %dma_wait3A_190] : memref<2x10000x128xf32, #tpu.memory_space<hbm>> -> memref<1x520x128xf32, #tpu.memory_space<hbm>>
        %dma_wait3A_192 = tpu.memref_squeeze %dma_wait3A_191 : memref<1x520x128xf32, #tpu.memory_space<hbm>> -> memref<520x128xf32, #tpu.memory_space<hbm>>
        %dma_wait3A_193 = arith.constant 0 : i32
        %dma_wait3A_194 = tpu.memref_slice %arg7[%mul3A_4, %dma_wait3A_193] : memref<10000x128xf32, #tpu.memory_space<vmem_shared>> -> memref<520x128xf32, #tpu.memory_space<vmem_shared>>
        tpu.wait_dma2 semaphore(%run_scoped3A : memref<!tpu.dma_semaphore, #tpu.memory_space<semaphore_mem>>) src(%dma_wait3A_194 : memref<520x128xf32, #tpu.memory_space<vmem_shared>>) dst(%dma_wait3A_192 : memref<520x128xf32, #tpu.memory_space<hbm>>)
        tpu.yield
      }) : () -> ()
    } else {
    }
    return
  }
}

module attributes {stable_mosaic.version = 14 : i64} {
  func.func @_mm_body(%arg0: i32, %arg1: memref<1000x128xf32, #tpu.memory_space<vmem>>, %arg2: memref<128x128xf32, #tpu.memory_space<vmem>>, %arg3: memref<1x128xf32, #tpu.memory_space<vmem>>, %arg4: memref<1000x128xf32, #tpu.memory_space<vmem>>) attributes {dimension_semantics = [#tpu.dimension_semantics<arbitrary>], iteration_bounds = array<i64: 10>, scalar_prefetch = 0 : i64, scratch_operands = 0 : i64, tpu.core_type = #tpu.core_type<tc>, window_params = [{transform_indices = @transform_0, window_bounds = array<i64: 1000, 128>}, {pipeline_mode = #tpu.pipeline_mode<synchronous>, transform_indices = @transform_1, window_bounds = array<i64: 128, 128>}, {pipeline_mode = #tpu.pipeline_mode<synchronous>, transform_indices = @transform_2, window_bounds = array<i64: 1, 128>}, {transform_indices = @transform_3, window_bounds = array<i64: 1000, 128>}]} {
    %get3A = arith.constant 0 : index
    %get3A_0 = arith.constant 0 : index
    %get3A_1 = vector.load %arg1[%get3A, %get3A_0] : memref<1000x128xf32, #tpu.memory_space<vmem>>, vector<1000x128xf32>
    %get3A_2 = arith.constant 0 : index
    %get3A_3 = arith.constant 0 : index
    %get3A_4 = vector.load %arg2[%get3A_2, %get3A_3] : memref<128x128xf32, #tpu.memory_space<vmem>>, vector<128x128xf32>
    %dot_general3A = arith.constant dense<0.000000e+00> : vector<1000x128xf32>
    %dot_general3A_5 = tpu.matmul %get3A_1, %get3A_4, %dot_general3A {dimension_numbers = #tpu.dot_dimension_numbers<[1], [1], [0], [0], [0, 0, 1, 0], [], []>, transpose_lhs_hint = false} : vector<1000x128xf32>, vector<128x128xf32>, vector<1000x128xf32> -> vector<1000x128xf32>
    %get3A_6 = arith.constant 0 : index
    %get3A_7 = arith.constant 0 : index
    %get3A_8 = vector.load %arg3[%get3A_6, %get3A_7] : memref<1x128xf32, #tpu.memory_space<vmem>>, vector<1x128xf32>
    %add3A = vector.broadcast %get3A_8 : vector<1x128xf32> to vector<1000x128xf32>
    %add3A_9 = arith.addf %dot_general3A_5, %add3A : vector<1000x128xf32>
    %swap3A = arith.constant 0 : index
    %swap3A_10 = arith.constant 0 : index
    %swap3A_11 = vector.load %arg4[%swap3A, %swap3A_10] : memref<1000x128xf32, #tpu.memory_space<vmem>>, vector<1000x128xf32>
    tpu.vector_store %arg4[%swap3A, %swap3A_10], %add3A_9 {strides = array<i32>} : memref<1000x128xf32, #tpu.memory_space<vmem>>, vector<1000x128xf32>,
    return
  }
  func.func @transform_0(%arg0: i32) -> (i32, i32) {
    %c0_i32 = arith.constant 0 : i32
    %c0_i32_0 = arith.constant 0 : i32
    return %arg0, %c0_i32 : i32, i32
  }
  func.func @transform_1(%arg0: i32) -> (i32, i32) {
    %c0_i32 = arith.constant 0 : i32
    %c0_i32_0 = arith.constant 0 : i32
    %c0_i32_1 = arith.constant 0 : i32
    return %c0_i32, %c0_i32_0 : i32, i32
  }
  func.func @transform_2(%arg0: i32) -> (i32, i32) {
    %c0_i32 = arith.constant 0 : i32
    %c0_i32_0 = arith.constant 0 : i32
    %c0_i32_1 = arith.constant 0 : i32
    return %c0_i32, %c0_i32_0 : i32, i32
  }
  func.func @transform_3(%arg0: i32) -> (i32, i32) {
    %c0_i32 = arith.constant 0 : i32
    %c0_i32_0 = arith.constant 0 : i32
    return %arg0, %c0_i32 : i32, i32
  }
}

module attributes {stable_mosaic.version = 14 : i64} {
  func.func @_post_bn_body(%arg0: i32, %arg1: i32, %arg2: memref<2x1000x128xf32, #tpu.memory_space<vmem>>, %arg3: memref<1000x128xf32, #tpu.memory_space<vmem>>, %arg4: memref<2x1000x128xf32, #tpu.memory_space<vmem>>, %arg5: memref<128x16xf32, #tpu.memory_space<vmem>>, %arg6: memref<1x128xf32, #tpu.memory_space<vmem>>, %arg7: memref<1x128xf32, #tpu.memory_space<vmem>>, %arg8: memref<1x128xf32, #tpu.memory_space<vmem>>, %arg9: memref<128x128xf32, #tpu.memory_space<vmem>>, %arg10: memref<1x128xf32, #tpu.memory_space<vmem>>, %arg11: memref<1000x128xf32, #tpu.memory_space<vmem>>, %arg12: memref<10000x128xf32, #tpu.memory_space<vmem>>, %arg13: memref<2x128xf32, #tpu.memory_space<vmem>>) attributes {dimension_semantics = [#tpu.dimension_semantics<arbitrary>, #tpu.dimension_semantics<arbitrary>], iteration_bounds = array<i64: 2, 10>, scalar_prefetch = 0 : i64, scratch_operands = 2 : i64, tpu.core_type = #tpu.core_type<tc>, window_params = [{transform_indices = @transform_0, window_bounds = array<i64: 2, 1000, 128>}, {transform_indices = @transform_1, window_bounds = array<i64: 1000, 128>}, {transform_indices = @transform_2, window_bounds = array<i64: 2, 1000, 128>}, {pipeline_mode = #tpu.pipeline_mode<synchronous>, transform_indices = @transform_3, window_bounds = array<i64: 128, 16>}, {pipeline_mode = #tpu.pipeline_mode<synchronous>, transform_indices = @transform_4, window_bounds = array<i64: 1, 128>}, {pipeline_mode = #tpu.pipeline_mode<synchronous>, transform_indices = @transform_5, window_bounds = array<i64: 1, 128>}, {pipeline_mode = #tpu.pipeline_mode<synchronous>, transform_indices = @transform_6, window_bounds = array<i64: 1, 128>}, {pipeline_mode = #tpu.pipeline_mode<synchronous>, transform_indices = @transform_7, window_bounds = array<i64: 128, 128>}, {pipeline_mode = #tpu.pipeline_mode<synchronous>, transform_indices = @transform_8, window_bounds = array<i64: 1, 128>}, {transform_indices = @transform_9, window_bounds = array<i64: 1000, 128>}]} {
    %eq3A = arith.constant 0 : i32
    %eq3A_0 = arith.cmpi eq, %arg0, %eq3A : i32
    %convert_element_type3A = arith.extui %eq3A_0 : i1 to i32
    %cond3A = arith.constant 0 : i32
    %cond3A_1 = arith.cmpi ne, %convert_element_type3A, %cond3A : i32
    scf.if %cond3A_1 {
      %get3A = arith.constant 0 : index
      %get3A_7 = arith.constant 0 : index
      %get3A_8 = arith.constant 0 : index
      %get3A_9 = vector.load %arg4[%get3A, %get3A_7, %get3A_8] : memref<2x1000x128xf32, #tpu.memory_space<vmem>>, vector<1x1000x16xf32>
      %get3A_10 = vector.shape_cast %get3A_9 : vector<1x1000x16xf32> to vector<1000x16xf32>
      %get3A_11 = arith.constant 1 : index
      %get3A_12 = arith.constant 0 : index
      %get3A_13 = arith.constant 0 : index
      %get3A_14 = vector.load %arg4[%get3A_11, %get3A_12, %get3A_13] : memref<2x1000x128xf32, #tpu.memory_space<vmem>>, vector<1x1000x16xf32>
      %get3A_15 = vector.shape_cast %get3A_14 : vector<1x1000x16xf32> to vector<1000x16xf32>
      %add3A = arith.addf %get3A_10, %get3A_15 : vector<1000x16xf32>
      %get3A_16 = arith.constant 0 : index
      %get3A_17 = arith.constant 0 : index
      %get3A_18 = arith.constant 16 : index
      %get3A_19 = vector.load %arg4[%get3A_16, %get3A_17, %get3A_18] : memref<2x1000x128xf32, #tpu.memory_space<vmem>>, vector<1x1000x1xf32>
      %get3A_20 = vector.shape_cast %get3A_19 : vector<1x1000x1xf32> to vector<1000x1xf32>
      %get3A_21 = arith.constant 1 : index
      %get3A_22 = arith.constant 0 : index
      %get3A_23 = arith.constant 16 : index
      %get3A_24 = vector.load %arg4[%get3A_21, %get3A_22, %get3A_23] : memref<2x1000x128xf32, #tpu.memory_space<vmem>>, vector<1x1000x1xf32>
      %get3A_25 = vector.shape_cast %get3A_24 : vector<1x1000x1xf32> to vector<1000x1xf32>
      %add3A_26 = arith.addf %get3A_20, %get3A_25 : vector<1000x1xf32>
      %get3A_27 = arith.constant 0 : index
      %get3A_28 = arith.constant 0 : index
      %get3A_29 = arith.constant 0 : index
      %get3A_30 = vector.load %arg2[%get3A_27, %get3A_28, %get3A_29] : memref<2x1000x128xf32, #tpu.memory_space<vmem>>, vector<1x1000x128xf32>
      %get3A_31 = vector.shape_cast %get3A_30 : vector<1x1000x128xf32> to vector<1000x128xf32>
      %get3A_32 = arith.constant 1 : index
      %get3A_33 = arith.constant 0 : index
      %get3A_34 = arith.constant 0 : index
      %get3A_35 = vector.load %arg2[%get3A_32, %get3A_33, %get3A_34] : memref<2x1000x128xf32, #tpu.memory_space<vmem>>, vector<1x1000x128xf32>
      %get3A_36 = vector.shape_cast %get3A_35 : vector<1x1000x128xf32> to vector<1000x128xf32>
      %add3A_37 = arith.addf %get3A_31, %get3A_36 : vector<1000x128xf32>
      %get3A_38 = arith.constant 0 : index
      %get3A_39 = arith.constant 0 : index
      %get3A_40 = vector.load %arg3[%get3A_38, %get3A_39] : memref<1000x128xf32, #tpu.memory_space<vmem>>, vector<1000x128xf32>
      %add3A_41 = arith.addf %add3A_37, %get3A_40 : vector<1000x128xf32>
      %get3A_42 = arith.constant 0 : index
      %get3A_43 = arith.constant 0 : index
      %get3A_44 = vector.load %arg5[%get3A_42, %get3A_43] : memref<128x16xf32, #tpu.memory_space<vmem>>, vector<128x16xf32>
      %dot_general3A = arith.constant dense<0.000000e+00> : vector<1000x128xf32>
      %dot_general3A_45 = tpu.matmul %add3A, %get3A_44, %dot_general3A {dimension_numbers = #tpu.dot_dimension_numbers<[1], [1], [0], [0], [0, 0, 1, 0], [], []>, transpose_lhs_hint = false} : vector<1000x16xf32>, vector<128x16xf32>, vector<1000x128xf32> -> vector<1000x128xf32>
      %add3A_46 = arith.addf %add3A_41, %dot_general3A_45 : vector<1000x128xf32>
      %get3A_47 = arith.constant 0 : index
      %get3A_48 = arith.constant 0 : index
      %get3A_49 = vector.load %arg6[%get3A_47, %get3A_48] : memref<1x128xf32, #tpu.memory_space<vmem>>, vector<1x128xf32>
      %mul3A = vector.broadcast %add3A_26 : vector<1000x1xf32> to vector<1000x128xf32>
      %mul3A_50 = vector.broadcast %get3A_49 : vector<1x128xf32> to vector<1000x128xf32>
      %mul3A_51 = arith.mulf %mul3A, %mul3A_50 : vector<1000x128xf32>
      %add3A_52 = arith.addf %add3A_46, %mul3A_51 : vector<1000x128xf32>
      %mul3A_53 = arith.constant 1000 : i32
      %mul3A_54 = arith.muli %arg1, %mul3A_53 : i32
      %swap3A = arith.index_cast %mul3A_54 : i32 to index
      %swap3A_55 = arith.constant 0 : index
      %swap3A_56 = vector.load %arg12[%swap3A, %swap3A_55] : memref<10000x128xf32, #tpu.memory_space<vmem>>, vector<1000x128xf32>
      tpu.vector_store %arg12[%swap3A, %swap3A_55], %add3A_52 {strides = array<i32>} : memref<10000x128xf32, #tpu.memory_space<vmem>>, vector<1000x128xf32>,
      %eq3A_57 = arith.constant 0 : i32
      %eq3A_58 = arith.cmpi eq, %arg1, %eq3A_57 : i32
      %convert_element_type3A_59 = arith.extui %eq3A_58 : i1 to i32
      %cond3A_60 = arith.constant 0 : i32
      %cond3A_61 = arith.cmpi ne, %convert_element_type3A_59, %cond3A_60 : i32
      scf.if %cond3A_61 {
        %broadcast_in_dim3A_81 = arith.constant 0.000000e+00 : f32
        %broadcast_in_dim3A_82 = vector.broadcast %broadcast_in_dim3A_81 : f32 to vector<2x128xf32>
        %swap3A_83 = arith.constant 0 : index
        %swap3A_84 = arith.constant 0 : index
        %swap3A_85 = vector.load %arg13[%swap3A_83, %swap3A_84] : memref<2x128xf32, #tpu.memory_space<vmem>>, vector<2x128xf32>
        tpu.vector_store %arg13[%swap3A_83, %swap3A_84], %broadcast_in_dim3A_82 {strides = array<i32>} : memref<2x128xf32, #tpu.memory_space<vmem>>, vector<2x128xf32>,
      } else {
      }
      %get3A_62 = arith.constant 0 : index
      %get3A_63 = arith.constant 0 : index
      %get3A_64 = vector.load %arg13[%get3A_62, %get3A_63] : memref<2x128xf32, #tpu.memory_space<vmem>>, vector<1x128xf32>
      %reduce_sum3A = arith.constant dense<0.000000e+00> : vector<128xf32>
      %reduce_sum3A_65 = vector.multi_reduction <add>, %add3A_52, %reduce_sum3A [0] : vector<1000x128xf32> to vector<128xf32>
      %broadcast_in_dim3A = vector.shape_cast %reduce_sum3A_65 : vector<128xf32> to vector<1x128xf32>
      %add3A_66 = arith.addf %get3A_64, %broadcast_in_dim3A : vector<1x128xf32>
      %swap3A_67 = arith.constant 0 : index
      %swap3A_68 = arith.constant 0 : index
      %swap3A_69 = vector.load %arg13[%swap3A_67, %swap3A_68] : memref<2x128xf32, #tpu.memory_space<vmem>>, vector<1x128xf32>
      tpu.vector_store %arg13[%swap3A_67, %swap3A_68], %add3A_66 {strides = array<i32>} : memref<2x128xf32, #tpu.memory_space<vmem>>, vector<1x128xf32>,
      %get3A_70 = arith.constant 1 : index
      %get3A_71 = arith.constant 0 : index
      %get3A_72 = vector.load %arg13[%get3A_70, %get3A_71] : memref<2x128xf32, #tpu.memory_space<vmem>>, vector<1x128xf32>
      %mul3A_73 = arith.mulf %add3A_52, %add3A_52 : vector<1000x128xf32>
      %reduce_sum3A_74 = arith.constant dense<0.000000e+00> : vector<128xf32>
      %reduce_sum3A_75 = vector.multi_reduction <add>, %mul3A_73, %reduce_sum3A_74 [0] : vector<1000x128xf32> to vector<128xf32>
      %broadcast_in_dim3A_76 = vector.shape_cast %reduce_sum3A_75 : vector<128xf32> to vector<1x128xf32>
      %add3A_77 = arith.addf %get3A_72, %broadcast_in_dim3A_76 : vector<1x128xf32>
      %swap3A_78 = arith.constant 1 : index
      %swap3A_79 = arith.constant 0 : index
      %swap3A_80 = vector.load %arg13[%swap3A_78, %swap3A_79] : memref<2x128xf32, #tpu.memory_space<vmem>>, vector<1x128xf32>
      tpu.vector_store %arg13[%swap3A_78, %swap3A_79], %add3A_77 {strides = array<i32>} : memref<2x128xf32, #tpu.memory_space<vmem>>, vector<1x128xf32>,
    } else {
    }
    %eq3A_2 = arith.constant 1 : i32
    %eq3A_3 = arith.cmpi eq, %arg0, %eq3A_2 : i32
    %convert_element_type3A_4 = arith.extui %eq3A_3 : i1 to i32
    %cond3A_5 = arith.constant 0 : i32
    %cond3A_6 = arith.cmpi ne, %convert_element_type3A_4, %cond3A_5 : i32
    scf.if %cond3A_6 {
      %get3A = arith.constant 0 : index
      %get3A_7 = arith.constant 0 : index
      %get3A_8 = vector.load %arg13[%get3A, %get3A_7] : memref<2x128xf32, #tpu.memory_space<vmem>>, vector<1x128xf32>
      %mul3A = arith.constant 9.99999974E-5 : f32
      %mul3A_9 = vector.broadcast %mul3A : f32 to vector<1x128xf32>
      %mul3A_10 = arith.mulf %get3A_8, %mul3A_9 : vector<1x128xf32>
      %get3A_11 = arith.constant 1 : index
      %get3A_12 = arith.constant 0 : index
      %get3A_13 = vector.load %arg13[%get3A_11, %get3A_12] : memref<2x128xf32, #tpu.memory_space<vmem>>, vector<1x128xf32>
      %mul3A_14 = arith.constant 9.99999974E-5 : f32
      %mul3A_15 = vector.broadcast %mul3A_14 : f32 to vector<1x128xf32>
      %mul3A_16 = arith.mulf %get3A_13, %mul3A_15 : vector<1x128xf32>
      %mul3A_17 = arith.mulf %mul3A_10, %mul3A_10 : vector<1x128xf32>
      %sub3A = arith.subf %mul3A_16, %mul3A_17 : vector<1x128xf32>
      %mul3A_18 = arith.constant 1000 : i32
      %mul3A_19 = arith.muli %arg1, %mul3A_18 : i32
      %get3A_20 = arith.index_cast %mul3A_19 : i32 to index
      %get3A_21 = arith.constant 0 : index
      %get3A_22 = vector.load %arg12[%get3A_20, %get3A_21] : memref<10000x128xf32, #tpu.memory_space<vmem>>, vector<1000x128xf32>
      %sub3A_23 = vector.broadcast %mul3A_10 : vector<1x128xf32> to vector<1000x128xf32>
      %sub3A_24 = arith.subf %get3A_22, %sub3A_23 : vector<1000x128xf32>
      %add3A = arith.constant 9.99999974E-6 : f32
      %add3A_25 = vector.broadcast %add3A : f32 to vector<1x128xf32>
      %add3A_26 = arith.addf %sub3A, %add3A_25 : vector<1x128xf32>
      %rsqrt3A = math.rsqrt %add3A_26 : vector<1x128xf32>
      %mul3A_27 = vector.broadcast %rsqrt3A : vector<1x128xf32> to vector<1000x128xf32>
      %mul3A_28 = arith.mulf %sub3A_24, %mul3A_27 : vector<1000x128xf32>
      %get3A_29 = arith.constant 0 : index
      %get3A_30 = arith.constant 0 : index
      %get3A_31 = vector.load %arg7[%get3A_29, %get3A_30] : memref<1x128xf32, #tpu.memory_space<vmem>>, vector<1x128xf32>
      %mul3A_32 = vector.broadcast %get3A_31 : vector<1x128xf32> to vector<1000x128xf32>
      %mul3A_33 = arith.mulf %mul3A_28, %mul3A_32 : vector<1000x128xf32>
      %get3A_34 = arith.constant 0 : index
      %get3A_35 = arith.constant 0 : index
      %get3A_36 = vector.load %arg8[%get3A_34, %get3A_35] : memref<1x128xf32, #tpu.memory_space<vmem>>, vector<1x128xf32>
      %add3A_37 = vector.broadcast %get3A_36 : vector<1x128xf32> to vector<1000x128xf32>
      %add3A_38 = arith.addf %mul3A_33, %add3A_37 : vector<1000x128xf32>
      %max3A = arith.constant 0.000000e+00 : f32
      %max3A_39 = vector.broadcast %max3A : f32 to vector<1000x128xf32>
      %max3A_40 = arith.maximumf %add3A_38, %max3A_39 : vector<1000x128xf32>
      %get3A_41 = arith.constant 0 : index
      %get3A_42 = arith.constant 0 : index
      %get3A_43 = vector.load %arg9[%get3A_41, %get3A_42] : memref<128x128xf32, #tpu.memory_space<vmem>>, vector<128x128xf32>
      %dot_general3A = arith.constant dense<0.000000e+00> : vector<1000x128xf32>
      %dot_general3A_44 = tpu.matmul %max3A_40, %get3A_43, %dot_general3A {dimension_numbers = #tpu.dot_dimension_numbers<[1], [1], [0], [0], [0, 0, 1, 0], [], []>, transpose_lhs_hint = false} : vector<1000x128xf32>, vector<128x128xf32>, vector<1000x128xf32> -> vector<1000x128xf32>
      %get3A_45 = arith.constant 0 : index
      %get3A_46 = arith.constant 0 : index
      %get3A_47 = vector.load %arg10[%get3A_45, %get3A_46] : memref<1x128xf32, #tpu.memory_space<vmem>>, vector<1x128xf32>
      %add3A_48 = vector.broadcast %get3A_47 : vector<1x128xf32> to vector<1000x128xf32>
      %add3A_49 = arith.addf %dot_general3A_44, %add3A_48 : vector<1000x128xf32>
      %swap3A = arith.constant 0 : index
      %swap3A_50 = arith.constant 0 : index
      %swap3A_51 = vector.load %arg11[%swap3A, %swap3A_50] : memref<1000x128xf32, #tpu.memory_space<vmem>>, vector<1000x128xf32>
      tpu.vector_store %arg11[%swap3A, %swap3A_50], %add3A_49 {strides = array<i32>} : memref<1000x128xf32, #tpu.memory_space<vmem>>, vector<1000x128xf32>,
    } else {
    }
    return
  }
  func.func @transform_0(%arg0: i32, %arg1: i32) -> (i32, i32, i32) {
    %c0_i32 = arith.constant 0 : i32
    %c0_i32_0 = arith.constant 0 : i32
    %c0_i32_1 = arith.constant 0 : i32
    return %c0_i32, %arg1, %c0_i32_0 : i32, i32, i32
  }
  func.func @transform_1(%arg0: i32, %arg1: i32) -> (i32, i32) {
    %c0_i32 = arith.constant 0 : i32
    %c0_i32_0 = arith.constant 0 : i32
    return %arg1, %c0_i32 : i32, i32
  }
  func.func @transform_2(%arg0: i32, %arg1: i32) -> (i32, i32, i32) {
    %c0_i32 = arith.constant 0 : i32
    %c0_i32_0 = arith.constant 0 : i32
    %c0_i32_1 = arith.constant 0 : i32
    return %c0_i32, %arg1, %c0_i32_0 : i32, i32, i32
  }
  func.func @transform_3(%arg0: i32, %arg1: i32) -> (i32, i32) {
    %c0_i32 = arith.constant 0 : i32
    %c0_i32_0 = arith.constant 0 : i32
    %c0_i32_1 = arith.constant 0 : i32
    return %c0_i32, %c0_i32_0 : i32, i32
  }
  func.func @transform_4(%arg0: i32, %arg1: i32) -> (i32, i32) {
    %c0_i32 = arith.constant 0 : i32
    %c0_i32_0 = arith.constant 0 : i32
    %c0_i32_1 = arith.constant 0 : i32
    return %c0_i32, %c0_i32_0 : i32, i32
  }
  func.func @transform_5(%arg0: i32, %arg1: i32) -> (i32, i32) {
    %c0_i32 = arith.constant 0 : i32
    %c0_i32_0 = arith.constant 0 : i32
    %c0_i32_1 = arith.constant 0 : i32
    return %c0_i32, %c0_i32_0 : i32, i32
  }
  func.func @transform_6(%arg0: i32, %arg1: i32) -> (i32, i32) {
    %c0_i32 = arith.constant 0 : i32
    %c0_i32_0 = arith.constant 0 : i32
    %c0_i32_1 = arith.constant 0 : i32
    return %c0_i32, %c0_i32_0 : i32, i32
  }
  func.func @transform_7(%arg0: i32, %arg1: i32) -> (i32, i32) {
    %c0_i32 = arith.constant 0 : i32
    %c0_i32_0 = arith.constant 0 : i32
    %c0_i32_1 = arith.constant 0 : i32
    return %c0_i32, %c0_i32_0 : i32, i32
  }
  func.func @transform_8(%arg0: i32, %arg1: i32) -> (i32, i32) {
    %c0_i32 = arith.constant 0 : i32
    %c0_i32_0 = arith.constant 0 : i32
    %c0_i32_1 = arith.constant 0 : i32
    return %c0_i32, %c0_i32_0 : i32, i32
  }
  func.func @transform_9(%arg0: i32, %arg1: i32) -> (i32, i32) {
    %c0_i32 = arith.constant 0 : i32
    %c0_i32_0 = arith.constant 0 : i32
    return %arg1, %c0_i32 : i32, i32
  }
}

module attributes {stable_mosaic.version = 14 : i64} {
  func.func @_post_final_body(%arg0: i32, %arg1: i32, %arg2: memref<2x1000x128xf32, #tpu.memory_space<vmem>>, %arg3: memref<1000x128xf32, #tpu.memory_space<vmem>>, %arg4: memref<2x1000x128xf32, #tpu.memory_space<vmem>>, %arg5: memref<128x16xf32, #tpu.memory_space<vmem>>, %arg6: memref<1x128xf32, #tpu.memory_space<vmem>>, %arg7: memref<1x128xf32, #tpu.memory_space<vmem>>, %arg8: memref<1x128xf32, #tpu.memory_space<vmem>>, %arg9: memref<1x1x1000xi32, #tpu.memory_space<vmem>>, %arg10: memref<64x128xf32, #tpu.memory_space<vmem>>, %arg11: memref<1x64xf32, #tpu.memory_space<vmem>>, %arg12: memref<16x64xf32, #tpu.memory_space<vmem>>, %arg13: memref<10000x128xf32, #tpu.memory_space<vmem>>, %arg14: memref<2x128xf32, #tpu.memory_space<vmem>>, %arg15: memref<16x128xf32, #tpu.memory_space<vmem>>, %arg16: memref<16x128xf32, #tpu.memory_space<vmem>>) attributes {dimension_semantics = [#tpu.dimension_semantics<arbitrary>, #tpu.dimension_semantics<arbitrary>], iteration_bounds = array<i64: 2, 10>, scalar_prefetch = 0 : i64, scratch_operands = 4 : i64, tpu.core_type = #tpu.core_type<tc>, window_params = [{transform_indices = @transform_0, window_bounds = array<i64: 2, 1000, 128>}, {transform_indices = @transform_1, window_bounds = array<i64: 1000, 128>}, {transform_indices = @transform_2, window_bounds = array<i64: 2, 1000, 128>}, {pipeline_mode = #tpu.pipeline_mode<synchronous>, transform_indices = @transform_3, window_bounds = array<i64: 128, 16>}, {pipeline_mode = #tpu.pipeline_mode<synchronous>, transform_indices = @transform_4, window_bounds = array<i64: 1, 128>}, {pipeline_mode = #tpu.pipeline_mode<synchronous>, transform_indices = @transform_5, window_bounds = array<i64: 1, 128>}, {pipeline_mode = #tpu.pipeline_mode<synchronous>, transform_indices = @transform_6, window_bounds = array<i64: 1, 128>}, {transform_indices = @transform_7, window_bounds = array<i64: 1, 1, 1000>}, {pipeline_mode = #tpu.pipeline_mode<synchronous>, transform_indices = @transform_8, window_bounds = array<i64: 64, 128>}, {pipeline_mode = #tpu.pipeline_mode<synchronous>, transform_indices = @transform_9, window_bounds = array<i64: 1, 64>}, {pipeline_mode = #tpu.pipeline_mode<synchronous>, transform_indices = @transform_10, window_bounds = array<i64: 16, 64>}]} {
    %eq3A = arith.constant 0 : i32
    %eq3A_0 = arith.cmpi eq, %arg0, %eq3A : i32
    %convert_element_type3A = arith.extui %eq3A_0 : i1 to i32
    %cond3A = arith.constant 0 : i32
    %cond3A_1 = arith.cmpi ne, %convert_element_type3A, %cond3A : i32
    scf.if %cond3A_1 {
      %get3A = arith.constant 0 : index
      %get3A_7 = arith.constant 0 : index
      %get3A_8 = arith.constant 0 : index
      %get3A_9 = vector.load %arg4[%get3A, %get3A_7, %get3A_8] : memref<2x1000x128xf32, #tpu.memory_space<vmem>>, vector<1x1000x16xf32>
      %get3A_10 = vector.shape_cast %get3A_9 : vector<1x1000x16xf32> to vector<1000x16xf32>
      %get3A_11 = arith.constant 1 : index
      %get3A_12 = arith.constant 0 : index
      %get3A_13 = arith.constant 0 : index
      %get3A_14 = vector.load %arg4[%get3A_11, %get3A_12, %get3A_13] : memref<2x1000x128xf32, #tpu.memory_space<vmem>>, vector<1x1000x16xf32>
      %get3A_15 = vector.shape_cast %get3A_14 : vector<1x1000x16xf32> to vector<1000x16xf32>
      %add3A = arith.addf %get3A_10, %get3A_15 : vector<1000x16xf32>
      %get3A_16 = arith.constant 0 : index
      %get3A_17 = arith.constant 0 : index
      %get3A_18 = arith.constant 16 : index
      %get3A_19 = vector.load %arg4[%get3A_16, %get3A_17, %get3A_18] : memref<2x1000x128xf32, #tpu.memory_space<vmem>>, vector<1x1000x1xf32>
      %get3A_20 = vector.shape_cast %get3A_19 : vector<1x1000x1xf32> to vector<1000x1xf32>
      %get3A_21 = arith.constant 1 : index
      %get3A_22 = arith.constant 0 : index
      %get3A_23 = arith.constant 16 : index
      %get3A_24 = vector.load %arg4[%get3A_21, %get3A_22, %get3A_23] : memref<2x1000x128xf32, #tpu.memory_space<vmem>>, vector<1x1000x1xf32>
      %get3A_25 = vector.shape_cast %get3A_24 : vector<1x1000x1xf32> to vector<1000x1xf32>
      %add3A_26 = arith.addf %get3A_20, %get3A_25 : vector<1000x1xf32>
      %get3A_27 = arith.constant 0 : index
      %get3A_28 = arith.constant 0 : index
      %get3A_29 = arith.constant 0 : index
      %get3A_30 = vector.load %arg2[%get3A_27, %get3A_28, %get3A_29] : memref<2x1000x128xf32, #tpu.memory_space<vmem>>, vector<1x1000x128xf32>
      %get3A_31 = vector.shape_cast %get3A_30 : vector<1x1000x128xf32> to vector<1000x128xf32>
      %get3A_32 = arith.constant 1 : index
      %get3A_33 = arith.constant 0 : index
      %get3A_34 = arith.constant 0 : index
      %get3A_35 = vector.load %arg2[%get3A_32, %get3A_33, %get3A_34] : memref<2x1000x128xf32, #tpu.memory_space<vmem>>, vector<1x1000x128xf32>
      %get3A_36 = vector.shape_cast %get3A_35 : vector<1x1000x128xf32> to vector<1000x128xf32>
      %add3A_37 = arith.addf %get3A_31, %get3A_36 : vector<1000x128xf32>
      %get3A_38 = arith.constant 0 : index
      %get3A_39 = arith.constant 0 : index
      %get3A_40 = vector.load %arg3[%get3A_38, %get3A_39] : memref<1000x128xf32, #tpu.memory_space<vmem>>, vector<1000x128xf32>
      %add3A_41 = arith.addf %add3A_37, %get3A_40 : vector<1000x128xf32>
      %get3A_42 = arith.constant 0 : index
      %get3A_43 = arith.constant 0 : index
      %get3A_44 = vector.load %arg5[%get3A_42, %get3A_43] : memref<128x16xf32, #tpu.memory_space<vmem>>, vector<128x16xf32>
      %dot_general3A = arith.constant dense<0.000000e+00> : vector<1000x128xf32>
      %dot_general3A_45 = tpu.matmul %add3A, %get3A_44, %dot_general3A {dimension_numbers = #tpu.dot_dimension_numbers<[1], [1], [0], [0], [0, 0, 1, 0], [], []>, transpose_lhs_hint = false} : vector<1000x16xf32>, vector<128x16xf32>, vector<1000x128xf32> -> vector<1000x128xf32>
      %add3A_46 = arith.addf %add3A_41, %dot_general3A_45 : vector<1000x128xf32>
      %get3A_47 = arith.constant 0 : index
      %get3A_48 = arith.constant 0 : index
      %get3A_49 = vector.load %arg6[%get3A_47, %get3A_48] : memref<1x128xf32, #tpu.memory_space<vmem>>, vector<1x128xf32>
      %mul3A = vector.broadcast %add3A_26 : vector<1000x1xf32> to vector<1000x128xf32>
      %mul3A_50 = vector.broadcast %get3A_49 : vector<1x128xf32> to vector<1000x128xf32>
      %mul3A_51 = arith.mulf %mul3A, %mul3A_50 : vector<1000x128xf32>
      %add3A_52 = arith.addf %add3A_46, %mul3A_51 : vector<1000x128xf32>
      %mul3A_53 = arith.constant 1000 : i32
      %mul3A_54 = arith.muli %arg1, %mul3A_53 : i32
      %swap3A = arith.index_cast %mul3A_54 : i32 to index
      %swap3A_55 = arith.constant 0 : index
      %swap3A_56 = vector.load %arg13[%swap3A, %swap3A_55] : memref<10000x128xf32, #tpu.memory_space<vmem>>, vector<1000x128xf32>
      tpu.vector_store %arg13[%swap3A, %swap3A_55], %add3A_52 {strides = array<i32>} : memref<10000x128xf32, #tpu.memory_space<vmem>>, vector<1000x128xf32>,
      %eq3A_57 = arith.constant 0 : i32
      %eq3A_58 = arith.cmpi eq, %arg1, %eq3A_57 : i32
      %convert_element_type3A_59 = arith.extui %eq3A_58 : i1 to i32
      %cond3A_60 = arith.constant 0 : i32
      %cond3A_61 = arith.cmpi ne, %convert_element_type3A_59, %cond3A_60 : i32
      scf.if %cond3A_61 {
        %broadcast_in_dim3A_81 = arith.constant 0.000000e+00 : f32
        %broadcast_in_dim3A_82 = vector.broadcast %broadcast_in_dim3A_81 : f32 to vector<2x128xf32>
        %swap3A_83 = arith.constant 0 : index
        %swap3A_84 = arith.constant 0 : index
        %swap3A_85 = vector.load %arg14[%swap3A_83, %swap3A_84] : memref<2x128xf32, #tpu.memory_space<vmem>>, vector<2x128xf32>
        tpu.vector_store %arg14[%swap3A_83, %swap3A_84], %broadcast_in_dim3A_82 {strides = array<i32>} : memref<2x128xf32, #tpu.memory_space<vmem>>, vector<2x128xf32>,
      } else {
      }
      %get3A_62 = arith.constant 0 : index
      %get3A_63 = arith.constant 0 : index
      %get3A_64 = vector.load %arg14[%get3A_62, %get3A_63] : memref<2x128xf32, #tpu.memory_space<vmem>>, vector<1x128xf32>
      %reduce_sum3A = arith.constant dense<0.000000e+00> : vector<128xf32>
      %reduce_sum3A_65 = vector.multi_reduction <add>, %add3A_52, %reduce_sum3A [0] : vector<1000x128xf32> to vector<128xf32>
      %broadcast_in_dim3A = vector.shape_cast %reduce_sum3A_65 : vector<128xf32> to vector<1x128xf32>
      %add3A_66 = arith.addf %get3A_64, %broadcast_in_dim3A : vector<1x128xf32>
      %swap3A_67 = arith.constant 0 : index
      %swap3A_68 = arith.constant 0 : index
      %swap3A_69 = vector.load %arg14[%swap3A_67, %swap3A_68] : memref<2x128xf32, #tpu.memory_space<vmem>>, vector<1x128xf32>
      tpu.vector_store %arg14[%swap3A_67, %swap3A_68], %add3A_66 {strides = array<i32>} : memref<2x128xf32, #tpu.memory_space<vmem>>, vector<1x128xf32>,
      %get3A_70 = arith.constant 1 : index
      %get3A_71 = arith.constant 0 : index
      %get3A_72 = vector.load %arg14[%get3A_70, %get3A_71] : memref<2x128xf32, #tpu.memory_space<vmem>>, vector<1x128xf32>
      %mul3A_73 = arith.mulf %add3A_52, %add3A_52 : vector<1000x128xf32>
      %reduce_sum3A_74 = arith.constant dense<0.000000e+00> : vector<128xf32>
      %reduce_sum3A_75 = vector.multi_reduction <add>, %mul3A_73, %reduce_sum3A_74 [0] : vector<1000x128xf32> to vector<128xf32>
      %broadcast_in_dim3A_76 = vector.shape_cast %reduce_sum3A_75 : vector<128xf32> to vector<1x128xf32>
      %add3A_77 = arith.addf %get3A_72, %broadcast_in_dim3A_76 : vector<1x128xf32>
      %swap3A_78 = arith.constant 1 : index
      %swap3A_79 = arith.constant 0 : index
      %swap3A_80 = vector.load %arg14[%swap3A_78, %swap3A_79] : memref<2x128xf32, #tpu.memory_space<vmem>>, vector<1x128xf32>
      tpu.vector_store %arg14[%swap3A_78, %swap3A_79], %add3A_77 {strides = array<i32>} : memref<2x128xf32, #tpu.memory_space<vmem>>, vector<1x128xf32>,
    } else {
    }
    %eq3A_2 = arith.constant 1 : i32
    %eq3A_3 = arith.cmpi eq, %arg0, %eq3A_2 : i32
    %convert_element_type3A_4 = arith.extui %eq3A_3 : i1 to i32
    %cond3A_5 = arith.constant 0 : i32
    %cond3A_6 = arith.cmpi ne, %convert_element_type3A_4, %cond3A_5 : i32
    scf.if %cond3A_6 {
      %get3A = arith.constant 0 : index
      %get3A_7 = arith.constant 0 : index
      %get3A_8 = vector.load %arg14[%get3A, %get3A_7] : memref<2x128xf32, #tpu.memory_space<vmem>>, vector<1x128xf32>
      %mul3A = arith.constant 9.99999974E-5 : f32
      %mul3A_9 = vector.broadcast %mul3A : f32 to vector<1x128xf32>
      %mul3A_10 = arith.mulf %get3A_8, %mul3A_9 : vector<1x128xf32>
      %get3A_11 = arith.constant 1 : index
      %get3A_12 = arith.constant 0 : index
      %get3A_13 = vector.load %arg14[%get3A_11, %get3A_12] : memref<2x128xf32, #tpu.memory_space<vmem>>, vector<1x128xf32>
      %mul3A_14 = arith.constant 9.99999974E-5 : f32
      %mul3A_15 = vector.broadcast %mul3A_14 : f32 to vector<1x128xf32>
      %mul3A_16 = arith.mulf %get3A_13, %mul3A_15 : vector<1x128xf32>
      %mul3A_17 = arith.mulf %mul3A_10, %mul3A_10 : vector<1x128xf32>
      %sub3A = arith.subf %mul3A_16, %mul3A_17 : vector<1x128xf32>
      %mul3A_18 = arith.constant 1000 : i32
      %mul3A_19 = arith.muli %arg1, %mul3A_18 : i32
      %get3A_20 = arith.index_cast %mul3A_19 : i32 to index
      %get3A_21 = arith.constant 0 : index
      %get3A_22 = vector.load %arg13[%get3A_20, %get3A_21] : memref<10000x128xf32, #tpu.memory_space<vmem>>, vector<1000x128xf32>
      %sub3A_23 = vector.broadcast %mul3A_10 : vector<1x128xf32> to vector<1000x128xf32>
      %sub3A_24 = arith.subf %get3A_22, %sub3A_23 : vector<1000x128xf32>
      %add3A = arith.constant 9.99999974E-6 : f32
      %add3A_25 = vector.broadcast %add3A : f32 to vector<1x128xf32>
      %add3A_26 = arith.addf %sub3A, %add3A_25 : vector<1x128xf32>
      %rsqrt3A = math.rsqrt %add3A_26 : vector<1x128xf32>
      %mul3A_27 = vector.broadcast %rsqrt3A : vector<1x128xf32> to vector<1000x128xf32>
      %mul3A_28 = arith.mulf %sub3A_24, %mul3A_27 : vector<1000x128xf32>
      %get3A_29 = arith.constant 0 : index
      %get3A_30 = arith.constant 0 : index
      %get3A_31 = vector.load %arg7[%get3A_29, %get3A_30] : memref<1x128xf32, #tpu.memory_space<vmem>>, vector<1x128xf32>
      %mul3A_32 = vector.broadcast %get3A_31 : vector<1x128xf32> to vector<1000x128xf32>
      %mul3A_33 = arith.mulf %mul3A_28, %mul3A_32 : vector<1000x128xf32>
      %get3A_34 = arith.constant 0 : index
      %get3A_35 = arith.constant 0 : index
      %get3A_36 = vector.load %arg8[%get3A_34, %get3A_35] : memref<1x128xf32, #tpu.memory_space<vmem>>, vector<1x128xf32>
      %add3A_37 = vector.broadcast %get3A_36 : vector<1x128xf32> to vector<1000x128xf32>
      %add3A_38 = arith.addf %mul3A_33, %add3A_37 : vector<1000x128xf32>
      %max3A = arith.constant 0.000000e+00 : f32
      %max3A_39 = vector.broadcast %max3A : f32 to vector<1000x128xf32>
      %max3A_40 = arith.maximumf %add3A_38, %max3A_39 : vector<1000x128xf32>
      %get3A_41 = arith.constant 0 : index
      %get3A_42 = arith.constant 0 : index
      %get3A_43 = arith.constant 0 : index
      %get3A_44 = vector.load %arg9[%get3A_41, %get3A_42, %get3A_43] : memref<1x1x1000xi32, #tpu.memory_space<vmem>>, vector<1x1x1000xi32>
      %get3A_45 = vector.shape_cast %get3A_44 : vector<1x1x1000xi32> to vector<1000xi32>
      %broadcast_in_dim3A = vector.shape_cast %get3A_45 : vector<1000xi32> to vector<1000x1xi32>
      %iota3A = tpu.iota {dimensions = array<i32: 1>} : vector<1x16xi32>
      %eq3A_46 = vector.broadcast %broadcast_in_dim3A : vector<1000x1xi32> to vector<1000x16xi32>
      %eq3A_47 = vector.broadcast %iota3A : vector<1x16xi32> to vector<1000x16xi32>
      %eq3A_48 = arith.cmpi eq, %eq3A_46, %eq3A_47 : vector<1000x16xi32>
      %convert_element_type3A_49 = arith.extui %eq3A_48 : vector<1000x16xi1> to vector<1000x16xi32>
      %convert_element_type3A_50 = arith.sitofp %convert_element_type3A_49 : vector<1000x16xi32> to vector<1000x16xf32>
      %eq3A_51 = arith.constant 0 : i32
      %eq3A_52 = arith.cmpi eq, %arg1, %eq3A_51 : i32
      %convert_element_type3A_53 = arith.extui %eq3A_52 : i1 to i32
      %cond3A_54 = arith.constant 0 : i32
      %cond3A_55 = arith.cmpi ne, %convert_element_type3A_53, %cond3A_54 : i32
      scf.if %cond3A_55 {
        %broadcast_in_dim3A_79 = arith.constant 0.000000e+00 : f32
        %broadcast_in_dim3A_80 = vector.broadcast %broadcast_in_dim3A_79 : f32 to vector<16x128xf32>
        %swap3A_81 = arith.constant 0 : index
        %swap3A_82 = arith.constant 0 : index
        %swap3A_83 = vector.load %arg15[%swap3A_81, %swap3A_82] : memref<16x128xf32, #tpu.memory_space<vmem>>, vector<16x128xf32>
        tpu.vector_store %arg15[%swap3A_81, %swap3A_82], %broadcast_in_dim3A_80 {strides = array<i32>} : memref<16x128xf32, #tpu.memory_space<vmem>>, vector<16x128xf32>,
        %broadcast_in_dim3A_84 = arith.constant 0.000000e+00 : f32
        %broadcast_in_dim3A_85 = vector.broadcast %broadcast_in_dim3A_84 : f32 to vector<16x128xf32>
        %swap3A_86 = arith.constant 0 : index
        %swap3A_87 = arith.constant 0 : index
        %swap3A_88 = vector.load %arg16[%swap3A_86, %swap3A_87] : memref<16x128xf32, #tpu.memory_space<vmem>>, vector<16x128xf32>
        tpu.vector_store %arg16[%swap3A_86, %swap3A_87], %broadcast_in_dim3A_85 {strides = array<i32>} : memref<16x128xf32, #tpu.memory_space<vmem>>, vector<16x128xf32>,
      } else {
      }
      %get3A_56 = arith.constant 0 : index
      %get3A_57 = arith.constant 0 : index
      %get3A_58 = vector.load %arg15[%get3A_56, %get3A_57] : memref<16x128xf32, #tpu.memory_space<vmem>>, vector<16x128xf32>
      %dot_general3A = arith.constant dense<0.000000e+00> : vector<16x128xf32>
      %dot_general3A_59 = tpu.matmul %convert_element_type3A_50, %max3A_40, %dot_general3A {dimension_numbers = #tpu.dot_dimension_numbers<[0], [0], [1], [1], [0, 1, 1, 1], [], []>, transpose_lhs_hint = false} : vector<1000x16xf32>, vector<1000x128xf32>, vector<16x128xf32> -> vector<16x128xf32>
      %add3A_60 = arith.addf %get3A_58, %dot_general3A_59 : vector<16x128xf32>
      %swap3A = arith.constant 0 : index
      %swap3A_61 = arith.constant 0 : index
      %swap3A_62 = vector.load %arg15[%swap3A, %swap3A_61] : memref<16x128xf32, #tpu.memory_space<vmem>>, vector<16x128xf32>
      tpu.vector_store %arg15[%swap3A, %swap3A_61], %add3A_60 {strides = array<i32>} : memref<16x128xf32, #tpu.memory_space<vmem>>, vector<16x128xf32>,
      %get3A_63 = arith.constant 0 : index
      %get3A_64 = arith.constant 0 : index
      %get3A_65 = vector.load %arg16[%get3A_63, %get3A_64] : memref<16x128xf32, #tpu.memory_space<vmem>>, vector<16x128xf32>
      %broadcast_in_dim3A_66 = arith.constant 1.000000e+00 : f32
      %broadcast_in_dim3A_67 = vector.broadcast %broadcast_in_dim3A_66 : f32 to vector<1000x128xf32>
      %dot_general3A_68 = arith.constant dense<0.000000e+00> : vector<16x128xf32>
      %dot_general3A_69 = tpu.matmul %convert_element_type3A_50, %broadcast_in_dim3A_67, %dot_general3A_68 {dimension_numbers = #tpu.dot_dimension_numbers<[0], [0], [1], [1], [0, 1, 1, 1], [], []>, transpose_lhs_hint = false} : vector<1000x16xf32>, vector<1000x128xf32>, vector<16x128xf32> -> vector<16x128xf32>
      %add3A_70 = arith.addf %get3A_65, %dot_general3A_69 : vector<16x128xf32>
      %swap3A_71 = arith.constant 0 : index
      %swap3A_72 = arith.constant 0 : index
      %swap3A_73 = vector.load %arg16[%swap3A_71, %swap3A_72] : memref<16x128xf32, #tpu.memory_space<vmem>>, vector<16x128xf32>
      tpu.vector_store %arg16[%swap3A_71, %swap3A_72], %add3A_70 {strides = array<i32>} : memref<16x128xf32, #tpu.memory_space<vmem>>, vector<16x128xf32>,
      %eq3A_74 = arith.constant 9 : i32
      %eq3A_75 = arith.cmpi eq, %arg1, %eq3A_74 : i32
      %convert_element_type3A_76 = arith.extui %eq3A_75 : i1 to i32
      %cond3A_77 = arith.constant 0 : i32
      %cond3A_78 = arith.cmpi ne, %convert_element_type3A_76, %cond3A_77 : i32
      scf.if %cond3A_78 {
        %get3A_79 = arith.constant 0 : index
        %get3A_80 = arith.constant 0 : index
        %get3A_81 = vector.load %arg15[%get3A_79, %get3A_80] : memref<16x128xf32, #tpu.memory_space<vmem>>, vector<16x128xf32>
        %get3A_82 = arith.constant 0 : index
        %get3A_83 = arith.constant 0 : index
        %get3A_84 = vector.load %arg16[%get3A_82, %get3A_83] : memref<16x128xf32, #tpu.memory_space<vmem>>, vector<16x128xf32>
        %max3A_85 = arith.constant 1.000000e+00 : f32
        %max3A_86 = vector.broadcast %max3A_85 : f32 to vector<16x128xf32>
        %max3A_87 = arith.maximumf %get3A_84, %max3A_86 : vector<16x128xf32>
        %div3A = arith.divf %get3A_81, %max3A_87 : vector<16x128xf32>
        %get3A_88 = arith.constant 0 : index
        %get3A_89 = arith.constant 0 : index
        %get3A_90 = vector.load %arg10[%get3A_88, %get3A_89] : memref<64x128xf32, #tpu.memory_space<vmem>>, vector<64x128xf32>
        %dot_general3A_91 = arith.constant dense<0.000000e+00> : vector<16x64xf32>
        %dot_general3A_92 = tpu.matmul %div3A, %get3A_90, %dot_general3A_91 {dimension_numbers = #tpu.dot_dimension_numbers<[1], [1], [0], [0], [0, 0, 1, 0], [], []>, transpose_lhs_hint = false} : vector<16x128xf32>, vector<64x128xf32>, vector<16x64xf32> -> vector<16x64xf32>
        %get3A_93 = arith.constant 0 : index
        %get3A_94 = arith.constant 0 : index
        %get3A_95 = vector.load %arg11[%get3A_93, %get3A_94] : memref<1x64xf32, #tpu.memory_space<vmem>>, vector<1x64xf32>
        %add3A_96 = vector.broadcast %get3A_95 : vector<1x64xf32> to vector<16x64xf32>
        %add3A_97 = arith.addf %dot_general3A_92, %add3A_96 : vector<16x64xf32>
        %swap3A_98 = arith.constant 0 : index
        %swap3A_99 = arith.constant 0 : index
        %swap3A_100 = vector.load %arg12[%swap3A_98, %swap3A_99] : memref<16x64xf32, #tpu.memory_space<vmem>>, vector<16x64xf32>
        tpu.vector_store %arg12[%swap3A_98, %swap3A_99], %add3A_97 {strides = array<i32>} : memref<16x64xf32, #tpu.memory_space<vmem>>, vector<16x64xf32>,
      } else {
      }
    } else {
    }
    return
  }
  func.func @transform_0(%arg0: i32, %arg1: i32) -> (i32, i32, i32) {
    %c0_i32 = arith.constant 0 : i32
    %c0_i32_0 = arith.constant 0 : i32
    %c0_i32_1 = arith.constant 0 : i32
    return %c0_i32, %arg1, %c0_i32_0 : i32, i32, i32
  }
  func.func @transform_1(%arg0: i32, %arg1: i32) -> (i32, i32) {
    %c0_i32 = arith.constant 0 : i32
    %c0_i32_0 = arith.constant 0 : i32
    return %arg1, %c0_i32 : i32, i32
  }
  func.func @transform_2(%arg0: i32, %arg1: i32) -> (i32, i32, i32) {
    %c0_i32 = arith.constant 0 : i32
    %c0_i32_0 = arith.constant 0 : i32
    %c0_i32_1 = arith.constant 0 : i32
    return %c0_i32, %arg1, %c0_i32_0 : i32, i32, i32
  }
  func.func @transform_3(%arg0: i32, %arg1: i32) -> (i32, i32) {
    %c0_i32 = arith.constant 0 : i32
    %c0_i32_0 = arith.constant 0 : i32
    %c0_i32_1 = arith.constant 0 : i32
    return %c0_i32, %c0_i32_0 : i32, i32
  }
  func.func @transform_4(%arg0: i32, %arg1: i32) -> (i32, i32) {
    %c0_i32 = arith.constant 0 : i32
    %c0_i32_0 = arith.constant 0 : i32
    %c0_i32_1 = arith.constant 0 : i32
    return %c0_i32, %c0_i32_0 : i32, i32
  }
  func.func @transform_5(%arg0: i32, %arg1: i32) -> (i32, i32) {
    %c0_i32 = arith.constant 0 : i32
    %c0_i32_0 = arith.constant 0 : i32
    %c0_i32_1 = arith.constant 0 : i32
    return %c0_i32, %c0_i32_0 : i32, i32
  }
  func.func @transform_6(%arg0: i32, %arg1: i32) -> (i32, i32) {
    %c0_i32 = arith.constant 0 : i32
    %c0_i32_0 = arith.constant 0 : i32
    %c0_i32_1 = arith.constant 0 : i32
    return %c0_i32, %c0_i32_0 : i32, i32
  }
  func.func @transform_7(%arg0: i32, %arg1: i32) -> (i32, i32, i32) {
    %c0_i32 = arith.constant 0 : i32
    %c0_i32_0 = arith.constant 0 : i32
    %c0_i32_1 = arith.constant 0 : i32
    return %arg1, %c0_i32, %c0_i32_0 : i32, i32, i32
  }
  func.func @transform_8(%arg0: i32, %arg1: i32) -> (i32, i32) {
    %c0_i32 = arith.constant 0 : i32
    %c0_i32_0 = arith.constant 0 : i32
    %c0_i32_1 = arith.constant 0 : i32
    return %c0_i32, %c0_i32_0 : i32, i32
  }
  func.func @transform_9(%arg0: i32, %arg1: i32) -> (i32, i32) {
    %c0_i32 = arith.constant 0 : i32
    %c0_i32_0 = arith.constant 0 : i32
    %c0_i32_1 = arith.constant 0 : i32
    return %c0_i32, %c0_i32_0 : i32, i32
  }
  func.func @transform_10(%arg0: i32, %arg1: i32) -> (i32, i32) {
    %c0_i32 = arith.constant 0 : i32
    %c0_i32_0 = arith.constant 0 : i32
    %c0_i32_1 = arith.constant 0 : i32
    return %c0_i32, %c0_i32_0 : i32, i32
  }
}

</mosaic_0001>

<sc_bundles>
// kernel: kernel.10.cloned.1.call-start
scs
__scs_entry_jumppad:
0x0: {  	(pc) =	sbr.rel $0x88, $3  }
0x1: {  	(tag) =	ssettag $0x0;
	lr =	simm.s32 $0x1  }
0x2: {  	[smem:$0x3F89] =	sst lr;
	_ =	strace $0xD0000000  }
0x3: {  	_ = 	snop  }
0x4: {  	_ = 	snop  }
0x5: {  	_ = 	snop  }
0x6: {  	_ = 	snop  }
0x7: {  	_ = 	snop  }
__scs_overlays_trampoline_lowered:
0x8: {  	[smem:$0x3F98] =	sst s0  }
0x9: {  	[smem:$0x3F99] =	sst s1  }
0xa: {  	[smem:$0x3F9A] =	sst s2  }
0xb: {  	[smem:$0x3F9B] =	sst s3  }
0xc: {  	[smem:$0x3F9C] =	sst s4  }
0xd: {  	[smem:$0x3F9D] =	sst s5  }
0xe: {  	[smem:$0x3F9E] =	sst s6  }
0xf: {  	[smem:$0x3F9F] =	sst s7  }
0x10: {  	[smem:$0x3FA0] =	sst s8  }
0x11: {  	[smem:$0x3FA1] =	sst s9;
	s0 =	simm.s32 @!p0 $0x0  }
0x12: {  	s1 =	sld [smem:$0x3F87];
	s0 =	simm.s32 @p0 $0x1  }
0x13: {  	[smem:$0x3FA2] =	sst s0;
	s0 =	simm.s32 @!p1 $0x0  }
0x14: {  	s2 =	sld [smem:$0x3F86];
	s0 =	simm.s32 @p1 $0x1  }
0x15: {  	[smem:$0x3FA3] =	sst s0;
	s0 =	simm.s32 @!p2 $0x0  }
0x16: {  	s3 =	sld [smem:$0x3FDB];
	s0 =	simm.s32 @p2 $0x1  }
0x17: {  	s4 =	simm.s32 $0x1BF5;
	[smem:$0x3FA5] =	sst s0  }
0x18: {  	s0 =	sld [smem:$0x3F88];
	_ =	swait.ge [sflag:s4], $0x0  }
0x19: {  	s7 =	sld [smem:$0x3F89]  }
0x1a: {  	s8 =	sadd.s32 $0xFFFFE003, lr  }
0x1b: {  	s9 =	sadd.s32 $0xFFFFFEF7, lr;
	s5 =	simm.s32 $0xFFFFFFFF;
	p2 =	slt.u32 s8, $0xFFFFF086  }
0x1c: {  	p1 =	slt.u32 s9, $0xF7A;
	s5 =	simm.s32 @!p2 $0x0  }
0x1d: {  	s5 =	simm.s32 @p1 $0x1;
	p0 =	seq.s32 s7, s2  }
0x1e: {  	s7 =	smul.u32 @!p0 $0xF7A, s2;
	p2 =	seq.s32 @!p0 s5, $0x0  }
0x1f: {  	s9 =	smul.u32 $0xF7A, s1;
	s8 =	simm.s32 @!p0 $0x1BF5;
	p2 =	por !p2, p0  }
0x20: {  	[sflag:s8] =	ssyncset.s32 @!p0 $0xFFFFF086;
	s6 =	sadd.s32 @!p0 s3, s7;
	s7 =	simm.s32 @!p0 $0x108  }
0x21: {  	s3 =	sadd.s32 s3, s9;
	s6 =	sadd.s32 @!p0 $0x88, s6;
	s7 =	simm.s32 @p2 $0x1082  }
0x22: {  	[simem:s7], [sflag:s8] =	dma.local @!p0 [hbm:s6], $0xF7A  }
0x23: {  	s9 =	sor.u32 $0xD0000000, s2;
	s6 =	simm.s32 $0x108;
	_ =	swait.ge @!p0 [sflag:s8], $0x0  }
0x24: {  	s3 =	sadd.s32 $0x88, s3;
	s6 =	simm.s32 @!p1 $0x1082;
	[sflag:s4] =	ssyncset.s32 $0xFFFFF086  }
0x25: {  	[simem:s6], [sflag:s4] =	dma.local [hbm:s3], $0xF7A  }
0x26: {  	[smem:$0x3F89] =	sst s1;
	(tag) =	ssettag s2;
	_ =	strace s9  }
0x27: {  	s1 =	sld [smem:$0x3F99]  }
0x28: {  	s2 =	sld [smem:$0x3F9A]  }
0x29: {  	s4 =	sld [smem:$0x3F9C]  }
0x2a: {  	p0 =	seq.s32 s5, $0x0;
	s5 =	sld [smem:$0x3F9D]  }
0x2b: {  	s6 =	sld [smem:$0x3F9E]  }
0x2c: {  	s7 =	sld [smem:$0x3F9F]  }
0x2d: {  	s3 =	simm.s32 $0x108;
	s8 =	sld [smem:$0x3FA0]  }
0x2e: {  	s3 =	simm.s32 @!p0 $0x1082;
	s9 =	sld [smem:$0x3FA1]  }
0x2f: {  	lr =	sadd.s32 s0, s3;
	s0 =	sld [smem:$0x3F98]  }
0x30: {  	s3 =	sld [smem:$0x3F9B]  }
0x31: {  	[smem:$0x3FA4] =	sst s10  }
0x32: {  	s10 =	sld [smem:$0x3FA2];
	_ =	sdelay $0x3  }
0x33: {  	p0 =	seq.s32 s10, $0x1;
	s10 =	sld [smem:$0x3FA4];
	_ =	sdelay $0x3  }
0x34: {  	[smem:$0x3FA4] =	sst s10  }
0x35: {  	s10 =	sld [smem:$0x3FA3];
	_ =	sdelay $0x3  }
0x36: {  	p1 =	seq.s32 s10, $0x1;
	s10 =	sld [smem:$0x3FA4];
	_ =	sdelay $0x3  }
0x37: {  	[smem:$0x3FA4] =	sst s10  }
0x38: {  	s10 =	sld [smem:$0x3FA5]  }
0x39: {  	_ = 	snop;
	(pc) =	sbr.ind lr, $3  }
0x3a: {  	_ = 	snop  }
0x3b: {  	_ = 	snop  }
0x3c: {  	p2 =	seq.s32 s10, $0x1;
	s10 =	sld [smem:$0x3FA4]  }
0x3d: {  	_ =	shalt  }
0x3e: {  	_ =	shalt  }
0x3f: {  	_ =	shalt  }
0x40: {  	_ =	shalt  }
0x41: {  	_ =	shalt  }
0x42: {  	_ =	shalt  }
0x43: {  	_ =	shalt  }
0x44: {  	_ =	shalt  }
0x45: {  	_ =	shalt  }
0x46: {  	_ =	shalt  }
0x47: {  	_ =	shalt  }
0x48: {  	_ =	shalt  }
0x49: {  	_ =	shalt  }
0x4a: {  	_ =	shalt  }
0x4b: {  	_ =	shalt  }
0x4c: {  	_ =	shalt  }
0x4d: {  	_ =	shalt  }
0x4e: {  	_ =	shalt  }
0x4f: {  	_ =	shalt  }
0x50: {  	_ =	shalt  }
0x51: {  	_ =	shalt  }
0x52: {  	_ =	shalt  }
0x53: {  	_ =	shalt  }
0x54: {  	_ =	shalt  }
0x55: {  	_ =	shalt  }
0x56: {  	_ =	shalt  }
0x57: {  	_ =	shalt  }
0x58: {  	_ =	shalt  }
0x59: {  	_ =	shalt  }
0x5a: {  	_ =	shalt  }
0x5b: {  	_ =	shalt  }
0x5c: {  	_ =	shalt  }
0x5d: {  	_ =	shalt  }
0x5e: {  	_ =	shalt  }
0x5f: {  	_ =	shalt  }
0x60: {  	_ =	shalt  }
0x61: {  	_ =	shalt  }
0x62: {  	_ =	shalt  }
0x63: {  	_ =	shalt  }
0x64: {  	_ =	shalt  }
0x65: {  	_ =	shalt  }
0x66: {  	_ =	shalt  }
0x67: {  	_ =	shalt  }
0x68: {  	_ =	shalt  }
0x69: {  	_ =	shalt  }
0x6a: {  	_ =	shalt  }
0x6b: {  	_ =	shalt  }
0x6c: {  	_ =	shalt  }
0x6d: {  	_ =	shalt  }
0x6e: {  	_ =	shalt  }
0x6f: {  	_ =	shalt  }
0x70: {  	_ =	shalt  }
0x71: {  	_ =	shalt  }
0x72: {  	_ =	shalt  }
0x73: {  	_ =	shalt  }
0x74: {  	_ =	shalt  }
0x75: {  	_ =	shalt  }
0x76: {  	_ =	shalt  }
0x77: {  	_ =	shalt  }
0x78: {  	_ =	shalt  }
0x79: {  	_ =	shalt  }
0x7a: {  	_ =	shalt  }
0x7b: {  	_ =	shalt  }
0x7c: {  	_ =	shalt  }
0x7d: {  	_ =	shalt  }
0x7e: {  	_ =	shalt  }
0x7f: {  	_ =	shalt  }
0x80: {  	_ =	shalt  }
0x81: {  	_ =	shalt  }
0x82: {  	_ =	shalt  }
0x83: {  	_ =	shalt  }
0x84: {  	_ =	shalt  }
0x85: {  	_ =	shalt  }
0x86: {  	_ =	shalt  }
0x87: {  	_ =	shalt  }
.Lfunc_end0:
.L_simem_size_0:
called_computation_lowered:
.L_overlay_start_0:
0x88: {  	s2 =	sld [smem:$0x3FD9]  }
0x89: {  	s3 =	sld [smem:$0x3FFE];
	_ =	sdelay $0x1  }
0x8a: {  	s1 =	srdreg.scid  }
0x8b: {  	s0 =	sand.u32 $0x1, s1  }
0x8c: {  	s17 =	sshll.u32 s0, $0xA;
	s2 =	sadd.s32 s3, s2  }
0x8d: {  	s2 =	sadd.s32 s2, s17  }
0x8e: {  	[smem:$0x3FB0] =	sst s2  }
0x8f: {  	_ = 	snop  }
0x90: {  	s18 =	sld [smem:$0x3FD0];
	(tm) =	ssettm $0x1  }
0x91: {  	s19 =	sld [smem:$0x3FFB];
	_ =	sdelay $0x3  }
0x92: {  	_ =	strace s19  }
0x93: {  	s2 =	sld [smem:$0x3FFC];
	_ =	sdelay $0x3  }
0x94: {  	_ =	strace s2  }
0x95: {  	s2 =	sld [smem:$0x3FFD];
	_ =	sdelay $0x3  }
0x96: {  	_ =	strace s2  }
0x97: {  	_ =	strace $0x8FFFFFFF  }
0x98: {  	s20 =	sld [smem:$0x3FDB];
	_ =	sdelay $0x1  }
0x99: {  	s4 =	simm.s32 $_scs_section_size  }
0x9a: {  	s5 =	simm.s32 $_size__tile_overlayer_lowered;
	s6 =	simm.s32 $_tile_overlayer_lowered  }
0x9b: {  	s7 =	simm.s32 $0x1BFF;
	s21 =	sshll.u32 s6, $0x1;
	s4 =	sadd.s32 s4, s20  }
0x9c: {  	s22 =	simm.s32 $0x0;
	s5 =	sshll.u32 s5, $0x1;
	s6 =	sadd.s32 s21, s4  }
0x9d: {  	[timem:s22], [sflag:s7] =	dma.local [hbm:s6], s5  }
0x9e: {  	_ =	swait.ge [sflag:s7], s5  }
0x9f: {  	s5 =	ssub.s32 $0x0, s5;
	[sflag:s7] =	ssyncset.done $0x0  }
0xa0: {  	[sflag:s7] =	ssyncadd.s32 s5;
	_ =	sdelay $0x1  }
0xa1: {  	s23 =	simm.s32 $0x1B8B  }
0xa2: {  	_ =	swait.ge [sflag:s23], $0x1  }
0xa3: {  	[sflag:s23] =	ssyncset.done $0x0  }
0xa4: {  	[sflag:s23] =	ssyncadd.s32 $0xFFFFFFFF  }
0xa5: {  	s5 =	sld [smem:$0x0]  }
0xa6: {  	s6 =	sand.u32 $0xFFFFFFFE, s1  }
0xa7: {  	p0 =	sne.s32 s1, s6  }
0xa8: {  	s6 =	sshll.u32 @p0 s6, $0xE  }
0xa9: {  	s6 =	sadd.s32 @p0 $0x11B8D, s6;
	s7 =	sshll.u32 @p0 s5, $0x11  }
0xaa: {  	s6 =	sor.u32 @p0 s7, s6  }
0xab: {  	[sflag:s6] =	ssyncadd.remote.s32 @p0 $0x1;
	_ =	sdelay $0x1  }
0xac: {  	s6 =	simm.s32 @p0 $0x1B8D  }
0xad: {  	_ =	swait.eq @p0 [sflag:s6], $0x1  }
0xae: {  	[sflag:s6] =	ssyncadd.s32 @p0 $0xFFFFFFFF  }
0xaf: {  	s7 =	sshll.u32 @!p0 s1, $0xE  }
0xb0: {  	s7 =	sor.u32 @!p0 $0x4000, s7;
	s6 =	simm.s32 @!p0 $0x1B8D  }
0xb1: {  	s5 =	sshll.u32 @!p0 s5, $0x11;
	s7 =	sadd.s32 @!p0 $0x11B8D, s7;
	_ =	swait.eq @!p0 [sflag:s6], $0x1  }
0xb2: {  	s5 =	sor.u32 @!p0 s5, s7;
	[sflag:s6] =	ssyncadd.s32 @!p0 $0xFFFFFFFF  }
0xb3: {  	s25 =	simm.s32 $0x1B8E;
	s24 =	sld [smem:$0x3FFE];
	[sflag:s5] =	ssyncadd.remote.s32 @!p0 $0x1  }
0xb4: {  	s26 =	simm.s32 $execute0_lowered;
	[smem:$0x3FD2] =	sst s25  }
0xb5: {  	s6 =	sshll.u32 s26, $0x1;
	_ =	strace $0x80000049;
	[dreg:$0x1] =	wrdreg $0xFFFFFFFF  }
0xb6: {  	s28 =	simm.s32 $_size_execute0_lowered;
	s4 =	sadd.s32 s4, s6;
	[dreg:$0x0] =	wrdreg $0x0  }
0xb7: {  	s6 =	sshll.u32 s28, $0x1;
	[dreg:$0x2] =	wrdreg s4  }
0xb8: {  	[dreg:$0x3] =	wrdreg s6  }
0xb9: {  	[dreg:$0x4] =	wrdreg $0xC0  }
0xba: {  	_ =	task [dreg:s22], $0x5FFFF  }
0xbb: {  	[dreg:$0x1] =	wrdreg $0xFFFFFFFF  }
0xbc: {  	[dreg:$0x0] =	wrdreg $0x60  }
0xbd: {  	[dreg:$0x2] =	wrdreg s24  }
0xbe: {  	[dreg:$0x3] =	wrdreg s18  }
0xbf: {  	[dreg:$0x4] =	wrdreg $0x0  }
0xc0: {  	[dreg:$0x5] =	wrdreg $0x27100  }
0xc1: {  	[dreg:$0x6] =	wrdreg $0x9  }
0xc2: {  	_ =	task.clear_ibuf [dreg:s22], $0x7FFFF;
	_ =	strace $0x90000049  }
0xc3: {  	s29 =	simm.s32 $0x9;
	_ =	strace $0x8000004B  }
0xc4: {  	_ =	swait.ge [sflag:s29], $0x1  }
0xc5: {  	[sflag:s29] =	ssyncadd.s32 $0xFFFFFFFF  }
0xc6: {  	_ =	strace $0x9000004B  }
0xc7: {  	_ =	sfence  }
0xc8: {  	s30 =	sld [smem:$0x0];
	_ =	sdelay $0x2  }
0xc9: {  	s31 =	sshll.u32 s1, $0xD;
	s1 =	sshrl.u32 s1, $0x2  }
0xca: {  	s4 =	sand.u32 $0x4000, s31;
	s1 =	sadd.s32 s1, s30  }
0xcb: {  	s0 =	sor.u32 s4, s0;
	s1 =	sshll.u32 s1, $0x11  }
0xcc: {  	s0 =	sor.u32 s1, s0  }
0xcd: {  	s0 =	sadd.s32 $0x8F2B, s0  }
0xce: {  	[sflag:s0] =	ssyncadd.remote.s32 $0x1  }
0xcf: {  	_ =	sfence.sel $0xFFFF  }
0xd0: {  	[dreg:$0x0] =	wrdreg $0xFFFFFFFF;
	(pc) =	sbr.abs _section_cstart, $3  }
0xd1: {  	[dreg:$0x1] =	wrdreg $0xFFFFFFFF  }
0xd2: {  	_ =	task.clear_ibuf [dreg:s22], $0x2FFFF;
	_ =	strace $0x9FFFFFFF  }
0xd3: {  	(tm) =	ssettm $0x7FFFFFFF  }
tec
execute0_lowered:
.L_overlay_start_1:
0x0: {  	(tag) =	ssettag $0x1  }
0x1: {  	s0 =	rddreg [dreg:$0x0]  }
0x2: {  	s2 =	rddreg [dreg:$0x2]  }
0x3: {  	s3 =	rddreg [dreg:$0x3]  }
0x4: {  	s1 =	srdreg.scid;
	s5 =	simm.s32 $0x0;
	s16 =	stileid.u32  }
0x5: {  	s28 =	simm.s32 $0x5F20;
	s29 =	simm.s32 $0x9;
	s30 =	simm.s32 $0x4E20  }
0x6: {  	s31 =	simm.s32 $0x5E20;
	s1 =	sand.u32 $0x1, s1;
	[smem:$0x7FF] =	sst s5  }
0x7: {  	s7 =	sadd.s32 $0x573800, s0;
	s6 =	sadd.s32 $0x6000, s0;
	s11 =	smul.u32 $0x2780, s16  }
0x8: {  	s10 =	sadd.s32 $0x91800, s0;
	s12 =	sadd.s32 $0x91E00, s0;
	s14 =	smul.u32 $0x13C00, s16  }
0x9: {  	s15 =	smul.u32 $0x2710, s16;
	s0 =	sadd.s32 $0x91E02, s0;
	p0 =	seq.s32 s16, $0xF  }
0xa: {  	s4 =	sshll.u32 s1, $0x4;
	_ =	strace $0x8000004A;
	s13 =	smul.u32 $0x138800, s1  }
0xb: {  	s8 =	ssub.s32 $0x2, s1;
	[dreg:$0x5] =	wrdreg s10;
	s1 =	smul.u32 $0x27100, s1  }
0xc: {  	s4 =	sor.u32 s16, s4;
	s19 =	sshrl.u32 s8, $0x1;
	s20 =	sadd.s32 s11, s2  }
0xd: {  	s11 =	sadd.s32 s11, s3;
	s16 =	simm.s32 $0x8;
	s9 =	smul.u32 $0x2710, s4  }
0xe: {  	s8 =	ssub.s32 s8, s19;
	s4 =	smul.u32 $0x4E20, s4;
	[dreg:$0x6] =	wrdreg s20  }
0xf: {  	[dreg:$0x7] =	wrdreg s11;
	s23 =	sadd.s32 s14, s13;
	s13 =	sshrl.u32 s13, $0x3  }
0x10: {  	s1 =	sadd.s32 s15, s1;
	s14 =	simm.s32 $0x6;
	s25 =	sadd.s32 $0x25080, s13  }
0x11: {  	s26 =	sadd.s32 $0x180, s1;
	s1 =	sadd.s32 $0x100, s1;
	s10 =	sadd.s32 $0x80, s9  }
0x12: {  	s4 =	sadd.s32 s7, s4;
	s22 =	sshrl.u32 s9, $0x3;
	s9 =	sadd.s32 $0x2700, s9  }
0x13: {  	s13 =	sshll.u32 s26, $0x1;
	[dreg:$0xd] =	wrdreg s1;
	s1 =	sshll.u32 s1, $0x1  }
0x14: {  	s21 =	sshll.u32 s10, $0x1;
	[dreg:$0x8] =	wrdreg s4;
	s24 =	sshll.u32 s9, $0x1  }
0x15: {  	s18 =	sadd.s32 s13, s7;
	s19 =	sadd.s32 s1, s7;
	s20 =	sadd.s32 s6, s22  }
0x16: {  	s22 =	sshrl.u32 s9, $0x3;
	s11 =	sadd.s32 s7, s21;
	[dreg:$0x11] =	wrdreg s20  }
0x17: {  	s1 =	simm.s32 $0x5EA0;
	s15 =	sadd.s32 s7, s24;
	[dreg:$0x9] =	wrdreg s11  }
0x18: {  	s24 =	smax.u32 s8, $0x1;
	s11 =	sshrl.u32 s23, $0x3;
	[dreg:$0xf] =	wrdreg s15  }
0x19: {  	s23 =	sshrl.u32 s26, $0x3;
	[dreg:$0x14] =	wrdreg s24;
	s26 =	sadd.s32 $0x25080, s3  }
0x1a: {  	s4 =	simm.s32 $0x1;
	s17 =	sadd.s32 s12, s11;
	[dreg:$0x16] =	wrdreg s26  }
0x1b: {  	s9 =	simm.s32 $0x80;
	s11 =	sadd.s32 s11, s0;
	[dreg:$0xa] =	wrdreg s17  }
0x1c: {  	s13 =	simm.s32 $0x4;
	s12 =	sadd.s32 s12, s25;
	[dreg:$0xb] =	wrdreg s11  }
0x1d: {  	s21 =	sshrl.u32 s10, $0x3;
	s0 =	sadd.s32 s25, s0;
	[dreg:$0xc] =	wrdreg s12  }
0x1e: {  	s8 =	simm.s32 $0x3;
	s25 =	sadd.s32 s23, s6;
	[dreg:$0xe] =	wrdreg s0  }
0x1f: {  	s10 =	simm.s32 $0x5;
	s17 =	sadd.s32 $0x25080, s2;
	[dreg:$0x15] =	wrdreg s25  }
0x20: {  	s0 =	sadd.s32 s6, s21;
	s11 =	simm.s32 $0x7;
	[dreg:$0x10] =	wrdreg s17  }
0x21: {  	s12 =	simm.s32 $0x2;
	[dreg:$0x12] =	wrdreg s0;
	s0 =	sadd.s32 s6, s22  }
0x22: {  	s22 =	simm.s32 $0x0;
	[dreg:$0x13] =	wrdreg s0;
	s0 =	simm.s32 $0x5620  }
.LBB2_1:
0x23: {  	s7 =	rddreg [dreg:$0x10]  }
0x24: {  	s17 =	rddreg [dreg:$0x5];
	s15 =	sshrl.u32 @p0 s7, $0x3  }
0x25: {  	s7 =	simm.s32 @p0 $0x1FC9;
	[dreg:$0x17] =	wrdreg s15  }
0x26: {  	[spmem:s15], [sflag:s7] =	dma.local @p0 [hbm:s17], $0x410  }
0x27: {  	s15 =	simm.s32 @p0 $0x9  }
0x28: {  	_ =	swait.ge @p0 [sflag:s15], $0x410  }
0x29: {  	s20 =	rddreg [dreg:$0x16]  }
0x2a: {  	[sflag:s15] =	ssyncset.done @p0 $0x0;
	s20 =	sshrl.u32 @p0 s20, $0x3  }
0x2b: {  	[sflag:s15] =	ssyncadd.s32 @p0 $0xFFFFFBF0;
	[dreg:$0x19] =	wrdreg s20  }
0x2c: {  	[spmem:s20], [sflag:s7] =	dma.local @p0 [hbm:s17], $0x410  }
0x2d: {  	s7 =	stileid.u32  }
0x2e: {  	_ =	swait.ge @p0 [sflag:s15], $0x410;
	s7 =	sshll.u32 @!p0 s7, $0x6  }
0x2f: {  	s23 =	sor.u32 @!p0 $0x1C09, s7;
	s7 =	rddreg [dreg:$0x6]  }
0x30: {  	[sflag:s15] =	ssyncset.done @p0 $0x0;
	s7 =	sshrl.u32 @!p0 s7, $0x3  }
0x31: {  	[sflag:s15] =	ssyncadd.s32 @p0 $0xFFFFFBF0;
	[dreg:$0x18] =	wrdreg s7  }
0x32: {  	[spmem:s7], [sflag:s23] =	dma.local @!p0 [hbm:s17], $0x4F0  }
0x33: {  	s7 =	simm.s32 @!p0 $0x9  }
0x34: {  	_ =	swait.ge @!p0 [sflag:s7], $0x4F0  }
0x35: {  	[sflag:s7] =	ssyncset.done @!p0 $0x0;
	s15 =	rddreg [dreg:$0x7]  }
0x36: {  	[sflag:s7] =	ssyncadd.s32 @!p0 $0xFFFFFB10;
	s21 =	sshrl.u32 @!p0 s15, $0x3  }
0x37: {  	[spmem:s21], [sflag:s23] =	dma.local @!p0 [hbm:s17], $0x4F0  }
0x38: {  	_ =	swait.ge @!p0 [sflag:s7], $0x4F0  }
0x39: {  	[sflag:s7] =	ssyncset.done @!p0 $0x0  }
0x3a: {  	[sflag:s7] =	ssyncadd.s32 @!p0 $0xFFFFFB10  }
0x3b: {  	s7 =	rddreg [dreg:$0x1]  }
0x3c: {  	[tilespmem:s28], [sflag:$0x9] =	stream.linear.gather [hbm4b:s7+s5], $0x800, $0x38;
	[tilespmem:$0x6830] =	vst v63  }
0x3d: {  	_ =	swait.ge [sflag:s29], $0x800  }
0x3e: {  	[sflag:s29] =	ssyncset.done $0x0  }
0x3f: {  	[sflag:s29] =	ssyncadd.s32 $0xFFFFF800  }
0x40: {  	[bflag:$0x0] =	sbarrier.arrive $0xFFFF  }
0x41: {  	s25 =	rddreg [dreg:$0x8]  }
0x42: {  	[tilespmem:s30], [sflag:$0x1] =	stream.linear.gather [hbm4b:s25+s5], $0x800, $0x38;
	[tilespmem:$0x6830] =	vst v63  }
0x43: {  	s26 =	rddreg [dreg:$0x11]  }
0x44: {  	[tilespmem:s31], [sflag:$0x3] =	stream.linear.gather [hbm4b:s26+s5], $0x80, $0x38;
	[tilespmem:$0x6830] =	vst v63  }
0x45: {  	s15 =	rddreg [dreg:$0x9]  }
0x46: {  	[tilespmem:s0], [sflag:$0x2] =	stream.linear.gather [hbm4b:s15+s5], $0x800, $0x38;
	[tilespmem:$0x6830] =	vst v63  }
0x47: {  	s17 =	rddreg [dreg:$0x12]  }
0x48: {  	[tilespmem:s1], [sflag:$0x4] =	stream.linear.gather [hbm4b:s17+s5], $0x80, $0x38;
	[tilespmem:$0x6830] =	vst v63  }
0x49: {  	_ =	swait.ge [sflag:s4], $0x800  }
0x4a: {  	[sflag:s4] =	ssyncset.done $0x0  }
0x4b: {  	[sflag:s4] =	ssyncadd.s32 $0xFFFFF800  }
0x4c: {  	_ =	swait.ge [sflag:s8], $0x80  }
0x4d: {  	[sflag:s8] =	ssyncset.done $0x0  }
0x4e: {  	[sflag:s8] =	ssyncadd.s32 $0xFFFFFF80  }
0x4f: {  	[spmem:s2] =	stream.indirect.scatter.add.f32 [tilespmem:s30], [sflag:$0x5], $0x10, s31, s9, $0xb8;
	[tilespmem:$0x6830] =	vst v63  }
0x50: {  	_ = 	snop  }
0x51: {  	[spmem:s3] =	stream.indirect.scatter.add.f32 [tilespmem:s28], [sflag:$0x7], $0x10, s31, s9, $0xb8;
	[tilespmem:$0x6830] =	vst v63  }
0x52: {  	_ =	swait.ge [sflag:s10], $0x800  }
0x53: {  	[sflag:s10] =	ssyncset.done $0x0  }
0x54: {  	[sflag:s10] =	ssyncadd.s32 $0xFFFFF800  }
0x55: {  	_ =	swait.ge [sflag:s11], $0x800  }
0x56: {  	[sflag:s11] =	ssyncset.done $0x0;
	s17 =	rddreg [dreg:$0xd]  }
0x57: {  	s20 =	sadd.s32 $0x0, s19;
	[sflag:s11] =	ssyncadd.s32 $0xFFFFF800;
	s24 =	sshrl.u32 s17, $0x3  }
0x58: {  	[tilespmem:s30], [sflag:$0x1] =	stream.linear.gather [hbm4b:s20+s5], $0x800, $0x38;
	[tilespmem:$0x6830] =	vst v63  }
0x59: {  	s25 =	sadd.s32 s6, s24  }
0x5a: {  	[tilespmem:s31], [sflag:$0x3] =	stream.linear.gather [hbm4b:s25+s5], $0x80, $0x38;
	[tilespmem:$0x6830] =	vst v63  }
0x5b: {  	_ =	swait.ge [sflag:s12], $0x800  }
0x5c: {  	[sflag:s12] =	ssyncset.done $0x0  }
0x5d: {  	[sflag:s12] =	ssyncadd.s32 $0xFFFFF800  }
0x5e: {  	_ =	swait.ge [sflag:s13], $0x80  }
0x5f: {  	[sflag:s13] =	ssyncset.done $0x0  }
0x60: {  	[sflag:s13] =	ssyncadd.s32 $0xFFFFFF80  }
0x61: {  	[spmem:s2] =	stream.indirect.scatter.add.f32 [tilespmem:s0], [sflag:$0x6], $0x10, s1, s9, $0xb8;
	[tilespmem:$0x6830] =	vst v63  }
0x62: {  	_ = 	snop  }
0x63: {  	[spmem:s3] =	stream.indirect.scatter.add.f32 [tilespmem:s28], [sflag:$0x8], $0x10, s1, s9, $0xb8;
	[tilespmem:$0x6830] =	vst v63  }
0x64: {  	_ =	swait.ge [sflag:s14], $0x800  }
0x65: {  	[sflag:s14] =	ssyncset.done $0x0  }
0x66: {  	[sflag:s14] =	ssyncadd.s32 $0xFFFFF800  }
0x67: {  	s26 =	sadd.s32 $0x0, s18;
	_ =	swait.ge [sflag:s16], $0x800  }
0x68: {  	s20 =	simm.s32 $0x200;
	[sflag:s16] =	ssyncset.done $0x0;
	s7 =	rddreg [dreg:$0x15]  }
0x69: {  	s25 =	sadd.s32 $0x100, s17;
	[sflag:s16] =	ssyncadd.s32 $0xFFFFF800;
	s15 =	sadd.s32 $0x20, s7  }
0x6a: {  	[tilespmem:s0], [sflag:$0x2] =	stream.linear.gather [hbm4b:s26+s5], $0x800, $0x38;
	[tilespmem:$0x6830] =	vst v63  }
.LBB2_2:
0x6b: {  	[tilespmem:s1], [sflag:$0x4] =	stream.linear.gather [hbm4b:s7+s5], $0x80, $0x38;
	[tilespmem:$0x6830] =	vst v63  }
0x6c: {  	s24 =	smov.u32 s20;
	s7 =	smov.u32 s15  }
0x6d: {  	p1 =	sne.s32 s20, $0x4A00;
	s20 =	sadd.s32 $0x200, s20;
	_ =	swait.ge [sflag:s4], $0x800  }
0x6e: {  	[sflag:s4] =	ssyncset.done $0x0  }
0x6f: {  	[sflag:s4] =	ssyncadd.s32 $0xFFFFF800  }
0x70: {  	_ =	swait.ge [sflag:s8], $0x80  }
0x71: {  	[sflag:s8] =	ssyncset.done $0x0  }
0x72: {  	[sflag:s8] =	ssyncadd.s32 $0xFFFFFF80  }
0x73: {  	[spmem:s2] =	stream.indirect.scatter.add.f32 [tilespmem:s30], [sflag:$0x5], $0x10, s31, s9, $0xb8;
	[tilespmem:$0x6830] =	vst v63  }
0x74: {  	_ = 	snop  }
0x75: {  	[spmem:s3] =	stream.indirect.scatter.add.f32 [tilespmem:s28], [sflag:$0x7], $0x10, s31, s9, $0xb8;
	[tilespmem:$0x6830] =	vst v63  }
0x76: {  	_ =	swait.ge [sflag:s10], $0x800  }
0x77: {  	[sflag:s10] =	ssyncset.done $0x0  }
0x78: {  	[sflag:s10] =	ssyncadd.s32 $0xFFFFF800  }
0x79: {  	_ =	swait.ge [sflag:s11], $0x800  }
0x7a: {  	[sflag:s11] =	ssyncset.done $0x0  }
0x7b: {  	s26 =	sshrl.u32 s25, $0x3;
	s17 =	sadd.s32 s24, s19;
	[sflag:s11] =	ssyncadd.s32 $0xFFFFF800  }
0x7c: {  	[tilespmem:s30], [sflag:$0x1] =	stream.linear.gather [hbm4b:s17+s5], $0x800, $0x38;
	[tilespmem:$0x6830] =	vst v63  }
0x7d: {  	s17 =	sadd.s32 s6, s26  }
0x7e: {  	[tilespmem:s31], [sflag:$0x3] =	stream.linear.gather [hbm4b:s17+s5], $0x80, $0x38;
	[tilespmem:$0x6830] =	vst v63  }
0x7f: {  	_ =	swait.ge [sflag:s12], $0x800  }
0x80: {  	[sflag:s12] =	ssyncset.done $0x0  }
0x81: {  	[sflag:s12] =	ssyncadd.s32 $0xFFFFF800  }
0x82: {  	_ =	swait.ge [sflag:s13], $0x80  }
0x83: {  	[sflag:s13] =	ssyncset.done $0x0  }
0x84: {  	[sflag:s13] =	ssyncadd.s32 $0xFFFFFF80  }
0x85: {  	[spmem:s2] =	stream.indirect.scatter.add.f32 [tilespmem:s0], [sflag:$0x6], $0x10, s1, s9, $0xb8;
	[tilespmem:$0x6830] =	vst v63  }
0x86: {  	_ = 	snop  }
0x87: {  	[spmem:s3] =	stream.indirect.scatter.add.f32 [tilespmem:s28], [sflag:$0x8], $0x10, s1, s9, $0xb8;
	[tilespmem:$0x6830] =	vst v63  }
0x88: {  	_ =	swait.ge [sflag:s14], $0x800  }
0x89: {  	[sflag:s14] =	ssyncset.done $0x0  }
0x8a: {  	[sflag:s14] =	ssyncadd.s32 $0xFFFFF800  }
.Ltmp0:
0x8b: {  	_ =	swait.ge [sflag:s16], $0x800;
	(pc) =	sbr.rel @p1 .LBB2_2-.Ltmp0, $4  }
0x8c: {  	[sflag:s16] =	ssyncset.done $0x0  }
0x8d: {  	s17 =	sadd.s32 s24, s18;
	[sflag:s16] =	ssyncadd.s32 $0xFFFFF800  }
0x8e: {  	[tilespmem:s0], [sflag:$0x2] =	stream.linear.gather [hbm4b:s17+s5], $0x800, $0x38;
	[tilespmem:$0x6830] =	vst v63  }
0x8f: {  	s15 =	sadd.s32 $0x20, s15;
	s25 =	sadd.s32 $0x100, s25  }
0x90: {  	[tilespmem:s1], [sflag:$0x4] =	stream.linear.gather [hbm4b:s7+s5], $0x80, $0x38;
	[tilespmem:$0x6830] =	vst v63  }
0x91: {  	_ =	swait.ge [sflag:s4], $0x800  }
0x92: {  	[sflag:s4] =	ssyncset.done $0x0  }
0x93: {  	[sflag:s4] =	ssyncadd.s32 $0xFFFFF800  }
0x94: {  	_ =	swait.ge [sflag:s8], $0x80  }
0x95: {  	[sflag:s8] =	ssyncset.done $0x0  }
0x96: {  	[sflag:s8] =	ssyncadd.s32 $0xFFFFFF80  }
0x97: {  	[spmem:s2] =	stream.indirect.scatter.add.f32 [tilespmem:s30], [sflag:$0x5], $0x10, s31, s9, $0xb8;
	[tilespmem:$0x6830] =	vst v63  }
0x98: {  	_ = 	snop  }
0x99: {  	[spmem:s3] =	stream.indirect.scatter.add.f32 [tilespmem:s28], [sflag:$0x7], $0x10, s31, s9, $0xb8;
	[tilespmem:$0x6830] =	vst v63  }
0x9a: {  	_ =	swait.ge [sflag:s10], $0x800  }
0x9b: {  	[sflag:s10] =	ssyncset.done $0x0  }
0x9c: {  	[sflag:s10] =	ssyncadd.s32 $0xFFFFF800  }
0x9d: {  	_ =	swait.ge [sflag:s11], $0x800  }
0x9e: {  	[sflag:s11] =	ssyncset.done $0x0  }
0x9f: {  	[sflag:s11] =	ssyncadd.s32 $0xFFFFF800  }
0xa0: {  	_ =	swait.ge [sflag:s12], $0x800  }
0xa1: {  	[sflag:s12] =	ssyncset.done $0x0  }
0xa2: {  	[sflag:s12] =	ssyncadd.s32 $0xFFFFF800  }
0xa3: {  	_ =	swait.ge [sflag:s13], $0x80  }
0xa4: {  	[sflag:s13] =	ssyncset.done $0x0  }
0xa5: {  	[sflag:s13] =	ssyncadd.s32 $0xFFFFFF80  }
0xa6: {  	[spmem:s2] =	stream.indirect.scatter.add.f32 [tilespmem:s0], [sflag:$0x6], $0x10, s1, s9, $0xb8;
	[tilespmem:$0x6830] =	vst v63  }
0xa7: {  	_ = 	snop  }
0xa8: {  	[spmem:s3] =	stream.indirect.scatter.add.f32 [tilespmem:s28], [sflag:$0x8], $0x10, s1, s9, $0xb8;
	[tilespmem:$0x6830] =	vst v63  }
0xa9: {  	_ =	swait.ge [sflag:s14], $0x800  }
0xaa: {  	[sflag:s14] =	ssyncset.done $0x0  }
0xab: {  	[sflag:s14] =	ssyncadd.s32 $0xFFFFF800  }
0xac: {  	_ =	swait.ge [sflag:s16], $0x800  }
0xad: {  	[sflag:s16] =	ssyncset.done $0x0  }
0xae: {  	s15 =	simm.s32 $0x6720;
	s20 =	rddreg [dreg:$0xf];
	[sflag:s16] =	ssyncadd.s32 $0xFFFFF800  }
0xaf: {  	[tilespmem:s15], [sflag:$0x1] =	stream.linear.gather [hbm4b:s20+s5], $0x100, $0x38;
	[tilespmem:$0x6830] =	vst v63  }
0xb0: {  	_ =	swait.ge [sflag:s4], $0x100  }
0xb1: {  	[sflag:s4] =	ssyncset.done $0x0  }
0xb2: {  	s17 =	simm.s32 $0x6820;
	s24 =	rddreg [dreg:$0x13];
	[sflag:s4] =	ssyncadd.s32 $0xFFFFFF00  }
0xb3: {  	[tilespmem:s17], [sflag:$0x9] =	stream.linear.gather [hbm4b:s24+s5], $0x10, $0x38;
	[tilespmem:$0x6830] =	vst v63  }
0xb4: {  	_ =	swait.ge [sflag:s29], $0x10  }
0xb5: {  	[sflag:s29] =	ssyncset.done $0x0  }
0xb6: {  	s25 =	simm.s32 $0x10;
	[sflag:s29] =	ssyncadd.s32 $0xFFFFFFF0  }
0xb7: {  	[spmem:s2] =	stream.indirect.scatter.add.f32 [tilespmem:s15], [sflag:$0x9], $0x10, s17, s25, $0xb8;
	[tilespmem:$0x6830] =	vst v63  }
0xb8: {  	_ =	swait.ge [sflag:s29], $0x100  }
0xb9: {  	[sflag:s29] =	ssyncset.done $0x0  }
0xba: {  	[sflag:s29] =	ssyncadd.s32 $0xFFFFFF00  }
0xbb: {  	[spmem:s3] =	stream.indirect.scatter.add.f32 [tilespmem:s28], [sflag:$0x9], $0x10, s17, s25, $0xb8;
	[tilespmem:$0x6830] =	vst v63  }
0xbc: {  	_ =	swait.ge [sflag:s29], $0x100  }
0xbd: {  	[sflag:s29] =	ssyncset.done $0x0  }
0xbe: {  	[sflag:s29] =	ssyncadd.s32 $0xFFFFFF00  }
0xbf: {  	[bflag:$0x0] =	sbarrier.arrive $0xFFFF  }
0xc0: {  	s7 =	simm.s32 @p0 $0x1;
	s20 =	simm.s32 @p0 $0x1FC9;
	s24 =	rddreg [dreg:$0xc]  }
0xc1: {  	s15 =	simm.s32 @p0 $0x10;
	s17 =	simm.s32 @p0 $0x2;
	s25 =	rddreg [dreg:$0x17]  }
0xc2: {  	[hbm:s24@s15], [sflag:s20] =	dma.strided @p0 [spmem:s25@s17], $0x410, s7, $0x2   }
0xc3: {  	s24 =	simm.s32 @p0 $0x9  }
0xc4: {  	_ =	swait.ge @p0 [sflag:s24], $0x410  }
0xc5: {  	[sflag:s24] =	ssyncset.done @p0 $0x0;
	s25 =	rddreg [dreg:$0xe]  }
0xc6: {  	s26 =	rddreg [dreg:$0x19];
	[sflag:s24] =	ssyncadd.s32 @p0 $0xFFFFFBF0  }
0xc7: {  	[hbm:s25@s15], [sflag:s20] =	dma.strided @p0 [spmem:s26@s17], $0x410, s7, $0x2   }
0xc8: {  	s7 =	simm.s32 @!p0 $0x1;
	_ =	swait.ge @p0 [sflag:s24], $0x410  }
0xc9: {  	s15 =	simm.s32 @!p0 $0x10;
	[sflag:s24] =	ssyncset.done @p0 $0x0;
	s20 =	rddreg [dreg:$0xa]  }
0xca: {  	s17 =	simm.s32 @!p0 $0x2;
	[sflag:s24] =	ssyncadd.s32 @p0 $0xFFFFFBF0;
	s24 =	rddreg [dreg:$0x18]  }
0xcb: {  	[hbm:s20@s15], [sflag:s23] =	dma.strided @!p0 [spmem:s24@s17], $0x4F0, s7, $0x2   }
0xcc: {  	s20 =	simm.s32 @!p0 $0x9  }
0xcd: {  	_ =	swait.ge @!p0 [sflag:s20], $0x4F0  }
0xce: {  	[sflag:s20] =	ssyncset.done @!p0 $0x0  }
0xcf: {  	s24 =	rddreg [dreg:$0xb];
	[sflag:s20] =	ssyncadd.s32 @!p0 $0xFFFFFB10  }
0xd0: {  	[hbm:s24@s15], [sflag:s23] =	dma.strided @!p0 [spmem:s21@s17], $0x4F0, s7, $0x2   }
0xd1: {  	_ =	swait.ge @!p0 [sflag:s20], $0x4F0  }
0xd2: {  	s22 =	sadd.s32 $0x1, s22;
	s26 =	rddreg [dreg:$0x14]  }
0xd3: {  	p1 =	sne.s32 s22, s26  }
.Ltmp1:
0xd4: {  	_ = 	snop;
	(pc) =	sbr.rel @p1 .LBB2_1-.Ltmp1, $3  }
0xd5: {  	_ =	sdelay $0x1  }
0xd6: {  	[sflag:s20] =	ssyncset.done @!p0 $0x0  }
0xd7: {  	[sflag:s20] =	ssyncadd.s32 @!p0 $0xFFFFFB10  }
0xd8: {  	_ =	sfence.sel $0x180000  }
0xd9: {  	[bflag:$0x0] =	sbarrier.arrive $0xFFFF  }
0xda: {  	_ =	strace $0x9000004A  }
0xdb: {  	s0 =	stileid.u32;
	[bflag:$0x2] =	sbarrier.arrive $0xFFFF  }
0xdc: {  	p0 =	sne.s32 s0, $0x0;
	s0 =	rddreg [dreg:$0x4]  }
0xdd: {  	s0 =	sadd.s32 @!p0 $0x100000, s0  }
0xde: {  	[sflag:s0] =	ssyncadd.tile.s32 @!p0 $0x1;
	_ =	shalt  }
.Lfunc_end2:
_tile_overlayer_lowered:
.L_overlay_start_2:
0xdf: {  	(tag) =	ssettag $0x2  }
0xe0: {  	s0 =	rddreg [dreg:$0x0];
	s2 =	stileid.u32  }
0xe1: {  	s1 =	rddreg [dreg:$0x1];
	p0 =	sne.s32 s2, $0x0  }
0xe2: {  	s3 =	rddreg [dreg:$0x2];
	[bflag:$0x3] =	sbarrier.arrive $0xFFFF;
	s2 =	simm.s32 @!p0 $0x1C09  }
0xe3: {  	[timem:s3], [sflag:s2] =	dma.local @!p0 [hbm:s0], s1  }
0xe4: {  	s0 =	simm.s32 @!p0 $0x9  }
0xe5: {  	_ =	swait.ge @!p0 [sflag:s0], s1  }
0xe6: {  	s1 =	ssub.s32 @!p0 $0x0, s1;
	[sflag:s0] =	ssyncset.done @!p0 $0x0  }
0xe7: {  	[sflag:s0] =	ssyncadd.s32 @!p0 s1  }
0xe8: {  	[bflag:$0x3] =	sbarrier.arrive $0xFFFF  }
0xe9: {  	_ =	shalt  }

// kernel: kernel.13.cloned.1.call-start
scs
__scs_entry_jumppad:
0x0: {  	(pc) =	sbr.rel $0x88, $3  }
0x1: {  	(tag) =	ssettag $0x0;
	lr =	simm.s32 $0x1  }
0x2: {  	[smem:$0x3F89] =	sst lr;
	_ =	strace $0xD0000000  }
0x3: {  	_ = 	snop  }
0x4: {  	_ = 	snop  }
0x5: {  	_ = 	snop  }
0x6: {  	_ = 	snop  }
0x7: {  	_ = 	snop  }
__scs_overlays_trampoline_lowered:
0x8: {  	[smem:$0x3F98] =	sst s0  }
0x9: {  	[smem:$0x3F99] =	sst s1  }
0xa: {  	[smem:$0x3F9A] =	sst s2  }
0xb: {  	[smem:$0x3F9B] =	sst s3  }
0xc: {  	[smem:$0x3F9C] =	sst s4  }
0xd: {  	[smem:$0x3F9D] =	sst s5  }
0xe: {  	[smem:$0x3F9E] =	sst s6  }
0xf: {  	[smem:$0x3F9F] =	sst s7  }
0x10: {  	[smem:$0x3FA0] =	sst s8  }
0x11: {  	[smem:$0x3FA1] =	sst s9;
	s0 =	simm.s32 @!p0 $0x0  }
0x12: {  	s1 =	sld [smem:$0x3F87];
	s0 =	simm.s32 @p0 $0x1  }
0x13: {  	[smem:$0x3FA2] =	sst s0;
	s0 =	simm.s32 @!p1 $0x0  }
0x14: {  	s2 =	sld [smem:$0x3F86];
	s0 =	simm.s32 @p1 $0x1  }
0x15: {  	[smem:$0x3FA3] =	sst s0;
	s0 =	simm.s32 @!p2 $0x0  }
0x16: {  	s3 =	sld [smem:$0x3FDB];
	s0 =	simm.s32 @p2 $0x1  }
0x17: {  	s4 =	simm.s32 $0x1BF5;
	[smem:$0x3FA5] =	sst s0  }
0x18: {  	s0 =	sld [smem:$0x3F88];
	_ =	swait.ge [sflag:s4], $0x0  }
0x19: {  	s7 =	sld [smem:$0x3F89]  }
0x1a: {  	s8 =	sadd.s32 $0xFFFFE003, lr  }
0x1b: {  	s9 =	sadd.s32 $0xFFFFFEF7, lr;
	s5 =	simm.s32 $0xFFFFFFFF;
	p2 =	slt.u32 s8, $0xFFFFF086  }
0x1c: {  	p1 =	slt.u32 s9, $0xF7A;
	s5 =	simm.s32 @!p2 $0x0  }
0x1d: {  	s5 =	simm.s32 @p1 $0x1;
	p0 =	seq.s32 s7, s2  }
0x1e: {  	s7 =	smul.u32 @!p0 $0xF7A, s2;
	p2 =	seq.s32 @!p0 s5, $0x0  }
0x1f: {  	s9 =	smul.u32 $0xF7A, s1;
	s8 =	simm.s32 @!p0 $0x1BF5;
	p2 =	por !p2, p0  }
0x20: {  	[sflag:s8] =	ssyncset.s32 @!p0 $0xFFFFF086;
	s6 =	sadd.s32 @!p0 s3, s7;
	s7 =	simm.s32 @!p0 $0x108  }
0x21: {  	s3 =	sadd.s32 s3, s9;
	s6 =	sadd.s32 @!p0 $0x88, s6;
	s7 =	simm.s32 @p2 $0x1082  }
0x22: {  	[simem:s7], [sflag:s8] =	dma.local @!p0 [hbm:s6], $0xF7A  }
0x23: {  	s9 =	sor.u32 $0xD0000000, s2;
	s6 =	simm.s32 $0x108;
	_ =	swait.ge @!p0 [sflag:s8], $0x0  }
0x24: {  	s3 =	sadd.s32 $0x88, s3;
	s6 =	simm.s32 @!p1 $0x1082;
	[sflag:s4] =	ssyncset.s32 $0xFFFFF086  }
0x25: {  	[simem:s6], [sflag:s4] =	dma.local [hbm:s3], $0xF7A  }
0x26: {  	[smem:$0x3F89] =	sst s1;
	(tag) =	ssettag s2;
	_ =	strace s9  }
0x27: {  	s1 =	sld [smem:$0x3F99]  }
0x28: {  	s2 =	sld [smem:$0x3F9A]  }
0x29: {  	s4 =	sld [smem:$0x3F9C]  }
0x2a: {  	p0 =	seq.s32 s5, $0x0;
	s5 =	sld [smem:$0x3F9D]  }
0x2b: {  	s6 =	sld [smem:$0x3F9E]  }
0x2c: {  	s7 =	sld [smem:$0x3F9F]  }
0x2d: {  	s3 =	simm.s32 $0x108;
	s8 =	sld [smem:$0x3FA0]  }
0x2e: {  	s3 =	simm.s32 @!p0 $0x1082;
	s9 =	sld [smem:$0x3FA1]  }
0x2f: {  	lr =	sadd.s32 s0, s3;
	s0 =	sld [smem:$0x3F98]  }
0x30: {  	s3 =	sld [smem:$0x3F9B]  }
0x31: {  	[smem:$0x3FA4] =	sst s10  }
0x32: {  	s10 =	sld [smem:$0x3FA2];
	_ =	sdelay $0x3  }
0x33: {  	p0 =	seq.s32 s10, $0x1;
	s10 =	sld [smem:$0x3FA4];
	_ =	sdelay $0x3  }
0x34: {  	[smem:$0x3FA4] =	sst s10  }
0x35: {  	s10 =	sld [smem:$0x3FA3];
	_ =	sdelay $0x3  }
0x36: {  	p1 =	seq.s32 s10, $0x1;
	s10 =	sld [smem:$0x3FA4];
	_ =	sdelay $0x3  }
0x37: {  	[smem:$0x3FA4] =	sst s10  }
0x38: {  	s10 =	sld [smem:$0x3FA5]  }
0x39: {  	_ = 	snop;
	(pc) =	sbr.ind lr, $3  }
0x3a: {  	_ = 	snop  }
0x3b: {  	_ = 	snop  }
0x3c: {  	p2 =	seq.s32 s10, $0x1;
	s10 =	sld [smem:$0x3FA4]  }
0x3d: {  	_ =	shalt  }
0x3e: {  	_ =	shalt  }
0x3f: {  	_ =	shalt  }
0x40: {  	_ =	shalt  }
0x41: {  	_ =	shalt  }
0x42: {  	_ =	shalt  }
0x43: {  	_ =	shalt  }
0x44: {  	_ =	shalt  }
0x45: {  	_ =	shalt  }
0x46: {  	_ =	shalt  }
0x47: {  	_ =	shalt  }
0x48: {  	_ =	shalt  }
0x49: {  	_ =	shalt  }
0x4a: {  	_ =	shalt  }
0x4b: {  	_ =	shalt  }
0x4c: {  	_ =	shalt  }
0x4d: {  	_ =	shalt  }
0x4e: {  	_ =	shalt  }
0x4f: {  	_ =	shalt  }
0x50: {  	_ =	shalt  }
0x51: {  	_ =	shalt  }
0x52: {  	_ =	shalt  }
0x53: {  	_ =	shalt  }
0x54: {  	_ =	shalt  }
0x55: {  	_ =	shalt  }
0x56: {  	_ =	shalt  }
0x57: {  	_ =	shalt  }
0x58: {  	_ =	shalt  }
0x59: {  	_ =	shalt  }
0x5a: {  	_ =	shalt  }
0x5b: {  	_ =	shalt  }
0x5c: {  	_ =	shalt  }
0x5d: {  	_ =	shalt  }
0x5e: {  	_ =	shalt  }
0x5f: {  	_ =	shalt  }
0x60: {  	_ =	shalt  }
0x61: {  	_ =	shalt  }
0x62: {  	_ =	shalt  }
0x63: {  	_ =	shalt  }
0x64: {  	_ =	shalt  }
0x65: {  	_ =	shalt  }
0x66: {  	_ =	shalt  }
0x67: {  	_ =	shalt  }
0x68: {  	_ =	shalt  }
0x69: {  	_ =	shalt  }
0x6a: {  	_ =	shalt  }
0x6b: {  	_ =	shalt  }
0x6c: {  	_ =	shalt  }
0x6d: {  	_ =	shalt  }
0x6e: {  	_ =	shalt  }
0x6f: {  	_ =	shalt  }
0x70: {  	_ =	shalt  }
0x71: {  	_ =	shalt  }
0x72: {  	_ =	shalt  }
0x73: {  	_ =	shalt  }
0x74: {  	_ =	shalt  }
0x75: {  	_ =	shalt  }
0x76: {  	_ =	shalt  }
0x77: {  	_ =	shalt  }
0x78: {  	_ =	shalt  }
0x79: {  	_ =	shalt  }
0x7a: {  	_ =	shalt  }
0x7b: {  	_ =	shalt  }
0x7c: {  	_ =	shalt  }
0x7d: {  	_ =	shalt  }
0x7e: {  	_ =	shalt  }
0x7f: {  	_ =	shalt  }
0x80: {  	_ =	shalt  }
0x81: {  	_ =	shalt  }
0x82: {  	_ =	shalt  }
0x83: {  	_ =	shalt  }
0x84: {  	_ =	shalt  }
0x85: {  	_ =	shalt  }
0x86: {  	_ =	shalt  }
0x87: {  	_ =	shalt  }
.Lfunc_end0:
.L_simem_size_0:
called_computation.1_lowered:
.L_overlay_start_0:
0x88: {  	s2 =	sld [smem:$0x3FD9]  }
0x89: {  	s3 =	sld [smem:$0x3FFE];
	_ =	sdelay $0x1  }
0x8a: {  	s1 =	srdreg.scid  }
0x8b: {  	s0 =	sand.u32 $0x1, s1  }
0x8c: {  	s16 =	sshll.u32 s0, $0xA;
	s2 =	sadd.s32 s3, s2  }
0x8d: {  	s2 =	sadd.s32 s2, s16  }
0x8e: {  	[smem:$0x3FB0] =	sst s2  }
0x8f: {  	_ = 	snop  }
0x90: {  	(tm) =	ssettm $0x1  }
0x91: {  	s17 =	sld [smem:$0x3FFB];
	_ =	sdelay $0x3  }
0x92: {  	_ =	strace s17  }
0x93: {  	s2 =	sld [smem:$0x3FFC];
	_ =	sdelay $0x3  }
0x94: {  	_ =	strace s2  }
0x95: {  	s2 =	sld [smem:$0x3FFD];
	_ =	sdelay $0x3  }
0x96: {  	_ =	strace s2  }
0x97: {  	_ =	strace $0x8FFFFFFF  }
0x98: {  	s18 =	sld [smem:$0x3FDB];
	_ =	sdelay $0x1  }
0x99: {  	s19 =	simm.s32 $_scs_section_size  }
0x9a: {  	s4 =	simm.s32 $_size__tile_overlayer_lowered;
	s5 =	simm.s32 $_tile_overlayer_lowered  }
0x9b: {  	s22 =	simm.s32 $0x1BFF;
	s21 =	sshll.u32 s5, $0x1;
	s2 =	sadd.s32 s19, s18  }
0x9c: {  	s6 =	simm.s32 $0x0;
	s20 =	sshll.u32 s4, $0x1;
	s4 =	sadd.s32 s21, s2  }
0x9d: {  	[timem:s6], [sflag:s22] =	dma.local [hbm:s4], s20  }
0x9e: {  	_ =	swait.ge [sflag:s22], s20  }
0x9f: {  	s3 =	ssub.s32 $0x0, s20;
	[sflag:s22] =	ssyncset.done $0x0  }
0xa0: {  	[sflag:s22] =	ssyncadd.s32 s3;
	_ =	sdelay $0x1  }
0xa1: {  	s23 =	simm.s32 $0x1B8B  }
0xa2: {  	_ =	swait.ge [sflag:s23], $0x1  }
0xa3: {  	[sflag:s23] =	ssyncset.done $0x0  }
0xa4: {  	s25 =	simm.s32 $0x1B8E;
	s24 =	sld [smem:$0x3FFE];
	[sflag:s23] =	ssyncadd.s32 $0xFFFFFFFF  }
0xa5: {  	s26 =	simm.s32 $execute0_lowered;
	[smem:$0x3FD2] =	sst s25  }
0xa6: {  	s4 =	sshll.u32 s26, $0x1;
	_ =	strace $0x80000046;
	[dreg:$0x1] =	wrdreg $0xFFFFFFFF  }
0xa7: {  	s28 =	simm.s32 $_size_execute0_lowered;
	s2 =	sadd.s32 s2, s4;
	[dreg:$0x0] =	wrdreg $0x0  }
0xa8: {  	s4 =	sshll.u32 s28, $0x1;
	[dreg:$0x2] =	wrdreg s2  }
0xa9: {  	[dreg:$0x3] =	wrdreg s4  }
0xaa: {  	[dreg:$0x4] =	wrdreg $0xC0  }
0xab: {  	_ =	task [dreg:s6], $0x5FFFF  }
0xac: {  	[dreg:$0x1] =	wrdreg $0xFFFFFFFF  }
0xad: {  	[dreg:$0x0] =	wrdreg $0x60  }
0xae: {  	[dreg:$0x2] =	wrdreg s24  }
0xaf: {  	[dreg:$0x3] =	wrdreg $0x0  }
0xb0: {  	[dreg:$0x4] =	wrdreg $0xA  }
0xb1: {  	_ =	task.clear_ibuf [dreg:s6], $0x5FFFF;
	_ =	strace $0x90000046  }
0xb2: {  	s29 =	simm.s32 $0xA;
	_ =	strace $0x80000048  }
0xb3: {  	_ =	swait.ge [sflag:s29], $0x1  }
0xb4: {  	[sflag:s29] =	ssyncadd.s32 $0xFFFFFFFF  }
0xb5: {  	_ =	strace $0x90000048  }
0xb6: {  	_ =	sfence  }
0xb7: {  	s30 =	sld [smem:$0x0];
	_ =	sdelay $0x2  }
0xb8: {  	s31 =	sshll.u32 s1, $0xD;
	s1 =	sshrl.u32 s1, $0x2  }
0xb9: {  	s3 =	sand.u32 $0x4000, s31;
	s1 =	sadd.s32 s1, s30  }
0xba: {  	s0 =	sor.u32 s3, s0;
	s1 =	sshll.u32 s1, $0x11  }
0xbb: {  	s0 =	sor.u32 s1, s0  }
0xbc: {  	s0 =	sadd.s32 $0x8F2B, s0  }
0xbd: {  	[sflag:s0] =	ssyncadd.remote.s32 $0x1  }
0xbe: {  	_ =	sfence.sel $0xFFFF  }
0xbf: {  	[dreg:$0x0] =	wrdreg $0xFFFFFFFF;
	(pc) =	sbr.abs _section_cstart, $3  }
0xc0: {  	[dreg:$0x1] =	wrdreg $0xFFFFFFFF  }
0xc1: {  	_ =	task.clear_ibuf [dreg:s6], $0x2FFFF;
	_ =	strace $0x9FFFFFFF  }
0xc2: {  	(tm) =	ssettm $0x7FFFFFFF  }
0xc3: {  	_ =	shalt  }
tec
execute0_lowered:
.L_overlay_start_1:
0x0: {  	(tag) =	ssettag $0x1  }
0x1: {  	s0 =	rddreg [dreg:$0x0]  }
0x2: {  	s1 =	rddreg [dreg:$0x1];
	s2 =	simm.s32 $0x0  }
0x3: {  	s3 =	srdreg.scid;
	s12 =	stileid.u32;
	s29 =	simm.s32 $0x5  }
0x4: {  	s31 =	simm.s32 $0x5;
	s30 =	simm.s32 $0x17480;
	[smem:$0x7FF] =	sst s2  }
0x5: {  	s4 =	sadd.s32 $0x19C00, s0;
	s15 =	sadd.s32 $0xFE00, s0;
	s3 =	sand.u32 $0x1, s3  }
0x6: {  	s19 =	sadd.s32 $0x6000, s0;
	s6 =	smul.u32 $0x4F000, s12;
	s7 =	sadd.s32 $0x40E00, s0  }
0x7: {  	s0 =	sadd.s32 $0x43600, s0;
	s13 =	sadd.s32 $0x128400, s1;
	s20 =	smul.u32 $0x13C00, s12  }
0x8: {  	p0 =	seq.s32 s12, $0xF;
	_ =	strace $0x80000047;
	s5 =	sshll.u32 s3, $0x4  }
0x9: {  	[dreg:$0xb] =	wrdreg s7;
	s11 =	ssub.s32 $0x2, s3;
	s17 =	smul.u32 $0x138800, s3  }
0xa: {  	[dreg:$0xd] =	wrdreg s13;
	s3 =	smul.u32 $0x27100, s3;
	s5 =	sor.u32 s12, s5  }
0xb: {  	s8 =	sshrl.u32 s11, $0x1;
	s6 =	sshrl.u32 s6, $0x2;
	s5 =	smul.u32 $0x2710, s5  }
0xc: {  	s7 =	ssub.s32 s11, s8;
	s6 =	sadd.s32 s6, s1;
	s11 =	smul.u32 $0x2710, s12  }
0xd: {  	s23 =	sadd.s32 s20, s17;
	s25 =	sshrl.u32 s17, $0x3;
	[dreg:$0xc] =	wrdreg s6  }
0xe: {  	s14 =	sshrl.u32 s5, $0x3;
	s16 =	sadd.s32 $0x28, s5;
	s5 =	sadd.s32 $0x78, s5  }
0xf: {  	s3 =	sadd.s32 s11, s3;
	s9 =	sadd.s32 s15, s14;
	s8 =	sshrl.u32 s16, $0x3  }
0x10: {  	s10 =	sadd.s32 s19, s14;
	s21 =	sadd.s32 $0xA, s14;
	[dreg:$0xe] =	wrdreg s9  }
0x11: {  	s5 =	sshrl.u32 s5, $0x3;
	[dreg:$0xf] =	wrdreg s10;
	s18 =	sadd.s32 s15, s8  }
0x12: {  	s6 =	sadd.s32 $0x14, s14;
	s8 =	sadd.s32 s19, s8;
	[dreg:$0x10] =	wrdreg s18  }
0x13: {  	s24 =	sadd.s32 $0x168, s3;
	s13 =	sadd.s32 s15, s21;
	[dreg:$0x11] =	wrdreg s8  }
0x14: {  	s28 =	sadd.s32 $0x140, s3;
	s22 =	sadd.s32 s15, s5;
	[dreg:$0x12] =	wrdreg s13  }
0x15: {  	s14 =	sadd.s32 $0x118, s3;
	s5 =	sadd.s32 s19, s5;
	[dreg:$0x14] =	wrdreg s22  }
0x16: {  	s11 =	sshrl.u32 s28, $0x3;
	s28 =	sadd.s32 $0xC8, s3;
	[dreg:$0x15] =	wrdreg s5  }
0x17: {  	s20 =	sadd.s32 $0xF0, s3;
	s8 =	sadd.s32 s19, s21;
	[dreg:$0x1b] =	wrdreg s28  }
0x18: {  	s17 =	sshrl.u32 s14, $0x3;
	s13 =	sadd.s32 s11, s19;
	[dreg:$0x13] =	wrdreg s8  }
0x19: {  	s9 =	simm.s32 $0x19C80;
	s16 =	sadd.s32 s11, s15;
	[dreg:$0x5] =	wrdreg s13  }
0x1a: {  	s14 =	simm.s32 $0x19D00;
	s18 =	sadd.s32 s17, s19;
	[dreg:$0x6] =	wrdreg s16  }
0x1b: {  	s5 =	sshrl.u32 s23, $0x3;
	s23 =	sadd.s32 s15, s6;
	[dreg:$0x7] =	wrdreg s18  }
0x1c: {  	s21 =	sadd.s32 s17, s15;
	s22 =	sshrl.u32 s20, $0x3;
	[dreg:$0x17] =	wrdreg s23  }
0x1d: {  	s6 =	sadd.s32 s19, s6;
	s5 =	sadd.s32 s0, s5;
	[dreg:$0x8] =	wrdreg s21  }
0x1e: {  	s8 =	sshrl.u32 s24, $0x3;
	s0 =	sadd.s32 s0, s25;
	[dreg:$0x18] =	wrdreg s6  }
0x1f: {  	s24 =	sadd.s32 s22, s19;
	s25 =	sadd.s32 s22, s15;
	[dreg:$0x16] =	wrdreg s5  }
0x20: {  	s18 =	simm.s32 $0x19D80;
	s21 =	simm.s32 $0x19E00;
	[dreg:$0x9] =	wrdreg s24  }
0x21: {  	s22 =	simm.s32 $0x2;
	s26 =	sadd.s32 s8, s19;
	[dreg:$0xa] =	wrdreg s25  }
0x22: {  	s10 =	sadd.s32 s8, s15;
	s0 =	sadd.s32 $0x25080, s0;
	[dreg:$0x3] =	wrdreg s26  }
0x23: {  	s5 =	simm.s32 $0x1;
	s24 =	simm.s32 $0x3;
	[dreg:$0x4] =	wrdreg s10  }
0x24: {  	[dreg:$0x19] =	wrdreg s0;
	s26 =	smax.u32 s7, $0x1;
	s10 =	simm.s32 $0x28  }
0x25: {  	s0 =	simm.s32 $0x0;
	[dreg:$0x1a] =	wrdreg s26;
	s26 =	simm.s32 $0x4  }
.LBB2_1:
0x26: {  	[dreg:$0x1c] =	wrdreg s0  }
0x27: {  	s3 =	rddreg [dreg:$0xd]  }
0x28: {  	s11 =	rddreg [dreg:$0xb];
	s0 =	sshrl.u32 @p0 s3, $0x3  }
0x29: {  	s3 =	simm.s32 @p0 $0x1FD5;
	[dreg:$0x1d] =	wrdreg s0  }
0x2a: {  	[spmem:s0], [sflag:s3] =	dma.local @p0 [hbm:s11], $0x2080  }
0x2b: {  	s3 =	simm.s32 @p0 $0x15  }
0x2c: {  	s8 =	stileid.u32;
	_ =	swait.ge @p0 [sflag:s3], $0x2080  }
0x2d: {  	s8 =	sshll.u32 @!p0 s8, $0x6;
	[sflag:s3] =	ssyncset.done @p0 $0x0  }
0x2e: {  	s0 =	sor.u32 @!p0 $0x1C15, s8;
	[sflag:s3] =	ssyncadd.s32 @p0 $0xFFFFDF80;
	s3 =	rddreg [dreg:$0xc]  }
0x2f: {  	[dreg:$0x1e] =	wrdreg s0;
	s3 =	sshrl.u32 @!p0 s3, $0x3  }
0x30: {  	[dreg:$0x1f] =	wrdreg s3  }
0x31: {  	[spmem:s3], [sflag:s0] =	dma.local @!p0 [hbm:s11], $0x2780  }
0x32: {  	s3 =	simm.s32 @!p0 $0x15  }
0x33: {  	_ =	swait.ge @!p0 [sflag:s3], $0x2780  }
0x34: {  	[sflag:s3] =	ssyncset.done @!p0 $0x0  }
0x35: {  	[sflag:s3] =	ssyncadd.s32 @!p0 $0xFFFFD880  }
0x36: {  	[bflag:$0x0] =	sbarrier.arrive $0xFFFF  }
0x37: {  	s12 =	rddreg [dreg:$0xe]  }
0x38: {  	[tilespmem:s9], [sflag:$0x1] =	stream.linear.gather [hbm4b:s12+s2], $0x28, $0x38;
	[tilespmem:$0x1A180] =	vst v63  }
0x39: {  	s13 =	rddreg [dreg:$0xf];
	s12 =	simm.s32 $0x19F00  }
0x3a: {  	[tilespmem:s12], [sflag:$0x6] =	stream.linear.gather [hbm4b:s13+s2], $0x28, $0x38;
	[tilespmem:$0x1A180] =	vst v63  }
0x3b: {  	s16 =	rddreg [dreg:$0x10]  }
0x3c: {  	[tilespmem:s14], [sflag:$0x2] =	stream.linear.gather [hbm4b:s16+s2], $0x28, $0x38;
	[tilespmem:$0x1A180] =	vst v63  }
0x3d: {  	s17 =	rddreg [dreg:$0x11];
	s13 =	simm.s32 $0x19F80  }
0x3e: {  	[tilespmem:s13], [sflag:$0x7] =	stream.linear.gather [hbm4b:s17+s2], $0x28, $0x38;
	[tilespmem:$0x1A180] =	vst v63  }
0x3f: {  	s20 =	rddreg [dreg:$0x12]  }
0x40: {  	[tilespmem:s18], [sflag:$0x3] =	stream.linear.gather [hbm4b:s20+s2], $0x28, $0x38;
	[tilespmem:$0x1A180] =	vst v63  }
0x41: {  	s23 =	rddreg [dreg:$0x13];
	s16 =	simm.s32 $0x1A000  }
0x42: {  	[tilespmem:s16], [sflag:$0x8] =	stream.linear.gather [hbm4b:s23+s2], $0x28, $0x38;
	[tilespmem:$0x1A180] =	vst v63  }
0x43: {  	s25 =	rddreg [dreg:$0x14]  }
0x44: {  	[tilespmem:s21], [sflag:$0x4] =	stream.linear.gather [hbm4b:s25+s2], $0x28, $0x38;
	[tilespmem:$0x1A180] =	vst v63  }
0x45: {  	s28 =	rddreg [dreg:$0x15];
	s17 =	simm.s32 $0x1A080  }
0x46: {  	[tilespmem:s17], [sflag:$0x9] =	stream.linear.gather [hbm4b:s28+s2], $0x28, $0x38;
	[tilespmem:$0x1A180] =	vst v63  }
0x47: {  	s7 =	simm.s32 $0x19E80;
	s0 =	rddreg [dreg:$0x17]  }
0x48: {  	[tilespmem:s7], [sflag:$0x5] =	stream.linear.gather [hbm4b:s0+s2], $0x28, $0x38;
	[tilespmem:$0x1A180] =	vst v63  }
0x49: {  	s6 =	rddreg [dreg:$0x18];
	s20 =	simm.s32 $0x1A100  }
0x4a: {  	[tilespmem:s20], [sflag:$0xA] =	stream.linear.gather [hbm4b:s6+s2], $0x28, $0x38;
	[tilespmem:$0x1A180] =	vst v63  }
0x4b: {  	_ =	swait.ge [sflag:s5], $0x28  }
0x4c: {  	[sflag:s5] =	ssyncset.done $0x0  }
0x4d: {  	s6 =	simm.s32 $0x13880;
	[sflag:s5] =	ssyncadd.s32 $0xFFFFFFD8  }
0x4e: {  	[tilespmem:s6], [sflag:$0xB] =	stream.indirect.gather [hbm4b:s4+s10], $0x80, s9, s10, $0xb8;
	[tilespmem:$0x1A180] =	vst v63  }
0x4f: {  	_ =	swait.ge [sflag:s22], $0x28  }
0x50: {  	[sflag:s22] =	ssyncset.done $0x0  }
0x51: {  	s23 =	simm.s32 $0x14C80;
	[sflag:s22] =	ssyncadd.s32 $0xFFFFFFD8  }
0x52: {  	[tilespmem:s23], [sflag:$0xC] =	stream.indirect.gather [hbm4b:s4+s10], $0x80, s14, s10, $0xb8;
	[tilespmem:$0x1A180] =	vst v63  }
0x53: {  	_ =	swait.ge [sflag:s24], $0x28  }
0x54: {  	[sflag:s24] =	ssyncset.done $0x0  }
0x55: {  	s25 =	simm.s32 $0x16080;
	[sflag:s24] =	ssyncadd.s32 $0xFFFFFFD8  }
0x56: {  	[tilespmem:s25], [sflag:$0xD] =	stream.indirect.gather [hbm4b:s4+s10], $0x80, s18, s10, $0xb8;
	[tilespmem:$0x1A180] =	vst v63  }
0x57: {  	_ =	swait.ge [sflag:s26], $0x28  }
0x58: {  	[sflag:s26] =	ssyncset.done $0x0  }
0x59: {  	s28 =	simm.s32 $0x17480;
	[sflag:s26] =	ssyncadd.s32 $0xFFFFFFD8  }
0x5a: {  	[tilespmem:s28], [sflag:$0xE] =	stream.indirect.gather [hbm4b:s4+s10], $0x80, s21, s10, $0xb8;
	[tilespmem:$0x1A180] =	vst v63  }
0x5b: {  	_ =	swait.ge [sflag:s29], $0x28  }
0x5c: {  	[sflag:s29] =	ssyncset.done $0x0  }
0x5d: {  	s8 =	simm.s32 $0xB;
	s0 =	simm.s32 $0x18880;
	[sflag:s29] =	ssyncadd.s32 $0xFFFFFFD8  }
0x5e: {  	[tilespmem:s0], [sflag:$0xF] =	stream.indirect.gather [hbm4b:s4+s10], $0x80, s7, s10, $0xb8;
	[tilespmem:$0x1A180] =	vst v63  }
0x5f: {  	_ =	swait.ge [sflag:s8], $0x1400  }
0x60: {  	[sflag:s8] =	ssyncset.done $0x0  }
0x61: {  	s11 =	simm.s32 $0x6;
	[sflag:s8] =	ssyncadd.s32 $0xFFFFEC00  }
0x62: {  	_ =	swait.ge [sflag:s11], $0x28  }
0x63: {  	[sflag:s11] =	ssyncset.done $0x0  }
0x64: {  	[sflag:s11] =	ssyncadd.s32 $0xFFFFFFD8;
	s11 =	rddreg [dreg:$0x1b]  }
0x65: {  	s3 =	sshrl.u32 s11, $0x3  }
0x66: {  	[spmem:s1] =	stream.indirect.scatter.add.f32 [tilespmem:s6], [sflag:$0x10], $0x80, s12, s10, $0xb8;
	[tilespmem:$0x1A180] =	vst v63  }
0x67: {  	s8 =	sadd.s32 s15, s3  }
0x68: {  	[tilespmem:s9], [sflag:$0x1] =	stream.linear.gather [hbm4b:s8+s2], $0x28, $0x38;
	[tilespmem:$0x1A180] =	vst v63  }
0x69: {  	s3 =	sadd.s32 s19, s3  }
0x6a: {  	[tilespmem:s12], [sflag:$0x6] =	stream.linear.gather [hbm4b:s3+s2], $0x28, $0x38;
	[tilespmem:$0x1A180] =	vst v63  }
0x6b: {  	s12 =	simm.s32 $0x10  }
0x6c: {  	_ =	swait.ge [sflag:s12], $0x1400  }
0x6d: {  	[sflag:s12] =	ssyncset.done $0x0  }
0x6e: {  	[sflag:s12] =	ssyncadd.s32 $0xFFFFEC00  }
0x6f: {  	_ =	swait.ge [sflag:s5], $0x28  }
0x70: {  	[sflag:s5] =	ssyncset.done $0x0  }
0x71: {  	s8 =	simm.s32 $0xC;
	[sflag:s5] =	ssyncadd.s32 $0xFFFFFFD8  }
0x72: {  	[tilespmem:s6], [sflag:$0xB] =	stream.indirect.gather [hbm4b:s4+s10], $0x80, s9, s10, $0xb8;
	[tilespmem:$0x1A180] =	vst v63  }
0x73: {  	_ =	swait.ge [sflag:s8], $0x1400  }
0x74: {  	[sflag:s8] =	ssyncset.done $0x0  }
0x75: {  	s9 =	simm.s32 $0x7;
	[sflag:s8] =	ssyncadd.s32 $0xFFFFEC00  }
0x76: {  	_ =	swait.ge [sflag:s9], $0x28  }
0x77: {  	[sflag:s9] =	ssyncset.done $0x0  }
0x78: {  	s12 =	rddreg [dreg:$0xa];
	[sflag:s9] =	ssyncadd.s32 $0xFFFFFFD8  }
0x79: {  	[spmem:s1] =	stream.indirect.scatter.add.f32 [tilespmem:s23], [sflag:$0x11], $0x80, s13, s10, $0xb8;
	[tilespmem:$0x1A180] =	vst v63  }
0x7a: {  	s6 =	rddreg [dreg:$0x9];
	s3 =	sadd.s32 $0x0, s12  }
0x7b: {  	[tilespmem:s14], [sflag:$0x2] =	stream.linear.gather [hbm4b:s3+s2], $0x28, $0x38;
	[tilespmem:$0x1A180] =	vst v63  }
0x7c: {  	s9 =	sadd.s32 $0x0, s6;
	s12 =	simm.s32 $0x11  }
0x7d: {  	[tilespmem:s13], [sflag:$0x7] =	stream.linear.gather [hbm4b:s9+s2], $0x28, $0x38;
	[tilespmem:$0x1A180] =	vst v63  }
0x7e: {  	_ =	swait.ge [sflag:s12], $0x1400  }
0x7f: {  	[sflag:s12] =	ssyncset.done $0x0  }
0x80: {  	[sflag:s12] =	ssyncadd.s32 $0xFFFFEC00  }
0x81: {  	_ =	swait.ge [sflag:s22], $0x28  }
0x82: {  	[sflag:s22] =	ssyncset.done $0x0  }
0x83: {  	s13 =	simm.s32 $0xD;
	[sflag:s22] =	ssyncadd.s32 $0xFFFFFFD8  }
0x84: {  	[tilespmem:s23], [sflag:$0xC] =	stream.indirect.gather [hbm4b:s4+s10], $0x80, s14, s10, $0xb8;
	[tilespmem:$0x1A180] =	vst v63  }
0x85: {  	_ =	swait.ge [sflag:s13], $0x1400  }
0x86: {  	[sflag:s13] =	ssyncset.done $0x0  }
0x87: {  	s14 =	simm.s32 $0x8;
	[sflag:s13] =	ssyncadd.s32 $0xFFFFEC00  }
0x88: {  	_ =	swait.ge [sflag:s14], $0x28  }
0x89: {  	[sflag:s14] =	ssyncset.done $0x0  }
0x8a: {  	s22 =	rddreg [dreg:$0x8];
	[sflag:s14] =	ssyncadd.s32 $0xFFFFFFD8  }
0x8b: {  	[spmem:s1] =	stream.indirect.scatter.add.f32 [tilespmem:s25], [sflag:$0x12], $0x80, s16, s10, $0xb8;
	[tilespmem:$0x1A180] =	vst v63  }
0x8c: {  	s23 =	rddreg [dreg:$0x7];
	s3 =	sadd.s32 $0x0, s22  }
0x8d: {  	[tilespmem:s18], [sflag:$0x3] =	stream.linear.gather [hbm4b:s3+s2], $0x28, $0x38;
	[tilespmem:$0x1A180] =	vst v63  }
0x8e: {  	s8 =	simm.s32 $0x12;
	s6 =	sadd.s32 $0x0, s23  }
0x8f: {  	[tilespmem:s16], [sflag:$0x8] =	stream.linear.gather [hbm4b:s6+s2], $0x28, $0x38;
	[tilespmem:$0x1A180] =	vst v63  }
0x90: {  	_ =	swait.ge [sflag:s8], $0x1400  }
0x91: {  	[sflag:s8] =	ssyncset.done $0x0  }
0x92: {  	[sflag:s8] =	ssyncadd.s32 $0xFFFFEC00  }
0x93: {  	_ =	swait.ge [sflag:s24], $0x28  }
0x94: {  	[sflag:s24] =	ssyncset.done $0x0  }
0x95: {  	s9 =	simm.s32 $0xE;
	[sflag:s24] =	ssyncadd.s32 $0xFFFFFFD8  }
0x96: {  	[tilespmem:s25], [sflag:$0xD] =	stream.indirect.gather [hbm4b:s4+s10], $0x80, s18, s10, $0xb8;
	[tilespmem:$0x1A180] =	vst v63  }
0x97: {  	_ =	swait.ge [sflag:s9], $0x1400  }
0x98: {  	[sflag:s9] =	ssyncset.done $0x0  }
0x99: {  	s12 =	simm.s32 $0x9;
	[sflag:s9] =	ssyncadd.s32 $0xFFFFEC00  }
0x9a: {  	_ =	swait.ge [sflag:s12], $0x28  }
0x9b: {  	[sflag:s12] =	ssyncset.done $0x0  }
0x9c: {  	s13 =	rddreg [dreg:$0x6];
	[sflag:s12] =	ssyncadd.s32 $0xFFFFFFD8  }
0x9d: {  	[spmem:s1] =	stream.indirect.scatter.add.f32 [tilespmem:s28], [sflag:$0x13], $0x80, s17, s10, $0xb8;
	[tilespmem:$0x1A180] =	vst v63  }
0x9e: {  	s14 =	rddreg [dreg:$0x5];
	s3 =	sadd.s32 $0x0, s13  }
0x9f: {  	[tilespmem:s21], [sflag:$0x4] =	stream.linear.gather [hbm4b:s3+s2], $0x28, $0x38;
	[tilespmem:$0x1A180] =	vst v63  }
0xa0: {  	s18 =	simm.s32 $0x13;
	s16 =	sadd.s32 $0x0, s14  }
0xa1: {  	[tilespmem:s17], [sflag:$0x9] =	stream.linear.gather [hbm4b:s16+s2], $0x28, $0x38;
	[tilespmem:$0x1A180] =	vst v63  }
0xa2: {  	_ =	swait.ge [sflag:s18], $0x1400  }
0xa3: {  	[sflag:s18] =	ssyncset.done $0x0  }
0xa4: {  	[sflag:s18] =	ssyncadd.s32 $0xFFFFEC00  }
0xa5: {  	_ =	swait.ge [sflag:s26], $0x28  }
0xa6: {  	[sflag:s26] =	ssyncset.done $0x0  }
0xa7: {  	s22 =	simm.s32 $0xF;
	[sflag:s26] =	ssyncadd.s32 $0xFFFFFFD8  }
0xa8: {  	[tilespmem:s28], [sflag:$0xE] =	stream.indirect.gather [hbm4b:s4+s10], $0x80, s21, s10, $0xb8;
	[tilespmem:$0x1A180] =	vst v63  }
0xa9: {  	_ =	swait.ge [sflag:s22], $0x1400  }
0xaa: {  	[sflag:s22] =	ssyncset.done $0x0  }
0xab: {  	s23 =	simm.s32 $0xA;
	[sflag:s22] =	ssyncadd.s32 $0xFFFFEC00  }
0xac: {  	_ =	swait.ge [sflag:s23], $0x28  }
0xad: {  	[sflag:s23] =	ssyncset.done $0x0  }
0xae: {  	s24 =	rddreg [dreg:$0x4];
	[sflag:s23] =	ssyncadd.s32 $0xFFFFFFD8  }
0xaf: {  	[spmem:s1] =	stream.indirect.scatter.add.f32 [tilespmem:s0], [sflag:$0x14], $0x80, s20, s10, $0xb8;
	[tilespmem:$0x1A180] =	vst v63  }
0xb0: {  	s25 =	rddreg [dreg:$0x3];
	s3 =	sadd.s32 $0x0, s24  }
0xb1: {  	[tilespmem:s7], [sflag:$0x5] =	stream.linear.gather [hbm4b:s3+s2], $0x28, $0x38;
	[tilespmem:$0x1A180] =	vst v63  }
0xb2: {  	s28 =	simm.s32 $0x14;
	s26 =	sadd.s32 $0x0, s25  }
0xb3: {  	[tilespmem:s20], [sflag:$0xA] =	stream.linear.gather [hbm4b:s26+s2], $0x28, $0x38;
	[tilespmem:$0x1A180] =	vst v63  }
0xb4: {  	_ =	swait.ge [sflag:s28], $0x1400  }
0xb5: {  	[sflag:s28] =	ssyncset.done $0x0  }
0xb6: {  	[sflag:s28] =	ssyncadd.s32 $0xFFFFEC00  }
0xb7: {  	s8 =	sadd.s32 $0xC8, s11;
	s9 =	simm.s32 $0x19C80;
	_ =	swait.ge [sflag:s29], $0x28  }
0xb8: {  	s24 =	simm.s32 $0x2;
	s3 =	simm.s32 $0x19;
	[sflag:s29] =	ssyncset.done $0x0  }
0xb9: {  	s26 =	simm.s32 $0x3;
	[sflag:s29] =	ssyncadd.s32 $0xFFFFFFD8;
	s29 =	simm.s32 $0x4  }
.LBB2_2:
0xba: {  	s23 =	simm.s32 $0x19E80;
	s0 =	simm.s32 $0x18880;
	s6 =	simm.s32 $0xB  }
0xbb: {  	[tilespmem:s0], [sflag:$0xF] =	stream.indirect.gather [hbm4b:s4+s10], $0x80, s23, s10, $0xb8;
	[tilespmem:$0x1A180] =	vst v63  }
0xbc: {  	_ =	swait.ge [sflag:s6], $0x1400  }
0xbd: {  	[sflag:s6] =	ssyncset.done $0x0  }
0xbe: {  	s7 =	simm.s32 $0x6;
	[sflag:s6] =	ssyncadd.s32 $0xFFFFEC00  }
0xbf: {  	_ =	swait.ge [sflag:s7], $0x28  }
0xc0: {  	s13 =	sshrl.u32 s8, $0x3;
	[sflag:s7] =	ssyncset.done $0x0  }
0xc1: {  	s14 =	simm.s32 $0x19F00;
	[sflag:s7] =	ssyncadd.s32 $0xFFFFFFD8;
	s7 =	simm.s32 $0x13880  }
0xc2: {  	[spmem:s1] =	stream.indirect.scatter.add.f32 [tilespmem:s7], [sflag:$0x10], $0x80, s14, s10, $0xb8;
	[tilespmem:$0x1A180] =	vst v63  }
0xc3: {  	s12 =	sadd.s32 s15, s13  }
0xc4: {  	[tilespmem:s9], [sflag:$0x1] =	stream.linear.gather [hbm4b:s12+s2], $0x28, $0x38;
	[tilespmem:$0x1A180] =	vst v63  }
0xc5: {  	s17 =	smov.u32 s15;
	s13 =	sadd.s32 s19, s13;
	s15 =	simm.s32 $0x10  }
0xc6: {  	[tilespmem:s14], [sflag:$0x6] =	stream.linear.gather [hbm4b:s13+s2], $0x28, $0x38;
	[tilespmem:$0x1A180] =	vst v63  }
0xc7: {  	_ =	swait.ge [sflag:s15], $0x1400  }
0xc8: {  	[sflag:s15] =	ssyncset.done $0x0  }
0xc9: {  	[sflag:s15] =	ssyncadd.s32 $0xFFFFEC00  }
0xca: {  	_ =	swait.ge [sflag:s5], $0x28  }
0xcb: {  	[sflag:s5] =	ssyncset.done $0x0  }
0xcc: {  	s16 =	simm.s32 $0xC;
	[sflag:s5] =	ssyncadd.s32 $0xFFFFFFD8  }
0xcd: {  	[tilespmem:s7], [sflag:$0xB] =	stream.indirect.gather [hbm4b:s4+s10], $0x80, s9, s10, $0xb8;
	[tilespmem:$0x1A180] =	vst v63  }
0xce: {  	_ =	swait.ge [sflag:s16], $0x1400  }
0xcf: {  	[sflag:s16] =	ssyncset.done $0x0  }
0xd0: {  	s18 =	simm.s32 $0x7;
	[sflag:s16] =	ssyncadd.s32 $0xFFFFEC00  }
0xd1: {  	_ =	swait.ge [sflag:s18], $0x28  }
0xd2: {  	s11 =	smov.u32 s3;
	s22 =	simm.s32 $0x14C80;
	[sflag:s18] =	ssyncset.done $0x0  }
0xd3: {  	s20 =	rddreg [dreg:$0xa];
	[sflag:s18] =	ssyncadd.s32 $0xFFFFFFD8;
	s18 =	simm.s32 $0x19F80  }
0xd4: {  	[spmem:s1] =	stream.indirect.scatter.add.f32 [tilespmem:s22], [sflag:$0x11], $0x80, s18, s10, $0xb8;
	[tilespmem:$0x1A180] =	vst v63  }
0xd5: {  	s14 =	simm.s32 $0x19D00;
	s21 =	rddreg [dreg:$0x9];
	s13 =	sadd.s32 s11, s20  }
0xd6: {  	[tilespmem:s14], [sflag:$0x2] =	stream.linear.gather [hbm4b:s13+s2], $0x28, $0x38;
	[tilespmem:$0x1A180] =	vst v63  }
0xd7: {  	s15 =	simm.s32 $0x11;
	s7 =	sadd.s32 s11, s21  }
0xd8: {  	[tilespmem:s18], [sflag:$0x7] =	stream.linear.gather [hbm4b:s7+s2], $0x28, $0x38;
	[tilespmem:$0x1A180] =	vst v63  }
0xd9: {  	_ =	swait.ge [sflag:s15], $0x1400  }
0xda: {  	[sflag:s15] =	ssyncset.done $0x0  }
0xdb: {  	[sflag:s15] =	ssyncadd.s32 $0xFFFFEC00  }
0xdc: {  	_ =	swait.ge [sflag:s24], $0x28  }
0xdd: {  	[sflag:s24] =	ssyncset.done $0x0  }
0xde: {  	s20 =	simm.s32 $0xD;
	[sflag:s24] =	ssyncadd.s32 $0xFFFFFFD8  }
0xdf: {  	[tilespmem:s22], [sflag:$0xC] =	stream.indirect.gather [hbm4b:s4+s10], $0x80, s14, s10, $0xb8;
	[tilespmem:$0x1A180] =	vst v63  }
0xe0: {  	_ =	swait.ge [sflag:s20], $0x1400  }
0xe1: {  	[sflag:s20] =	ssyncset.done $0x0  }
0xe2: {  	s21 =	simm.s32 $0x8;
	[sflag:s20] =	ssyncadd.s32 $0xFFFFEC00  }
0xe3: {  	_ =	swait.ge [sflag:s21], $0x28  }
0xe4: {  	s5 =	simm.s32 $0x16080;
	[sflag:s21] =	ssyncset.done $0x0  }
0xe5: {  	s22 =	rddreg [dreg:$0x8];
	[sflag:s21] =	ssyncadd.s32 $0xFFFFFFD8;
	s21 =	simm.s32 $0x1A000  }
0xe6: {  	[spmem:s1] =	stream.indirect.scatter.add.f32 [tilespmem:s5], [sflag:$0x12], $0x80, s21, s10, $0xb8;
	[tilespmem:$0x1A180] =	vst v63  }
0xe7: {  	s18 =	simm.s32 $0x19D80;
	s7 =	rddreg [dreg:$0x7];
	s13 =	sadd.s32 s11, s22  }
0xe8: {  	[tilespmem:s18], [sflag:$0x3] =	stream.linear.gather [hbm4b:s13+s2], $0x28, $0x38;
	[tilespmem:$0x1A180] =	vst v63  }
0xe9: {  	s15 =	sadd.s32 s11, s7;
	s22 =	simm.s32 $0x12  }
0xea: {  	[tilespmem:s21], [sflag:$0x8] =	stream.linear.gather [hbm4b:s15+s2], $0x28, $0x38;
	[tilespmem:$0x1A180] =	vst v63  }
0xeb: {  	_ =	swait.ge [sflag:s22], $0x1400  }
0xec: {  	[sflag:s22] =	ssyncset.done $0x0  }
0xed: {  	[sflag:s22] =	ssyncadd.s32 $0xFFFFEC00  }
0xee: {  	_ =	swait.ge [sflag:s26], $0x28  }
0xef: {  	[sflag:s26] =	ssyncset.done $0x0  }
0xf0: {  	s7 =	simm.s32 $0xE;
	[sflag:s26] =	ssyncadd.s32 $0xFFFFFFD8  }
0xf1: {  	[tilespmem:s5], [sflag:$0xD] =	stream.indirect.gather [hbm4b:s4+s10], $0x80, s18, s10, $0xb8;
	[tilespmem:$0x1A180] =	vst v63  }
0xf2: {  	_ =	swait.ge [sflag:s7], $0x1400  }
0xf3: {  	[sflag:s7] =	ssyncset.done $0x0  }
0xf4: {  	s13 =	simm.s32 $0x9;
	[sflag:s7] =	ssyncadd.s32 $0xFFFFEC00  }
0xf5: {  	_ =	swait.ge [sflag:s13], $0x28  }
0xf6: {  	s5 =	simm.s32 $0x17480;
	[sflag:s13] =	ssyncset.done $0x0  }
0xf7: {  	s7 =	simm.s32 $0x1A080;
	s15 =	rddreg [dreg:$0x6];
	[sflag:s13] =	ssyncadd.s32 $0xFFFFFFD8  }
0xf8: {  	[spmem:s1] =	stream.indirect.scatter.add.f32 [tilespmem:s5], [sflag:$0x13], $0x80, s7, s10, $0xb8;
	[tilespmem:$0x1A180] =	vst v63  }
0xf9: {  	s21 =	simm.s32 $0x19E00;
	s22 =	rddreg [dreg:$0x5];
	s13 =	sadd.s32 s11, s15  }
0xfa: {  	[tilespmem:s21], [sflag:$0x4] =	stream.linear.gather [hbm4b:s13+s2], $0x28, $0x38;
	[tilespmem:$0x1A180] =	vst v63  }
0xfb: {  	s15 =	sadd.s32 s11, s22  }
0xfc: {  	[tilespmem:s7], [sflag:$0x9] =	stream.linear.gather [hbm4b:s15+s2], $0x28, $0x38;
	[tilespmem:$0x1A180] =	vst v63  }
0xfd: {  	s15 =	simm.s32 $0x13  }
0xfe: {  	_ =	swait.ge [sflag:s15], $0x1400  }
0xff: {  	[sflag:s15] =	ssyncset.done $0x0  }
0x100: {  	[sflag:s15] =	ssyncadd.s32 $0xFFFFEC00  }
0x101: {  	_ =	swait.ge [sflag:s29], $0x28  }
0x102: {  	[sflag:s29] =	ssyncset.done $0x0  }
0x103: {  	s13 =	simm.s32 $0xF;
	[sflag:s29] =	ssyncadd.s32 $0xFFFFFFD8  }
0x104: {  	[tilespmem:s5], [sflag:$0xE] =	stream.indirect.gather [hbm4b:s4+s10], $0x80, s21, s10, $0xb8;
	[tilespmem:$0x1A180] =	vst v63  }
0x105: {  	_ =	swait.ge [sflag:s13], $0x1400  }
0x106: {  	[sflag:s13] =	ssyncset.done $0x0  }
0x107: {  	s15 =	simm.s32 $0xA;
	[sflag:s13] =	ssyncadd.s32 $0xFFFFEC00  }
0x108: {  	_ =	swait.ge [sflag:s15], $0x28  }
0x109: {  	p1 =	sne.s32 s3, $0x4B0;
	[sflag:s15] =	ssyncset.done $0x0  }
0x10a: {  	s5 =	simm.s32 $0x1A100;
	s7 =	rddreg [dreg:$0x4];
	[sflag:s15] =	ssyncadd.s32 $0xFFFFFFD8  }
0x10b: {  	[spmem:s1] =	stream.indirect.scatter.add.f32 [tilespmem:s0], [sflag:$0x14], $0x80, s5, s10, $0xb8;
	[tilespmem:$0x1A180] =	vst v63  }
0x10c: {  	s3 =	sadd.s32 $0x19, s3;
	s15 =	rddreg [dreg:$0x3];
	s13 =	sadd.s32 s11, s7  }
0x10d: {  	[tilespmem:s23], [sflag:$0x5] =	stream.linear.gather [hbm4b:s13+s2], $0x28, $0x38;
	[tilespmem:$0x1A180] =	vst v63  }
0x10e: {  	s25 =	simm.s32 $0x14C80;
	s11 =	sadd.s32 s11, s15;
	s23 =	simm.s32 $0x14  }
0x10f: {  	[tilespmem:s5], [sflag:$0xA] =	stream.linear.gather [hbm4b:s11+s2], $0x28, $0x38;
	[tilespmem:$0x1A180] =	vst v63  }
0x110: {  	s28 =	simm.s32 $0x16080;
	s8 =	sadd.s32 $0xC8, s8;
	_ =	swait.ge [sflag:s23], $0x1400  }
.Ltmp0:
0x111: {  	s6 =	simm.s32 $0x13880;
	[sflag:s23] =	ssyncset.done $0x0;
	(pc) =	sbr.rel @p1 .LBB2_2-.Ltmp0, $4  }
0x112: {  	s12 =	simm.s32 $0x19F00;
	s16 =	simm.s32 $0x19F80;
	[sflag:s23] =	ssyncadd.s32 $0xFFFFEC00  }
0x113: {  	s20 =	simm.s32 $0x1A000;
	s22 =	simm.s32 $0x1A080;
	_ =	swait.ge [sflag:s31], $0x28  }
0x114: {  	s7 =	simm.s32 $0x19E80;
	s15 =	smov.u32 s17;
	[sflag:s31] =	ssyncset.done $0x0  }
0x115: {  	s13 =	simm.s32 $0x1A100;
	s5 =	simm.s32 $0x1;
	[sflag:s31] =	ssyncadd.s32 $0xFFFFFFD8  }
0x116: {  	s0 =	simm.s32 $0x18880;
	s3 =	simm.s32 $0xB  }
0x117: {  	[tilespmem:s0], [sflag:$0xF] =	stream.indirect.gather [hbm4b:s4+s10], $0x80, s7, s10, $0xb8;
	[tilespmem:$0x1A180] =	vst v63  }
0x118: {  	_ =	swait.ge [sflag:s3], $0x1400  }
0x119: {  	[sflag:s3] =	ssyncset.done $0x0  }
0x11a: {  	s26 =	simm.s32 $0x6;
	[sflag:s3] =	ssyncadd.s32 $0xFFFFEC00  }
0x11b: {  	_ =	swait.ge [sflag:s26], $0x28  }
0x11c: {  	[sflag:s26] =	ssyncset.done $0x0  }
0x11d: {  	[sflag:s26] =	ssyncadd.s32 $0xFFFFFFD8  }
0x11e: {  	[spmem:s1] =	stream.indirect.scatter.add.f32 [tilespmem:s6], [sflag:$0x10], $0x80, s12, s10, $0xb8;
	[tilespmem:$0x1A180] =	vst v63  }
0x11f: {  	s6 =	simm.s32 $0x10  }
0x120: {  	_ =	swait.ge [sflag:s6], $0x1400  }
0x121: {  	[sflag:s6] =	ssyncset.done $0x0  }
0x122: {  	s7 =	simm.s32 $0xC;
	[sflag:s6] =	ssyncadd.s32 $0xFFFFEC00  }
0x123: {  	_ =	swait.ge [sflag:s7], $0x1400  }
0x124: {  	[sflag:s7] =	ssyncset.done $0x0  }
0x125: {  	s8 =	simm.s32 $0x7;
	[sflag:s7] =	ssyncadd.s32 $0xFFFFEC00  }
0x126: {  	_ =	swait.ge [sflag:s8], $0x28  }
0x127: {  	[sflag:s8] =	ssyncset.done $0x0  }
0x128: {  	s9 =	simm.s32 $0x11;
	[sflag:s8] =	ssyncadd.s32 $0xFFFFFFD8  }
0x129: {  	[spmem:s1] =	stream.indirect.scatter.add.f32 [tilespmem:s25], [sflag:$0x11], $0x80, s16, s10, $0xb8;
	[tilespmem:$0x1A180] =	vst v63  }
0x12a: {  	_ =	swait.ge [sflag:s9], $0x1400  }
0x12b: {  	[sflag:s9] =	ssyncset.done $0x0  }
0x12c: {  	s11 =	simm.s32 $0xD;
	[sflag:s9] =	ssyncadd.s32 $0xFFFFEC00  }
0x12d: {  	_ =	swait.ge [sflag:s11], $0x1400  }
0x12e: {  	[sflag:s11] =	ssyncset.done $0x0  }
0x12f: {  	s12 =	simm.s32 $0x8;
	[sflag:s11] =	ssyncadd.s32 $0xFFFFEC00  }
0x130: {  	_ =	swait.ge [sflag:s12], $0x28  }
0x131: {  	[sflag:s12] =	ssyncset.done $0x0  }
0x132: {  	s16 =	simm.s32 $0x12;
	[sflag:s12] =	ssyncadd.s32 $0xFFFFFFD8  }
0x133: {  	[spmem:s1] =	stream.indirect.scatter.add.f32 [tilespmem:s28], [sflag:$0x12], $0x80, s20, s10, $0xb8;
	[tilespmem:$0x1A180] =	vst v63  }
0x134: {  	_ =	swait.ge [sflag:s16], $0x1400  }
0x135: {  	[sflag:s16] =	ssyncset.done $0x0  }
0x136: {  	s17 =	simm.s32 $0xE;
	[sflag:s16] =	ssyncadd.s32 $0xFFFFEC00  }
0x137: {  	_ =	swait.ge [sflag:s17], $0x1400  }
0x138: {  	[sflag:s17] =	ssyncset.done $0x0  }
0x139: {  	s20 =	simm.s32 $0x9;
	[sflag:s17] =	ssyncadd.s32 $0xFFFFEC00  }
0x13a: {  	_ =	swait.ge [sflag:s20], $0x28  }
0x13b: {  	[sflag:s20] =	ssyncset.done $0x0  }
0x13c: {  	[sflag:s20] =	ssyncadd.s32 $0xFFFFFFD8  }
0x13d: {  	[spmem:s1] =	stream.indirect.scatter.add.f32 [tilespmem:s30], [sflag:$0x13], $0x80, s22, s10, $0xb8;
	[tilespmem:$0x1A180] =	vst v63  }
0x13e: {  	s22 =	simm.s32 $0x13  }
0x13f: {  	_ =	swait.ge [sflag:s22], $0x1400  }
0x140: {  	[sflag:s22] =	ssyncset.done $0x0  }
0x141: {  	s23 =	simm.s32 $0xF;
	[sflag:s22] =	ssyncadd.s32 $0xFFFFEC00  }
0x142: {  	_ =	swait.ge [sflag:s23], $0x1400  }
0x143: {  	[sflag:s23] =	ssyncset.done $0x0  }
0x144: {  	s24 =	simm.s32 $0xA;
	[sflag:s23] =	ssyncadd.s32 $0xFFFFEC00  }
0x145: {  	_ =	swait.ge [sflag:s24], $0x28  }
0x146: {  	[sflag:s24] =	ssyncset.done $0x0  }
0x147: {  	s25 =	simm.s32 $0x14;
	[sflag:s24] =	ssyncadd.s32 $0xFFFFFFD8  }
0x148: {  	[spmem:s1] =	stream.indirect.scatter.add.f32 [tilespmem:s0], [sflag:$0x14], $0x80, s13, s10, $0xb8;
	[tilespmem:$0x1A180] =	vst v63  }
0x149: {  	_ =	swait.ge [sflag:s25], $0x1400  }
0x14a: {  	[sflag:s25] =	ssyncset.done $0x0  }
0x14b: {  	[sflag:s25] =	ssyncadd.s32 $0xFFFFEC00  }
0x14c: {  	[bflag:$0x0] =	sbarrier.arrive $0xFFFF  }
0x14d: {  	s8 =	rddreg [dreg:$0x19]  }
0x14e: {  	s3 =	simm.s32 @p0 $0x1FD5;
	s0 =	rddreg [dreg:$0x1d]  }
0x14f: {  	[hbm:s8], [sflag:s3] =	dma.local @p0 [spmem:s0], $0x2080  }
0x150: {  	s3 =	simm.s32 @p0 $0x15  }
0x151: {  	_ =	swait.ge @p0 [sflag:s3], $0x2080  }
0x152: {  	s0 =	rddreg [dreg:$0x1e]  }
0x153: {  	[sflag:s3] =	ssyncset.done @p0 $0x0;
	s6 =	rddreg [dreg:$0x1f]  }
0x154: {  	[sflag:s3] =	ssyncadd.s32 @p0 $0xFFFFDF80;
	s3 =	rddreg [dreg:$0x16]  }
0x155: {  	[hbm:s3], [sflag:s0] =	dma.local @!p0 [spmem:s6], $0x2780  }
0x156: {  	s3 =	simm.s32 @!p0 $0x15  }
0x157: {  	_ =	swait.ge @!p0 [sflag:s3], $0x2780  }
0x158: {  	s26 =	rddreg [dreg:$0x1c]  }
0x159: {  	s28 =	rddreg [dreg:$0x1a];
	s0 =	sadd.s32 $0x1, s26  }
0x15a: {  	p1 =	sne.s32 s0, s28  }
.Ltmp1:
0x15b: {  	_ = 	snop;
	(pc) =	sbr.rel @p1 .LBB2_1-.Ltmp1, $4  }
0x15c: {  	_ = 	snop  }
0x15d: {  	s29 =	simm.s32 $0x5  }
0x15e: {  	s9 =	simm.s32 $0x19C80;
	s22 =	simm.s32 $0x2;
	[sflag:s3] =	ssyncset.done @!p0 $0x0  }
0x15f: {  	s24 =	simm.s32 $0x3;
	[sflag:s3] =	ssyncadd.s32 @!p0 $0xFFFFD880;
	s26 =	simm.s32 $0x4  }
0x160: {  	_ =	sfence.sel $0x180000  }
0x161: {  	[bflag:$0x0] =	sbarrier.arrive $0xFFFF  }
0x162: {  	_ =	strace $0x90000047  }
0x163: {  	s0 =	stileid.u32;
	[bflag:$0x2] =	sbarrier.arrive $0xFFFF  }
0x164: {  	p0 =	sne.s32 s0, $0x0;
	s0 =	rddreg [dreg:$0x2]  }
0x165: {  	s0 =	sadd.s32 @!p0 $0x100000, s0  }
0x166: {  	[sflag:s0] =	ssyncadd.tile.s32 @!p0 $0x1;
	_ =	shalt  }
.Lfunc_end2:
_tile_overlayer_lowered:
.L_overlay_start_2:
0x167: {  	(tag) =	ssettag $0x2  }
0x168: {  	s0 =	rddreg [dreg:$0x0];
	s2 =	stileid.u32  }
0x169: {  	s1 =	rddreg [dreg:$0x1];
	p0 =	sne.s32 s2, $0x0  }
0x16a: {  	s3 =	rddreg [dreg:$0x2];
	[bflag:$0x3] =	sbarrier.arrive $0xFFFF;
	s2 =	simm.s32 @!p0 $0x1C15  }
0x16b: {  	[timem:s3], [sflag:s2] =	dma.local @!p0 [hbm:s0], s1  }
0x16c: {  	s0 =	simm.s32 @!p0 $0x15  }
0x16d: {  	_ =	swait.ge @!p0 [sflag:s0], s1  }
0x16e: {  	s1 =	ssub.s32 @!p0 $0x0, s1;
	[sflag:s0] =	ssyncset.done @!p0 $0x0  }
0x16f: {  	[sflag:s0] =	ssyncadd.s32 @!p0 s1  }
0x170: {  	[bflag:$0x3] =	sbarrier.arrive $0xFFFF  }
0x171: {  	_ =	shalt  }

// kernel: kernel.16.cloned.1.call-start
scs
__scs_entry_jumppad:
0x0: {  	(pc) =	sbr.rel $0x88, $3  }
0x1: {  	(tag) =	ssettag $0x0;
	lr =	simm.s32 $0x1  }
0x2: {  	[smem:$0x3F89] =	sst lr;
	_ =	strace $0xD0000000  }
0x3: {  	_ = 	snop  }
0x4: {  	_ = 	snop  }
0x5: {  	_ = 	snop  }
0x6: {  	_ = 	snop  }
0x7: {  	_ = 	snop  }
__scs_overlays_trampoline_lowered:
0x8: {  	[smem:$0x3F98] =	sst s0  }
0x9: {  	[smem:$0x3F99] =	sst s1  }
0xa: {  	[smem:$0x3F9A] =	sst s2  }
0xb: {  	[smem:$0x3F9B] =	sst s3  }
0xc: {  	[smem:$0x3F9C] =	sst s4  }
0xd: {  	[smem:$0x3F9D] =	sst s5  }
0xe: {  	[smem:$0x3F9E] =	sst s6  }
0xf: {  	[smem:$0x3F9F] =	sst s7  }
0x10: {  	[smem:$0x3FA0] =	sst s8  }
0x11: {  	[smem:$0x3FA1] =	sst s9;
	s0 =	simm.s32 @!p0 $0x0  }
0x12: {  	s1 =	sld [smem:$0x3F87];
	s0 =	simm.s32 @p0 $0x1  }
0x13: {  	[smem:$0x3FA2] =	sst s0;
	s0 =	simm.s32 @!p1 $0x0  }
0x14: {  	s2 =	sld [smem:$0x3F86];
	s0 =	simm.s32 @p1 $0x1  }
0x15: {  	[smem:$0x3FA3] =	sst s0;
	s0 =	simm.s32 @!p2 $0x0  }
0x16: {  	s3 =	sld [smem:$0x3FDB];
	s0 =	simm.s32 @p2 $0x1  }
0x17: {  	s4 =	simm.s32 $0x1BF5;
	[smem:$0x3FA5] =	sst s0  }
0x18: {  	s0 =	sld [smem:$0x3F88];
	_ =	swait.ge [sflag:s4], $0x0  }
0x19: {  	s7 =	sld [smem:$0x3F89]  }
0x1a: {  	s8 =	sadd.s32 $0xFFFFE003, lr  }
0x1b: {  	s9 =	sadd.s32 $0xFFFFFEF7, lr;
	s5 =	simm.s32 $0xFFFFFFFF;
	p2 =	slt.u32 s8, $0xFFFFF086  }
0x1c: {  	p1 =	slt.u32 s9, $0xF7A;
	s5 =	simm.s32 @!p2 $0x0  }
0x1d: {  	s5 =	simm.s32 @p1 $0x1;
	p0 =	seq.s32 s7, s2  }
0x1e: {  	s7 =	smul.u32 @!p0 $0xF7A, s2;
	p2 =	seq.s32 @!p0 s5, $0x0  }
0x1f: {  	s9 =	smul.u32 $0xF7A, s1;
	s8 =	simm.s32 @!p0 $0x1BF5;
	p2 =	por !p2, p0  }
0x20: {  	[sflag:s8] =	ssyncset.s32 @!p0 $0xFFFFF086;
	s6 =	sadd.s32 @!p0 s3, s7;
	s7 =	simm.s32 @!p0 $0x108  }
0x21: {  	s3 =	sadd.s32 s3, s9;
	s6 =	sadd.s32 @!p0 $0x88, s6;
	s7 =	simm.s32 @p2 $0x1082  }
0x22: {  	[simem:s7], [sflag:s8] =	dma.local @!p0 [hbm:s6], $0xF7A  }
0x23: {  	s9 =	sor.u32 $0xD0000000, s2;
	s6 =	simm.s32 $0x108;
	_ =	swait.ge @!p0 [sflag:s8], $0x0  }
0x24: {  	s3 =	sadd.s32 $0x88, s3;
	s6 =	simm.s32 @!p1 $0x1082;
	[sflag:s4] =	ssyncset.s32 $0xFFFFF086  }
0x25: {  	[simem:s6], [sflag:s4] =	dma.local [hbm:s3], $0xF7A  }
0x26: {  	[smem:$0x3F89] =	sst s1;
	(tag) =	ssettag s2;
	_ =	strace s9  }
0x27: {  	s1 =	sld [smem:$0x3F99]  }
0x28: {  	s2 =	sld [smem:$0x3F9A]  }
0x29: {  	s4 =	sld [smem:$0x3F9C]  }
0x2a: {  	p0 =	seq.s32 s5, $0x0;
	s5 =	sld [smem:$0x3F9D]  }
0x2b: {  	s6 =	sld [smem:$0x3F9E]  }
0x2c: {  	s7 =	sld [smem:$0x3F9F]  }
0x2d: {  	s3 =	simm.s32 $0x108;
	s8 =	sld [smem:$0x3FA0]  }
0x2e: {  	s3 =	simm.s32 @!p0 $0x1082;
	s9 =	sld [smem:$0x3FA1]  }
0x2f: {  	lr =	sadd.s32 s0, s3;
	s0 =	sld [smem:$0x3F98]  }
0x30: {  	s3 =	sld [smem:$0x3F9B]  }
0x31: {  	[smem:$0x3FA4] =	sst s10  }
0x32: {  	s10 =	sld [smem:$0x3FA2];
	_ =	sdelay $0x3  }
0x33: {  	p0 =	seq.s32 s10, $0x1;
	s10 =	sld [smem:$0x3FA4];
	_ =	sdelay $0x3  }
0x34: {  	[smem:$0x3FA4] =	sst s10  }
0x35: {  	s10 =	sld [smem:$0x3FA3];
	_ =	sdelay $0x3  }
0x36: {  	p1 =	seq.s32 s10, $0x1;
	s10 =	sld [smem:$0x3FA4];
	_ =	sdelay $0x3  }
0x37: {  	[smem:$0x3FA4] =	sst s10  }
0x38: {  	s10 =	sld [smem:$0x3FA5]  }
0x39: {  	_ = 	snop;
	(pc) =	sbr.ind lr, $3  }
0x3a: {  	_ = 	snop  }
0x3b: {  	_ = 	snop  }
0x3c: {  	p2 =	seq.s32 s10, $0x1;
	s10 =	sld [smem:$0x3FA4]  }
0x3d: {  	_ =	shalt  }
0x3e: {  	_ =	shalt  }
0x3f: {  	_ =	shalt  }
0x40: {  	_ =	shalt  }
0x41: {  	_ =	shalt  }
0x42: {  	_ =	shalt  }
0x43: {  	_ =	shalt  }
0x44: {  	_ =	shalt  }
0x45: {  	_ =	shalt  }
0x46: {  	_ =	shalt  }
0x47: {  	_ =	shalt  }
0x48: {  	_ =	shalt  }
0x49: {  	_ =	shalt  }
0x4a: {  	_ =	shalt  }
0x4b: {  	_ =	shalt  }
0x4c: {  	_ =	shalt  }
0x4d: {  	_ =	shalt  }
0x4e: {  	_ =	shalt  }
0x4f: {  	_ =	shalt  }
0x50: {  	_ =	shalt  }
0x51: {  	_ =	shalt  }
0x52: {  	_ =	shalt  }
0x53: {  	_ =	shalt  }
0x54: {  	_ =	shalt  }
0x55: {  	_ =	shalt  }
0x56: {  	_ =	shalt  }
0x57: {  	_ =	shalt  }
0x58: {  	_ =	shalt  }
0x59: {  	_ =	shalt  }
0x5a: {  	_ =	shalt  }
0x5b: {  	_ =	shalt  }
0x5c: {  	_ =	shalt  }
0x5d: {  	_ =	shalt  }
0x5e: {  	_ =	shalt  }
0x5f: {  	_ =	shalt  }
0x60: {  	_ =	shalt  }
0x61: {  	_ =	shalt  }
0x62: {  	_ =	shalt  }
0x63: {  	_ =	shalt  }
0x64: {  	_ =	shalt  }
0x65: {  	_ =	shalt  }
0x66: {  	_ =	shalt  }
0x67: {  	_ =	shalt  }
0x68: {  	_ =	shalt  }
0x69: {  	_ =	shalt  }
0x6a: {  	_ =	shalt  }
0x6b: {  	_ =	shalt  }
0x6c: {  	_ =	shalt  }
0x6d: {  	_ =	shalt  }
0x6e: {  	_ =	shalt  }
0x6f: {  	_ =	shalt  }
0x70: {  	_ =	shalt  }
0x71: {  	_ =	shalt  }
0x72: {  	_ =	shalt  }
0x73: {  	_ =	shalt  }
0x74: {  	_ =	shalt  }
0x75: {  	_ =	shalt  }
0x76: {  	_ =	shalt  }
0x77: {  	_ =	shalt  }
0x78: {  	_ =	shalt  }
0x79: {  	_ =	shalt  }
0x7a: {  	_ =	shalt  }
0x7b: {  	_ =	shalt  }
0x7c: {  	_ =	shalt  }
0x7d: {  	_ =	shalt  }
0x7e: {  	_ =	shalt  }
0x7f: {  	_ =	shalt  }
0x80: {  	_ =	shalt  }
0x81: {  	_ =	shalt  }
0x82: {  	_ =	shalt  }
0x83: {  	_ =	shalt  }
0x84: {  	_ =	shalt  }
0x85: {  	_ =	shalt  }
0x86: {  	_ =	shalt  }
0x87: {  	_ =	shalt  }
.Lfunc_end0:
.L_simem_size_0:
called_computation.2_lowered:
.L_overlay_start_0:
0x88: {  	s2 =	sld [smem:$0x3FD9]  }
0x89: {  	s3 =	sld [smem:$0x3FFE];
	_ =	sdelay $0x1  }
0x8a: {  	s1 =	srdreg.scid  }
0x8b: {  	s0 =	sand.u32 $0x1, s1  }
0x8c: {  	s16 =	sshll.u32 s0, $0xA;
	s2 =	sadd.s32 s3, s2  }
0x8d: {  	s2 =	sadd.s32 s2, s16  }
0x8e: {  	[smem:$0x3FB0] =	sst s2  }
0x8f: {  	_ = 	snop  }
0x90: {  	(tm) =	ssettm $0x1  }
0x91: {  	s17 =	sld [smem:$0x3FFB];
	_ =	sdelay $0x3  }
0x92: {  	_ =	strace s17  }
0x93: {  	s2 =	sld [smem:$0x3FFC];
	_ =	sdelay $0x3  }
0x94: {  	_ =	strace s2  }
0x95: {  	s2 =	sld [smem:$0x3FFD];
	_ =	sdelay $0x3  }
0x96: {  	_ =	strace s2  }
0x97: {  	_ =	strace $0x8FFFFFFF  }
0x98: {  	s18 =	sld [smem:$0x3FDB];
	_ =	sdelay $0x1  }
0x99: {  	s19 =	simm.s32 $_scs_section_size  }
0x9a: {  	s4 =	simm.s32 $_size__tile_overlayer_lowered;
	s5 =	simm.s32 $_tile_overlayer_lowered  }
0x9b: {  	s22 =	simm.s32 $0x1BFF;
	s21 =	sshll.u32 s5, $0x1;
	s2 =	sadd.s32 s19, s18  }
0x9c: {  	s6 =	simm.s32 $0x0;
	s20 =	sshll.u32 s4, $0x1;
	s4 =	sadd.s32 s21, s2  }
0x9d: {  	[timem:s6], [sflag:s22] =	dma.local [hbm:s4], s20  }
0x9e: {  	_ =	swait.ge [sflag:s22], s20  }
0x9f: {  	s3 =	ssub.s32 $0x0, s20;
	[sflag:s22] =	ssyncset.done $0x0  }
0xa0: {  	[sflag:s22] =	ssyncadd.s32 s3;
	_ =	sdelay $0x1  }
0xa1: {  	s23 =	simm.s32 $0x1B8B  }
0xa2: {  	_ =	swait.ge [sflag:s23], $0x1  }
0xa3: {  	[sflag:s23] =	ssyncset.done $0x0  }
0xa4: {  	s25 =	simm.s32 $0x1B8E;
	s24 =	sld [smem:$0x3FFE];
	[sflag:s23] =	ssyncadd.s32 $0xFFFFFFFF  }
0xa5: {  	s26 =	simm.s32 $execute0_lowered;
	[smem:$0x3FD2] =	sst s25  }
0xa6: {  	s4 =	sshll.u32 s26, $0x1;
	_ =	strace $0x8000004C;
	[dreg:$0x1] =	wrdreg $0xFFFFFFFF  }
0xa7: {  	s28 =	simm.s32 $_size_execute0_lowered;
	s2 =	sadd.s32 s2, s4;
	[dreg:$0x0] =	wrdreg $0x0  }
0xa8: {  	s4 =	sshll.u32 s28, $0x1;
	[dreg:$0x2] =	wrdreg s2  }
0xa9: {  	[dreg:$0x3] =	wrdreg s4  }
0xaa: {  	[dreg:$0x4] =	wrdreg $0xC0  }
0xab: {  	_ =	task [dreg:s6], $0x5FFFF  }
0xac: {  	[dreg:$0x1] =	wrdreg $0xFFFFFFFF  }
0xad: {  	[dreg:$0x0] =	wrdreg $0x60  }
0xae: {  	[dreg:$0x2] =	wrdreg s24  }
0xaf: {  	[dreg:$0x3] =	wrdreg $0x0  }
0xb0: {  	[dreg:$0x4] =	wrdreg $0x9  }
0xb1: {  	_ =	task.clear_ibuf [dreg:s6], $0x5FFFF;
	_ =	strace $0x9000004C  }
0xb2: {  	s29 =	simm.s32 $0x9;
	_ =	strace $0x8000004E  }
0xb3: {  	_ =	swait.ge [sflag:s29], $0x1  }
0xb4: {  	[sflag:s29] =	ssyncadd.s32 $0xFFFFFFFF  }
0xb5: {  	_ =	strace $0x9000004E  }
0xb6: {  	_ =	sfence  }
0xb7: {  	s30 =	sld [smem:$0x0];
	_ =	sdelay $0x2  }
0xb8: {  	s31 =	sshll.u32 s1, $0xD;
	s1 =	sshrl.u32 s1, $0x2  }
0xb9: {  	s3 =	sand.u32 $0x4000, s31;
	s1 =	sadd.s32 s1, s30  }
0xba: {  	s0 =	sor.u32 s3, s0;
	s1 =	sshll.u32 s1, $0x11  }
0xbb: {  	s0 =	sor.u32 s1, s0  }
0xbc: {  	s0 =	sadd.s32 $0x8F2B, s0  }
0xbd: {  	[sflag:s0] =	ssyncadd.remote.s32 $0x1  }
0xbe: {  	_ =	sfence.sel $0xFFFF  }
0xbf: {  	[dreg:$0x0] =	wrdreg $0xFFFFFFFF;
	(pc) =	sbr.abs _section_cstart, $3  }
0xc0: {  	[dreg:$0x1] =	wrdreg $0xFFFFFFFF  }
0xc1: {  	_ =	task.clear_ibuf [dreg:s6], $0x2FFFF;
	_ =	strace $0x9FFFFFFF  }
0xc2: {  	(tm) =	ssettm $0x7FFFFFFF  }
0xc3: {  	_ =	shalt  }
tec
execute0_lowered:
.L_overlay_start_1:
0x0: {  	(tag) =	ssettag $0x1  }
0x1: {  	s0 =	rddreg [dreg:$0x0]  }
0x2: {  	s1 =	rddreg [dreg:$0x1];
	s2 =	simm.s32 $0x0  }
0x3: {  	s3 =	srdreg.scid;
	s12 =	stileid.u32;
	s29 =	simm.s32 $0x5  }
0x4: {  	s31 =	simm.s32 $0x5;
	s30 =	simm.s32 $0x17480;
	[smem:$0x7FF] =	sst s2  }
0x5: {  	s4 =	sadd.s32 $0x19C00, s0;
	s15 =	sadd.s32 $0xFE00, s0;
	s3 =	sand.u32 $0x1, s3  }
0x6: {  	s19 =	sadd.s32 $0x6000, s0;
	s6 =	smul.u32 $0x4F000, s12;
	s7 =	sadd.s32 $0x40E00, s0  }
0x7: {  	s0 =	sadd.s32 $0x43600, s0;
	s13 =	sadd.s32 $0x128400, s1;
	s20 =	smul.u32 $0x13C00, s12  }
0x8: {  	p0 =	seq.s32 s12, $0xF;
	_ =	strace $0x8000004D;
	s5 =	sshll.u32 s3, $0x4  }
0x9: {  	[dreg:$0xb] =	wrdreg s7;
	s11 =	ssub.s32 $0x2, s3;
	s17 =	smul.u32 $0x138800, s3  }
0xa: {  	[dreg:$0xd] =	wrdreg s13;
	s3 =	smul.u32 $0x27100, s3;
	s5 =	sor.u32 s12, s5  }
0xb: {  	s8 =	sshrl.u32 s11, $0x1;
	s6 =	sshrl.u32 s6, $0x2;
	s5 =	smul.u32 $0x2710, s5  }
0xc: {  	s7 =	ssub.s32 s11, s8;
	s6 =	sadd.s32 s6, s1;
	s11 =	smul.u32 $0x2710, s12  }
0xd: {  	s23 =	sadd.s32 s20, s17;
	s25 =	sshrl.u32 s17, $0x3;
	[dreg:$0xc] =	wrdreg s6  }
0xe: {  	s14 =	sshrl.u32 s5, $0x3;
	s16 =	sadd.s32 $0x28, s5;
	s5 =	sadd.s32 $0x78, s5  }
0xf: {  	s3 =	sadd.s32 s11, s3;
	s9 =	sadd.s32 s15, s14;
	s8 =	sshrl.u32 s16, $0x3  }
0x10: {  	s10 =	sadd.s32 s19, s14;
	s21 =	sadd.s32 $0xA, s14;
	[dreg:$0xe] =	wrdreg s9  }
0x11: {  	s5 =	sshrl.u32 s5, $0x3;
	[dreg:$0xf] =	wrdreg s10;
	s18 =	sadd.s32 s15, s8  }
0x12: {  	s6 =	sadd.s32 $0x14, s14;
	s8 =	sadd.s32 s19, s8;
	[dreg:$0x10] =	wrdreg s18  }
0x13: {  	s24 =	sadd.s32 $0x168, s3;
	s13 =	sadd.s32 s15, s21;
	[dreg:$0x11] =	wrdreg s8  }
0x14: {  	s28 =	sadd.s32 $0x140, s3;
	s22 =	sadd.s32 s15, s5;
	[dreg:$0x12] =	wrdreg s13  }
0x15: {  	s14 =	sadd.s32 $0x118, s3;
	s5 =	sadd.s32 s19, s5;
	[dreg:$0x14] =	wrdreg s22  }
0x16: {  	s11 =	sshrl.u32 s28, $0x3;
	s28 =	sadd.s32 $0xC8, s3;
	[dreg:$0x15] =	wrdreg s5  }
0x17: {  	s20 =	sadd.s32 $0xF0, s3;
	s8 =	sadd.s32 s19, s21;
	[dreg:$0x1b] =	wrdreg s28  }
0x18: {  	s17 =	sshrl.u32 s14, $0x3;
	s13 =	sadd.s32 s11, s19;
	[dreg:$0x13] =	wrdreg s8  }
0x19: {  	s9 =	simm.s32 $0x19C80;
	s16 =	sadd.s32 s11, s15;
	[dreg:$0x5] =	wrdreg s13  }
0x1a: {  	s14 =	simm.s32 $0x19D00;
	s18 =	sadd.s32 s17, s19;
	[dreg:$0x6] =	wrdreg s16  }
0x1b: {  	s5 =	sshrl.u32 s23, $0x3;
	s23 =	sadd.s32 s15, s6;
	[dreg:$0x7] =	wrdreg s18  }
0x1c: {  	s21 =	sadd.s32 s17, s15;
	s22 =	sshrl.u32 s20, $0x3;
	[dreg:$0x17] =	wrdreg s23  }
0x1d: {  	s6 =	sadd.s32 s19, s6;
	s5 =	sadd.s32 s0, s5;
	[dreg:$0x8] =	wrdreg s21  }
0x1e: {  	s8 =	sshrl.u32 s24, $0x3;
	s0 =	sadd.s32 s0, s25;
	[dreg:$0x18] =	wrdreg s6  }
0x1f: {  	s24 =	sadd.s32 s22, s19;
	s25 =	sadd.s32 s22, s15;
	[dreg:$0x16] =	wrdreg s5  }
0x20: {  	s18 =	simm.s32 $0x19D80;
	s21 =	simm.s32 $0x19E00;
	[dreg:$0x9] =	wrdreg s24  }
0x21: {  	s22 =	simm.s32 $0x2;
	s26 =	sadd.s32 s8, s19;
	[dreg:$0xa] =	wrdreg s25  }
0x22: {  	s10 =	sadd.s32 s8, s15;
	s0 =	sadd.s32 $0x25080, s0;
	[dreg:$0x3] =	wrdreg s26  }
0x23: {  	s5 =	simm.s32 $0x1;
	s24 =	simm.s32 $0x3;
	[dreg:$0x4] =	wrdreg s10  }
0x24: {  	[dreg:$0x19] =	wrdreg s0;
	s26 =	smax.u32 s7, $0x1;
	s10 =	simm.s32 $0x28  }
0x25: {  	s0 =	simm.s32 $0x0;
	[dreg:$0x1a] =	wrdreg s26;
	s26 =	simm.s32 $0x4  }
.LBB2_1:
0x26: {  	[dreg:$0x1c] =	wrdreg s0  }
0x27: {  	s3 =	rddreg [dreg:$0xd]  }
0x28: {  	s11 =	rddreg [dreg:$0xb];
	s0 =	sshrl.u32 @p0 s3, $0x3  }
0x29: {  	s3 =	simm.s32 @p0 $0x1FD5;
	[dreg:$0x1d] =	wrdreg s0  }
0x2a: {  	[spmem:s0], [sflag:s3] =	dma.local @p0 [hbm:s11], $0x2080  }
0x2b: {  	s3 =	simm.s32 @p0 $0x15  }
0x2c: {  	s8 =	stileid.u32;
	_ =	swait.ge @p0 [sflag:s3], $0x2080  }
0x2d: {  	s8 =	sshll.u32 @!p0 s8, $0x6;
	[sflag:s3] =	ssyncset.done @p0 $0x0  }
0x2e: {  	s0 =	sor.u32 @!p0 $0x1C15, s8;
	[sflag:s3] =	ssyncadd.s32 @p0 $0xFFFFDF80;
	s3 =	rddreg [dreg:$0xc]  }
0x2f: {  	[dreg:$0x1e] =	wrdreg s0;
	s3 =	sshrl.u32 @!p0 s3, $0x3  }
0x30: {  	[dreg:$0x1f] =	wrdreg s3  }
0x31: {  	[spmem:s3], [sflag:s0] =	dma.local @!p0 [hbm:s11], $0x2780  }
0x32: {  	s3 =	simm.s32 @!p0 $0x15  }
0x33: {  	_ =	swait.ge @!p0 [sflag:s3], $0x2780  }
0x34: {  	[sflag:s3] =	ssyncset.done @!p0 $0x0  }
0x35: {  	[sflag:s3] =	ssyncadd.s32 @!p0 $0xFFFFD880  }
0x36: {  	[bflag:$0x0] =	sbarrier.arrive $0xFFFF  }
0x37: {  	s12 =	rddreg [dreg:$0xe]  }
0x38: {  	[tilespmem:s9], [sflag:$0x1] =	stream.linear.gather [hbm4b:s12+s2], $0x28, $0x38;
	[tilespmem:$0x1A180] =	vst v63  }
0x39: {  	s13 =	rddreg [dreg:$0xf];
	s12 =	simm.s32 $0x19F00  }
0x3a: {  	[tilespmem:s12], [sflag:$0x6] =	stream.linear.gather [hbm4b:s13+s2], $0x28, $0x38;
	[tilespmem:$0x1A180] =	vst v63  }
0x3b: {  	s16 =	rddreg [dreg:$0x10]  }
0x3c: {  	[tilespmem:s14], [sflag:$0x2] =	stream.linear.gather [hbm4b:s16+s2], $0x28, $0x38;
	[tilespmem:$0x1A180] =	vst v63  }
0x3d: {  	s17 =	rddreg [dreg:$0x11];
	s13 =	simm.s32 $0x19F80  }
0x3e: {  	[tilespmem:s13], [sflag:$0x7] =	stream.linear.gather [hbm4b:s17+s2], $0x28, $0x38;
	[tilespmem:$0x1A180] =	vst v63  }
0x3f: {  	s20 =	rddreg [dreg:$0x12]  }
0x40: {  	[tilespmem:s18], [sflag:$0x3] =	stream.linear.gather [hbm4b:s20+s2], $0x28, $0x38;
	[tilespmem:$0x1A180] =	vst v63  }
0x41: {  	s23 =	rddreg [dreg:$0x13];
	s16 =	simm.s32 $0x1A000  }
0x42: {  	[tilespmem:s16], [sflag:$0x8] =	stream.linear.gather [hbm4b:s23+s2], $0x28, $0x38;
	[tilespmem:$0x1A180] =	vst v63  }
0x43: {  	s25 =	rddreg [dreg:$0x14]  }
0x44: {  	[tilespmem:s21], [sflag:$0x4] =	stream.linear.gather [hbm4b:s25+s2], $0x28, $0x38;
	[tilespmem:$0x1A180] =	vst v63  }
0x45: {  	s28 =	rddreg [dreg:$0x15];
	s17 =	simm.s32 $0x1A080  }
0x46: {  	[tilespmem:s17], [sflag:$0x9] =	stream.linear.gather [hbm4b:s28+s2], $0x28, $0x38;
	[tilespmem:$0x1A180] =	vst v63  }
0x47: {  	s7 =	simm.s32 $0x19E80;
	s0 =	rddreg [dreg:$0x17]  }
0x48: {  	[tilespmem:s7], [sflag:$0x5] =	stream.linear.gather [hbm4b:s0+s2], $0x28, $0x38;
	[tilespmem:$0x1A180] =	vst v63  }
0x49: {  	s6 =	rddreg [dreg:$0x18];
	s20 =	simm.s32 $0x1A100  }
0x4a: {  	[tilespmem:s20], [sflag:$0xA] =	stream.linear.gather [hbm4b:s6+s2], $0x28, $0x38;
	[tilespmem:$0x1A180] =	vst v63  }
0x4b: {  	_ =	swait.ge [sflag:s5], $0x28  }
0x4c: {  	[sflag:s5] =	ssyncset.done $0x0  }
0x4d: {  	s6 =	simm.s32 $0x13880;
	[sflag:s5] =	ssyncadd.s32 $0xFFFFFFD8  }
0x4e: {  	[tilespmem:s6], [sflag:$0xB] =	stream.indirect.gather [hbm4b:s4+s10], $0x80, s9, s10, $0xb8;
	[tilespmem:$0x1A180] =	vst v63  }
0x4f: {  	_ =	swait.ge [sflag:s22], $0x28  }
0x50: {  	[sflag:s22] =	ssyncset.done $0x0  }
0x51: {  	s23 =	simm.s32 $0x14C80;
	[sflag:s22] =	ssyncadd.s32 $0xFFFFFFD8  }
0x52: {  	[tilespmem:s23], [sflag:$0xC] =	stream.indirect.gather [hbm4b:s4+s10], $0x80, s14, s10, $0xb8;
	[tilespmem:$0x1A180] =	vst v63  }
0x53: {  	_ =	swait.ge [sflag:s24], $0x28  }
0x54: {  	[sflag:s24] =	ssyncset.done $0x0  }
0x55: {  	s25 =	simm.s32 $0x16080;
	[sflag:s24] =	ssyncadd.s32 $0xFFFFFFD8  }
0x56: {  	[tilespmem:s25], [sflag:$0xD] =	stream.indirect.gather [hbm4b:s4+s10], $0x80, s18, s10, $0xb8;
	[tilespmem:$0x1A180] =	vst v63  }
0x57: {  	_ =	swait.ge [sflag:s26], $0x28  }
0x58: {  	[sflag:s26] =	ssyncset.done $0x0  }
0x59: {  	s28 =	simm.s32 $0x17480;
	[sflag:s26] =	ssyncadd.s32 $0xFFFFFFD8  }
0x5a: {  	[tilespmem:s28], [sflag:$0xE] =	stream.indirect.gather [hbm4b:s4+s10], $0x80, s21, s10, $0xb8;
	[tilespmem:$0x1A180] =	vst v63  }
0x5b: {  	_ =	swait.ge [sflag:s29], $0x28  }
0x5c: {  	[sflag:s29] =	ssyncset.done $0x0  }
0x5d: {  	s8 =	simm.s32 $0xB;
	s0 =	simm.s32 $0x18880;
	[sflag:s29] =	ssyncadd.s32 $0xFFFFFFD8  }
0x5e: {  	[tilespmem:s0], [sflag:$0xF] =	stream.indirect.gather [hbm4b:s4+s10], $0x80, s7, s10, $0xb8;
	[tilespmem:$0x1A180] =	vst v63  }
0x5f: {  	_ =	swait.ge [sflag:s8], $0x1400  }
0x60: {  	[sflag:s8] =	ssyncset.done $0x0  }
0x61: {  	s11 =	simm.s32 $0x6;
	[sflag:s8] =	ssyncadd.s32 $0xFFFFEC00  }
0x62: {  	_ =	swait.ge [sflag:s11], $0x28  }
0x63: {  	[sflag:s11] =	ssyncset.done $0x0  }
0x64: {  	[sflag:s11] =	ssyncadd.s32 $0xFFFFFFD8;
	s11 =	rddreg [dreg:$0x1b]  }
0x65: {  	s3 =	sshrl.u32 s11, $0x3  }
0x66: {  	[spmem:s1] =	stream.indirect.scatter.add.f32 [tilespmem:s6], [sflag:$0x10], $0x80, s12, s10, $0xb8;
	[tilespmem:$0x1A180] =	vst v63  }
0x67: {  	s8 =	sadd.s32 s15, s3  }
0x68: {  	[tilespmem:s9], [sflag:$0x1] =	stream.linear.gather [hbm4b:s8+s2], $0x28, $0x38;
	[tilespmem:$0x1A180] =	vst v63  }
0x69: {  	s3 =	sadd.s32 s19, s3  }
0x6a: {  	[tilespmem:s12], [sflag:$0x6] =	stream.linear.gather [hbm4b:s3+s2], $0x28, $0x38;
	[tilespmem:$0x1A180] =	vst v63  }
0x6b: {  	s12 =	simm.s32 $0x10  }
0x6c: {  	_ =	swait.ge [sflag:s12], $0x1400  }
0x6d: {  	[sflag:s12] =	ssyncset.done $0x0  }
0x6e: {  	[sflag:s12] =	ssyncadd.s32 $0xFFFFEC00  }
0x6f: {  	_ =	swait.ge [sflag:s5], $0x28  }
0x70: {  	[sflag:s5] =	ssyncset.done $0x0  }
0x71: {  	s8 =	simm.s32 $0xC;
	[sflag:s5] =	ssyncadd.s32 $0xFFFFFFD8  }
0x72: {  	[tilespmem:s6], [sflag:$0xB] =	stream.indirect.gather [hbm4b:s4+s10], $0x80, s9, s10, $0xb8;
	[tilespmem:$0x1A180] =	vst v63  }
0x73: {  	_ =	swait.ge [sflag:s8], $0x1400  }
0x74: {  	[sflag:s8] =	ssyncset.done $0x0  }
0x75: {  	s9 =	simm.s32 $0x7;
	[sflag:s8] =	ssyncadd.s32 $0xFFFFEC00  }
0x76: {  	_ =	swait.ge [sflag:s9], $0x28  }
0x77: {  	[sflag:s9] =	ssyncset.done $0x0  }
0x78: {  	s12 =	rddreg [dreg:$0xa];
	[sflag:s9] =	ssyncadd.s32 $0xFFFFFFD8  }
0x79: {  	[spmem:s1] =	stream.indirect.scatter.add.f32 [tilespmem:s23], [sflag:$0x11], $0x80, s13, s10, $0xb8;
	[tilespmem:$0x1A180] =	vst v63  }
0x7a: {  	s6 =	rddreg [dreg:$0x9];
	s3 =	sadd.s32 $0x0, s12  }
0x7b: {  	[tilespmem:s14], [sflag:$0x2] =	stream.linear.gather [hbm4b:s3+s2], $0x28, $0x38;
	[tilespmem:$0x1A180] =	vst v63  }
0x7c: {  	s9 =	sadd.s32 $0x0, s6;
	s12 =	simm.s32 $0x11  }
0x7d: {  	[tilespmem:s13], [sflag:$0x7] =	stream.linear.gather [hbm4b:s9+s2], $0x28, $0x38;
	[tilespmem:$0x1A180] =	vst v63  }
0x7e: {  	_ =	swait.ge [sflag:s12], $0x1400  }
0x7f: {  	[sflag:s12] =	ssyncset.done $0x0  }
0x80: {  	[sflag:s12] =	ssyncadd.s32 $0xFFFFEC00  }
0x81: {  	_ =	swait.ge [sflag:s22], $0x28  }
0x82: {  	[sflag:s22] =	ssyncset.done $0x0  }
0x83: {  	s13 =	simm.s32 $0xD;
	[sflag:s22] =	ssyncadd.s32 $0xFFFFFFD8  }
0x84: {  	[tilespmem:s23], [sflag:$0xC] =	stream.indirect.gather [hbm4b:s4+s10], $0x80, s14, s10, $0xb8;
	[tilespmem:$0x1A180] =	vst v63  }
0x85: {  	_ =	swait.ge [sflag:s13], $0x1400  }
0x86: {  	[sflag:s13] =	ssyncset.done $0x0  }
0x87: {  	s14 =	simm.s32 $0x8;
	[sflag:s13] =	ssyncadd.s32 $0xFFFFEC00  }
0x88: {  	_ =	swait.ge [sflag:s14], $0x28  }
0x89: {  	[sflag:s14] =	ssyncset.done $0x0  }
0x8a: {  	s22 =	rddreg [dreg:$0x8];
	[sflag:s14] =	ssyncadd.s32 $0xFFFFFFD8  }
0x8b: {  	[spmem:s1] =	stream.indirect.scatter.add.f32 [tilespmem:s25], [sflag:$0x12], $0x80, s16, s10, $0xb8;
	[tilespmem:$0x1A180] =	vst v63  }
0x8c: {  	s23 =	rddreg [dreg:$0x7];
	s3 =	sadd.s32 $0x0, s22  }
0x8d: {  	[tilespmem:s18], [sflag:$0x3] =	stream.linear.gather [hbm4b:s3+s2], $0x28, $0x38;
	[tilespmem:$0x1A180] =	vst v63  }
0x8e: {  	s8 =	simm.s32 $0x12;
	s6 =	sadd.s32 $0x0, s23  }
0x8f: {  	[tilespmem:s16], [sflag:$0x8] =	stream.linear.gather [hbm4b:s6+s2], $0x28, $0x38;
	[tilespmem:$0x1A180] =	vst v63  }
0x90: {  	_ =	swait.ge [sflag:s8], $0x1400  }
0x91: {  	[sflag:s8] =	ssyncset.done $0x0  }
0x92: {  	[sflag:s8] =	ssyncadd.s32 $0xFFFFEC00  }
0x93: {  	_ =	swait.ge [sflag:s24], $0x28  }
0x94: {  	[sflag:s24] =	ssyncset.done $0x0  }
0x95: {  	s9 =	simm.s32 $0xE;
	[sflag:s24] =	ssyncadd.s32 $0xFFFFFFD8  }
0x96: {  	[tilespmem:s25], [sflag:$0xD] =	stream.indirect.gather [hbm4b:s4+s10], $0x80, s18, s10, $0xb8;
	[tilespmem:$0x1A180] =	vst v63  }
0x97: {  	_ =	swait.ge [sflag:s9], $0x1400  }
0x98: {  	[sflag:s9] =	ssyncset.done $0x0  }
0x99: {  	s12 =	simm.s32 $0x9;
	[sflag:s9] =	ssyncadd.s32 $0xFFFFEC00  }
0x9a: {  	_ =	swait.ge [sflag:s12], $0x28  }
0x9b: {  	[sflag:s12] =	ssyncset.done $0x0  }
0x9c: {  	s13 =	rddreg [dreg:$0x6];
	[sflag:s12] =	ssyncadd.s32 $0xFFFFFFD8  }
0x9d: {  	[spmem:s1] =	stream.indirect.scatter.add.f32 [tilespmem:s28], [sflag:$0x13], $0x80, s17, s10, $0xb8;
	[tilespmem:$0x1A180] =	vst v63  }
0x9e: {  	s14 =	rddreg [dreg:$0x5];
	s3 =	sadd.s32 $0x0, s13  }
0x9f: {  	[tilespmem:s21], [sflag:$0x4] =	stream.linear.gather [hbm4b:s3+s2], $0x28, $0x38;
	[tilespmem:$0x1A180] =	vst v63  }
0xa0: {  	s18 =	simm.s32 $0x13;
	s16 =	sadd.s32 $0x0, s14  }
0xa1: {  	[tilespmem:s17], [sflag:$0x9] =	stream.linear.gather [hbm4b:s16+s2], $0x28, $0x38;
	[tilespmem:$0x1A180] =	vst v63  }
0xa2: {  	_ =	swait.ge [sflag:s18], $0x1400  }
0xa3: {  	[sflag:s18] =	ssyncset.done $0x0  }
0xa4: {  	[sflag:s18] =	ssyncadd.s32 $0xFFFFEC00  }
0xa5: {  	_ =	swait.ge [sflag:s26], $0x28  }
0xa6: {  	[sflag:s26] =	ssyncset.done $0x0  }
0xa7: {  	s22 =	simm.s32 $0xF;
	[sflag:s26] =	ssyncadd.s32 $0xFFFFFFD8  }
0xa8: {  	[tilespmem:s28], [sflag:$0xE] =	stream.indirect.gather [hbm4b:s4+s10], $0x80, s21, s10, $0xb8;
	[tilespmem:$0x1A180] =	vst v63  }
0xa9: {  	_ =	swait.ge [sflag:s22], $0x1400  }
0xaa: {  	[sflag:s22] =	ssyncset.done $0x0  }
0xab: {  	s23 =	simm.s32 $0xA;
	[sflag:s22] =	ssyncadd.s32 $0xFFFFEC00  }
0xac: {  	_ =	swait.ge [sflag:s23], $0x28  }
0xad: {  	[sflag:s23] =	ssyncset.done $0x0  }
0xae: {  	s24 =	rddreg [dreg:$0x4];
	[sflag:s23] =	ssyncadd.s32 $0xFFFFFFD8  }
0xaf: {  	[spmem:s1] =	stream.indirect.scatter.add.f32 [tilespmem:s0], [sflag:$0x14], $0x80, s20, s10, $0xb8;
	[tilespmem:$0x1A180] =	vst v63  }
0xb0: {  	s25 =	rddreg [dreg:$0x3];
	s3 =	sadd.s32 $0x0, s24  }
0xb1: {  	[tilespmem:s7], [sflag:$0x5] =	stream.linear.gather [hbm4b:s3+s2], $0x28, $0x38;
	[tilespmem:$0x1A180] =	vst v63  }
0xb2: {  	s28 =	simm.s32 $0x14;
	s26 =	sadd.s32 $0x0, s25  }
0xb3: {  	[tilespmem:s20], [sflag:$0xA] =	stream.linear.gather [hbm4b:s26+s2], $0x28, $0x38;
	[tilespmem:$0x1A180] =	vst v63  }
0xb4: {  	_ =	swait.ge [sflag:s28], $0x1400  }
0xb5: {  	[sflag:s28] =	ssyncset.done $0x0  }
0xb6: {  	[sflag:s28] =	ssyncadd.s32 $0xFFFFEC00  }
0xb7: {  	s8 =	sadd.s32 $0xC8, s11;
	s9 =	simm.s32 $0x19C80;
	_ =	swait.ge [sflag:s29], $0x28  }
0xb8: {  	s24 =	simm.s32 $0x2;
	s3 =	simm.s32 $0x19;
	[sflag:s29] =	ssyncset.done $0x0  }
0xb9: {  	s26 =	simm.s32 $0x3;
	[sflag:s29] =	ssyncadd.s32 $0xFFFFFFD8;
	s29 =	simm.s32 $0x4  }
.LBB2_2:
0xba: {  	s23 =	simm.s32 $0x19E80;
	s0 =	simm.s32 $0x18880;
	s6 =	simm.s32 $0xB  }
0xbb: {  	[tilespmem:s0], [sflag:$0xF] =	stream.indirect.gather [hbm4b:s4+s10], $0x80, s23, s10, $0xb8;
	[tilespmem:$0x1A180] =	vst v63  }
0xbc: {  	_ =	swait.ge [sflag:s6], $0x1400  }
0xbd: {  	[sflag:s6] =	ssyncset.done $0x0  }
0xbe: {  	s7 =	simm.s32 $0x6;
	[sflag:s6] =	ssyncadd.s32 $0xFFFFEC00  }
0xbf: {  	_ =	swait.ge [sflag:s7], $0x28  }
0xc0: {  	s13 =	sshrl.u32 s8, $0x3;
	[sflag:s7] =	ssyncset.done $0x0  }
0xc1: {  	s14 =	simm.s32 $0x19F00;
	[sflag:s7] =	ssyncadd.s32 $0xFFFFFFD8;
	s7 =	simm.s32 $0x13880  }
0xc2: {  	[spmem:s1] =	stream.indirect.scatter.add.f32 [tilespmem:s7], [sflag:$0x10], $0x80, s14, s10, $0xb8;
	[tilespmem:$0x1A180] =	vst v63  }
0xc3: {  	s12 =	sadd.s32 s15, s13  }
0xc4: {  	[tilespmem:s9], [sflag:$0x1] =	stream.linear.gather [hbm4b:s12+s2], $0x28, $0x38;
	[tilespmem:$0x1A180] =	vst v63  }
0xc5: {  	s17 =	smov.u32 s15;
	s13 =	sadd.s32 s19, s13;
	s15 =	simm.s32 $0x10  }
0xc6: {  	[tilespmem:s14], [sflag:$0x6] =	stream.linear.gather [hbm4b:s13+s2], $0x28, $0x38;
	[tilespmem:$0x1A180] =	vst v63  }
0xc7: {  	_ =	swait.ge [sflag:s15], $0x1400  }
0xc8: {  	[sflag:s15] =	ssyncset.done $0x0  }
0xc9: {  	[sflag:s15] =	ssyncadd.s32 $0xFFFFEC00  }
0xca: {  	_ =	swait.ge [sflag:s5], $0x28  }
0xcb: {  	[sflag:s5] =	ssyncset.done $0x0  }
0xcc: {  	s16 =	simm.s32 $0xC;
	[sflag:s5] =	ssyncadd.s32 $0xFFFFFFD8  }
0xcd: {  	[tilespmem:s7], [sflag:$0xB] =	stream.indirect.gather [hbm4b:s4+s10], $0x80, s9, s10, $0xb8;
	[tilespmem:$0x1A180] =	vst v63  }
0xce: {  	_ =	swait.ge [sflag:s16], $0x1400  }
0xcf: {  	[sflag:s16] =	ssyncset.done $0x0  }
0xd0: {  	s18 =	simm.s32 $0x7;
	[sflag:s16] =	ssyncadd.s32 $0xFFFFEC00  }
0xd1: {  	_ =	swait.ge [sflag:s18], $0x28  }
0xd2: {  	s11 =	smov.u32 s3;
	s22 =	simm.s32 $0x14C80;
	[sflag:s18] =	ssyncset.done $0x0  }
0xd3: {  	s20 =	rddreg [dreg:$0xa];
	[sflag:s18] =	ssyncadd.s32 $0xFFFFFFD8;
	s18 =	simm.s32 $0x19F80  }
0xd4: {  	[spmem:s1] =	stream.indirect.scatter.add.f32 [tilespmem:s22], [sflag:$0x11], $0x80, s18, s10, $0xb8;
	[tilespmem:$0x1A180] =	vst v63  }
0xd5: {  	s14 =	simm.s32 $0x19D00;
	s21 =	rddreg [dreg:$0x9];
	s13 =	sadd.s32 s11, s20  }
0xd6: {  	[tilespmem:s14], [sflag:$0x2] =	stream.linear.gather [hbm4b:s13+s2], $0x28, $0x38;
	[tilespmem:$0x1A180] =	vst v63  }
0xd7: {  	s15 =	simm.s32 $0x11;
	s7 =	sadd.s32 s11, s21  }
0xd8: {  	[tilespmem:s18], [sflag:$0x7] =	stream.linear.gather [hbm4b:s7+s2], $0x28, $0x38;
	[tilespmem:$0x1A180] =	vst v63  }
0xd9: {  	_ =	swait.ge [sflag:s15], $0x1400  }
0xda: {  	[sflag:s15] =	ssyncset.done $0x0  }
0xdb: {  	[sflag:s15] =	ssyncadd.s32 $0xFFFFEC00  }
0xdc: {  	_ =	swait.ge [sflag:s24], $0x28  }
0xdd: {  	[sflag:s24] =	ssyncset.done $0x0  }
0xde: {  	s20 =	simm.s32 $0xD;
	[sflag:s24] =	ssyncadd.s32 $0xFFFFFFD8  }
0xdf: {  	[tilespmem:s22], [sflag:$0xC] =	stream.indirect.gather [hbm4b:s4+s10], $0x80, s14, s10, $0xb8;
	[tilespmem:$0x1A180] =	vst v63  }
0xe0: {  	_ =	swait.ge [sflag:s20], $0x1400  }
0xe1: {  	[sflag:s20] =	ssyncset.done $0x0  }
0xe2: {  	s21 =	simm.s32 $0x8;
	[sflag:s20] =	ssyncadd.s32 $0xFFFFEC00  }
0xe3: {  	_ =	swait.ge [sflag:s21], $0x28  }
0xe4: {  	s5 =	simm.s32 $0x16080;
	[sflag:s21] =	ssyncset.done $0x0  }
0xe5: {  	s22 =	rddreg [dreg:$0x8];
	[sflag:s21] =	ssyncadd.s32 $0xFFFFFFD8;
	s21 =	simm.s32 $0x1A000  }
0xe6: {  	[spmem:s1] =	stream.indirect.scatter.add.f32 [tilespmem:s5], [sflag:$0x12], $0x80, s21, s10, $0xb8;
	[tilespmem:$0x1A180] =	vst v63  }
0xe7: {  	s18 =	simm.s32 $0x19D80;
	s7 =	rddreg [dreg:$0x7];
	s13 =	sadd.s32 s11, s22  }
0xe8: {  	[tilespmem:s18], [sflag:$0x3] =	stream.linear.gather [hbm4b:s13+s2], $0x28, $0x38;
	[tilespmem:$0x1A180] =	vst v63  }
0xe9: {  	s15 =	sadd.s32 s11, s7;
	s22 =	simm.s32 $0x12  }
0xea: {  	[tilespmem:s21], [sflag:$0x8] =	stream.linear.gather [hbm4b:s15+s2], $0x28, $0x38;
	[tilespmem:$0x1A180] =	vst v63  }
0xeb: {  	_ =	swait.ge [sflag:s22], $0x1400  }
0xec: {  	[sflag:s22] =	ssyncset.done $0x0  }
0xed: {  	[sflag:s22] =	ssyncadd.s32 $0xFFFFEC00  }
0xee: {  	_ =	swait.ge [sflag:s26], $0x28  }
0xef: {  	[sflag:s26] =	ssyncset.done $0x0  }
0xf0: {  	s7 =	simm.s32 $0xE;
	[sflag:s26] =	ssyncadd.s32 $0xFFFFFFD8  }
0xf1: {  	[tilespmem:s5], [sflag:$0xD] =	stream.indirect.gather [hbm4b:s4+s10], $0x80, s18, s10, $0xb8;
	[tilespmem:$0x1A180] =	vst v63  }
0xf2: {  	_ =	swait.ge [sflag:s7], $0x1400  }
0xf3: {  	[sflag:s7] =	ssyncset.done $0x0  }
0xf4: {  	s13 =	simm.s32 $0x9;
	[sflag:s7] =	ssyncadd.s32 $0xFFFFEC00  }
0xf5: {  	_ =	swait.ge [sflag:s13], $0x28  }
0xf6: {  	s5 =	simm.s32 $0x17480;
	[sflag:s13] =	ssyncset.done $0x0  }
0xf7: {  	s7 =	simm.s32 $0x1A080;
	s15 =	rddreg [dreg:$0x6];
	[sflag:s13] =	ssyncadd.s32 $0xFFFFFFD8  }
0xf8: {  	[spmem:s1] =	stream.indirect.scatter.add.f32 [tilespmem:s5], [sflag:$0x13], $0x80, s7, s10, $0xb8;
	[tilespmem:$0x1A180] =	vst v63  }
0xf9: {  	s21 =	simm.s32 $0x19E00;
	s22 =	rddreg [dreg:$0x5];
	s13 =	sadd.s32 s11, s15  }
0xfa: {  	[tilespmem:s21], [sflag:$0x4] =	stream.linear.gather [hbm4b:s13+s2], $0x28, $0x38;
	[tilespmem:$0x1A180] =	vst v63  }
0xfb: {  	s15 =	sadd.s32 s11, s22  }
0xfc: {  	[tilespmem:s7], [sflag:$0x9] =	stream.linear.gather [hbm4b:s15+s2], $0x28, $0x38;
	[tilespmem:$0x1A180] =	vst v63  }
0xfd: {  	s15 =	simm.s32 $0x13  }
0xfe: {  	_ =	swait.ge [sflag:s15], $0x1400  }
0xff: {  	[sflag:s15] =	ssyncset.done $0x0  }
0x100: {  	[sflag:s15] =	ssyncadd.s32 $0xFFFFEC00  }
0x101: {  	_ =	swait.ge [sflag:s29], $0x28  }
0x102: {  	[sflag:s29] =	ssyncset.done $0x0  }
0x103: {  	s13 =	simm.s32 $0xF;
	[sflag:s29] =	ssyncadd.s32 $0xFFFFFFD8  }
0x104: {  	[tilespmem:s5], [sflag:$0xE] =	stream.indirect.gather [hbm4b:s4+s10], $0x80, s21, s10, $0xb8;
	[tilespmem:$0x1A180] =	vst v63  }
0x105: {  	_ =	swait.ge [sflag:s13], $0x1400  }
0x106: {  	[sflag:s13] =	ssyncset.done $0x0  }
0x107: {  	s15 =	simm.s32 $0xA;
	[sflag:s13] =	ssyncadd.s32 $0xFFFFEC00  }
0x108: {  	_ =	swait.ge [sflag:s15], $0x28  }
0x109: {  	p1 =	sne.s32 s3, $0x4B0;
	[sflag:s15] =	ssyncset.done $0x0  }
0x10a: {  	s5 =	simm.s32 $0x1A100;
	s7 =	rddreg [dreg:$0x4];
	[sflag:s15] =	ssyncadd.s32 $0xFFFFFFD8  }
0x10b: {  	[spmem:s1] =	stream.indirect.scatter.add.f32 [tilespmem:s0], [sflag:$0x14], $0x80, s5, s10, $0xb8;
	[tilespmem:$0x1A180] =	vst v63  }
0x10c: {  	s3 =	sadd.s32 $0x19, s3;
	s15 =	rddreg [dreg:$0x3];
	s13 =	sadd.s32 s11, s7  }
0x10d: {  	[tilespmem:s23], [sflag:$0x5] =	stream.linear.gather [hbm4b:s13+s2], $0x28, $0x38;
	[tilespmem:$0x1A180] =	vst v63  }
0x10e: {  	s25 =	simm.s32 $0x14C80;
	s11 =	sadd.s32 s11, s15;
	s23 =	simm.s32 $0x14  }
0x10f: {  	[tilespmem:s5], [sflag:$0xA] =	stream.linear.gather [hbm4b:s11+s2], $0x28, $0x38;
	[tilespmem:$0x1A180] =	vst v63  }
0x110: {  	s28 =	simm.s32 $0x16080;
	s8 =	sadd.s32 $0xC8, s8;
	_ =	swait.ge [sflag:s23], $0x1400  }
.Ltmp0:
0x111: {  	s6 =	simm.s32 $0x13880;
	[sflag:s23] =	ssyncset.done $0x0;
	(pc) =	sbr.rel @p1 .LBB2_2-.Ltmp0, $4  }
0x112: {  	s12 =	simm.s32 $0x19F00;
	s16 =	simm.s32 $0x19F80;
	[sflag:s23] =	ssyncadd.s32 $0xFFFFEC00  }
0x113: {  	s20 =	simm.s32 $0x1A000;
	s22 =	simm.s32 $0x1A080;
	_ =	swait.ge [sflag:s31], $0x28  }
0x114: {  	s7 =	simm.s32 $0x19E80;
	s15 =	smov.u32 s17;
	[sflag:s31] =	ssyncset.done $0x0  }
0x115: {  	s13 =	simm.s32 $0x1A100;
	s5 =	simm.s32 $0x1;
	[sflag:s31] =	ssyncadd.s32 $0xFFFFFFD8  }
0x116: {  	s0 =	simm.s32 $0x18880;
	s3 =	simm.s32 $0xB  }
0x117: {  	[tilespmem:s0], [sflag:$0xF] =	stream.indirect.gather [hbm4b:s4+s10], $0x80, s7, s10, $0xb8;
	[tilespmem:$0x1A180] =	vst v63  }
0x118: {  	_ =	swait.ge [sflag:s3], $0x1400  }
0x119: {  	[sflag:s3] =	ssyncset.done $0x0  }
0x11a: {  	s26 =	simm.s32 $0x6;
	[sflag:s3] =	ssyncadd.s32 $0xFFFFEC00  }
0x11b: {  	_ =	swait.ge [sflag:s26], $0x28  }
0x11c: {  	[sflag:s26] =	ssyncset.done $0x0  }
0x11d: {  	[sflag:s26] =	ssyncadd.s32 $0xFFFFFFD8  }
0x11e: {  	[spmem:s1] =	stream.indirect.scatter.add.f32 [tilespmem:s6], [sflag:$0x10], $0x80, s12, s10, $0xb8;
	[tilespmem:$0x1A180] =	vst v63  }
0x11f: {  	s6 =	simm.s32 $0x10  }
0x120: {  	_ =	swait.ge [sflag:s6], $0x1400  }
0x121: {  	[sflag:s6] =	ssyncset.done $0x0  }
0x122: {  	s7 =	simm.s32 $0xC;
	[sflag:s6] =	ssyncadd.s32 $0xFFFFEC00  }
0x123: {  	_ =	swait.ge [sflag:s7], $0x1400  }
0x124: {  	[sflag:s7] =	ssyncset.done $0x0  }
0x125: {  	s8 =	simm.s32 $0x7;
	[sflag:s7] =	ssyncadd.s32 $0xFFFFEC00  }
0x126: {  	_ =	swait.ge [sflag:s8], $0x28  }
0x127: {  	[sflag:s8] =	ssyncset.done $0x0  }
0x128: {  	s9 =	simm.s32 $0x11;
	[sflag:s8] =	ssyncadd.s32 $0xFFFFFFD8  }
0x129: {  	[spmem:s1] =	stream.indirect.scatter.add.f32 [tilespmem:s25], [sflag:$0x11], $0x80, s16, s10, $0xb8;
	[tilespmem:$0x1A180] =	vst v63  }
0x12a: {  	_ =	swait.ge [sflag:s9], $0x1400  }
0x12b: {  	[sflag:s9] =	ssyncset.done $0x0  }
0x12c: {  	s11 =	simm.s32 $0xD;
	[sflag:s9] =	ssyncadd.s32 $0xFFFFEC00  }
0x12d: {  	_ =	swait.ge [sflag:s11], $0x1400  }
0x12e: {  	[sflag:s11] =	ssyncset.done $0x0  }
0x12f: {  	s12 =	simm.s32 $0x8;
	[sflag:s11] =	ssyncadd.s32 $0xFFFFEC00  }
0x130: {  	_ =	swait.ge [sflag:s12], $0x28  }
0x131: {  	[sflag:s12] =	ssyncset.done $0x0  }
0x132: {  	s16 =	simm.s32 $0x12;
	[sflag:s12] =	ssyncadd.s32 $0xFFFFFFD8  }
0x133: {  	[spmem:s1] =	stream.indirect.scatter.add.f32 [tilespmem:s28], [sflag:$0x12], $0x80, s20, s10, $0xb8;
	[tilespmem:$0x1A180] =	vst v63  }
0x134: {  	_ =	swait.ge [sflag:s16], $0x1400  }
0x135: {  	[sflag:s16] =	ssyncset.done $0x0  }
0x136: {  	s17 =	simm.s32 $0xE;
	[sflag:s16] =	ssyncadd.s32 $0xFFFFEC00  }
0x137: {  	_ =	swait.ge [sflag:s17], $0x1400  }
0x138: {  	[sflag:s17] =	ssyncset.done $0x0  }
0x139: {  	s20 =	simm.s32 $0x9;
	[sflag:s17] =	ssyncadd.s32 $0xFFFFEC00  }
0x13a: {  	_ =	swait.ge [sflag:s20], $0x28  }
0x13b: {  	[sflag:s20] =	ssyncset.done $0x0  }
0x13c: {  	[sflag:s20] =	ssyncadd.s32 $0xFFFFFFD8  }
0x13d: {  	[spmem:s1] =	stream.indirect.scatter.add.f32 [tilespmem:s30], [sflag:$0x13], $0x80, s22, s10, $0xb8;
	[tilespmem:$0x1A180] =	vst v63  }
0x13e: {  	s22 =	simm.s32 $0x13  }
0x13f: {  	_ =	swait.ge [sflag:s22], $0x1400  }
0x140: {  	[sflag:s22] =	ssyncset.done $0x0  }
0x141: {  	s23 =	simm.s32 $0xF;
	[sflag:s22] =	ssyncadd.s32 $0xFFFFEC00  }
0x142: {  	_ =	swait.ge [sflag:s23], $0x1400  }
0x143: {  	[sflag:s23] =	ssyncset.done $0x0  }
0x144: {  	s24 =	simm.s32 $0xA;
	[sflag:s23] =	ssyncadd.s32 $0xFFFFEC00  }
0x145: {  	_ =	swait.ge [sflag:s24], $0x28  }
0x146: {  	[sflag:s24] =	ssyncset.done $0x0  }
0x147: {  	s25 =	simm.s32 $0x14;
	[sflag:s24] =	ssyncadd.s32 $0xFFFFFFD8  }
0x148: {  	[spmem:s1] =	stream.indirect.scatter.add.f32 [tilespmem:s0], [sflag:$0x14], $0x80, s13, s10, $0xb8;
	[tilespmem:$0x1A180] =	vst v63  }
0x149: {  	_ =	swait.ge [sflag:s25], $0x1400  }
0x14a: {  	[sflag:s25] =	ssyncset.done $0x0  }
0x14b: {  	[sflag:s25] =	ssyncadd.s32 $0xFFFFEC00  }
0x14c: {  	[bflag:$0x0] =	sbarrier.arrive $0xFFFF  }
0x14d: {  	s8 =	rddreg [dreg:$0x19]  }
0x14e: {  	s3 =	simm.s32 @p0 $0x1FD5;
	s0 =	rddreg [dreg:$0x1d]  }
0x14f: {  	[hbm:s8], [sflag:s3] =	dma.local @p0 [spmem:s0], $0x2080  }
0x150: {  	s3 =	simm.s32 @p0 $0x15  }
0x151: {  	_ =	swait.ge @p0 [sflag:s3], $0x2080  }
0x152: {  	s0 =	rddreg [dreg:$0x1e]  }
0x153: {  	[sflag:s3] =	ssyncset.done @p0 $0x0;
	s6 =	rddreg [dreg:$0x1f]  }
0x154: {  	[sflag:s3] =	ssyncadd.s32 @p0 $0xFFFFDF80;
	s3 =	rddreg [dreg:$0x16]  }
0x155: {  	[hbm:s3], [sflag:s0] =	dma.local @!p0 [spmem:s6], $0x2780  }
0x156: {  	s3 =	simm.s32 @!p0 $0x15  }
0x157: {  	_ =	swait.ge @!p0 [sflag:s3], $0x2780  }
0x158: {  	s26 =	rddreg [dreg:$0x1c]  }
0x159: {  	s28 =	rddreg [dreg:$0x1a];
	s0 =	sadd.s32 $0x1, s26  }
0x15a: {  	p1 =	sne.s32 s0, s28  }
.Ltmp1:
0x15b: {  	_ = 	snop;
	(pc) =	sbr.rel @p1 .LBB2_1-.Ltmp1, $4  }
0x15c: {  	_ = 	snop  }
0x15d: {  	s29 =	simm.s32 $0x5  }
0x15e: {  	s9 =	simm.s32 $0x19C80;
	s22 =	simm.s32 $0x2;
	[sflag:s3] =	ssyncset.done @!p0 $0x0  }
0x15f: {  	s24 =	simm.s32 $0x3;
	[sflag:s3] =	ssyncadd.s32 @!p0 $0xFFFFD880;
	s26 =	simm.s32 $0x4  }
0x160: {  	_ =	sfence.sel $0x180000  }
0x161: {  	[bflag:$0x0] =	sbarrier.arrive $0xFFFF  }
0x162: {  	_ =	strace $0x9000004D  }
0x163: {  	s0 =	stileid.u32;
	[bflag:$0x2] =	sbarrier.arrive $0xFFFF  }
0x164: {  	p0 =	sne.s32 s0, $0x0;
	s0 =	rddreg [dreg:$0x2]  }
0x165: {  	s0 =	sadd.s32 @!p0 $0x100000, s0  }
0x166: {  	[sflag:s0] =	ssyncadd.tile.s32 @!p0 $0x1;
	_ =	shalt  }
.Lfunc_end2:
_tile_overlayer_lowered:
.L_overlay_start_2:
0x167: {  	(tag) =	ssettag $0x2  }
0x168: {  	s0 =	rddreg [dreg:$0x0];
	s2 =	stileid.u32  }
0x169: {  	s1 =	rddreg [dreg:$0x1];
	p0 =	sne.s32 s2, $0x0  }
0x16a: {  	s3 =	rddreg [dreg:$0x2];
	[bflag:$0x3] =	sbarrier.arrive $0xFFFF;
	s2 =	simm.s32 @!p0 $0x1C15  }
0x16b: {  	[timem:s3], [sflag:s2] =	dma.local @!p0 [hbm:s0], s1  }
0x16c: {  	s0 =	simm.s32 @!p0 $0x15  }
0x16d: {  	_ =	swait.ge @!p0 [sflag:s0], s1  }
0x16e: {  	s1 =	ssub.s32 @!p0 $0x0, s1;
	[sflag:s0] =	ssyncset.done @!p0 $0x0  }
0x16f: {  	[sflag:s0] =	ssyncadd.s32 @!p0 s1  }
0x170: {  	[bflag:$0x3] =	sbarrier.arrive $0xFFFF  }
0x171: {  	_ =	shalt  }

// kernel: kernel.19.cloned.1.call-start
scs
__scs_entry_jumppad:
0x0: {  	(pc) =	sbr.rel $0x88, $3  }
0x1: {  	(tag) =	ssettag $0x0;
	lr =	simm.s32 $0x1  }
0x2: {  	[smem:$0x3F89] =	sst lr;
	_ =	strace $0xD0000000  }
0x3: {  	_ = 	snop  }
0x4: {  	_ = 	snop  }
0x5: {  	_ = 	snop  }
0x6: {  	_ = 	snop  }
0x7: {  	_ = 	snop  }
__scs_overlays_trampoline_lowered:
0x8: {  	[smem:$0x3F98] =	sst s0  }
0x9: {  	[smem:$0x3F99] =	sst s1  }
0xa: {  	[smem:$0x3F9A] =	sst s2  }
0xb: {  	[smem:$0x3F9B] =	sst s3  }
0xc: {  	[smem:$0x3F9C] =	sst s4  }
0xd: {  	[smem:$0x3F9D] =	sst s5  }
0xe: {  	[smem:$0x3F9E] =	sst s6  }
0xf: {  	[smem:$0x3F9F] =	sst s7  }
0x10: {  	[smem:$0x3FA0] =	sst s8  }
0x11: {  	[smem:$0x3FA1] =	sst s9;
	s0 =	simm.s32 @!p0 $0x0  }
0x12: {  	s1 =	sld [smem:$0x3F87];
	s0 =	simm.s32 @p0 $0x1  }
0x13: {  	[smem:$0x3FA2] =	sst s0;
	s0 =	simm.s32 @!p1 $0x0  }
0x14: {  	s2 =	sld [smem:$0x3F86];
	s0 =	simm.s32 @p1 $0x1  }
0x15: {  	[smem:$0x3FA3] =	sst s0;
	s0 =	simm.s32 @!p2 $0x0  }
0x16: {  	s3 =	sld [smem:$0x3FDB];
	s0 =	simm.s32 @p2 $0x1  }
0x17: {  	s4 =	simm.s32 $0x1BF5;
	[smem:$0x3FA5] =	sst s0  }
0x18: {  	s0 =	sld [smem:$0x3F88];
	_ =	swait.ge [sflag:s4], $0x0  }
0x19: {  	s7 =	sld [smem:$0x3F89]  }
0x1a: {  	s8 =	sadd.s32 $0xFFFFE003, lr  }
0x1b: {  	s9 =	sadd.s32 $0xFFFFFEF7, lr;
	s5 =	simm.s32 $0xFFFFFFFF;
	p2 =	slt.u32 s8, $0xFFFFF086  }
0x1c: {  	p1 =	slt.u32 s9, $0xF7A;
	s5 =	simm.s32 @!p2 $0x0  }
0x1d: {  	s5 =	simm.s32 @p1 $0x1;
	p0 =	seq.s32 s7, s2  }
0x1e: {  	s7 =	smul.u32 @!p0 $0xF7A, s2;
	p2 =	seq.s32 @!p0 s5, $0x0  }
0x1f: {  	s9 =	smul.u32 $0xF7A, s1;
	s8 =	simm.s32 @!p0 $0x1BF5;
	p2 =	por !p2, p0  }
0x20: {  	[sflag:s8] =	ssyncset.s32 @!p0 $0xFFFFF086;
	s6 =	sadd.s32 @!p0 s3, s7;
	s7 =	simm.s32 @!p0 $0x108  }
0x21: {  	s3 =	sadd.s32 s3, s9;
	s6 =	sadd.s32 @!p0 $0x88, s6;
	s7 =	simm.s32 @p2 $0x1082  }
0x22: {  	[simem:s7], [sflag:s8] =	dma.local @!p0 [hbm:s6], $0xF7A  }
0x23: {  	s9 =	sor.u32 $0xD0000000, s2;
	s6 =	simm.s32 $0x108;
	_ =	swait.ge @!p0 [sflag:s8], $0x0  }
0x24: {  	s3 =	sadd.s32 $0x88, s3;
	s6 =	simm.s32 @!p1 $0x1082;
	[sflag:s4] =	ssyncset.s32 $0xFFFFF086  }
0x25: {  	[simem:s6], [sflag:s4] =	dma.local [hbm:s3], $0xF7A  }
0x26: {  	[smem:$0x3F89] =	sst s1;
	(tag) =	ssettag s2;
	_ =	strace s9  }
0x27: {  	s1 =	sld [smem:$0x3F99]  }
0x28: {  	s2 =	sld [smem:$0x3F9A]  }
0x29: {  	s4 =	sld [smem:$0x3F9C]  }
0x2a: {  	p0 =	seq.s32 s5, $0x0;
	s5 =	sld [smem:$0x3F9D]  }
0x2b: {  	s6 =	sld [smem:$0x3F9E]  }
0x2c: {  	s7 =	sld [smem:$0x3F9F]  }
0x2d: {  	s3 =	simm.s32 $0x108;
	s8 =	sld [smem:$0x3FA0]  }
0x2e: {  	s3 =	simm.s32 @!p0 $0x1082;
	s9 =	sld [smem:$0x3FA1]  }
0x2f: {  	lr =	sadd.s32 s0, s3;
	s0 =	sld [smem:$0x3F98]  }
0x30: {  	s3 =	sld [smem:$0x3F9B]  }
0x31: {  	[smem:$0x3FA4] =	sst s10  }
0x32: {  	s10 =	sld [smem:$0x3FA2];
	_ =	sdelay $0x3  }
0x33: {  	p0 =	seq.s32 s10, $0x1;
	s10 =	sld [smem:$0x3FA4];
	_ =	sdelay $0x3  }
0x34: {  	[smem:$0x3FA4] =	sst s10  }
0x35: {  	s10 =	sld [smem:$0x3FA3];
	_ =	sdelay $0x3  }
0x36: {  	p1 =	seq.s32 s10, $0x1;
	s10 =	sld [smem:$0x3FA4];
	_ =	sdelay $0x3  }
0x37: {  	[smem:$0x3FA4] =	sst s10  }
0x38: {  	s10 =	sld [smem:$0x3FA5]  }
0x39: {  	_ = 	snop;
	(pc) =	sbr.ind lr, $3  }
0x3a: {  	_ = 	snop  }
0x3b: {  	_ = 	snop  }
0x3c: {  	p2 =	seq.s32 s10, $0x1;
	s10 =	sld [smem:$0x3FA4]  }
0x3d: {  	_ =	shalt  }
0x3e: {  	_ =	shalt  }
0x3f: {  	_ =	shalt  }
0x40: {  	_ =	shalt  }
0x41: {  	_ =	shalt  }
0x42: {  	_ =	shalt  }
0x43: {  	_ =	shalt  }
0x44: {  	_ =	shalt  }
0x45: {  	_ =	shalt  }
0x46: {  	_ =	shalt  }
0x47: {  	_ =	shalt  }
0x48: {  	_ =	shalt  }
0x49: {  	_ =	shalt  }
0x4a: {  	_ =	shalt  }
0x4b: {  	_ =	shalt  }
0x4c: {  	_ =	shalt  }
0x4d: {  	_ =	shalt  }
0x4e: {  	_ =	shalt  }
0x4f: {  	_ =	shalt  }
0x50: {  	_ =	shalt  }
0x51: {  	_ =	shalt  }
0x52: {  	_ =	shalt  }
0x53: {  	_ =	shalt  }
0x54: {  	_ =	shalt  }
0x55: {  	_ =	shalt  }
0x56: {  	_ =	shalt  }
0x57: {  	_ =	shalt  }
0x58: {  	_ =	shalt  }
0x59: {  	_ =	shalt  }
0x5a: {  	_ =	shalt  }
0x5b: {  	_ =	shalt  }
0x5c: {  	_ =	shalt  }
0x5d: {  	_ =	shalt  }
0x5e: {  	_ =	shalt  }
0x5f: {  	_ =	shalt  }
0x60: {  	_ =	shalt  }
0x61: {  	_ =	shalt  }
0x62: {  	_ =	shalt  }
0x63: {  	_ =	shalt  }
0x64: {  	_ =	shalt  }
0x65: {  	_ =	shalt  }
0x66: {  	_ =	shalt  }
0x67: {  	_ =	shalt  }
0x68: {  	_ =	shalt  }
0x69: {  	_ =	shalt  }
0x6a: {  	_ =	shalt  }
0x6b: {  	_ =	shalt  }
0x6c: {  	_ =	shalt  }
0x6d: {  	_ =	shalt  }
0x6e: {  	_ =	shalt  }
0x6f: {  	_ =	shalt  }
0x70: {  	_ =	shalt  }
0x71: {  	_ =	shalt  }
0x72: {  	_ =	shalt  }
0x73: {  	_ =	shalt  }
0x74: {  	_ =	shalt  }
0x75: {  	_ =	shalt  }
0x76: {  	_ =	shalt  }
0x77: {  	_ =	shalt  }
0x78: {  	_ =	shalt  }
0x79: {  	_ =	shalt  }
0x7a: {  	_ =	shalt  }
0x7b: {  	_ =	shalt  }
0x7c: {  	_ =	shalt  }
0x7d: {  	_ =	shalt  }
0x7e: {  	_ =	shalt  }
0x7f: {  	_ =	shalt  }
0x80: {  	_ =	shalt  }
0x81: {  	_ =	shalt  }
0x82: {  	_ =	shalt  }
0x83: {  	_ =	shalt  }
0x84: {  	_ =	shalt  }
0x85: {  	_ =	shalt  }
0x86: {  	_ =	shalt  }
0x87: {  	_ =	shalt  }
.Lfunc_end0:
.L_simem_size_0:
called_computation.3_lowered:
.L_overlay_start_0:
0x88: {  	s2 =	sld [smem:$0x3FD9]  }
0x89: {  	s3 =	sld [smem:$0x3FFE];
	_ =	sdelay $0x1  }
0x8a: {  	s1 =	srdreg.scid  }
0x8b: {  	s0 =	sand.u32 $0x1, s1  }
0x8c: {  	s16 =	sshll.u32 s0, $0xA;
	s2 =	sadd.s32 s3, s2  }
0x8d: {  	s2 =	sadd.s32 s2, s16  }
0x8e: {  	[smem:$0x3FB0] =	sst s2  }
0x8f: {  	_ = 	snop  }
0x90: {  	(tm) =	ssettm $0x1  }
0x91: {  	s17 =	sld [smem:$0x3FFB];
	_ =	sdelay $0x3  }
0x92: {  	_ =	strace s17  }
0x93: {  	s2 =	sld [smem:$0x3FFC];
	_ =	sdelay $0x3  }
0x94: {  	_ =	strace s2  }
0x95: {  	s2 =	sld [smem:$0x3FFD];
	_ =	sdelay $0x3  }
0x96: {  	_ =	strace s2  }
0x97: {  	_ =	strace $0x8FFFFFFF  }
0x98: {  	s18 =	sld [smem:$0x3FDB];
	_ =	sdelay $0x1  }
0x99: {  	s19 =	simm.s32 $_scs_section_size  }
0x9a: {  	s4 =	simm.s32 $_size__tile_overlayer_lowered;
	s5 =	simm.s32 $_tile_overlayer_lowered  }
0x9b: {  	s22 =	simm.s32 $0x1BFF;
	s21 =	sshll.u32 s5, $0x1;
	s2 =	sadd.s32 s19, s18  }
0x9c: {  	s6 =	simm.s32 $0x0;
	s20 =	sshll.u32 s4, $0x1;
	s4 =	sadd.s32 s21, s2  }
0x9d: {  	[timem:s6], [sflag:s22] =	dma.local [hbm:s4], s20  }
0x9e: {  	_ =	swait.ge [sflag:s22], s20  }
0x9f: {  	s3 =	ssub.s32 $0x0, s20;
	[sflag:s22] =	ssyncset.done $0x0  }
0xa0: {  	[sflag:s22] =	ssyncadd.s32 s3;
	_ =	sdelay $0x1  }
0xa1: {  	s23 =	simm.s32 $0x1B8B  }
0xa2: {  	_ =	swait.ge [sflag:s23], $0x1  }
0xa3: {  	[sflag:s23] =	ssyncset.done $0x0  }
0xa4: {  	s25 =	simm.s32 $0x1B8E;
	s24 =	sld [smem:$0x3FFE];
	[sflag:s23] =	ssyncadd.s32 $0xFFFFFFFF  }
0xa5: {  	s26 =	simm.s32 $execute0_lowered;
	[smem:$0x3FD2] =	sst s25  }
0xa6: {  	s4 =	sshll.u32 s26, $0x1;
	_ =	strace $0x8000004F;
	[dreg:$0x1] =	wrdreg $0xFFFFFFFF  }
0xa7: {  	s28 =	simm.s32 $_size_execute0_lowered;
	s2 =	sadd.s32 s2, s4;
	[dreg:$0x0] =	wrdreg $0x0  }
0xa8: {  	s4 =	sshll.u32 s28, $0x1;
	[dreg:$0x2] =	wrdreg s2  }
0xa9: {  	[dreg:$0x3] =	wrdreg s4  }
0xaa: {  	[dreg:$0x4] =	wrdreg $0xC0  }
0xab: {  	_ =	task [dreg:s6], $0x5FFFF  }
0xac: {  	[dreg:$0x1] =	wrdreg $0xFFFFFFFF  }
0xad: {  	[dreg:$0x0] =	wrdreg $0x60  }
0xae: {  	[dreg:$0x2] =	wrdreg s24  }
0xaf: {  	[dreg:$0x3] =	wrdreg $0x0  }
0xb0: {  	[dreg:$0x4] =	wrdreg $0x9  }
0xb1: {  	_ =	task.clear_ibuf [dreg:s6], $0x5FFFF;
	_ =	strace $0x9000004F  }
0xb2: {  	s29 =	simm.s32 $0x9;
	_ =	strace $0x80000051  }
0xb3: {  	_ =	swait.ge [sflag:s29], $0x1  }
0xb4: {  	[sflag:s29] =	ssyncadd.s32 $0xFFFFFFFF  }
0xb5: {  	_ =	strace $0x90000051  }
0xb6: {  	_ =	sfence  }
0xb7: {  	s30 =	sld [smem:$0x0];
	_ =	sdelay $0x2  }
0xb8: {  	s31 =	sshll.u32 s1, $0xD;
	s1 =	sshrl.u32 s1, $0x2  }
0xb9: {  	s3 =	sand.u32 $0x4000, s31;
	s1 =	sadd.s32 s1, s30  }
0xba: {  	s0 =	sor.u32 s3, s0;
	s1 =	sshll.u32 s1, $0x11  }
0xbb: {  	s0 =	sor.u32 s1, s0  }
0xbc: {  	s0 =	sadd.s32 $0x8F2B, s0  }
0xbd: {  	[sflag:s0] =	ssyncadd.remote.s32 $0x1  }
0xbe: {  	_ =	sfence.sel $0xFFFF  }
0xbf: {  	[dreg:$0x0] =	wrdreg $0xFFFFFFFF;
	(pc) =	sbr.abs _section_cstart, $3  }
0xc0: {  	[dreg:$0x1] =	wrdreg $0xFFFFFFFF  }
0xc1: {  	_ =	task.clear_ibuf [dreg:s6], $0x2FFFF;
	_ =	strace $0x9FFFFFFF  }
0xc2: {  	(tm) =	ssettm $0x7FFFFFFF  }
0xc3: {  	_ =	shalt  }
tec
execute0_lowered:
.L_overlay_start_1:
0x0: {  	(tag) =	ssettag $0x1  }
0x1: {  	s0 =	rddreg [dreg:$0x0]  }
0x2: {  	s1 =	rddreg [dreg:$0x1];
	s2 =	simm.s32 $0x0  }
0x3: {  	s3 =	srdreg.scid;
	s12 =	stileid.u32;
	s29 =	simm.s32 $0x5  }
0x4: {  	s31 =	simm.s32 $0x5;
	s30 =	simm.s32 $0x17480;
	[smem:$0x7FF] =	sst s2  }
0x5: {  	s4 =	sadd.s32 $0x19C00, s0;
	s15 =	sadd.s32 $0xFE00, s0;
	s3 =	sand.u32 $0x1, s3  }
0x6: {  	s19 =	sadd.s32 $0x6000, s0;
	s6 =	smul.u32 $0x4F000, s12;
	s7 =	sadd.s32 $0x40E00, s0  }
0x7: {  	s0 =	sadd.s32 $0x43600, s0;
	s13 =	sadd.s32 $0x128400, s1;
	s20 =	smul.u32 $0x13C00, s12  }
0x8: {  	p0 =	seq.s32 s12, $0xF;
	_ =	strace $0x80000050;
	s5 =	sshll.u32 s3, $0x4  }
0x9: {  	[dreg:$0xb] =	wrdreg s7;
	s11 =	ssub.s32 $0x2, s3;
	s17 =	smul.u32 $0x138800, s3  }
0xa: {  	[dreg:$0xd] =	wrdreg s13;
	s3 =	smul.u32 $0x27100, s3;
	s5 =	sor.u32 s12, s5  }
0xb: {  	s8 =	sshrl.u32 s11, $0x1;
	s6 =	sshrl.u32 s6, $0x2;
	s5 =	smul.u32 $0x2710, s5  }
0xc: {  	s7 =	ssub.s32 s11, s8;
	s6 =	sadd.s32 s6, s1;
	s11 =	smul.u32 $0x2710, s12  }
0xd: {  	s23 =	sadd.s32 s20, s17;
	s25 =	sshrl.u32 s17, $0x3;
	[dreg:$0xc] =	wrdreg s6  }
0xe: {  	s14 =	sshrl.u32 s5, $0x3;
	s16 =	sadd.s32 $0x28, s5;
	s5 =	sadd.s32 $0x78, s5  }
0xf: {  	s3 =	sadd.s32 s11, s3;
	s9 =	sadd.s32 s15, s14;
	s8 =	sshrl.u32 s16, $0x3  }
0x10: {  	s10 =	sadd.s32 s19, s14;
	s21 =	sadd.s32 $0xA, s14;
	[dreg:$0xe] =	wrdreg s9  }
0x11: {  	s5 =	sshrl.u32 s5, $0x3;
	[dreg:$0xf] =	wrdreg s10;
	s18 =	sadd.s32 s15, s8  }
0x12: {  	s6 =	sadd.s32 $0x14, s14;
	s8 =	sadd.s32 s19, s8;
	[dreg:$0x10] =	wrdreg s18  }
0x13: {  	s24 =	sadd.s32 $0x168, s3;
	s13 =	sadd.s32 s15, s21;
	[dreg:$0x11] =	wrdreg s8  }
0x14: {  	s28 =	sadd.s32 $0x140, s3;
	s22 =	sadd.s32 s15, s5;
	[dreg:$0x12] =	wrdreg s13  }
0x15: {  	s14 =	sadd.s32 $0x118, s3;
	s5 =	sadd.s32 s19, s5;
	[dreg:$0x14] =	wrdreg s22  }
0x16: {  	s11 =	sshrl.u32 s28, $0x3;
	s28 =	sadd.s32 $0xC8, s3;
	[dreg:$0x15] =	wrdreg s5  }
0x17: {  	s20 =	sadd.s32 $0xF0, s3;
	s8 =	sadd.s32 s19, s21;
	[dreg:$0x1b] =	wrdreg s28  }
0x18: {  	s17 =	sshrl.u32 s14, $0x3;
	s13 =	sadd.s32 s11, s19;
	[dreg:$0x13] =	wrdreg s8  }
0x19: {  	s9 =	simm.s32 $0x19C80;
	s16 =	sadd.s32 s11, s15;
	[dreg:$0x5] =	wrdreg s13  }
0x1a: {  	s14 =	simm.s32 $0x19D00;
	s18 =	sadd.s32 s17, s19;
	[dreg:$0x6] =	wrdreg s16  }
0x1b: {  	s5 =	sshrl.u32 s23, $0x3;
	s23 =	sadd.s32 s15, s6;
	[dreg:$0x7] =	wrdreg s18  }
0x1c: {  	s21 =	sadd.s32 s17, s15;
	s22 =	sshrl.u32 s20, $0x3;
	[dreg:$0x17] =	wrdreg s23  }
0x1d: {  	s6 =	sadd.s32 s19, s6;
	s5 =	sadd.s32 s0, s5;
	[dreg:$0x8] =	wrdreg s21  }
0x1e: {  	s8 =	sshrl.u32 s24, $0x3;
	s0 =	sadd.s32 s0, s25;
	[dreg:$0x18] =	wrdreg s6  }
0x1f: {  	s24 =	sadd.s32 s22, s19;
	s25 =	sadd.s32 s22, s15;
	[dreg:$0x16] =	wrdreg s5  }
0x20: {  	s18 =	simm.s32 $0x19D80;
	s21 =	simm.s32 $0x19E00;
	[dreg:$0x9] =	wrdreg s24  }
0x21: {  	s22 =	simm.s32 $0x2;
	s26 =	sadd.s32 s8, s19;
	[dreg:$0xa] =	wrdreg s25  }
0x22: {  	s10 =	sadd.s32 s8, s15;
	s0 =	sadd.s32 $0x25080, s0;
	[dreg:$0x3] =	wrdreg s26  }
0x23: {  	s5 =	simm.s32 $0x1;
	s24 =	simm.s32 $0x3;
	[dreg:$0x4] =	wrdreg s10  }
0x24: {  	[dreg:$0x19] =	wrdreg s0;
	s26 =	smax.u32 s7, $0x1;
	s10 =	simm.s32 $0x28  }
0x25: {  	s0 =	simm.s32 $0x0;
	[dreg:$0x1a] =	wrdreg s26;
	s26 =	simm.s32 $0x4  }
.LBB2_1:
0x26: {  	[dreg:$0x1c] =	wrdreg s0  }
0x27: {  	s3 =	rddreg [dreg:$0xd]  }
0x28: {  	s11 =	rddreg [dreg:$0xb];
	s0 =	sshrl.u32 @p0 s3, $0x3  }
0x29: {  	s3 =	simm.s32 @p0 $0x1FD5;
	[dreg:$0x1d] =	wrdreg s0  }
0x2a: {  	[spmem:s0], [sflag:s3] =	dma.local @p0 [hbm:s11], $0x2080  }
0x2b: {  	s3 =	simm.s32 @p0 $0x15  }
0x2c: {  	s8 =	stileid.u32;
	_ =	swait.ge @p0 [sflag:s3], $0x2080  }
0x2d: {  	s8 =	sshll.u32 @!p0 s8, $0x6;
	[sflag:s3] =	ssyncset.done @p0 $0x0  }
0x2e: {  	s0 =	sor.u32 @!p0 $0x1C15, s8;
	[sflag:s3] =	ssyncadd.s32 @p0 $0xFFFFDF80;
	s3 =	rddreg [dreg:$0xc]  }
0x2f: {  	[dreg:$0x1e] =	wrdreg s0;
	s3 =	sshrl.u32 @!p0 s3, $0x3  }
0x30: {  	[dreg:$0x1f] =	wrdreg s3  }
0x31: {  	[spmem:s3], [sflag:s0] =	dma.local @!p0 [hbm:s11], $0x2780  }
0x32: {  	s3 =	simm.s32 @!p0 $0x15  }
0x33: {  	_ =	swait.ge @!p0 [sflag:s3], $0x2780  }
0x34: {  	[sflag:s3] =	ssyncset.done @!p0 $0x0  }
0x35: {  	[sflag:s3] =	ssyncadd.s32 @!p0 $0xFFFFD880  }
0x36: {  	[bflag:$0x0] =	sbarrier.arrive $0xFFFF  }
0x37: {  	s12 =	rddreg [dreg:$0xe]  }
0x38: {  	[tilespmem:s9], [sflag:$0x1] =	stream.linear.gather [hbm4b:s12+s2], $0x28, $0x38;
	[tilespmem:$0x1A180] =	vst v63  }
0x39: {  	s13 =	rddreg [dreg:$0xf];
	s12 =	simm.s32 $0x19F00  }
0x3a: {  	[tilespmem:s12], [sflag:$0x6] =	stream.linear.gather [hbm4b:s13+s2], $0x28, $0x38;
	[tilespmem:$0x1A180] =	vst v63  }
0x3b: {  	s16 =	rddreg [dreg:$0x10]  }
0x3c: {  	[tilespmem:s14], [sflag:$0x2] =	stream.linear.gather [hbm4b:s16+s2], $0x28, $0x38;
	[tilespmem:$0x1A180] =	vst v63  }
0x3d: {  	s17 =	rddreg [dreg:$0x11];
	s13 =	simm.s32 $0x19F80  }
0x3e: {  	[tilespmem:s13], [sflag:$0x7] =	stream.linear.gather [hbm4b:s17+s2], $0x28, $0x38;
	[tilespmem:$0x1A180] =	vst v63  }
0x3f: {  	s20 =	rddreg [dreg:$0x12]  }
0x40: {  	[tilespmem:s18], [sflag:$0x3] =	stream.linear.gather [hbm4b:s20+s2], $0x28, $0x38;
	[tilespmem:$0x1A180] =	vst v63  }
0x41: {  	s23 =	rddreg [dreg:$0x13];
	s16 =	simm.s32 $0x1A000  }
0x42: {  	[tilespmem:s16], [sflag:$0x8] =	stream.linear.gather [hbm4b:s23+s2], $0x28, $0x38;
	[tilespmem:$0x1A180] =	vst v63  }
0x43: {  	s25 =	rddreg [dreg:$0x14]  }
0x44: {  	[tilespmem:s21], [sflag:$0x4] =	stream.linear.gather [hbm4b:s25+s2], $0x28, $0x38;
	[tilespmem:$0x1A180] =	vst v63  }
0x45: {  	s28 =	rddreg [dreg:$0x15];
	s17 =	simm.s32 $0x1A080  }
0x46: {  	[tilespmem:s17], [sflag:$0x9] =	stream.linear.gather [hbm4b:s28+s2], $0x28, $0x38;
	[tilespmem:$0x1A180] =	vst v63  }
0x47: {  	s7 =	simm.s32 $0x19E80;
	s0 =	rddreg [dreg:$0x17]  }
0x48: {  	[tilespmem:s7], [sflag:$0x5] =	stream.linear.gather [hbm4b:s0+s2], $0x28, $0x38;
	[tilespmem:$0x1A180] =	vst v63  }
0x49: {  	s6 =	rddreg [dreg:$0x18];
	s20 =	simm.s32 $0x1A100  }
0x4a: {  	[tilespmem:s20], [sflag:$0xA] =	stream.linear.gather [hbm4b:s6+s2], $0x28, $0x38;
	[tilespmem:$0x1A180] =	vst v63  }
0x4b: {  	_ =	swait.ge [sflag:s5], $0x28  }
0x4c: {  	[sflag:s5] =	ssyncset.done $0x0  }
0x4d: {  	s6 =	simm.s32 $0x13880;
	[sflag:s5] =	ssyncadd.s32 $0xFFFFFFD8  }
0x4e: {  	[tilespmem:s6], [sflag:$0xB] =	stream.indirect.gather [hbm4b:s4+s10], $0x80, s9, s10, $0xb8;
	[tilespmem:$0x1A180] =	vst v63  }
0x4f: {  	_ =	swait.ge [sflag:s22], $0x28  }
0x50: {  	[sflag:s22] =	ssyncset.done $0x0  }
0x51: {  	s23 =	simm.s32 $0x14C80;
	[sflag:s22] =	ssyncadd.s32 $0xFFFFFFD8  }
0x52: {  	[tilespmem:s23], [sflag:$0xC] =	stream.indirect.gather [hbm4b:s4+s10], $0x80, s14, s10, $0xb8;
	[tilespmem:$0x1A180] =	vst v63  }
0x53: {  	_ =	swait.ge [sflag:s24], $0x28  }
0x54: {  	[sflag:s24] =	ssyncset.done $0x0  }
0x55: {  	s25 =	simm.s32 $0x16080;
	[sflag:s24] =	ssyncadd.s32 $0xFFFFFFD8  }
0x56: {  	[tilespmem:s25], [sflag:$0xD] =	stream.indirect.gather [hbm4b:s4+s10], $0x80, s18, s10, $0xb8;
	[tilespmem:$0x1A180] =	vst v63  }
0x57: {  	_ =	swait.ge [sflag:s26], $0x28  }
0x58: {  	[sflag:s26] =	ssyncset.done $0x0  }
0x59: {  	s28 =	simm.s32 $0x17480;
	[sflag:s26] =	ssyncadd.s32 $0xFFFFFFD8  }
0x5a: {  	[tilespmem:s28], [sflag:$0xE] =	stream.indirect.gather [hbm4b:s4+s10], $0x80, s21, s10, $0xb8;
	[tilespmem:$0x1A180] =	vst v63  }
0x5b: {  	_ =	swait.ge [sflag:s29], $0x28  }
0x5c: {  	[sflag:s29] =	ssyncset.done $0x0  }
0x5d: {  	s8 =	simm.s32 $0xB;
	s0 =	simm.s32 $0x18880;
	[sflag:s29] =	ssyncadd.s32 $0xFFFFFFD8  }
0x5e: {  	[tilespmem:s0], [sflag:$0xF] =	stream.indirect.gather [hbm4b:s4+s10], $0x80, s7, s10, $0xb8;
	[tilespmem:$0x1A180] =	vst v63  }
0x5f: {  	_ =	swait.ge [sflag:s8], $0x1400  }
0x60: {  	[sflag:s8] =	ssyncset.done $0x0  }
0x61: {  	s11 =	simm.s32 $0x6;
	[sflag:s8] =	ssyncadd.s32 $0xFFFFEC00  }
0x62: {  	_ =	swait.ge [sflag:s11], $0x28  }
0x63: {  	[sflag:s11] =	ssyncset.done $0x0  }
0x64: {  	[sflag:s11] =	ssyncadd.s32 $0xFFFFFFD8;
	s11 =	rddreg [dreg:$0x1b]  }
0x65: {  	s3 =	sshrl.u32 s11, $0x3  }
0x66: {  	[spmem:s1] =	stream.indirect.scatter.add.f32 [tilespmem:s6], [sflag:$0x10], $0x80, s12, s10, $0xb8;
	[tilespmem:$0x1A180] =	vst v63  }
0x67: {  	s8 =	sadd.s32 s15, s3  }
0x68: {  	[tilespmem:s9], [sflag:$0x1] =	stream.linear.gather [hbm4b:s8+s2], $0x28, $0x38;
	[tilespmem:$0x1A180] =	vst v63  }
0x69: {  	s3 =	sadd.s32 s19, s3  }
0x6a: {  	[tilespmem:s12], [sflag:$0x6] =	stream.linear.gather [hbm4b:s3+s2], $0x28, $0x38;
	[tilespmem:$0x1A180] =	vst v63  }
0x6b: {  	s12 =	simm.s32 $0x10  }
0x6c: {  	_ =	swait.ge [sflag:s12], $0x1400  }
0x6d: {  	[sflag:s12] =	ssyncset.done $0x0  }
0x6e: {  	[sflag:s12] =	ssyncadd.s32 $0xFFFFEC00  }
0x6f: {  	_ =	swait.ge [sflag:s5], $0x28  }
0x70: {  	[sflag:s5] =	ssyncset.done $0x0  }
0x71: {  	s8 =	simm.s32 $0xC;
	[sflag:s5] =	ssyncadd.s32 $0xFFFFFFD8  }
0x72: {  	[tilespmem:s6], [sflag:$0xB] =	stream.indirect.gather [hbm4b:s4+s10], $0x80, s9, s10, $0xb8;
	[tilespmem:$0x1A180] =	vst v63  }
0x73: {  	_ =	swait.ge [sflag:s8], $0x1400  }
0x74: {  	[sflag:s8] =	ssyncset.done $0x0  }
0x75: {  	s9 =	simm.s32 $0x7;
	[sflag:s8] =	ssyncadd.s32 $0xFFFFEC00  }
0x76: {  	_ =	swait.ge [sflag:s9], $0x28  }
0x77: {  	[sflag:s9] =	ssyncset.done $0x0  }
0x78: {  	s12 =	rddreg [dreg:$0xa];
	[sflag:s9] =	ssyncadd.s32 $0xFFFFFFD8  }
0x79: {  	[spmem:s1] =	stream.indirect.scatter.add.f32 [tilespmem:s23], [sflag:$0x11], $0x80, s13, s10, $0xb8;
	[tilespmem:$0x1A180] =	vst v63  }
0x7a: {  	s6 =	rddreg [dreg:$0x9];
	s3 =	sadd.s32 $0x0, s12  }
0x7b: {  	[tilespmem:s14], [sflag:$0x2] =	stream.linear.gather [hbm4b:s3+s2], $0x28, $0x38;
	[tilespmem:$0x1A180] =	vst v63  }
0x7c: {  	s9 =	sadd.s32 $0x0, s6;
	s12 =	simm.s32 $0x11  }
0x7d: {  	[tilespmem:s13], [sflag:$0x7] =	stream.linear.gather [hbm4b:s9+s2], $0x28, $0x38;
	[tilespmem:$0x1A180] =	vst v63  }
0x7e: {  	_ =	swait.ge [sflag:s12], $0x1400  }
0x7f: {  	[sflag:s12] =	ssyncset.done $0x0  }
0x80: {  	[sflag:s12] =	ssyncadd.s32 $0xFFFFEC00  }
0x81: {  	_ =	swait.ge [sflag:s22], $0x28  }
0x82: {  	[sflag:s22] =	ssyncset.done $0x0  }
0x83: {  	s13 =	simm.s32 $0xD;
	[sflag:s22] =	ssyncadd.s32 $0xFFFFFFD8  }
0x84: {  	[tilespmem:s23], [sflag:$0xC] =	stream.indirect.gather [hbm4b:s4+s10], $0x80, s14, s10, $0xb8;
	[tilespmem:$0x1A180] =	vst v63  }
0x85: {  	_ =	swait.ge [sflag:s13], $0x1400  }
0x86: {  	[sflag:s13] =	ssyncset.done $0x0  }
0x87: {  	s14 =	simm.s32 $0x8;
	[sflag:s13] =	ssyncadd.s32 $0xFFFFEC00  }
0x88: {  	_ =	swait.ge [sflag:s14], $0x28  }
0x89: {  	[sflag:s14] =	ssyncset.done $0x0  }
0x8a: {  	s22 =	rddreg [dreg:$0x8];
	[sflag:s14] =	ssyncadd.s32 $0xFFFFFFD8  }
0x8b: {  	[spmem:s1] =	stream.indirect.scatter.add.f32 [tilespmem:s25], [sflag:$0x12], $0x80, s16, s10, $0xb8;
	[tilespmem:$0x1A180] =	vst v63  }
0x8c: {  	s23 =	rddreg [dreg:$0x7];
	s3 =	sadd.s32 $0x0, s22  }
0x8d: {  	[tilespmem:s18], [sflag:$0x3] =	stream.linear.gather [hbm4b:s3+s2], $0x28, $0x38;
	[tilespmem:$0x1A180] =	vst v63  }
0x8e: {  	s8 =	simm.s32 $0x12;
	s6 =	sadd.s32 $0x0, s23  }
0x8f: {  	[tilespmem:s16], [sflag:$0x8] =	stream.linear.gather [hbm4b:s6+s2], $0x28, $0x38;
	[tilespmem:$0x1A180] =	vst v63  }
0x90: {  	_ =	swait.ge [sflag:s8], $0x1400  }
0x91: {  	[sflag:s8] =	ssyncset.done $0x0  }
0x92: {  	[sflag:s8] =	ssyncadd.s32 $0xFFFFEC00  }
0x93: {  	_ =	swait.ge [sflag:s24], $0x28  }
0x94: {  	[sflag:s24] =	ssyncset.done $0x0  }
0x95: {  	s9 =	simm.s32 $0xE;
	[sflag:s24] =	ssyncadd.s32 $0xFFFFFFD8  }
0x96: {  	[tilespmem:s25], [sflag:$0xD] =	stream.indirect.gather [hbm4b:s4+s10], $0x80, s18, s10, $0xb8;
	[tilespmem:$0x1A180] =	vst v63  }
0x97: {  	_ =	swait.ge [sflag:s9], $0x1400  }
0x98: {  	[sflag:s9] =	ssyncset.done $0x0  }
0x99: {  	s12 =	simm.s32 $0x9;
	[sflag:s9] =	ssyncadd.s32 $0xFFFFEC00  }
0x9a: {  	_ =	swait.ge [sflag:s12], $0x28  }
0x9b: {  	[sflag:s12] =	ssyncset.done $0x0  }
0x9c: {  	s13 =	rddreg [dreg:$0x6];
	[sflag:s12] =	ssyncadd.s32 $0xFFFFFFD8  }
0x9d: {  	[spmem:s1] =	stream.indirect.scatter.add.f32 [tilespmem:s28], [sflag:$0x13], $0x80, s17, s10, $0xb8;
	[tilespmem:$0x1A180] =	vst v63  }
0x9e: {  	s14 =	rddreg [dreg:$0x5];
	s3 =	sadd.s32 $0x0, s13  }
0x9f: {  	[tilespmem:s21], [sflag:$0x4] =	stream.linear.gather [hbm4b:s3+s2], $0x28, $0x38;
	[tilespmem:$0x1A180] =	vst v63  }
0xa0: {  	s18 =	simm.s32 $0x13;
	s16 =	sadd.s32 $0x0, s14  }
0xa1: {  	[tilespmem:s17], [sflag:$0x9] =	stream.linear.gather [hbm4b:s16+s2], $0x28, $0x38;
	[tilespmem:$0x1A180] =	vst v63  }
0xa2: {  	_ =	swait.ge [sflag:s18], $0x1400  }
0xa3: {  	[sflag:s18] =	ssyncset.done $0x0  }
0xa4: {  	[sflag:s18] =	ssyncadd.s32 $0xFFFFEC00  }
0xa5: {  	_ =	swait.ge [sflag:s26], $0x28  }
0xa6: {  	[sflag:s26] =	ssyncset.done $0x0  }
0xa7: {  	s22 =	simm.s32 $0xF;
	[sflag:s26] =	ssyncadd.s32 $0xFFFFFFD8  }
0xa8: {  	[tilespmem:s28], [sflag:$0xE] =	stream.indirect.gather [hbm4b:s4+s10], $0x80, s21, s10, $0xb8;
	[tilespmem:$0x1A180] =	vst v63  }
0xa9: {  	_ =	swait.ge [sflag:s22], $0x1400  }
0xaa: {  	[sflag:s22] =	ssyncset.done $0x0  }
0xab: {  	s23 =	simm.s32 $0xA;
	[sflag:s22] =	ssyncadd.s32 $0xFFFFEC00  }
0xac: {  	_ =	swait.ge [sflag:s23], $0x28  }
0xad: {  	[sflag:s23] =	ssyncset.done $0x0  }
0xae: {  	s24 =	rddreg [dreg:$0x4];
	[sflag:s23] =	ssyncadd.s32 $0xFFFFFFD8  }
0xaf: {  	[spmem:s1] =	stream.indirect.scatter.add.f32 [tilespmem:s0], [sflag:$0x14], $0x80, s20, s10, $0xb8;
	[tilespmem:$0x1A180] =	vst v63  }
0xb0: {  	s25 =	rddreg [dreg:$0x3];
	s3 =	sadd.s32 $0x0, s24  }
0xb1: {  	[tilespmem:s7], [sflag:$0x5] =	stream.linear.gather [hbm4b:s3+s2], $0x28, $0x38;
	[tilespmem:$0x1A180] =	vst v63  }
0xb2: {  	s28 =	simm.s32 $0x14;
	s26 =	sadd.s32 $0x0, s25  }
0xb3: {  	[tilespmem:s20], [sflag:$0xA] =	stream.linear.gather [hbm4b:s26+s2], $0x28, $0x38;
	[tilespmem:$0x1A180] =	vst v63  }
0xb4: {  	_ =	swait.ge [sflag:s28], $0x1400  }
0xb5: {  	[sflag:s28] =	ssyncset.done $0x0  }
0xb6: {  	[sflag:s28] =	ssyncadd.s32 $0xFFFFEC00  }
0xb7: {  	s8 =	sadd.s32 $0xC8, s11;
	s9 =	simm.s32 $0x19C80;
	_ =	swait.ge [sflag:s29], $0x28  }
0xb8: {  	s24 =	simm.s32 $0x2;
	s3 =	simm.s32 $0x19;
	[sflag:s29] =	ssyncset.done $0x0  }
0xb9: {  	s26 =	simm.s32 $0x3;
	[sflag:s29] =	ssyncadd.s32 $0xFFFFFFD8;
	s29 =	simm.s32 $0x4  }
.LBB2_2:
0xba: {  	s23 =	simm.s32 $0x19E80;
	s0 =	simm.s32 $0x18880;
	s6 =	simm.s32 $0xB  }
0xbb: {  	[tilespmem:s0], [sflag:$0xF] =	stream.indirect.gather [hbm4b:s4+s10], $0x80, s23, s10, $0xb8;
	[tilespmem:$0x1A180] =	vst v63  }
0xbc: {  	_ =	swait.ge [sflag:s6], $0x1400  }
0xbd: {  	[sflag:s6] =	ssyncset.done $0x0  }
0xbe: {  	s7 =	simm.s32 $0x6;
	[sflag:s6] =	ssyncadd.s32 $0xFFFFEC00  }
0xbf: {  	_ =	swait.ge [sflag:s7], $0x28  }
0xc0: {  	s13 =	sshrl.u32 s8, $0x3;
	[sflag:s7] =	ssyncset.done $0x0  }
0xc1: {  	s14 =	simm.s32 $0x19F00;
	[sflag:s7] =	ssyncadd.s32 $0xFFFFFFD8;
	s7 =	simm.s32 $0x13880  }
0xc2: {  	[spmem:s1] =	stream.indirect.scatter.add.f32 [tilespmem:s7], [sflag:$0x10], $0x80, s14, s10, $0xb8;
	[tilespmem:$0x1A180] =	vst v63  }
0xc3: {  	s12 =	sadd.s32 s15, s13  }
0xc4: {  	[tilespmem:s9], [sflag:$0x1] =	stream.linear.gather [hbm4b:s12+s2], $0x28, $0x38;
	[tilespmem:$0x1A180] =	vst v63  }
0xc5: {  	s17 =	smov.u32 s15;
	s13 =	sadd.s32 s19, s13;
	s15 =	simm.s32 $0x10  }
0xc6: {  	[tilespmem:s14], [sflag:$0x6] =	stream.linear.gather [hbm4b:s13+s2], $0x28, $0x38;
	[tilespmem:$0x1A180] =	vst v63  }
0xc7: {  	_ =	swait.ge [sflag:s15], $0x1400  }
0xc8: {  	[sflag:s15] =	ssyncset.done $0x0  }
0xc9: {  	[sflag:s15] =	ssyncadd.s32 $0xFFFFEC00  }
0xca: {  	_ =	swait.ge [sflag:s5], $0x28  }
0xcb: {  	[sflag:s5] =	ssyncset.done $0x0  }
0xcc: {  	s16 =	simm.s32 $0xC;
	[sflag:s5] =	ssyncadd.s32 $0xFFFFFFD8  }
0xcd: {  	[tilespmem:s7], [sflag:$0xB] =	stream.indirect.gather [hbm4b:s4+s10], $0x80, s9, s10, $0xb8;
	[tilespmem:$0x1A180] =	vst v63  }
0xce: {  	_ =	swait.ge [sflag:s16], $0x1400  }
0xcf: {  	[sflag:s16] =	ssyncset.done $0x0  }
0xd0: {  	s18 =	simm.s32 $0x7;
	[sflag:s16] =	ssyncadd.s32 $0xFFFFEC00  }
0xd1: {  	_ =	swait.ge [sflag:s18], $0x28  }
0xd2: {  	s11 =	smov.u32 s3;
	s22 =	simm.s32 $0x14C80;
	[sflag:s18] =	ssyncset.done $0x0  }
0xd3: {  	s20 =	rddreg [dreg:$0xa];
	[sflag:s18] =	ssyncadd.s32 $0xFFFFFFD8;
	s18 =	simm.s32 $0x19F80  }
0xd4: {  	[spmem:s1] =	stream.indirect.scatter.add.f32 [tilespmem:s22], [sflag:$0x11], $0x80, s18, s10, $0xb8;
	[tilespmem:$0x1A180] =	vst v63  }
0xd5: {  	s14 =	simm.s32 $0x19D00;
	s21 =	rddreg [dreg:$0x9];
	s13 =	sadd.s32 s11, s20  }
0xd6: {  	[tilespmem:s14], [sflag:$0x2] =	stream.linear.gather [hbm4b:s13+s2], $0x28, $0x38;
	[tilespmem:$0x1A180] =	vst v63  }
0xd7: {  	s15 =	simm.s32 $0x11;
	s7 =	sadd.s32 s11, s21  }
0xd8: {  	[tilespmem:s18], [sflag:$0x7] =	stream.linear.gather [hbm4b:s7+s2], $0x28, $0x38;
	[tilespmem:$0x1A180] =	vst v63  }
0xd9: {  	_ =	swait.ge [sflag:s15], $0x1400  }
0xda: {  	[sflag:s15] =	ssyncset.done $0x0  }
0xdb: {  	[sflag:s15] =	ssyncadd.s32 $0xFFFFEC00  }
0xdc: {  	_ =	swait.ge [sflag:s24], $0x28  }
0xdd: {  	[sflag:s24] =	ssyncset.done $0x0  }
0xde: {  	s20 =	simm.s32 $0xD;
	[sflag:s24] =	ssyncadd.s32 $0xFFFFFFD8  }
0xdf: {  	[tilespmem:s22], [sflag:$0xC] =	stream.indirect.gather [hbm4b:s4+s10], $0x80, s14, s10, $0xb8;
	[tilespmem:$0x1A180] =	vst v63  }
0xe0: {  	_ =	swait.ge [sflag:s20], $0x1400  }
0xe1: {  	[sflag:s20] =	ssyncset.done $0x0  }
0xe2: {  	s21 =	simm.s32 $0x8;
	[sflag:s20] =	ssyncadd.s32 $0xFFFFEC00  }
0xe3: {  	_ =	swait.ge [sflag:s21], $0x28  }
0xe4: {  	s5 =	simm.s32 $0x16080;
	[sflag:s21] =	ssyncset.done $0x0  }
0xe5: {  	s22 =	rddreg [dreg:$0x8];
	[sflag:s21] =	ssyncadd.s32 $0xFFFFFFD8;
	s21 =	simm.s32 $0x1A000  }
0xe6: {  	[spmem:s1] =	stream.indirect.scatter.add.f32 [tilespmem:s5], [sflag:$0x12], $0x80, s21, s10, $0xb8;
	[tilespmem:$0x1A180] =	vst v63  }
0xe7: {  	s18 =	simm.s32 $0x19D80;
	s7 =	rddreg [dreg:$0x7];
	s13 =	sadd.s32 s11, s22  }
0xe8: {  	[tilespmem:s18], [sflag:$0x3] =	stream.linear.gather [hbm4b:s13+s2], $0x28, $0x38;
	[tilespmem:$0x1A180] =	vst v63  }
0xe9: {  	s15 =	sadd.s32 s11, s7;
	s22 =	simm.s32 $0x12  }
0xea: {  	[tilespmem:s21], [sflag:$0x8] =	stream.linear.gather [hbm4b:s15+s2], $0x28, $0x38;
	[tilespmem:$0x1A180] =	vst v63  }
0xeb: {  	_ =	swait.ge [sflag:s22], $0x1400  }
0xec: {  	[sflag:s22] =	ssyncset.done $0x0  }
0xed: {  	[sflag:s22] =	ssyncadd.s32 $0xFFFFEC00  }
0xee: {  	_ =	swait.ge [sflag:s26], $0x28  }
0xef: {  	[sflag:s26] =	ssyncset.done $0x0  }
0xf0: {  	s7 =	simm.s32 $0xE;
	[sflag:s26] =	ssyncadd.s32 $0xFFFFFFD8  }
0xf1: {  	[tilespmem:s5], [sflag:$0xD] =	stream.indirect.gather [hbm4b:s4+s10], $0x80, s18, s10, $0xb8;
	[tilespmem:$0x1A180] =	vst v63  }
0xf2: {  	_ =	swait.ge [sflag:s7], $0x1400  }
0xf3: {  	[sflag:s7] =	ssyncset.done $0x0  }
0xf4: {  	s13 =	simm.s32 $0x9;
	[sflag:s7] =	ssyncadd.s32 $0xFFFFEC00  }
0xf5: {  	_ =	swait.ge [sflag:s13], $0x28  }
0xf6: {  	s5 =	simm.s32 $0x17480;
	[sflag:s13] =	ssyncset.done $0x0  }
0xf7: {  	s7 =	simm.s32 $0x1A080;
	s15 =	rddreg [dreg:$0x6];
	[sflag:s13] =	ssyncadd.s32 $0xFFFFFFD8  }
0xf8: {  	[spmem:s1] =	stream.indirect.scatter.add.f32 [tilespmem:s5], [sflag:$0x13], $0x80, s7, s10, $0xb8;
	[tilespmem:$0x1A180] =	vst v63  }
0xf9: {  	s21 =	simm.s32 $0x19E00;
	s22 =	rddreg [dreg:$0x5];
	s13 =	sadd.s32 s11, s15  }
0xfa: {  	[tilespmem:s21], [sflag:$0x4] =	stream.linear.gather [hbm4b:s13+s2], $0x28, $0x38;
	[tilespmem:$0x1A180] =	vst v63  }
0xfb: {  	s15 =	sadd.s32 s11, s22  }
0xfc: {  	[tilespmem:s7], [sflag:$0x9] =	stream.linear.gather [hbm4b:s15+s2], $0x28, $0x38;
	[tilespmem:$0x1A180] =	vst v63  }
0xfd: {  	s15 =	simm.s32 $0x13  }
0xfe: {  	_ =	swait.ge [sflag:s15], $0x1400  }
0xff: {  	[sflag:s15] =	ssyncset.done $0x0  }
0x100: {  	[sflag:s15] =	ssyncadd.s32 $0xFFFFEC00  }
0x101: {  	_ =	swait.ge [sflag:s29], $0x28  }
0x102: {  	[sflag:s29] =	ssyncset.done $0x0  }
0x103: {  	s13 =	simm.s32 $0xF;
	[sflag:s29] =	ssyncadd.s32 $0xFFFFFFD8  }
0x104: {  	[tilespmem:s5], [sflag:$0xE] =	stream.indirect.gather [hbm4b:s4+s10], $0x80, s21, s10, $0xb8;
	[tilespmem:$0x1A180] =	vst v63  }
0x105: {  	_ =	swait.ge [sflag:s13], $0x1400  }
0x106: {  	[sflag:s13] =	ssyncset.done $0x0  }
0x107: {  	s15 =	simm.s32 $0xA;
	[sflag:s13] =	ssyncadd.s32 $0xFFFFEC00  }
0x108: {  	_ =	swait.ge [sflag:s15], $0x28  }
0x109: {  	p1 =	sne.s32 s3, $0x4B0;
	[sflag:s15] =	ssyncset.done $0x0  }
0x10a: {  	s5 =	simm.s32 $0x1A100;
	s7 =	rddreg [dreg:$0x4];
	[sflag:s15] =	ssyncadd.s32 $0xFFFFFFD8  }
0x10b: {  	[spmem:s1] =	stream.indirect.scatter.add.f32 [tilespmem:s0], [sflag:$0x14], $0x80, s5, s10, $0xb8;
	[tilespmem:$0x1A180] =	vst v63  }
0x10c: {  	s3 =	sadd.s32 $0x19, s3;
	s15 =	rddreg [dreg:$0x3];
	s13 =	sadd.s32 s11, s7  }
0x10d: {  	[tilespmem:s23], [sflag:$0x5] =	stream.linear.gather [hbm4b:s13+s2], $0x28, $0x38;
	[tilespmem:$0x1A180] =	vst v63  }
0x10e: {  	s25 =	simm.s32 $0x14C80;
	s11 =	sadd.s32 s11, s15;
	s23 =	simm.s32 $0x14  }
0x10f: {  	[tilespmem:s5], [sflag:$0xA] =	stream.linear.gather [hbm4b:s11+s2], $0x28, $0x38;
	[tilespmem:$0x1A180] =	vst v63  }
0x110: {  	s28 =	simm.s32 $0x16080;
	s8 =	sadd.s32 $0xC8, s8;
	_ =	swait.ge [sflag:s23], $0x1400  }
.Ltmp0:
0x111: {  	s6 =	simm.s32 $0x13880;
	[sflag:s23] =	ssyncset.done $0x0;
	(pc) =	sbr.rel @p1 .LBB2_2-.Ltmp0, $4  }
0x112: {  	s12 =	simm.s32 $0x19F00;
	s16 =	simm.s32 $0x19F80;
	[sflag:s23] =	ssyncadd.s32 $0xFFFFEC00  }
0x113: {  	s20 =	simm.s32 $0x1A000;
	s22 =	simm.s32 $0x1A080;
	_ =	swait.ge [sflag:s31], $0x28  }
0x114: {  	s7 =	simm.s32 $0x19E80;
	s15 =	smov.u32 s17;
	[sflag:s31] =	ssyncset.done $0x0  }
0x115: {  	s13 =	simm.s32 $0x1A100;
	s5 =	simm.s32 $0x1;
	[sflag:s31] =	ssyncadd.s32 $0xFFFFFFD8  }
0x116: {  	s0 =	simm.s32 $0x18880;
	s3 =	simm.s32 $0xB  }
0x117: {  	[tilespmem:s0], [sflag:$0xF] =	stream.indirect.gather [hbm4b:s4+s10], $0x80, s7, s10, $0xb8;
	[tilespmem:$0x1A180] =	vst v63  }
0x118: {  	_ =	swait.ge [sflag:s3], $0x1400  }
0x119: {  	[sflag:s3] =	ssyncset.done $0x0  }
0x11a: {  	s26 =	simm.s32 $0x6;
	[sflag:s3] =	ssyncadd.s32 $0xFFFFEC00  }
0x11b: {  	_ =	swait.ge [sflag:s26], $0x28  }
0x11c: {  	[sflag:s26] =	ssyncset.done $0x0  }
0x11d: {  	[sflag:s26] =	ssyncadd.s32 $0xFFFFFFD8  }
0x11e: {  	[spmem:s1] =	stream.indirect.scatter.add.f32 [tilespmem:s6], [sflag:$0x10], $0x80, s12, s10, $0xb8;
	[tilespmem:$0x1A180] =	vst v63  }
0x11f: {  	s6 =	simm.s32 $0x10  }
0x120: {  	_ =	swait.ge [sflag:s6], $0x1400  }
0x121: {  	[sflag:s6] =	ssyncset.done $0x0  }
0x122: {  	s7 =	simm.s32 $0xC;
	[sflag:s6] =	ssyncadd.s32 $0xFFFFEC00  }
0x123: {  	_ =	swait.ge [sflag:s7], $0x1400  }
0x124: {  	[sflag:s7] =	ssyncset.done $0x0  }
0x125: {  	s8 =	simm.s32 $0x7;
	[sflag:s7] =	ssyncadd.s32 $0xFFFFEC00  }
0x126: {  	_ =	swait.ge [sflag:s8], $0x28  }
0x127: {  	[sflag:s8] =	ssyncset.done $0x0  }
0x128: {  	s9 =	simm.s32 $0x11;
	[sflag:s8] =	ssyncadd.s32 $0xFFFFFFD8  }
0x129: {  	[spmem:s1] =	stream.indirect.scatter.add.f32 [tilespmem:s25], [sflag:$0x11], $0x80, s16, s10, $0xb8;
	[tilespmem:$0x1A180] =	vst v63  }
0x12a: {  	_ =	swait.ge [sflag:s9], $0x1400  }
0x12b: {  	[sflag:s9] =	ssyncset.done $0x0  }
0x12c: {  	s11 =	simm.s32 $0xD;
	[sflag:s9] =	ssyncadd.s32 $0xFFFFEC00  }
0x12d: {  	_ =	swait.ge [sflag:s11], $0x1400  }
0x12e: {  	[sflag:s11] =	ssyncset.done $0x0  }
0x12f: {  	s12 =	simm.s32 $0x8;
	[sflag:s11] =	ssyncadd.s32 $0xFFFFEC00  }
0x130: {  	_ =	swait.ge [sflag:s12], $0x28  }
0x131: {  	[sflag:s12] =	ssyncset.done $0x0  }
0x132: {  	s16 =	simm.s32 $0x12;
	[sflag:s12] =	ssyncadd.s32 $0xFFFFFFD8  }
0x133: {  	[spmem:s1] =	stream.indirect.scatter.add.f32 [tilespmem:s28], [sflag:$0x12], $0x80, s20, s10, $0xb8;
	[tilespmem:$0x1A180] =	vst v63  }
0x134: {  	_ =	swait.ge [sflag:s16], $0x1400  }
0x135: {  	[sflag:s16] =	ssyncset.done $0x0  }
0x136: {  	s17 =	simm.s32 $0xE;
	[sflag:s16] =	ssyncadd.s32 $0xFFFFEC00  }
0x137: {  	_ =	swait.ge [sflag:s17], $0x1400  }
0x138: {  	[sflag:s17] =	ssyncset.done $0x0  }
0x139: {  	s20 =	simm.s32 $0x9;
	[sflag:s17] =	ssyncadd.s32 $0xFFFFEC00  }
0x13a: {  	_ =	swait.ge [sflag:s20], $0x28  }
0x13b: {  	[sflag:s20] =	ssyncset.done $0x0  }
0x13c: {  	[sflag:s20] =	ssyncadd.s32 $0xFFFFFFD8  }
0x13d: {  	[spmem:s1] =	stream.indirect.scatter.add.f32 [tilespmem:s30], [sflag:$0x13], $0x80, s22, s10, $0xb8;
	[tilespmem:$0x1A180] =	vst v63  }
0x13e: {  	s22 =	simm.s32 $0x13  }
0x13f: {  	_ =	swait.ge [sflag:s22], $0x1400  }
0x140: {  	[sflag:s22] =	ssyncset.done $0x0  }
0x141: {  	s23 =	simm.s32 $0xF;
	[sflag:s22] =	ssyncadd.s32 $0xFFFFEC00  }
0x142: {  	_ =	swait.ge [sflag:s23], $0x1400  }
0x143: {  	[sflag:s23] =	ssyncset.done $0x0  }
0x144: {  	s24 =	simm.s32 $0xA;
	[sflag:s23] =	ssyncadd.s32 $0xFFFFEC00  }
0x145: {  	_ =	swait.ge [sflag:s24], $0x28  }
0x146: {  	[sflag:s24] =	ssyncset.done $0x0  }
0x147: {  	s25 =	simm.s32 $0x14;
	[sflag:s24] =	ssyncadd.s32 $0xFFFFFFD8  }
0x148: {  	[spmem:s1] =	stream.indirect.scatter.add.f32 [tilespmem:s0], [sflag:$0x14], $0x80, s13, s10, $0xb8;
	[tilespmem:$0x1A180] =	vst v63  }
0x149: {  	_ =	swait.ge [sflag:s25], $0x1400  }
0x14a: {  	[sflag:s25] =	ssyncset.done $0x0  }
0x14b: {  	[sflag:s25] =	ssyncadd.s32 $0xFFFFEC00  }
0x14c: {  	[bflag:$0x0] =	sbarrier.arrive $0xFFFF  }
0x14d: {  	s8 =	rddreg [dreg:$0x19]  }
0x14e: {  	s3 =	simm.s32 @p0 $0x1FD5;
	s0 =	rddreg [dreg:$0x1d]  }
0x14f: {  	[hbm:s8], [sflag:s3] =	dma.local @p0 [spmem:s0], $0x2080  }
0x150: {  	s3 =	simm.s32 @p0 $0x15  }
0x151: {  	_ =	swait.ge @p0 [sflag:s3], $0x2080  }
0x152: {  	s0 =	rddreg [dreg:$0x1e]  }
0x153: {  	[sflag:s3] =	ssyncset.done @p0 $0x0;
	s6 =	rddreg [dreg:$0x1f]  }
0x154: {  	[sflag:s3] =	ssyncadd.s32 @p0 $0xFFFFDF80;
	s3 =	rddreg [dreg:$0x16]  }
0x155: {  	[hbm:s3], [sflag:s0] =	dma.local @!p0 [spmem:s6], $0x2780  }
0x156: {  	s3 =	simm.s32 @!p0 $0x15  }
0x157: {  	_ =	swait.ge @!p0 [sflag:s3], $0x2780  }
0x158: {  	s26 =	rddreg [dreg:$0x1c]  }
0x159: {  	s28 =	rddreg [dreg:$0x1a];
	s0 =	sadd.s32 $0x1, s26  }
0x15a: {  	p1 =	sne.s32 s0, s28  }
.Ltmp1:
0x15b: {  	_ = 	snop;
	(pc) =	sbr.rel @p1 .LBB2_1-.Ltmp1, $4  }
0x15c: {  	_ = 	snop  }
0x15d: {  	s29 =	simm.s32 $0x5  }
0x15e: {  	s9 =	simm.s32 $0x19C80;
	s22 =	simm.s32 $0x2;
	[sflag:s3] =	ssyncset.done @!p0 $0x0  }
0x15f: {  	s24 =	simm.s32 $0x3;
	[sflag:s3] =	ssyncadd.s32 @!p0 $0xFFFFD880;
	s26 =	simm.s32 $0x4  }
0x160: {  	_ =	sfence.sel $0x180000  }
0x161: {  	[bflag:$0x0] =	sbarrier.arrive $0xFFFF  }
0x162: {  	_ =	strace $0x90000050  }
0x163: {  	s0 =	stileid.u32;
	[bflag:$0x2] =	sbarrier.arrive $0xFFFF  }
0x164: {  	p0 =	sne.s32 s0, $0x0;
	s0 =	rddreg [dreg:$0x2]  }
0x165: {  	s0 =	sadd.s32 @!p0 $0x100000, s0  }
0x166: {  	[sflag:s0] =	ssyncadd.tile.s32 @!p0 $0x1;
	_ =	shalt  }
.Lfunc_end2:
_tile_overlayer_lowered:
.L_overlay_start_2:
0x167: {  	(tag) =	ssettag $0x2  }
0x168: {  	s0 =	rddreg [dreg:$0x0];
	s2 =	stileid.u32  }
0x169: {  	s1 =	rddreg [dreg:$0x1];
	p0 =	sne.s32 s2, $0x0  }
0x16a: {  	s3 =	rddreg [dreg:$0x2];
	[bflag:$0x3] =	sbarrier.arrive $0xFFFF;
	s2 =	simm.s32 @!p0 $0x1C15  }
0x16b: {  	[timem:s3], [sflag:s2] =	dma.local @!p0 [hbm:s0], s1  }
0x16c: {  	s0 =	simm.s32 @!p0 $0x15  }
0x16d: {  	_ =	swait.ge @!p0 [sflag:s0], s1  }
0x16e: {  	s1 =	ssub.s32 @!p0 $0x0, s1;
	[sflag:s0] =	ssyncset.done @!p0 $0x0  }
0x16f: {  	[sflag:s0] =	ssyncadd.s32 @!p0 s1  }
0x170: {  	[bflag:$0x3] =	sbarrier.arrive $0xFFFF  }
0x171: {  	_ =	shalt  }

</sc_bundles>
